<compile_context>
chip_gen: v7x
topology: tpu7x:2x2x1
jax: 0.10.2.dev20260603
libtpu: 0.0.44.dev20260713+nightly
codegen_flags: <defaults>
</compile_context>

<pallas_src>
import functools

import jax
import jax.numpy as jnp
from jax import lax
from jax.experimental import pallas as pl
from jax.experimental.pallas import tpu as pltpu
from jax.experimental.pallas import tpu_sc as plsc

E = 8
K = 2
D = 768
FF = 1024
T = 2048
NA = T * K

BT = 512
NB = NA // BT + E
NP = NB * BT

NC, NS, L = 2, 16, 16
NW = NC * NS
VPT = NA // L // NW
TPT = T // NW
SPT = NP // NW
GCH = 32

_BR = 2048


def _router_body(x_ref, rw_ref, idx_ref, w_ref):
    xb = x_ref[...]
    logits = lax.dot_general(xb, rw_ref[...], (((1,), (1,)), ((), ())),
                             preferred_element_type=jnp.float32)
    idx = lax.broadcasted_iota(jnp.int32, logits.shape, 1)
    l1 = jnp.max(logits, axis=-1, keepdims=True)
    i1 = jnp.min(jnp.where(logits == l1, idx, E), axis=-1, keepdims=True)
    m1 = idx == i1
    masked = jnp.where(m1, -jnp.inf, logits)
    l2 = jnp.max(masked, axis=-1, keepdims=True)
    i2 = jnp.min(jnp.where(masked == l2, idx, E), axis=-1, keepdims=True)
    w1 = jax.nn.sigmoid(l1 - l2)
    idx_ref[...] = jnp.concatenate([i1, i2], axis=1)
    w_ref[...] = jnp.concatenate([w1, 1.0 - w1], axis=1)


CPS = NA // NS
TPS = T // NS
VPS = CPS // L
HVPS = VPS // 2


def _dispatch_body(topk_hbm, x_hbm, pos0_hbm, pos1_hbm, xs_hbm, meta_hbm,
                   topk_v, hist_sh, hist_v, myhist_v, pos0_loc, pos1_loc,
                   meta_v, xrows_v, dma_sem, row_sem):
    cid = lax.axis_index("c")
    sid = lax.axis_index("s")
    wid = sid * NC + cid
    lane = lax.iota(jnp.int32, L)

    tok0 = sid * TPS + cid * TPT
    xcp = pltpu.async_copy(x_hbm.at[pl.ds(pl.multiple_of(tok0, TPT), TPT)],
                           xrows_v, row_sem)
    pltpu.sync_copy(topk_hbm.at[pl.ds(sid * CPS, CPS)], topk_v)

    myh = jnp.zeros((L,), jnp.int32)
    h1 = jnp.zeros((L,), jnp.int32)
    dvs = []
    for v in range(VPS):
        dv = topk_v[pl.ds(v * L, L)]
        dvs.append(dv)
        for e in range(E):
            c = plsc.all_reduce_population_count(dv == e)
            myh = myh + jnp.where(lane == e, c, 0)
            if v < HVPS:
                h1 = h1 + jnp.where(lane == e, c, 0)
    myhist_v[...] = myh
    pltpu.sync_copy(myhist_v,
                    hist_sh.at[pl.ds(pl.multiple_of(sid * L, L), L)])
    plsc.subcore_barrier()
    pltpu.sync_copy(hist_sh, hist_v)

    cnt_v = jnp.zeros((L,), jnp.int32)
    pre_v = jnp.zeros((L,), jnp.int32)
    for w in range(NS):
        hw = hist_v[pl.ds(w * L, L)]
        cnt_v = cnt_v + hw
        pre_v = pre_v + jnp.where(jnp.int32(w) < sid, hw, 0)
    pre_v = pre_v + jnp.where(cid == 1, h1, 0)
    cnts = [cnt_v[e] for e in range(E)]
    nbs = [(cnts[e] + (BT - 1)) // BT for e in range(E)]
    offs, acc = [], jnp.int32(0)
    for e in range(E):
        offs.append(acc)
        acc = acc + nbs[e] * BT
    nb_tot = acc // BT
    offs_v = jnp.zeros((L,), jnp.int32)
    for e in range(E):
        offs_v = offs_v + jnp.where(lane == e, offs[e], 0)
    run_v = offs_v + pre_v
    runs = [run_v[e] for e in range(E)]

    for j in range(HVPS):
        dv0 = dvs[j]
        dv1 = dvs[j + HVPS]
        dv = jnp.where(cid == 0, dv0, dv1)
        av = (sid * CPS + cid * CPS // 2 + j * L) + lane
        slot = jnp.zeros((L,), jnp.int32)
        for e in range(E):
            m = dv == e
            pc = plsc.cumsum(m.astype(jnp.int32))
            slot = jnp.where(m, runs[e] + pc - 1, slot)
            runs[e] = runs[e] + pc[L - 1]
        tok = av // 2
        tloc = tok - tok0
        evn = (av & 1) == 0
        plsc.store_scatter(pos0_loc, [tloc], slot, mask=evn)
        plsc.store_scatter(pos1_loc, [tloc], slot,
                           mask=jnp.logical_not(evn))

    pltpu.sync_copy(pos0_loc, pos0_hbm.at[pl.ds(pl.multiple_of(tok0, TPT),
                                                TPT)])
    pltpu.sync_copy(pos1_loc, pos1_hbm.at[pl.ds(pl.multiple_of(tok0, TPT),
                                                TPT)])

    xcp.wait()
    pltpu.async_copy(xrows_v, xs_hbm.at[pos0_loc], dma_sem).wait()
    pltpu.async_copy(xrows_v, xs_hbm.at[pos1_loc], dma_sem).wait()

    @pl.when(wid == 0)
    def _():
        cum, a = [], jnp.int32(0)
        for e in range(E):
            a = a + nbs[e]
            cum.append(a)
        last_e = jnp.int32(0)
        for e in range(E):
            last_e = jnp.where(cnts[e] > 0, jnp.int32(e), last_e)
        for j in range(4):
            bv = lane + j * L
            ex = jnp.zeros((L,), jnp.int32)
            for e in range(E):
                ex = ex + (bv >= cum[e]).astype(jnp.int32)
            ex = jnp.minimum(ex, last_e)
            ex = jnp.where(bv == NB, nb_tot, ex)
            meta_v[pl.ds(j * L, L)] = ex
        pltpu.sync_copy(meta_v, meta_hbm)


def _ffn_body(meta_ref, xs_ref, gu_ref, dp_ref, ys_ref):
    b = pl.program_id(0)

    @pl.when(b < meta_ref[NB])
    def _():
        xb = xs_ref[...]
        gu = lax.dot_general(xb, gu_ref[0], (((1,), (1,)), ((), ())),
                             preferred_element_type=jnp.float32)
        gate = gu[:, :FF]
        up = gu[:, FF:]
        h = gate * jax.nn.sigmoid(gate) * up
        ys_ref[...] = lax.dot_general(h, dp_ref[0], (((1,), (1,)), ((), ())),
                                      preferred_element_type=jnp.float32)


def _combine_sc_body(ys_hbm, pos0_hbm, pos1_hbm, yg0_hbm, yg1_hbm,
                     idx_v, buf, dma_sem):
    cid = lax.axis_index("c")
    sid = lax.axis_index("s")
    wid = sid * NC + cid
    t0 = wid * TPT
    pltpu.sync_copy(pos0_hbm.at[pl.ds(t0, TPT)], idx_v)
    pltpu.async_copy(ys_hbm.at[idx_v], buf, dma_sem).wait()
    pltpu.sync_copy(buf, yg0_hbm.at[pl.ds(t0, TPT)])
    pltpu.sync_copy(pos1_hbm.at[pl.ds(t0, TPT)], idx_v)
    pltpu.async_copy(ys_hbm.at[idx_v], buf, dma_sem).wait()
    pltpu.sync_copy(buf, yg1_hbm.at[pl.ds(t0, TPT)])


def _final_body(w_ref, yg0_ref, yg1_ref, out_ref):
    w = w_ref[...]
    out_ref[...] = (w[:, :1] * yg0_ref[...] + w[:, 1:2] * yg1_ref[...])


@functools.partial(jax.jit, static_argnames=("interpret",))
def kernel(x, router_weight, gate_up_proj, down_proj, interpret=False):
    Bb, Ss, Dd = x.shape
    xf = x.reshape(-1, Dd)

    topk, w01 = pl.pallas_call(
        _router_body,
        grid=(T // _BR,),
        in_specs=[
            pl.BlockSpec((_BR, D), lambda i: (i, 0)),
            pl.BlockSpec((E, D), lambda i: (0, 0)),
        ],
        out_specs=[
            pl.BlockSpec((_BR, K), lambda i: (i, 0)),
            pl.BlockSpec((_BR, K), lambda i: (i, 0)),
        ],
        out_shape=[
            jax.ShapeDtypeStruct((T, K), jnp.int32),
            jax.ShapeDtypeStruct((T, K), jnp.float32),
        ],
        interpret=interpret,
    )(xf, router_weight)

    mesh = plsc.VectorSubcoreMesh(core_axis_name="c", subcore_axis_name="s",
                                  num_cores=NC, num_subcores=NS)
    sc_params = pltpu.CompilerParams(needs_layout_passes=False)
    dispatch = pl.kernel(
        _dispatch_body,
        compiler_params=sc_params,
        out_type=[
            jax.ShapeDtypeStruct((T,), jnp.int32),
            jax.ShapeDtypeStruct((T,), jnp.int32),
            jax.ShapeDtypeStruct((NP, D), jnp.float32),
            jax.ShapeDtypeStruct((64,), jnp.int32),
        ],
        mesh=mesh,
        scratch_types=[
            pltpu.VMEM((CPS,), jnp.int32),
            pltpu.VMEM_SHARED((NS * L,), jnp.int32),
            pltpu.VMEM((NS * L,), jnp.int32),
            pltpu.VMEM((L,), jnp.int32),
            pltpu.VMEM((TPT,), jnp.int32),
            pltpu.VMEM((TPT,), jnp.int32),
            pltpu.VMEM((64,), jnp.int32),
            pltpu.VMEM((TPT, D), jnp.float32),
            pltpu.SemaphoreType.DMA,
            pltpu.SemaphoreType.DMA,
        ],
        interpret=interpret,
    )
    pos0, pos1, xs, meta = dispatch(topk.reshape(NA), xf)

    ys = pl.pallas_call(
        _ffn_body,
        grid_spec=pltpu.PrefetchScalarGridSpec(
            num_scalar_prefetch=1,
            grid=(NB,),
            in_specs=[
                pl.BlockSpec((BT, D), lambda b, m: (b, 0)),
                pl.BlockSpec((1, 2 * FF, D), lambda b, m: (m[b], 0, 0)),
                pl.BlockSpec((1, D, FF), lambda b, m: (m[b], 0, 0)),
            ],
            out_specs=pl.BlockSpec((BT, D), lambda b, m: (b, 0)),
        ),
        out_shape=jax.ShapeDtypeStruct((NP, D), jnp.float32),
        interpret=interpret,
    )(meta, xs, gate_up_proj, down_proj)

    combine = pl.kernel(
        _combine_sc_body,
        compiler_params=sc_params,
        out_type=[
            jax.ShapeDtypeStruct((T, D), jnp.float32),
            jax.ShapeDtypeStruct((T, D), jnp.float32),
        ],
        mesh=mesh,
        scratch_types=[
            pltpu.VMEM((TPT,), jnp.int32),
            pltpu.VMEM((TPT, D), jnp.float32),
            pltpu.SemaphoreType.DMA,
        ],
        interpret=interpret,
    )
    yg0, yg1 = combine(ys, pos0, pos1)

    out = pl.pallas_call(
        _final_body,
        grid=(T // _BR,),
        in_specs=[
            pl.BlockSpec((_BR, K), lambda i: (i, 0)),
            pl.BlockSpec((_BR, D), lambda i: (i, 0)),
            pl.BlockSpec((_BR, D), lambda i: (i, 0)),
        ],
        out_specs=pl.BlockSpec((_BR, D), lambda i: (i, 0)),
        out_shape=jax.ShapeDtypeStruct((T, D), jnp.float32),
        interpret=interpret,
    )(w01, yg0, yg1)

    return out.reshape(Bb, Ss, Dd)

# --- scband reference (transcript-rebuilt; emitter-appended) ---
"""Pipeline reference for scband-sparse-moe-block-75514114998539 (READ-ONLY COPY).

The authoritative reference and input builder live on the scoring server;
editing this copy changes nothing except your own understanding.
"""

import jax, jax.numpy as jnp
import numpy as np

NUM_EXPERTS = 8
TOP_K = 2
HIDDEN = 768
FF = 1024
B, S = 1, 2048

def setup_inputs(seed: int = 0) -> dict:
    key = jax.random.key(seed)
    k1, k2, k3, k4 = jax.random.split(key, 4)
    x = jax.random.normal(k1, (B, S, HIDDEN), dtype=jnp.float32)
    router_weight = jax.random.normal(k2, (NUM_EXPERTS, HIDDEN), dtype=jnp.float32) * 0.02
    gate_up_proj = jax.random.normal(k3, (NUM_EXPERTS, 2 * FF, HIDDEN), dtype=jnp.float32) * 0.02
    down_proj = jax.random.normal(k4, (NUM_EXPERTS, HIDDEN, FF), dtype=jnp.float32) * 0.02
    return {"x": x, "router_weight": router_weight, "gate_up_proj": gate_up_proj, "down_proj": down_proj}

def reference(x, router_weight, gate_up_proj, down_proj):
    Bb, Ss, D = x.shape
    xf = x.reshape(-1, D)
    T = xf.shape[0]
    # Router: F.linear(x, weight) == x @ weight.T
    logits = xf @ router_weight.T
    probs = jax.nn.softmax(logits.astype(jnp.float32), axis=-1)
    topk_val, topk_idx = jax.lax.top_k(probs, TOP_K)
    topk_val = topk_val / jnp.sum(topk_val, axis=-1, keepdims=True)
    # Scatter top-k weights into dense per-expert combine matrix (equivalent to
    # the torch one_hot dispatch + index_add_ accumulation).
    combine = jnp.zeros((T, NUM_EXPERTS), dtype=xf.dtype)
    combine = combine.at[jnp.arange(T)[:, None], topk_idx].add(topk_val.astype(xf.dtype))
    # Expert MLPs (computed densely, zero-weighted for non-selected experts -> same math)
    gu = jnp.einsum('td,efd->tef', xf, gate_up_proj)  # [T, E, 2*FF]
    gate, up = jnp.split(gu, 2, axis=-1)
    h = jax.nn.silu(gate) * up                        # [T, E, FF]
    out_e = jnp.einsum('tef,edf->ted', h, down_proj)  # [T, E, D]
    out = jnp.sum(out_e * combine[:, :, None], axis=1)
    return out.reshape(Bb, Ss, D)

if __name__ == "__main__":
    import jax
    _d = setup_inputs()
    print(jax.jit(kernel)(*tuple(_d.values())))

</pallas_src>

<mosaic_0001>
#map = affine_map<(d0, d1) -> (0, 0)>
#map1 = affine_map<(d0, d1) -> (0)>
module attributes {stable_mosaic.version = 14 : i64} {
  func.func @_combine_sc_body(%arg0: i32, %arg1: i32, %arg2: memref<8192x768xf32, #tpu.memory_space<hbm>>, %arg3: memref<2048xi32, #tpu.memory_space<hbm>>, %arg4: memref<2048xi32, #tpu.memory_space<hbm>>, %arg5: memref<2048x768xf32, #tpu.memory_space<hbm>>, %arg6: memref<2048x768xf32, #tpu.memory_space<hbm>>, %arg7: memref<64xi32, #tpu.memory_space<vmem>>, %arg8: memref<64x768xf32, #tpu.memory_space<vmem>>, %arg9: memref<!tpu.dma_semaphore, #tpu.memory_space<semaphore_mem>>) attributes {dimension_semantics = [#tpu.dimension_semantics<core_parallel>, #tpu.dimension_semantics<subcore_parallel>], iteration_bounds = array<i64: 2, 16>, scalar_prefetch = 0 : i64, scratch_operands = 3 : i64, tpu.core_type = #tpu.core_type<sc_vector_subcore>, window_params = [{transform_indices = #map}, {transform_indices = #map1}, {transform_indices = #map1}, {transform_indices = #map}, {transform_indices = #map}]} {
    %mul3A = arith.constant 2 : i32
    %mul3A_0 = arith.muli %arg1, %mul3A : i32
    %add3A = arith.addi %mul3A_0, %arg0 : i32
    %mul3A_1 = arith.constant 64 : i32
    %mul3A_2 = arith.muli %add3A, %mul3A_1 : i32
    "tpu.region"() ({
      %run_scoped3A = tpu.sem_alloc : memref<!tpu.dma_semaphore, #tpu.memory_space<semaphore_mem>>
      %dma_start3A_13 = tpu.memref_slice %arg3[%mul3A_2] : memref<2048xi32, #tpu.memory_space<hbm>> -> memref<64xi32, #tpu.memory_space<hbm>>
      %dma_start3A_14 = tpu.memref_slice %arg3[%mul3A_2] : memref<2048xi32, #tpu.memory_space<hbm>> -> memref<64xi32, #tpu.memory_space<hbm>>
      tpu.enqueue_dma source(%dma_start3A_14 : memref<64xi32, #tpu.memory_space<hbm>>) target(%arg7 : memref<64xi32, #tpu.memory_space<vmem>>) target_semaphore(%run_scoped3A : memref<!tpu.dma_semaphore, #tpu.memory_space<semaphore_mem>>)
      %dma_wait3A_15 = tpu.memref_slice %arg3[%mul3A_2] : memref<2048xi32, #tpu.memory_space<hbm>> -> memref<64xi32, #tpu.memory_space<hbm>>
      %dma_wait3A_16 = tpu.memref_slice %arg3[%mul3A_2] : memref<2048xi32, #tpu.memory_space<hbm>> -> memref<64xi32, #tpu.memory_space<hbm>>
      tpu.wait_dma2 semaphore(%run_scoped3A : memref<!tpu.dma_semaphore, #tpu.memory_space<semaphore_mem>>) src(%dma_wait3A_16 : memref<64xi32, #tpu.memory_space<hbm>>) dst(%arg7 : memref<64xi32, #tpu.memory_space<vmem>>)
      tpu.yield
    }) : () -> ()
    %dma_start3A = arith.constant 0 : i32
    %dma_start3A_3 = arith.constant 0 : i32
    %dma_start3A_4 = tpu.memref_slice %arg2[%dma_start3A, %dma_start3A_3] : memref<8192x768xf32, #tpu.memory_space<hbm>> -> memref<8192x768xf32, #tpu.memory_space<hbm>>
    tpu.enqueue_indirect_dma source(%dma_start3A_4 : memref<8192x768xf32, #tpu.memory_space<hbm>>) target(%arg8 : memref<64x768xf32, #tpu.memory_space<vmem>>) offsets(%arg7 : memref<64xi32, #tpu.memory_space<vmem>>) semaphore(%arg9 : memref<!tpu.dma_semaphore, #tpu.memory_space<semaphore_mem>>)
    %dma_wait3A = arith.constant 0 : i32
    %dma_wait3A_5 = arith.constant 0 : i32
    %dma_wait3A_6 = tpu.memref_slice %arg2[%dma_wait3A, %dma_wait3A_5] : memref<8192x768xf32, #tpu.memory_space<hbm>> -> memref<8192x768xf32, #tpu.memory_space<hbm>>
    tpu.wait_indirect_dma semaphore(%arg9 : memref<!tpu.dma_semaphore, #tpu.memory_space<semaphore_mem>>) src(%dma_wait3A_6 : memref<8192x768xf32, #tpu.memory_space<hbm>>) dst(%arg8 : memref<64x768xf32, #tpu.memory_space<vmem>>)
    "tpu.region"() ({
      %run_scoped3A = tpu.sem_alloc : memref<!tpu.dma_semaphore, #tpu.memory_space<semaphore_mem>>
      %dma_start3A_13 = arith.constant 0 : i32
      %dma_start3A_14 = tpu.memref_slice %arg5[%mul3A_2, %dma_start3A_13] : memref<2048x768xf32, #tpu.memory_space<hbm>> -> memref<64x768xf32, #tpu.memory_space<hbm>>
      %dma_start3A_15 = arith.constant 0 : i32
      %dma_start3A_16 = tpu.memref_slice %arg5[%mul3A_2, %dma_start3A_15] : memref<2048x768xf32, #tpu.memory_space<hbm>> -> memref<64x768xf32, #tpu.memory_space<hbm>>
      tpu.enqueue_dma source(%arg8 : memref<64x768xf32, #tpu.memory_space<vmem>>) target(%dma_start3A_16 : memref<64x768xf32, #tpu.memory_space<hbm>>) target_semaphore(%run_scoped3A : memref<!tpu.dma_semaphore, #tpu.memory_space<semaphore_mem>>)
      %dma_wait3A_17 = arith.constant 0 : i32
      %dma_wait3A_18 = tpu.memref_slice %arg5[%mul3A_2, %dma_wait3A_17] : memref<2048x768xf32, #tpu.memory_space<hbm>> -> memref<64x768xf32, #tpu.memory_space<hbm>>
      %dma_wait3A_19 = arith.constant 0 : i32
      %dma_wait3A_20 = tpu.memref_slice %arg5[%mul3A_2, %dma_wait3A_19] : memref<2048x768xf32, #tpu.memory_space<hbm>> -> memref<64x768xf32, #tpu.memory_space<hbm>>
      tpu.wait_dma2 semaphore(%run_scoped3A : memref<!tpu.dma_semaphore, #tpu.memory_space<semaphore_mem>>) src(%arg8 : memref<64x768xf32, #tpu.memory_space<vmem>>) dst(%dma_wait3A_20 : memref<64x768xf32, #tpu.memory_space<hbm>>)
      tpu.yield
    }) : () -> ()
    "tpu.region"() ({
      %run_scoped3A = tpu.sem_alloc : memref<!tpu.dma_semaphore, #tpu.memory_space<semaphore_mem>>
      %dma_start3A_13 = tpu.memref_slice %arg4[%mul3A_2] : memref<2048xi32, #tpu.memory_space<hbm>> -> memref<64xi32, #tpu.memory_space<hbm>>
      %dma_start3A_14 = tpu.memref_slice %arg4[%mul3A_2] : memref<2048xi32, #tpu.memory_space<hbm>> -> memref<64xi32, #tpu.memory_space<hbm>>
      tpu.enqueue_dma source(%dma_start3A_14 : memref<64xi32, #tpu.memory_space<hbm>>) target(%arg7 : memref<64xi32, #tpu.memory_space<vmem>>) target_semaphore(%run_scoped3A : memref<!tpu.dma_semaphore, #tpu.memory_space<semaphore_mem>>)
      %dma_wait3A_15 = tpu.memref_slice %arg4[%mul3A_2] : memref<2048xi32, #tpu.memory_space<hbm>> -> memref<64xi32, #tpu.memory_space<hbm>>
      %dma_wait3A_16 = tpu.memref_slice %arg4[%mul3A_2] : memref<2048xi32, #tpu.memory_space<hbm>> -> memref<64xi32, #tpu.memory_space<hbm>>
      tpu.wait_dma2 semaphore(%run_scoped3A : memref<!tpu.dma_semaphore, #tpu.memory_space<semaphore_mem>>) src(%dma_wait3A_16 : memref<64xi32, #tpu.memory_space<hbm>>) dst(%arg7 : memref<64xi32, #tpu.memory_space<vmem>>)
      tpu.yield
    }) : () -> ()
    %dma_start3A_7 = arith.constant 0 : i32
    %dma_start3A_8 = arith.constant 0 : i32
    %dma_start3A_9 = tpu.memref_slice %arg2[%dma_start3A_7, %dma_start3A_8] : memref<8192x768xf32, #tpu.memory_space<hbm>> -> memref<8192x768xf32, #tpu.memory_space<hbm>>
    tpu.enqueue_indirect_dma source(%dma_start3A_9 : memref<8192x768xf32, #tpu.memory_space<hbm>>) target(%arg8 : memref<64x768xf32, #tpu.memory_space<vmem>>) offsets(%arg7 : memref<64xi32, #tpu.memory_space<vmem>>) semaphore(%arg9 : memref<!tpu.dma_semaphore, #tpu.memory_space<semaphore_mem>>)
    %dma_wait3A_10 = arith.constant 0 : i32
    %dma_wait3A_11 = arith.constant 0 : i32
    %dma_wait3A_12 = tpu.memref_slice %arg2[%dma_wait3A_10, %dma_wait3A_11] : memref<8192x768xf32, #tpu.memory_space<hbm>> -> memref<8192x768xf32, #tpu.memory_space<hbm>>
    tpu.wait_indirect_dma semaphore(%arg9 : memref<!tpu.dma_semaphore, #tpu.memory_space<semaphore_mem>>) src(%dma_wait3A_12 : memref<8192x768xf32, #tpu.memory_space<hbm>>) dst(%arg8 : memref<64x768xf32, #tpu.memory_space<vmem>>)
    "tpu.region"() ({
      %run_scoped3A = tpu.sem_alloc : memref<!tpu.dma_semaphore, #tpu.memory_space<semaphore_mem>>
      %dma_start3A_13 = arith.constant 0 : i32
      %dma_start3A_14 = tpu.memref_slice %arg6[%mul3A_2, %dma_start3A_13] : memref<2048x768xf32, #tpu.memory_space<hbm>> -> memref<64x768xf32, #tpu.memory_space<hbm>>
      %dma_start3A_15 = arith.constant 0 : i32
      %dma_start3A_16 = tpu.memref_slice %arg6[%mul3A_2, %dma_start3A_15] : memref<2048x768xf32, #tpu.memory_space<hbm>> -> memref<64x768xf32, #tpu.memory_space<hbm>>
      tpu.enqueue_dma source(%arg8 : memref<64x768xf32, #tpu.memory_space<vmem>>) target(%dma_start3A_16 : memref<64x768xf32, #tpu.memory_space<hbm>>) target_semaphore(%run_scoped3A : memref<!tpu.dma_semaphore, #tpu.memory_space<semaphore_mem>>)
      %dma_wait3A_17 = arith.constant 0 : i32
      %dma_wait3A_18 = tpu.memref_slice %arg6[%mul3A_2, %dma_wait3A_17] : memref<2048x768xf32, #tpu.memory_space<hbm>> -> memref<64x768xf32, #tpu.memory_space<hbm>>
      %dma_wait3A_19 = arith.constant 0 : i32
      %dma_wait3A_20 = tpu.memref_slice %arg6[%mul3A_2, %dma_wait3A_19] : memref<2048x768xf32, #tpu.memory_space<hbm>> -> memref<64x768xf32, #tpu.memory_space<hbm>>
      tpu.wait_dma2 semaphore(%run_scoped3A : memref<!tpu.dma_semaphore, #tpu.memory_space<semaphore_mem>>) src(%arg8 : memref<64x768xf32, #tpu.memory_space<vmem>>) dst(%dma_wait3A_20 : memref<64x768xf32, #tpu.memory_space<hbm>>)
      tpu.yield
    }) : () -> ()
    return
  }
}

#map = affine_map<(d0, d1) -> (0)>
#map1 = affine_map<(d0, d1) -> (0, 0)>
module attributes {stable_mosaic.version = 14 : i64} {
  func.func @_dispatch_body(%arg0: i32, %arg1: i32, %arg2: memref<4096xi32, #tpu.memory_space<hbm>>, %arg3: memref<2048x768xf32, #tpu.memory_space<hbm>>, %arg4: memref<2048xi32, #tpu.memory_space<hbm>>, %arg5: memref<2048xi32, #tpu.memory_space<hbm>>, %arg6: memref<8192x768xf32, #tpu.memory_space<hbm>>, %arg7: memref<64xi32, #tpu.memory_space<hbm>>, %arg8: memref<256xi32, #tpu.memory_space<vmem>>, %arg9: memref<256xi32, #tpu.memory_space<vmem_shared>>, %arg10: memref<256xi32, #tpu.memory_space<vmem>>, %arg11: memref<16xi32, #tpu.memory_space<vmem>>, %arg12: memref<64xi32, #tpu.memory_space<vmem>>, %arg13: memref<64xi32, #tpu.memory_space<vmem>>, %arg14: memref<64xi32, #tpu.memory_space<vmem>>, %arg15: memref<64x768xf32, #tpu.memory_space<vmem>>, %arg16: memref<!tpu.dma_semaphore, #tpu.memory_space<semaphore_mem>>, %arg17: memref<!tpu.dma_semaphore, #tpu.memory_space<semaphore_mem>>) attributes {dimension_semantics = [#tpu.dimension_semantics<core_parallel>, #tpu.dimension_semantics<subcore_parallel>], iteration_bounds = array<i64: 2, 16>, scalar_prefetch = 0 : i64, scratch_operands = 10 : i64, tpu.core_type = #tpu.core_type<sc_vector_subcore>, window_params = [{transform_indices = #map}, {transform_indices = #map1}, {transform_indices = #map}, {transform_indices = #map}, {transform_indices = #map1}, {transform_indices = #map}]} {
    %mul3A = arith.constant 2 : i32
    %mul3A_0 = arith.muli %arg1, %mul3A : i32
    %add3A = arith.addi %mul3A_0, %arg0 : i32
    %iota3A = tpu.iota {dimensions = array<i32: 0>} : vector<16xi32>
    %mul3A_1 = arith.constant 128 : i32
    %mul3A_2 = arith.muli %arg1, %mul3A_1 : i32
    %mul3A_3 = arith.constant 64 : i32
    %mul3A_4 = arith.muli %arg0, %mul3A_3 : i32
    %add3A_5 = arith.addi %mul3A_2, %mul3A_4 : i32
    %multiple_of3A = tpu.assume_multiple %add3A_5, 64 : i32
    %dma_start3A = arith.constant 0 : i32
    %dma_start3A_6 = tpu.memref_slice %arg3[%multiple_of3A, %dma_start3A] : memref<2048x768xf32, #tpu.memory_space<hbm>> -> memref<64x768xf32, #tpu.memory_space<hbm>>
    %dma_start3A_7 = arith.constant 0 : i32
    %dma_start3A_8 = tpu.memref_slice %arg3[%multiple_of3A, %dma_start3A_7] : memref<2048x768xf32, #tpu.memory_space<hbm>> -> memref<64x768xf32, #tpu.memory_space<hbm>>
    tpu.enqueue_dma source(%dma_start3A_8 : memref<64x768xf32, #tpu.memory_space<hbm>>) target(%arg15 : memref<64x768xf32, #tpu.memory_space<vmem>>) target_semaphore(%arg17 : memref<!tpu.dma_semaphore, #tpu.memory_space<semaphore_mem>>)
    %mul3A_9 = arith.constant 256 : i32
    %mul3A_10 = arith.muli %arg1, %mul3A_9 : i32
    "tpu.region"() ({
      %run_scoped3A = tpu.sem_alloc : memref<!tpu.dma_semaphore, #tpu.memory_space<semaphore_mem>>
      %dma_start3A_4077 = tpu.memref_slice %arg2[%mul3A_10] : memref<4096xi32, #tpu.memory_space<hbm>> -> memref<256xi32, #tpu.memory_space<hbm>>
      %dma_start3A_4078 = tpu.memref_slice %arg2[%mul3A_10] : memref<4096xi32, #tpu.memory_space<hbm>> -> memref<256xi32, #tpu.memory_space<hbm>>
      tpu.enqueue_dma source(%dma_start3A_4078 : memref<256xi32, #tpu.memory_space<hbm>>) target(%arg8 : memref<256xi32, #tpu.memory_space<vmem>>) target_semaphore(%run_scoped3A : memref<!tpu.dma_semaphore, #tpu.memory_space<semaphore_mem>>)
      %dma_wait3A_4079 = tpu.memref_slice %arg2[%mul3A_10] : memref<4096xi32, #tpu.memory_space<hbm>> -> memref<256xi32, #tpu.memory_space<hbm>>
      %dma_wait3A_4080 = tpu.memref_slice %arg2[%mul3A_10] : memref<4096xi32, #tpu.memory_space<hbm>> -> memref<256xi32, #tpu.memory_space<hbm>>
      tpu.wait_dma2 semaphore(%run_scoped3A : memref<!tpu.dma_semaphore, #tpu.memory_space<semaphore_mem>>) src(%dma_wait3A_4080 : memref<256xi32, #tpu.memory_space<hbm>>) dst(%arg8 : memref<256xi32, #tpu.memory_space<vmem>>)
      tpu.yield
    }) : () -> ()
    %broadcast_in_dim3A = arith.constant 0 : i32
    %broadcast_in_dim3A_11 = vector.broadcast %broadcast_in_dim3A : i32 to vector<16xi32>
    %broadcast_in_dim3A_12 = arith.constant 0 : i32
    %broadcast_in_dim3A_13 = vector.broadcast %broadcast_in_dim3A_12 : i32 to vector<16xi32>
    %get3A = arith.constant 0 : index
    %get3A_14 = tpu.vector_load %arg8[%get3A] {strides = array<i32>} : memref<256xi32, #tpu.memory_space<vmem>>, vector<16xi32>,
    %eq3A = arith.constant 0 : i32
    %eq3A_15 = vector.broadcast %eq3A : i32 to vector<16xi32>
    %eq3A_16 = arith.cmpi eq, %get3A_14, %eq3A_15 : vector<16xi32>
    %all_reduce_population_count3A = tpu.all_reduce %eq3A_16 {dim = 0 : i64, kind = #tpu.reduction_kind<sum>} : vector<16xi1> -> vector<16xi32>
    %eq3A_17 = arith.constant 0 : i32
    %eq3A_18 = vector.broadcast %eq3A_17 : i32 to vector<16xi32>
    %eq3A_19 = arith.cmpi eq, %iota3A, %eq3A_18 : vector<16xi32>
    %jit3A = arith.constant 0 : i32
    %broadcast_in_dim3A_20 = vector.broadcast %jit3A : i32 to vector<16xi32>
    %select_n3A = arith.select %eq3A_19, %all_reduce_population_count3A, %broadcast_in_dim3A_20 : vector<16xi1>, vector<16xi32>
    %add3A_21 = arith.addi %broadcast_in_dim3A_11, %select_n3A : vector<16xi32>
    %eq3A_22 = arith.constant 0 : i32
    %eq3A_23 = vector.broadcast %eq3A_22 : i32 to vector<16xi32>
    %eq3A_24 = arith.cmpi eq, %iota3A, %eq3A_23 : vector<16xi32>
    %jit3A_25 = arith.constant 0 : i32
    %broadcast_in_dim3A_26 = vector.broadcast %jit3A_25 : i32 to vector<16xi32>
    %select_n3A_27 = arith.select %eq3A_24, %all_reduce_population_count3A, %broadcast_in_dim3A_26 : vector<16xi1>, vector<16xi32>
    %add3A_28 = arith.addi %broadcast_in_dim3A_13, %select_n3A_27 : vector<16xi32>
    %eq3A_29 = arith.constant 1 : i32
    %eq3A_30 = vector.broadcast %eq3A_29 : i32 to vector<16xi32>
    %eq3A_31 = arith.cmpi eq, %get3A_14, %eq3A_30 : vector<16xi32>
    %all_reduce_population_count3A_32 = tpu.all_reduce %eq3A_31 {dim = 0 : i64, kind = #tpu.reduction_kind<sum>} : vector<16xi1> -> vector<16xi32>
    %eq3A_33 = arith.constant 1 : i32
    %eq3A_34 = vector.broadcast %eq3A_33 : i32 to vector<16xi32>
    %eq3A_35 = arith.cmpi eq, %iota3A, %eq3A_34 : vector<16xi32>
    %jit3A_36 = arith.constant 0 : i32
    %broadcast_in_dim3A_37 = vector.broadcast %jit3A_36 : i32 to vector<16xi32>
    %select_n3A_38 = arith.select %eq3A_35, %all_reduce_population_count3A_32, %broadcast_in_dim3A_37 : vector<16xi1>, vector<16xi32>
    %add3A_39 = arith.addi %add3A_21, %select_n3A_38 : vector<16xi32>
    %eq3A_40 = arith.constant 1 : i32
    %eq3A_41 = vector.broadcast %eq3A_40 : i32 to vector<16xi32>
    %eq3A_42 = arith.cmpi eq, %iota3A, %eq3A_41 : vector<16xi32>
    %jit3A_43 = arith.constant 0 : i32
    %broadcast_in_dim3A_44 = vector.broadcast %jit3A_43 : i32 to vector<16xi32>
    %select_n3A_45 = arith.select %eq3A_42, %all_reduce_population_count3A_32, %broadcast_in_dim3A_44 : vector<16xi1>, vector<16xi32>
    %add3A_46 = arith.addi %add3A_28, %select_n3A_45 : vector<16xi32>
    %eq3A_47 = arith.constant 2 : i32
    %eq3A_48 = vector.broadcast %eq3A_47 : i32 to vector<16xi32>
    %eq3A_49 = arith.cmpi eq, %get3A_14, %eq3A_48 : vector<16xi32>
    %all_reduce_population_count3A_50 = tpu.all_reduce %eq3A_49 {dim = 0 : i64, kind = #tpu.reduction_kind<sum>} : vector<16xi1> -> vector<16xi32>
    %eq3A_51 = arith.constant 2 : i32
    %eq3A_52 = vector.broadcast %eq3A_51 : i32 to vector<16xi32>
    %eq3A_53 = arith.cmpi eq, %iota3A, %eq3A_52 : vector<16xi32>
    %jit3A_54 = arith.constant 0 : i32
    %broadcast_in_dim3A_55 = vector.broadcast %jit3A_54 : i32 to vector<16xi32>
    %select_n3A_56 = arith.select %eq3A_53, %all_reduce_population_count3A_50, %broadcast_in_dim3A_55 : vector<16xi1>, vector<16xi32>
    %add3A_57 = arith.addi %add3A_39, %select_n3A_56 : vector<16xi32>
    %eq3A_58 = arith.constant 2 : i32
    %eq3A_59 = vector.broadcast %eq3A_58 : i32 to vector<16xi32>
    %eq3A_60 = arith.cmpi eq, %iota3A, %eq3A_59 : vector<16xi32>
    %jit3A_61 = arith.constant 0 : i32
    %broadcast_in_dim3A_62 = vector.broadcast %jit3A_61 : i32 to vector<16xi32>
    %select_n3A_63 = arith.select %eq3A_60, %all_reduce_population_count3A_50, %broadcast_in_dim3A_62 : vector<16xi1>, vector<16xi32>
    %add3A_64 = arith.addi %add3A_46, %select_n3A_63 : vector<16xi32>
    %eq3A_65 = arith.constant 3 : i32
    %eq3A_66 = vector.broadcast %eq3A_65 : i32 to vector<16xi32>
    %eq3A_67 = arith.cmpi eq, %get3A_14, %eq3A_66 : vector<16xi32>
    %all_reduce_population_count3A_68 = tpu.all_reduce %eq3A_67 {dim = 0 : i64, kind = #tpu.reduction_kind<sum>} : vector<16xi1> -> vector<16xi32>
    %eq3A_69 = arith.constant 3 : i32
    %eq3A_70 = vector.broadcast %eq3A_69 : i32 to vector<16xi32>
    %eq3A_71 = arith.cmpi eq, %iota3A, %eq3A_70 : vector<16xi32>
    %jit3A_72 = arith.constant 0 : i32
    %broadcast_in_dim3A_73 = vector.broadcast %jit3A_72 : i32 to vector<16xi32>
    %select_n3A_74 = arith.select %eq3A_71, %all_reduce_population_count3A_68, %broadcast_in_dim3A_73 : vector<16xi1>, vector<16xi32>
    %add3A_75 = arith.addi %add3A_57, %select_n3A_74 : vector<16xi32>
    %eq3A_76 = arith.constant 3 : i32
    %eq3A_77 = vector.broadcast %eq3A_76 : i32 to vector<16xi32>
    %eq3A_78 = arith.cmpi eq, %iota3A, %eq3A_77 : vector<16xi32>
    %jit3A_79 = arith.constant 0 : i32
    %broadcast_in_dim3A_80 = vector.broadcast %jit3A_79 : i32 to vector<16xi32>
    %select_n3A_81 = arith.select %eq3A_78, %all_reduce_population_count3A_68, %broadcast_in_dim3A_80 : vector<16xi1>, vector<16xi32>
    %add3A_82 = arith.addi %add3A_64, %select_n3A_81 : vector<16xi32>
    %eq3A_83 = arith.constant 4 : i32
    %eq3A_84 = vector.broadcast %eq3A_83 : i32 to vector<16xi32>
    %eq3A_85 = arith.cmpi eq, %get3A_14, %eq3A_84 : vector<16xi32>
    %all_reduce_population_count3A_86 = tpu.all_reduce %eq3A_85 {dim = 0 : i64, kind = #tpu.reduction_kind<sum>} : vector<16xi1> -> vector<16xi32>
    %eq3A_87 = arith.constant 4 : i32
    %eq3A_88 = vector.broadcast %eq3A_87 : i32 to vector<16xi32>
    %eq3A_89 = arith.cmpi eq, %iota3A, %eq3A_88 : vector<16xi32>
    %jit3A_90 = arith.constant 0 : i32
    %broadcast_in_dim3A_91 = vector.broadcast %jit3A_90 : i32 to vector<16xi32>
    %select_n3A_92 = arith.select %eq3A_89, %all_reduce_population_count3A_86, %broadcast_in_dim3A_91 : vector<16xi1>, vector<16xi32>
    %add3A_93 = arith.addi %add3A_75, %select_n3A_92 : vector<16xi32>
    %eq3A_94 = arith.constant 4 : i32
    %eq3A_95 = vector.broadcast %eq3A_94 : i32 to vector<16xi32>
    %eq3A_96 = arith.cmpi eq, %iota3A, %eq3A_95 : vector<16xi32>
    %jit3A_97 = arith.constant 0 : i32
    %broadcast_in_dim3A_98 = vector.broadcast %jit3A_97 : i32 to vector<16xi32>
    %select_n3A_99 = arith.select %eq3A_96, %all_reduce_population_count3A_86, %broadcast_in_dim3A_98 : vector<16xi1>, vector<16xi32>
    %add3A_100 = arith.addi %add3A_82, %select_n3A_99 : vector<16xi32>
    %eq3A_101 = arith.constant 5 : i32
    %eq3A_102 = vector.broadcast %eq3A_101 : i32 to vector<16xi32>
    %eq3A_103 = arith.cmpi eq, %get3A_14, %eq3A_102 : vector<16xi32>
    %all_reduce_population_count3A_104 = tpu.all_reduce %eq3A_103 {dim = 0 : i64, kind = #tpu.reduction_kind<sum>} : vector<16xi1> -> vector<16xi32>
    %eq3A_105 = arith.constant 5 : i32
    %eq3A_106 = vector.broadcast %eq3A_105 : i32 to vector<16xi32>
    %eq3A_107 = arith.cmpi eq, %iota3A, %eq3A_106 : vector<16xi32>
    %jit3A_108 = arith.constant 0 : i32
    %broadcast_in_dim3A_109 = vector.broadcast %jit3A_108 : i32 to vector<16xi32>
    %select_n3A_110 = arith.select %eq3A_107, %all_reduce_population_count3A_104, %broadcast_in_dim3A_109 : vector<16xi1>, vector<16xi32>
    %add3A_111 = arith.addi %add3A_93, %select_n3A_110 : vector<16xi32>
    %eq3A_112 = arith.constant 5 : i32
    %eq3A_113 = vector.broadcast %eq3A_112 : i32 to vector<16xi32>
    %eq3A_114 = arith.cmpi eq, %iota3A, %eq3A_113 : vector<16xi32>
    %jit3A_115 = arith.constant 0 : i32
    %broadcast_in_dim3A_116 = vector.broadcast %jit3A_115 : i32 to vector<16xi32>
    %select_n3A_117 = arith.select %eq3A_114, %all_reduce_population_count3A_104, %broadcast_in_dim3A_116 : vector<16xi1>, vector<16xi32>
    %add3A_118 = arith.addi %add3A_100, %select_n3A_117 : vector<16xi32>
    %eq3A_119 = arith.constant 6 : i32
    %eq3A_120 = vector.broadcast %eq3A_119 : i32 to vector<16xi32>
    %eq3A_121 = arith.cmpi eq, %get3A_14, %eq3A_120 : vector<16xi32>
    %all_reduce_population_count3A_122 = tpu.all_reduce %eq3A_121 {dim = 0 : i64, kind = #tpu.reduction_kind<sum>} : vector<16xi1> -> vector<16xi32>
    %eq3A_123 = arith.constant 6 : i32
    %eq3A_124 = vector.broadcast %eq3A_123 : i32 to vector<16xi32>
    %eq3A_125 = arith.cmpi eq, %iota3A, %eq3A_124 : vector<16xi32>
    %jit3A_126 = arith.constant 0 : i32
    %broadcast_in_dim3A_127 = vector.broadcast %jit3A_126 : i32 to vector<16xi32>
    %select_n3A_128 = arith.select %eq3A_125, %all_reduce_population_count3A_122, %broadcast_in_dim3A_127 : vector<16xi1>, vector<16xi32>
    %add3A_129 = arith.addi %add3A_111, %select_n3A_128 : vector<16xi32>
    %eq3A_130 = arith.constant 6 : i32
    %eq3A_131 = vector.broadcast %eq3A_130 : i32 to vector<16xi32>
    %eq3A_132 = arith.cmpi eq, %iota3A, %eq3A_131 : vector<16xi32>
    %jit3A_133 = arith.constant 0 : i32
    %broadcast_in_dim3A_134 = vector.broadcast %jit3A_133 : i32 to vector<16xi32>
    %select_n3A_135 = arith.select %eq3A_132, %all_reduce_population_count3A_122, %broadcast_in_dim3A_134 : vector<16xi1>, vector<16xi32>
    %add3A_136 = arith.addi %add3A_118, %select_n3A_135 : vector<16xi32>
    %eq3A_137 = arith.constant 7 : i32
    %eq3A_138 = vector.broadcast %eq3A_137 : i32 to vector<16xi32>
    %eq3A_139 = arith.cmpi eq, %get3A_14, %eq3A_138 : vector<16xi32>
    %all_reduce_population_count3A_140 = tpu.all_reduce %eq3A_139 {dim = 0 : i64, kind = #tpu.reduction_kind<sum>} : vector<16xi1> -> vector<16xi32>
    %eq3A_141 = arith.constant 7 : i32
    %eq3A_142 = vector.broadcast %eq3A_141 : i32 to vector<16xi32>
    %eq3A_143 = arith.cmpi eq, %iota3A, %eq3A_142 : vector<16xi32>
    %jit3A_144 = arith.constant 0 : i32
    %broadcast_in_dim3A_145 = vector.broadcast %jit3A_144 : i32 to vector<16xi32>
    %select_n3A_146 = arith.select %eq3A_143, %all_reduce_population_count3A_140, %broadcast_in_dim3A_145 : vector<16xi1>, vector<16xi32>
    %add3A_147 = arith.addi %add3A_129, %select_n3A_146 : vector<16xi32>
    %eq3A_148 = arith.constant 7 : i32
    %eq3A_149 = vector.broadcast %eq3A_148 : i32 to vector<16xi32>
    %eq3A_150 = arith.cmpi eq, %iota3A, %eq3A_149 : vector<16xi32>
    %jit3A_151 = arith.constant 0 : i32
    %broadcast_in_dim3A_152 = vector.broadcast %jit3A_151 : i32 to vector<16xi32>
    %select_n3A_153 = arith.select %eq3A_150, %all_reduce_population_count3A_140, %broadcast_in_dim3A_152 : vector<16xi1>, vector<16xi32>
    %add3A_154 = arith.addi %add3A_136, %select_n3A_153 : vector<16xi32>
    %get3A_155 = arith.constant 16 : index
    %get3A_156 = tpu.vector_load %arg8[%get3A_155] {strides = array<i32>} : memref<256xi32, #tpu.memory_space<vmem>>, vector<16xi32>,
    %eq3A_157 = arith.constant 0 : i32
    %eq3A_158 = vector.broadcast %eq3A_157 : i32 to vector<16xi32>
    %eq3A_159 = arith.cmpi eq, %get3A_156, %eq3A_158 : vector<16xi32>
    %all_reduce_population_count3A_160 = tpu.all_reduce %eq3A_159 {dim = 0 : i64, kind = #tpu.reduction_kind<sum>} : vector<16xi1> -> vector<16xi32>
    %eq3A_161 = arith.constant 0 : i32
    %eq3A_162 = vector.broadcast %eq3A_161 : i32 to vector<16xi32>
    %eq3A_163 = arith.cmpi eq, %iota3A, %eq3A_162 : vector<16xi32>
    %jit3A_164 = arith.constant 0 : i32
    %broadcast_in_dim3A_165 = vector.broadcast %jit3A_164 : i32 to vector<16xi32>
    %select_n3A_166 = arith.select %eq3A_163, %all_reduce_population_count3A_160, %broadcast_in_dim3A_165 : vector<16xi1>, vector<16xi32>
    %add3A_167 = arith.addi %add3A_147, %select_n3A_166 : vector<16xi32>
    %eq3A_168 = arith.constant 0 : i32
    %eq3A_169 = vector.broadcast %eq3A_168 : i32 to vector<16xi32>
    %eq3A_170 = arith.cmpi eq, %iota3A, %eq3A_169 : vector<16xi32>
    %jit3A_171 = arith.constant 0 : i32
    %broadcast_in_dim3A_172 = vector.broadcast %jit3A_171 : i32 to vector<16xi32>
    %select_n3A_173 = arith.select %eq3A_170, %all_reduce_population_count3A_160, %broadcast_in_dim3A_172 : vector<16xi1>, vector<16xi32>
    %add3A_174 = arith.addi %add3A_154, %select_n3A_173 : vector<16xi32>
    %eq3A_175 = arith.constant 1 : i32
    %eq3A_176 = vector.broadcast %eq3A_175 : i32 to vector<16xi32>
    %eq3A_177 = arith.cmpi eq, %get3A_156, %eq3A_176 : vector<16xi32>
    %all_reduce_population_count3A_178 = tpu.all_reduce %eq3A_177 {dim = 0 : i64, kind = #tpu.reduction_kind<sum>} : vector<16xi1> -> vector<16xi32>
    %eq3A_179 = arith.constant 1 : i32
    %eq3A_180 = vector.broadcast %eq3A_179 : i32 to vector<16xi32>
    %eq3A_181 = arith.cmpi eq, %iota3A, %eq3A_180 : vector<16xi32>
    %jit3A_182 = arith.constant 0 : i32
    %broadcast_in_dim3A_183 = vector.broadcast %jit3A_182 : i32 to vector<16xi32>
    %select_n3A_184 = arith.select %eq3A_181, %all_reduce_population_count3A_178, %broadcast_in_dim3A_183 : vector<16xi1>, vector<16xi32>
    %add3A_185 = arith.addi %add3A_167, %select_n3A_184 : vector<16xi32>
    %eq3A_186 = arith.constant 1 : i32
    %eq3A_187 = vector.broadcast %eq3A_186 : i32 to vector<16xi32>
    %eq3A_188 = arith.cmpi eq, %iota3A, %eq3A_187 : vector<16xi32>
    %jit3A_189 = arith.constant 0 : i32
    %broadcast_in_dim3A_190 = vector.broadcast %jit3A_189 : i32 to vector<16xi32>
    %select_n3A_191 = arith.select %eq3A_188, %all_reduce_population_count3A_178, %broadcast_in_dim3A_190 : vector<16xi1>, vector<16xi32>
    %add3A_192 = arith.addi %add3A_174, %select_n3A_191 : vector<16xi32>
    %eq3A_193 = arith.constant 2 : i32
    %eq3A_194 = vector.broadcast %eq3A_193 : i32 to vector<16xi32>
    %eq3A_195 = arith.cmpi eq, %get3A_156, %eq3A_194 : vector<16xi32>
    %all_reduce_population_count3A_196 = tpu.all_reduce %eq3A_195 {dim = 0 : i64, kind = #tpu.reduction_kind<sum>} : vector<16xi1> -> vector<16xi32>
    %eq3A_197 = arith.constant 2 : i32
    %eq3A_198 = vector.broadcast %eq3A_197 : i32 to vector<16xi32>
    %eq3A_199 = arith.cmpi eq, %iota3A, %eq3A_198 : vector<16xi32>
    %jit3A_200 = arith.constant 0 : i32
    %broadcast_in_dim3A_201 = vector.broadcast %jit3A_200 : i32 to vector<16xi32>
    %select_n3A_202 = arith.select %eq3A_199, %all_reduce_population_count3A_196, %broadcast_in_dim3A_201 : vector<16xi1>, vector<16xi32>
    %add3A_203 = arith.addi %add3A_185, %select_n3A_202 : vector<16xi32>
    %eq3A_204 = arith.constant 2 : i32
    %eq3A_205 = vector.broadcast %eq3A_204 : i32 to vector<16xi32>
    %eq3A_206 = arith.cmpi eq, %iota3A, %eq3A_205 : vector<16xi32>
    %jit3A_207 = arith.constant 0 : i32
    %broadcast_in_dim3A_208 = vector.broadcast %jit3A_207 : i32 to vector<16xi32>
    %select_n3A_209 = arith.select %eq3A_206, %all_reduce_population_count3A_196, %broadcast_in_dim3A_208 : vector<16xi1>, vector<16xi32>
    %add3A_210 = arith.addi %add3A_192, %select_n3A_209 : vector<16xi32>
    %eq3A_211 = arith.constant 3 : i32
    %eq3A_212 = vector.broadcast %eq3A_211 : i32 to vector<16xi32>
    %eq3A_213 = arith.cmpi eq, %get3A_156, %eq3A_212 : vector<16xi32>
    %all_reduce_population_count3A_214 = tpu.all_reduce %eq3A_213 {dim = 0 : i64, kind = #tpu.reduction_kind<sum>} : vector<16xi1> -> vector<16xi32>
    %eq3A_215 = arith.constant 3 : i32
    %eq3A_216 = vector.broadcast %eq3A_215 : i32 to vector<16xi32>
    %eq3A_217 = arith.cmpi eq, %iota3A, %eq3A_216 : vector<16xi32>
    %jit3A_218 = arith.constant 0 : i32
    %broadcast_in_dim3A_219 = vector.broadcast %jit3A_218 : i32 to vector<16xi32>
    %select_n3A_220 = arith.select %eq3A_217, %all_reduce_population_count3A_214, %broadcast_in_dim3A_219 : vector<16xi1>, vector<16xi32>
    %add3A_221 = arith.addi %add3A_203, %select_n3A_220 : vector<16xi32>
    %eq3A_222 = arith.constant 3 : i32
    %eq3A_223 = vector.broadcast %eq3A_222 : i32 to vector<16xi32>
    %eq3A_224 = arith.cmpi eq, %iota3A, %eq3A_223 : vector<16xi32>
    %jit3A_225 = arith.constant 0 : i32
    %broadcast_in_dim3A_226 = vector.broadcast %jit3A_225 : i32 to vector<16xi32>
    %select_n3A_227 = arith.select %eq3A_224, %all_reduce_population_count3A_214, %broadcast_in_dim3A_226 : vector<16xi1>, vector<16xi32>
    %add3A_228 = arith.addi %add3A_210, %select_n3A_227 : vector<16xi32>
    %eq3A_229 = arith.constant 4 : i32
    %eq3A_230 = vector.broadcast %eq3A_229 : i32 to vector<16xi32>
    %eq3A_231 = arith.cmpi eq, %get3A_156, %eq3A_230 : vector<16xi32>
    %all_reduce_population_count3A_232 = tpu.all_reduce %eq3A_231 {dim = 0 : i64, kind = #tpu.reduction_kind<sum>} : vector<16xi1> -> vector<16xi32>
    %eq3A_233 = arith.constant 4 : i32
    %eq3A_234 = vector.broadcast %eq3A_233 : i32 to vector<16xi32>
    %eq3A_235 = arith.cmpi eq, %iota3A, %eq3A_234 : vector<16xi32>
    %jit3A_236 = arith.constant 0 : i32
    %broadcast_in_dim3A_237 = vector.broadcast %jit3A_236 : i32 to vector<16xi32>
    %select_n3A_238 = arith.select %eq3A_235, %all_reduce_population_count3A_232, %broadcast_in_dim3A_237 : vector<16xi1>, vector<16xi32>
    %add3A_239 = arith.addi %add3A_221, %select_n3A_238 : vector<16xi32>
    %eq3A_240 = arith.constant 4 : i32
    %eq3A_241 = vector.broadcast %eq3A_240 : i32 to vector<16xi32>
    %eq3A_242 = arith.cmpi eq, %iota3A, %eq3A_241 : vector<16xi32>
    %jit3A_243 = arith.constant 0 : i32
    %broadcast_in_dim3A_244 = vector.broadcast %jit3A_243 : i32 to vector<16xi32>
    %select_n3A_245 = arith.select %eq3A_242, %all_reduce_population_count3A_232, %broadcast_in_dim3A_244 : vector<16xi1>, vector<16xi32>
    %add3A_246 = arith.addi %add3A_228, %select_n3A_245 : vector<16xi32>
    %eq3A_247 = arith.constant 5 : i32
    %eq3A_248 = vector.broadcast %eq3A_247 : i32 to vector<16xi32>
    %eq3A_249 = arith.cmpi eq, %get3A_156, %eq3A_248 : vector<16xi32>
    %all_reduce_population_count3A_250 = tpu.all_reduce %eq3A_249 {dim = 0 : i64, kind = #tpu.reduction_kind<sum>} : vector<16xi1> -> vector<16xi32>
    %eq3A_251 = arith.constant 5 : i32
    %eq3A_252 = vector.broadcast %eq3A_251 : i32 to vector<16xi32>
    %eq3A_253 = arith.cmpi eq, %iota3A, %eq3A_252 : vector<16xi32>
    %jit3A_254 = arith.constant 0 : i32
    %broadcast_in_dim3A_255 = vector.broadcast %jit3A_254 : i32 to vector<16xi32>
    %select_n3A_256 = arith.select %eq3A_253, %all_reduce_population_count3A_250, %broadcast_in_dim3A_255 : vector<16xi1>, vector<16xi32>
    %add3A_257 = arith.addi %add3A_239, %select_n3A_256 : vector<16xi32>
    %eq3A_258 = arith.constant 5 : i32
    %eq3A_259 = vector.broadcast %eq3A_258 : i32 to vector<16xi32>
    %eq3A_260 = arith.cmpi eq, %iota3A, %eq3A_259 : vector<16xi32>
    %jit3A_261 = arith.constant 0 : i32
    %broadcast_in_dim3A_262 = vector.broadcast %jit3A_261 : i32 to vector<16xi32>
    %select_n3A_263 = arith.select %eq3A_260, %all_reduce_population_count3A_250, %broadcast_in_dim3A_262 : vector<16xi1>, vector<16xi32>
    %add3A_264 = arith.addi %add3A_246, %select_n3A_263 : vector<16xi32>
    %eq3A_265 = arith.constant 6 : i32
    %eq3A_266 = vector.broadcast %eq3A_265 : i32 to vector<16xi32>
    %eq3A_267 = arith.cmpi eq, %get3A_156, %eq3A_266 : vector<16xi32>
    %all_reduce_population_count3A_268 = tpu.all_reduce %eq3A_267 {dim = 0 : i64, kind = #tpu.reduction_kind<sum>} : vector<16xi1> -> vector<16xi32>
    %eq3A_269 = arith.constant 6 : i32
    %eq3A_270 = vector.broadcast %eq3A_269 : i32 to vector<16xi32>
    %eq3A_271 = arith.cmpi eq, %iota3A, %eq3A_270 : vector<16xi32>
    %jit3A_272 = arith.constant 0 : i32
    %broadcast_in_dim3A_273 = vector.broadcast %jit3A_272 : i32 to vector<16xi32>
    %select_n3A_274 = arith.select %eq3A_271, %all_reduce_population_count3A_268, %broadcast_in_dim3A_273 : vector<16xi1>, vector<16xi32>
    %add3A_275 = arith.addi %add3A_257, %select_n3A_274 : vector<16xi32>
    %eq3A_276 = arith.constant 6 : i32
    %eq3A_277 = vector.broadcast %eq3A_276 : i32 to vector<16xi32>
    %eq3A_278 = arith.cmpi eq, %iota3A, %eq3A_277 : vector<16xi32>
    %jit3A_279 = arith.constant 0 : i32
    %broadcast_in_dim3A_280 = vector.broadcast %jit3A_279 : i32 to vector<16xi32>
    %select_n3A_281 = arith.select %eq3A_278, %all_reduce_population_count3A_268, %broadcast_in_dim3A_280 : vector<16xi1>, vector<16xi32>
    %add3A_282 = arith.addi %add3A_264, %select_n3A_281 : vector<16xi32>
    %eq3A_283 = arith.constant 7 : i32
    %eq3A_284 = vector.broadcast %eq3A_283 : i32 to vector<16xi32>
    %eq3A_285 = arith.cmpi eq, %get3A_156, %eq3A_284 : vector<16xi32>
    %all_reduce_population_count3A_286 = tpu.all_reduce %eq3A_285 {dim = 0 : i64, kind = #tpu.reduction_kind<sum>} : vector<16xi1> -> vector<16xi32>
    %eq3A_287 = arith.constant 7 : i32
    %eq3A_288 = vector.broadcast %eq3A_287 : i32 to vector<16xi32>
    %eq3A_289 = arith.cmpi eq, %iota3A, %eq3A_288 : vector<16xi32>
    %jit3A_290 = arith.constant 0 : i32
    %broadcast_in_dim3A_291 = vector.broadcast %jit3A_290 : i32 to vector<16xi32>
    %select_n3A_292 = arith.select %eq3A_289, %all_reduce_population_count3A_286, %broadcast_in_dim3A_291 : vector<16xi1>, vector<16xi32>
    %add3A_293 = arith.addi %add3A_275, %select_n3A_292 : vector<16xi32>
    %eq3A_294 = arith.constant 7 : i32
    %eq3A_295 = vector.broadcast %eq3A_294 : i32 to vector<16xi32>
    %eq3A_296 = arith.cmpi eq, %iota3A, %eq3A_295 : vector<16xi32>
    %jit3A_297 = arith.constant 0 : i32
    %broadcast_in_dim3A_298 = vector.broadcast %jit3A_297 : i32 to vector<16xi32>
    %select_n3A_299 = arith.select %eq3A_296, %all_reduce_population_count3A_286, %broadcast_in_dim3A_298 : vector<16xi1>, vector<16xi32>
    %add3A_300 = arith.addi %add3A_282, %select_n3A_299 : vector<16xi32>
    %get3A_301 = arith.constant 32 : index
    %get3A_302 = tpu.vector_load %arg8[%get3A_301] {strides = array<i32>} : memref<256xi32, #tpu.memory_space<vmem>>, vector<16xi32>,
    %eq3A_303 = arith.constant 0 : i32
    %eq3A_304 = vector.broadcast %eq3A_303 : i32 to vector<16xi32>
    %eq3A_305 = arith.cmpi eq, %get3A_302, %eq3A_304 : vector<16xi32>
    %all_reduce_population_count3A_306 = tpu.all_reduce %eq3A_305 {dim = 0 : i64, kind = #tpu.reduction_kind<sum>} : vector<16xi1> -> vector<16xi32>
    %eq3A_307 = arith.constant 0 : i32
    %eq3A_308 = vector.broadcast %eq3A_307 : i32 to vector<16xi32>
    %eq3A_309 = arith.cmpi eq, %iota3A, %eq3A_308 : vector<16xi32>
    %jit3A_310 = arith.constant 0 : i32
    %broadcast_in_dim3A_311 = vector.broadcast %jit3A_310 : i32 to vector<16xi32>
    %select_n3A_312 = arith.select %eq3A_309, %all_reduce_population_count3A_306, %broadcast_in_dim3A_311 : vector<16xi1>, vector<16xi32>
    %add3A_313 = arith.addi %add3A_293, %select_n3A_312 : vector<16xi32>
    %eq3A_314 = arith.constant 0 : i32
    %eq3A_315 = vector.broadcast %eq3A_314 : i32 to vector<16xi32>
    %eq3A_316 = arith.cmpi eq, %iota3A, %eq3A_315 : vector<16xi32>
    %jit3A_317 = arith.constant 0 : i32
    %broadcast_in_dim3A_318 = vector.broadcast %jit3A_317 : i32 to vector<16xi32>
    %select_n3A_319 = arith.select %eq3A_316, %all_reduce_population_count3A_306, %broadcast_in_dim3A_318 : vector<16xi1>, vector<16xi32>
    %add3A_320 = arith.addi %add3A_300, %select_n3A_319 : vector<16xi32>
    %eq3A_321 = arith.constant 1 : i32
    %eq3A_322 = vector.broadcast %eq3A_321 : i32 to vector<16xi32>
    %eq3A_323 = arith.cmpi eq, %get3A_302, %eq3A_322 : vector<16xi32>
    %all_reduce_population_count3A_324 = tpu.all_reduce %eq3A_323 {dim = 0 : i64, kind = #tpu.reduction_kind<sum>} : vector<16xi1> -> vector<16xi32>
    %eq3A_325 = arith.constant 1 : i32
    %eq3A_326 = vector.broadcast %eq3A_325 : i32 to vector<16xi32>
    %eq3A_327 = arith.cmpi eq, %iota3A, %eq3A_326 : vector<16xi32>
    %jit3A_328 = arith.constant 0 : i32
    %broadcast_in_dim3A_329 = vector.broadcast %jit3A_328 : i32 to vector<16xi32>
    %select_n3A_330 = arith.select %eq3A_327, %all_reduce_population_count3A_324, %broadcast_in_dim3A_329 : vector<16xi1>, vector<16xi32>
    %add3A_331 = arith.addi %add3A_313, %select_n3A_330 : vector<16xi32>
    %eq3A_332 = arith.constant 1 : i32
    %eq3A_333 = vector.broadcast %eq3A_332 : i32 to vector<16xi32>
    %eq3A_334 = arith.cmpi eq, %iota3A, %eq3A_333 : vector<16xi32>
    %jit3A_335 = arith.constant 0 : i32
    %broadcast_in_dim3A_336 = vector.broadcast %jit3A_335 : i32 to vector<16xi32>
    %select_n3A_337 = arith.select %eq3A_334, %all_reduce_population_count3A_324, %broadcast_in_dim3A_336 : vector<16xi1>, vector<16xi32>
    %add3A_338 = arith.addi %add3A_320, %select_n3A_337 : vector<16xi32>
    %eq3A_339 = arith.constant 2 : i32
    %eq3A_340 = vector.broadcast %eq3A_339 : i32 to vector<16xi32>
    %eq3A_341 = arith.cmpi eq, %get3A_302, %eq3A_340 : vector<16xi32>
    %all_reduce_population_count3A_342 = tpu.all_reduce %eq3A_341 {dim = 0 : i64, kind = #tpu.reduction_kind<sum>} : vector<16xi1> -> vector<16xi32>
    %eq3A_343 = arith.constant 2 : i32
    %eq3A_344 = vector.broadcast %eq3A_343 : i32 to vector<16xi32>
    %eq3A_345 = arith.cmpi eq, %iota3A, %eq3A_344 : vector<16xi32>
    %jit3A_346 = arith.constant 0 : i32
    %broadcast_in_dim3A_347 = vector.broadcast %jit3A_346 : i32 to vector<16xi32>
    %select_n3A_348 = arith.select %eq3A_345, %all_reduce_population_count3A_342, %broadcast_in_dim3A_347 : vector<16xi1>, vector<16xi32>
    %add3A_349 = arith.addi %add3A_331, %select_n3A_348 : vector<16xi32>
    %eq3A_350 = arith.constant 2 : i32
    %eq3A_351 = vector.broadcast %eq3A_350 : i32 to vector<16xi32>
    %eq3A_352 = arith.cmpi eq, %iota3A, %eq3A_351 : vector<16xi32>
    %jit3A_353 = arith.constant 0 : i32
    %broadcast_in_dim3A_354 = vector.broadcast %jit3A_353 : i32 to vector<16xi32>
    %select_n3A_355 = arith.select %eq3A_352, %all_reduce_population_count3A_342, %broadcast_in_dim3A_354 : vector<16xi1>, vector<16xi32>
    %add3A_356 = arith.addi %add3A_338, %select_n3A_355 : vector<16xi32>
    %eq3A_357 = arith.constant 3 : i32
    %eq3A_358 = vector.broadcast %eq3A_357 : i32 to vector<16xi32>
    %eq3A_359 = arith.cmpi eq, %get3A_302, %eq3A_358 : vector<16xi32>
    %all_reduce_population_count3A_360 = tpu.all_reduce %eq3A_359 {dim = 0 : i64, kind = #tpu.reduction_kind<sum>} : vector<16xi1> -> vector<16xi32>
    %eq3A_361 = arith.constant 3 : i32
    %eq3A_362 = vector.broadcast %eq3A_361 : i32 to vector<16xi32>
    %eq3A_363 = arith.cmpi eq, %iota3A, %eq3A_362 : vector<16xi32>
    %jit3A_364 = arith.constant 0 : i32
    %broadcast_in_dim3A_365 = vector.broadcast %jit3A_364 : i32 to vector<16xi32>
    %select_n3A_366 = arith.select %eq3A_363, %all_reduce_population_count3A_360, %broadcast_in_dim3A_365 : vector<16xi1>, vector<16xi32>
    %add3A_367 = arith.addi %add3A_349, %select_n3A_366 : vector<16xi32>
    %eq3A_368 = arith.constant 3 : i32
    %eq3A_369 = vector.broadcast %eq3A_368 : i32 to vector<16xi32>
    %eq3A_370 = arith.cmpi eq, %iota3A, %eq3A_369 : vector<16xi32>
    %jit3A_371 = arith.constant 0 : i32
    %broadcast_in_dim3A_372 = vector.broadcast %jit3A_371 : i32 to vector<16xi32>
    %select_n3A_373 = arith.select %eq3A_370, %all_reduce_population_count3A_360, %broadcast_in_dim3A_372 : vector<16xi1>, vector<16xi32>
    %add3A_374 = arith.addi %add3A_356, %select_n3A_373 : vector<16xi32>
    %eq3A_375 = arith.constant 4 : i32
    %eq3A_376 = vector.broadcast %eq3A_375 : i32 to vector<16xi32>
    %eq3A_377 = arith.cmpi eq, %get3A_302, %eq3A_376 : vector<16xi32>
    %all_reduce_population_count3A_378 = tpu.all_reduce %eq3A_377 {dim = 0 : i64, kind = #tpu.reduction_kind<sum>} : vector<16xi1> -> vector<16xi32>
    %eq3A_379 = arith.constant 4 : i32
    %eq3A_380 = vector.broadcast %eq3A_379 : i32 to vector<16xi32>
    %eq3A_381 = arith.cmpi eq, %iota3A, %eq3A_380 : vector<16xi32>
    %jit3A_382 = arith.constant 0 : i32
    %broadcast_in_dim3A_383 = vector.broadcast %jit3A_382 : i32 to vector<16xi32>
    %select_n3A_384 = arith.select %eq3A_381, %all_reduce_population_count3A_378, %broadcast_in_dim3A_383 : vector<16xi1>, vector<16xi32>
    %add3A_385 = arith.addi %add3A_367, %select_n3A_384 : vector<16xi32>
    %eq3A_386 = arith.constant 4 : i32
    %eq3A_387 = vector.broadcast %eq3A_386 : i32 to vector<16xi32>
    %eq3A_388 = arith.cmpi eq, %iota3A, %eq3A_387 : vector<16xi32>
    %jit3A_389 = arith.constant 0 : i32
    %broadcast_in_dim3A_390 = vector.broadcast %jit3A_389 : i32 to vector<16xi32>
    %select_n3A_391 = arith.select %eq3A_388, %all_reduce_population_count3A_378, %broadcast_in_dim3A_390 : vector<16xi1>, vector<16xi32>
    %add3A_392 = arith.addi %add3A_374, %select_n3A_391 : vector<16xi32>
    %eq3A_393 = arith.constant 5 : i32
    %eq3A_394 = vector.broadcast %eq3A_393 : i32 to vector<16xi32>
    %eq3A_395 = arith.cmpi eq, %get3A_302, %eq3A_394 : vector<16xi32>
    %all_reduce_population_count3A_396 = tpu.all_reduce %eq3A_395 {dim = 0 : i64, kind = #tpu.reduction_kind<sum>} : vector<16xi1> -> vector<16xi32>
    %eq3A_397 = arith.constant 5 : i32
    %eq3A_398 = vector.broadcast %eq3A_397 : i32 to vector<16xi32>
    %eq3A_399 = arith.cmpi eq, %iota3A, %eq3A_398 : vector<16xi32>
    %jit3A_400 = arith.constant 0 : i32
    %broadcast_in_dim3A_401 = vector.broadcast %jit3A_400 : i32 to vector<16xi32>
    %select_n3A_402 = arith.select %eq3A_399, %all_reduce_population_count3A_396, %broadcast_in_dim3A_401 : vector<16xi1>, vector<16xi32>
    %add3A_403 = arith.addi %add3A_385, %select_n3A_402 : vector<16xi32>
    %eq3A_404 = arith.constant 5 : i32
    %eq3A_405 = vector.broadcast %eq3A_404 : i32 to vector<16xi32>
    %eq3A_406 = arith.cmpi eq, %iota3A, %eq3A_405 : vector<16xi32>
    %jit3A_407 = arith.constant 0 : i32
    %broadcast_in_dim3A_408 = vector.broadcast %jit3A_407 : i32 to vector<16xi32>
    %select_n3A_409 = arith.select %eq3A_406, %all_reduce_population_count3A_396, %broadcast_in_dim3A_408 : vector<16xi1>, vector<16xi32>
    %add3A_410 = arith.addi %add3A_392, %select_n3A_409 : vector<16xi32>
    %eq3A_411 = arith.constant 6 : i32
    %eq3A_412 = vector.broadcast %eq3A_411 : i32 to vector<16xi32>
    %eq3A_413 = arith.cmpi eq, %get3A_302, %eq3A_412 : vector<16xi32>
    %all_reduce_population_count3A_414 = tpu.all_reduce %eq3A_413 {dim = 0 : i64, kind = #tpu.reduction_kind<sum>} : vector<16xi1> -> vector<16xi32>
    %eq3A_415 = arith.constant 6 : i32
    %eq3A_416 = vector.broadcast %eq3A_415 : i32 to vector<16xi32>
    %eq3A_417 = arith.cmpi eq, %iota3A, %eq3A_416 : vector<16xi32>
    %jit3A_418 = arith.constant 0 : i32
    %broadcast_in_dim3A_419 = vector.broadcast %jit3A_418 : i32 to vector<16xi32>
    %select_n3A_420 = arith.select %eq3A_417, %all_reduce_population_count3A_414, %broadcast_in_dim3A_419 : vector<16xi1>, vector<16xi32>
    %add3A_421 = arith.addi %add3A_403, %select_n3A_420 : vector<16xi32>
    %eq3A_422 = arith.constant 6 : i32
    %eq3A_423 = vector.broadcast %eq3A_422 : i32 to vector<16xi32>
    %eq3A_424 = arith.cmpi eq, %iota3A, %eq3A_423 : vector<16xi32>
    %jit3A_425 = arith.constant 0 : i32
    %broadcast_in_dim3A_426 = vector.broadcast %jit3A_425 : i32 to vector<16xi32>
    %select_n3A_427 = arith.select %eq3A_424, %all_reduce_population_count3A_414, %broadcast_in_dim3A_426 : vector<16xi1>, vector<16xi32>
    %add3A_428 = arith.addi %add3A_410, %select_n3A_427 : vector<16xi32>
    %eq3A_429 = arith.constant 7 : i32
    %eq3A_430 = vector.broadcast %eq3A_429 : i32 to vector<16xi32>
    %eq3A_431 = arith.cmpi eq, %get3A_302, %eq3A_430 : vector<16xi32>
    %all_reduce_population_count3A_432 = tpu.all_reduce %eq3A_431 {dim = 0 : i64, kind = #tpu.reduction_kind<sum>} : vector<16xi1> -> vector<16xi32>
    %eq3A_433 = arith.constant 7 : i32
    %eq3A_434 = vector.broadcast %eq3A_433 : i32 to vector<16xi32>
    %eq3A_435 = arith.cmpi eq, %iota3A, %eq3A_434 : vector<16xi32>
    %jit3A_436 = arith.constant 0 : i32
    %broadcast_in_dim3A_437 = vector.broadcast %jit3A_436 : i32 to vector<16xi32>
    %select_n3A_438 = arith.select %eq3A_435, %all_reduce_population_count3A_432, %broadcast_in_dim3A_437 : vector<16xi1>, vector<16xi32>
    %add3A_439 = arith.addi %add3A_421, %select_n3A_438 : vector<16xi32>
    %eq3A_440 = arith.constant 7 : i32
    %eq3A_441 = vector.broadcast %eq3A_440 : i32 to vector<16xi32>
    %eq3A_442 = arith.cmpi eq, %iota3A, %eq3A_441 : vector<16xi32>
    %jit3A_443 = arith.constant 0 : i32
    %broadcast_in_dim3A_444 = vector.broadcast %jit3A_443 : i32 to vector<16xi32>
    %select_n3A_445 = arith.select %eq3A_442, %all_reduce_population_count3A_432, %broadcast_in_dim3A_444 : vector<16xi1>, vector<16xi32>
    %add3A_446 = arith.addi %add3A_428, %select_n3A_445 : vector<16xi32>
    %get3A_447 = arith.constant 48 : index
    %get3A_448 = tpu.vector_load %arg8[%get3A_447] {strides = array<i32>} : memref<256xi32, #tpu.memory_space<vmem>>, vector<16xi32>,
    %eq3A_449 = arith.constant 0 : i32
    %eq3A_450 = vector.broadcast %eq3A_449 : i32 to vector<16xi32>
    %eq3A_451 = arith.cmpi eq, %get3A_448, %eq3A_450 : vector<16xi32>
    %all_reduce_population_count3A_452 = tpu.all_reduce %eq3A_451 {dim = 0 : i64, kind = #tpu.reduction_kind<sum>} : vector<16xi1> -> vector<16xi32>
    %eq3A_453 = arith.constant 0 : i32
    %eq3A_454 = vector.broadcast %eq3A_453 : i32 to vector<16xi32>
    %eq3A_455 = arith.cmpi eq, %iota3A, %eq3A_454 : vector<16xi32>
    %jit3A_456 = arith.constant 0 : i32
    %broadcast_in_dim3A_457 = vector.broadcast %jit3A_456 : i32 to vector<16xi32>
    %select_n3A_458 = arith.select %eq3A_455, %all_reduce_population_count3A_452, %broadcast_in_dim3A_457 : vector<16xi1>, vector<16xi32>
    %add3A_459 = arith.addi %add3A_439, %select_n3A_458 : vector<16xi32>
    %eq3A_460 = arith.constant 0 : i32
    %eq3A_461 = vector.broadcast %eq3A_460 : i32 to vector<16xi32>
    %eq3A_462 = arith.cmpi eq, %iota3A, %eq3A_461 : vector<16xi32>
    %jit3A_463 = arith.constant 0 : i32
    %broadcast_in_dim3A_464 = vector.broadcast %jit3A_463 : i32 to vector<16xi32>
    %select_n3A_465 = arith.select %eq3A_462, %all_reduce_population_count3A_452, %broadcast_in_dim3A_464 : vector<16xi1>, vector<16xi32>
    %add3A_466 = arith.addi %add3A_446, %select_n3A_465 : vector<16xi32>
    %eq3A_467 = arith.constant 1 : i32
    %eq3A_468 = vector.broadcast %eq3A_467 : i32 to vector<16xi32>
    %eq3A_469 = arith.cmpi eq, %get3A_448, %eq3A_468 : vector<16xi32>
    %all_reduce_population_count3A_470 = tpu.all_reduce %eq3A_469 {dim = 0 : i64, kind = #tpu.reduction_kind<sum>} : vector<16xi1> -> vector<16xi32>
    %eq3A_471 = arith.constant 1 : i32
    %eq3A_472 = vector.broadcast %eq3A_471 : i32 to vector<16xi32>
    %eq3A_473 = arith.cmpi eq, %iota3A, %eq3A_472 : vector<16xi32>
    %jit3A_474 = arith.constant 0 : i32
    %broadcast_in_dim3A_475 = vector.broadcast %jit3A_474 : i32 to vector<16xi32>
    %select_n3A_476 = arith.select %eq3A_473, %all_reduce_population_count3A_470, %broadcast_in_dim3A_475 : vector<16xi1>, vector<16xi32>
    %add3A_477 = arith.addi %add3A_459, %select_n3A_476 : vector<16xi32>
    %eq3A_478 = arith.constant 1 : i32
    %eq3A_479 = vector.broadcast %eq3A_478 : i32 to vector<16xi32>
    %eq3A_480 = arith.cmpi eq, %iota3A, %eq3A_479 : vector<16xi32>
    %jit3A_481 = arith.constant 0 : i32
    %broadcast_in_dim3A_482 = vector.broadcast %jit3A_481 : i32 to vector<16xi32>
    %select_n3A_483 = arith.select %eq3A_480, %all_reduce_population_count3A_470, %broadcast_in_dim3A_482 : vector<16xi1>, vector<16xi32>
    %add3A_484 = arith.addi %add3A_466, %select_n3A_483 : vector<16xi32>
    %eq3A_485 = arith.constant 2 : i32
    %eq3A_486 = vector.broadcast %eq3A_485 : i32 to vector<16xi32>
    %eq3A_487 = arith.cmpi eq, %get3A_448, %eq3A_486 : vector<16xi32>
    %all_reduce_population_count3A_488 = tpu.all_reduce %eq3A_487 {dim = 0 : i64, kind = #tpu.reduction_kind<sum>} : vector<16xi1> -> vector<16xi32>
    %eq3A_489 = arith.constant 2 : i32
    %eq3A_490 = vector.broadcast %eq3A_489 : i32 to vector<16xi32>
    %eq3A_491 = arith.cmpi eq, %iota3A, %eq3A_490 : vector<16xi32>
    %jit3A_492 = arith.constant 0 : i32
    %broadcast_in_dim3A_493 = vector.broadcast %jit3A_492 : i32 to vector<16xi32>
    %select_n3A_494 = arith.select %eq3A_491, %all_reduce_population_count3A_488, %broadcast_in_dim3A_493 : vector<16xi1>, vector<16xi32>
    %add3A_495 = arith.addi %add3A_477, %select_n3A_494 : vector<16xi32>
    %eq3A_496 = arith.constant 2 : i32
    %eq3A_497 = vector.broadcast %eq3A_496 : i32 to vector<16xi32>
    %eq3A_498 = arith.cmpi eq, %iota3A, %eq3A_497 : vector<16xi32>
    %jit3A_499 = arith.constant 0 : i32
    %broadcast_in_dim3A_500 = vector.broadcast %jit3A_499 : i32 to vector<16xi32>
    %select_n3A_501 = arith.select %eq3A_498, %all_reduce_population_count3A_488, %broadcast_in_dim3A_500 : vector<16xi1>, vector<16xi32>
    %add3A_502 = arith.addi %add3A_484, %select_n3A_501 : vector<16xi32>
    %eq3A_503 = arith.constant 3 : i32
    %eq3A_504 = vector.broadcast %eq3A_503 : i32 to vector<16xi32>
    %eq3A_505 = arith.cmpi eq, %get3A_448, %eq3A_504 : vector<16xi32>
    %all_reduce_population_count3A_506 = tpu.all_reduce %eq3A_505 {dim = 0 : i64, kind = #tpu.reduction_kind<sum>} : vector<16xi1> -> vector<16xi32>
    %eq3A_507 = arith.constant 3 : i32
    %eq3A_508 = vector.broadcast %eq3A_507 : i32 to vector<16xi32>
    %eq3A_509 = arith.cmpi eq, %iota3A, %eq3A_508 : vector<16xi32>
    %jit3A_510 = arith.constant 0 : i32
    %broadcast_in_dim3A_511 = vector.broadcast %jit3A_510 : i32 to vector<16xi32>
    %select_n3A_512 = arith.select %eq3A_509, %all_reduce_population_count3A_506, %broadcast_in_dim3A_511 : vector<16xi1>, vector<16xi32>
    %add3A_513 = arith.addi %add3A_495, %select_n3A_512 : vector<16xi32>
    %eq3A_514 = arith.constant 3 : i32
    %eq3A_515 = vector.broadcast %eq3A_514 : i32 to vector<16xi32>
    %eq3A_516 = arith.cmpi eq, %iota3A, %eq3A_515 : vector<16xi32>
    %jit3A_517 = arith.constant 0 : i32
    %broadcast_in_dim3A_518 = vector.broadcast %jit3A_517 : i32 to vector<16xi32>
    %select_n3A_519 = arith.select %eq3A_516, %all_reduce_population_count3A_506, %broadcast_in_dim3A_518 : vector<16xi1>, vector<16xi32>
    %add3A_520 = arith.addi %add3A_502, %select_n3A_519 : vector<16xi32>
    %eq3A_521 = arith.constant 4 : i32
    %eq3A_522 = vector.broadcast %eq3A_521 : i32 to vector<16xi32>
    %eq3A_523 = arith.cmpi eq, %get3A_448, %eq3A_522 : vector<16xi32>
    %all_reduce_population_count3A_524 = tpu.all_reduce %eq3A_523 {dim = 0 : i64, kind = #tpu.reduction_kind<sum>} : vector<16xi1> -> vector<16xi32>
    %eq3A_525 = arith.constant 4 : i32
    %eq3A_526 = vector.broadcast %eq3A_525 : i32 to vector<16xi32>
    %eq3A_527 = arith.cmpi eq, %iota3A, %eq3A_526 : vector<16xi32>
    %jit3A_528 = arith.constant 0 : i32
    %broadcast_in_dim3A_529 = vector.broadcast %jit3A_528 : i32 to vector<16xi32>
    %select_n3A_530 = arith.select %eq3A_527, %all_reduce_population_count3A_524, %broadcast_in_dim3A_529 : vector<16xi1>, vector<16xi32>
    %add3A_531 = arith.addi %add3A_513, %select_n3A_530 : vector<16xi32>
    %eq3A_532 = arith.constant 4 : i32
    %eq3A_533 = vector.broadcast %eq3A_532 : i32 to vector<16xi32>
    %eq3A_534 = arith.cmpi eq, %iota3A, %eq3A_533 : vector<16xi32>
    %jit3A_535 = arith.constant 0 : i32
    %broadcast_in_dim3A_536 = vector.broadcast %jit3A_535 : i32 to vector<16xi32>
    %select_n3A_537 = arith.select %eq3A_534, %all_reduce_population_count3A_524, %broadcast_in_dim3A_536 : vector<16xi1>, vector<16xi32>
    %add3A_538 = arith.addi %add3A_520, %select_n3A_537 : vector<16xi32>
    %eq3A_539 = arith.constant 5 : i32
    %eq3A_540 = vector.broadcast %eq3A_539 : i32 to vector<16xi32>
    %eq3A_541 = arith.cmpi eq, %get3A_448, %eq3A_540 : vector<16xi32>
    %all_reduce_population_count3A_542 = tpu.all_reduce %eq3A_541 {dim = 0 : i64, kind = #tpu.reduction_kind<sum>} : vector<16xi1> -> vector<16xi32>
    %eq3A_543 = arith.constant 5 : i32
    %eq3A_544 = vector.broadcast %eq3A_543 : i32 to vector<16xi32>
    %eq3A_545 = arith.cmpi eq, %iota3A, %eq3A_544 : vector<16xi32>
    %jit3A_546 = arith.constant 0 : i32
    %broadcast_in_dim3A_547 = vector.broadcast %jit3A_546 : i32 to vector<16xi32>
    %select_n3A_548 = arith.select %eq3A_545, %all_reduce_population_count3A_542, %broadcast_in_dim3A_547 : vector<16xi1>, vector<16xi32>
    %add3A_549 = arith.addi %add3A_531, %select_n3A_548 : vector<16xi32>
    %eq3A_550 = arith.constant 5 : i32
    %eq3A_551 = vector.broadcast %eq3A_550 : i32 to vector<16xi32>
    %eq3A_552 = arith.cmpi eq, %iota3A, %eq3A_551 : vector<16xi32>
    %jit3A_553 = arith.constant 0 : i32
    %broadcast_in_dim3A_554 = vector.broadcast %jit3A_553 : i32 to vector<16xi32>
    %select_n3A_555 = arith.select %eq3A_552, %all_reduce_population_count3A_542, %broadcast_in_dim3A_554 : vector<16xi1>, vector<16xi32>
    %add3A_556 = arith.addi %add3A_538, %select_n3A_555 : vector<16xi32>
    %eq3A_557 = arith.constant 6 : i32
    %eq3A_558 = vector.broadcast %eq3A_557 : i32 to vector<16xi32>
    %eq3A_559 = arith.cmpi eq, %get3A_448, %eq3A_558 : vector<16xi32>
    %all_reduce_population_count3A_560 = tpu.all_reduce %eq3A_559 {dim = 0 : i64, kind = #tpu.reduction_kind<sum>} : vector<16xi1> -> vector<16xi32>
    %eq3A_561 = arith.constant 6 : i32
    %eq3A_562 = vector.broadcast %eq3A_561 : i32 to vector<16xi32>
    %eq3A_563 = arith.cmpi eq, %iota3A, %eq3A_562 : vector<16xi32>
    %jit3A_564 = arith.constant 0 : i32
    %broadcast_in_dim3A_565 = vector.broadcast %jit3A_564 : i32 to vector<16xi32>
    %select_n3A_566 = arith.select %eq3A_563, %all_reduce_population_count3A_560, %broadcast_in_dim3A_565 : vector<16xi1>, vector<16xi32>
    %add3A_567 = arith.addi %add3A_549, %select_n3A_566 : vector<16xi32>
    %eq3A_568 = arith.constant 6 : i32
    %eq3A_569 = vector.broadcast %eq3A_568 : i32 to vector<16xi32>
    %eq3A_570 = arith.cmpi eq, %iota3A, %eq3A_569 : vector<16xi32>
    %jit3A_571 = arith.constant 0 : i32
    %broadcast_in_dim3A_572 = vector.broadcast %jit3A_571 : i32 to vector<16xi32>
    %select_n3A_573 = arith.select %eq3A_570, %all_reduce_population_count3A_560, %broadcast_in_dim3A_572 : vector<16xi1>, vector<16xi32>
    %add3A_574 = arith.addi %add3A_556, %select_n3A_573 : vector<16xi32>
    %eq3A_575 = arith.constant 7 : i32
    %eq3A_576 = vector.broadcast %eq3A_575 : i32 to vector<16xi32>
    %eq3A_577 = arith.cmpi eq, %get3A_448, %eq3A_576 : vector<16xi32>
    %all_reduce_population_count3A_578 = tpu.all_reduce %eq3A_577 {dim = 0 : i64, kind = #tpu.reduction_kind<sum>} : vector<16xi1> -> vector<16xi32>
    %eq3A_579 = arith.constant 7 : i32
    %eq3A_580 = vector.broadcast %eq3A_579 : i32 to vector<16xi32>
    %eq3A_581 = arith.cmpi eq, %iota3A, %eq3A_580 : vector<16xi32>
    %jit3A_582 = arith.constant 0 : i32
    %broadcast_in_dim3A_583 = vector.broadcast %jit3A_582 : i32 to vector<16xi32>
    %select_n3A_584 = arith.select %eq3A_581, %all_reduce_population_count3A_578, %broadcast_in_dim3A_583 : vector<16xi1>, vector<16xi32>
    %add3A_585 = arith.addi %add3A_567, %select_n3A_584 : vector<16xi32>
    %eq3A_586 = arith.constant 7 : i32
    %eq3A_587 = vector.broadcast %eq3A_586 : i32 to vector<16xi32>
    %eq3A_588 = arith.cmpi eq, %iota3A, %eq3A_587 : vector<16xi32>
    %jit3A_589 = arith.constant 0 : i32
    %broadcast_in_dim3A_590 = vector.broadcast %jit3A_589 : i32 to vector<16xi32>
    %select_n3A_591 = arith.select %eq3A_588, %all_reduce_population_count3A_578, %broadcast_in_dim3A_590 : vector<16xi1>, vector<16xi32>
    %add3A_592 = arith.addi %add3A_574, %select_n3A_591 : vector<16xi32>
    %get3A_593 = arith.constant 64 : index
    %get3A_594 = tpu.vector_load %arg8[%get3A_593] {strides = array<i32>} : memref<256xi32, #tpu.memory_space<vmem>>, vector<16xi32>,
    %eq3A_595 = arith.constant 0 : i32
    %eq3A_596 = vector.broadcast %eq3A_595 : i32 to vector<16xi32>
    %eq3A_597 = arith.cmpi eq, %get3A_594, %eq3A_596 : vector<16xi32>
    %all_reduce_population_count3A_598 = tpu.all_reduce %eq3A_597 {dim = 0 : i64, kind = #tpu.reduction_kind<sum>} : vector<16xi1> -> vector<16xi32>
    %eq3A_599 = arith.constant 0 : i32
    %eq3A_600 = vector.broadcast %eq3A_599 : i32 to vector<16xi32>
    %eq3A_601 = arith.cmpi eq, %iota3A, %eq3A_600 : vector<16xi32>
    %jit3A_602 = arith.constant 0 : i32
    %broadcast_in_dim3A_603 = vector.broadcast %jit3A_602 : i32 to vector<16xi32>
    %select_n3A_604 = arith.select %eq3A_601, %all_reduce_population_count3A_598, %broadcast_in_dim3A_603 : vector<16xi1>, vector<16xi32>
    %add3A_605 = arith.addi %add3A_585, %select_n3A_604 : vector<16xi32>
    %eq3A_606 = arith.constant 0 : i32
    %eq3A_607 = vector.broadcast %eq3A_606 : i32 to vector<16xi32>
    %eq3A_608 = arith.cmpi eq, %iota3A, %eq3A_607 : vector<16xi32>
    %jit3A_609 = arith.constant 0 : i32
    %broadcast_in_dim3A_610 = vector.broadcast %jit3A_609 : i32 to vector<16xi32>
    %select_n3A_611 = arith.select %eq3A_608, %all_reduce_population_count3A_598, %broadcast_in_dim3A_610 : vector<16xi1>, vector<16xi32>
    %add3A_612 = arith.addi %add3A_592, %select_n3A_611 : vector<16xi32>
    %eq3A_613 = arith.constant 1 : i32
    %eq3A_614 = vector.broadcast %eq3A_613 : i32 to vector<16xi32>
    %eq3A_615 = arith.cmpi eq, %get3A_594, %eq3A_614 : vector<16xi32>
    %all_reduce_population_count3A_616 = tpu.all_reduce %eq3A_615 {dim = 0 : i64, kind = #tpu.reduction_kind<sum>} : vector<16xi1> -> vector<16xi32>
    %eq3A_617 = arith.constant 1 : i32
    %eq3A_618 = vector.broadcast %eq3A_617 : i32 to vector<16xi32>
    %eq3A_619 = arith.cmpi eq, %iota3A, %eq3A_618 : vector<16xi32>
    %jit3A_620 = arith.constant 0 : i32
    %broadcast_in_dim3A_621 = vector.broadcast %jit3A_620 : i32 to vector<16xi32>
    %select_n3A_622 = arith.select %eq3A_619, %all_reduce_population_count3A_616, %broadcast_in_dim3A_621 : vector<16xi1>, vector<16xi32>
    %add3A_623 = arith.addi %add3A_605, %select_n3A_622 : vector<16xi32>
    %eq3A_624 = arith.constant 1 : i32
    %eq3A_625 = vector.broadcast %eq3A_624 : i32 to vector<16xi32>
    %eq3A_626 = arith.cmpi eq, %iota3A, %eq3A_625 : vector<16xi32>
    %jit3A_627 = arith.constant 0 : i32
    %broadcast_in_dim3A_628 = vector.broadcast %jit3A_627 : i32 to vector<16xi32>
    %select_n3A_629 = arith.select %eq3A_626, %all_reduce_population_count3A_616, %broadcast_in_dim3A_628 : vector<16xi1>, vector<16xi32>
    %add3A_630 = arith.addi %add3A_612, %select_n3A_629 : vector<16xi32>
    %eq3A_631 = arith.constant 2 : i32
    %eq3A_632 = vector.broadcast %eq3A_631 : i32 to vector<16xi32>
    %eq3A_633 = arith.cmpi eq, %get3A_594, %eq3A_632 : vector<16xi32>
    %all_reduce_population_count3A_634 = tpu.all_reduce %eq3A_633 {dim = 0 : i64, kind = #tpu.reduction_kind<sum>} : vector<16xi1> -> vector<16xi32>
    %eq3A_635 = arith.constant 2 : i32
    %eq3A_636 = vector.broadcast %eq3A_635 : i32 to vector<16xi32>
    %eq3A_637 = arith.cmpi eq, %iota3A, %eq3A_636 : vector<16xi32>
    %jit3A_638 = arith.constant 0 : i32
    %broadcast_in_dim3A_639 = vector.broadcast %jit3A_638 : i32 to vector<16xi32>
    %select_n3A_640 = arith.select %eq3A_637, %all_reduce_population_count3A_634, %broadcast_in_dim3A_639 : vector<16xi1>, vector<16xi32>
    %add3A_641 = arith.addi %add3A_623, %select_n3A_640 : vector<16xi32>
    %eq3A_642 = arith.constant 2 : i32
    %eq3A_643 = vector.broadcast %eq3A_642 : i32 to vector<16xi32>
    %eq3A_644 = arith.cmpi eq, %iota3A, %eq3A_643 : vector<16xi32>
    %jit3A_645 = arith.constant 0 : i32
    %broadcast_in_dim3A_646 = vector.broadcast %jit3A_645 : i32 to vector<16xi32>
    %select_n3A_647 = arith.select %eq3A_644, %all_reduce_population_count3A_634, %broadcast_in_dim3A_646 : vector<16xi1>, vector<16xi32>
    %add3A_648 = arith.addi %add3A_630, %select_n3A_647 : vector<16xi32>
    %eq3A_649 = arith.constant 3 : i32
    %eq3A_650 = vector.broadcast %eq3A_649 : i32 to vector<16xi32>
    %eq3A_651 = arith.cmpi eq, %get3A_594, %eq3A_650 : vector<16xi32>
    %all_reduce_population_count3A_652 = tpu.all_reduce %eq3A_651 {dim = 0 : i64, kind = #tpu.reduction_kind<sum>} : vector<16xi1> -> vector<16xi32>
    %eq3A_653 = arith.constant 3 : i32
    %eq3A_654 = vector.broadcast %eq3A_653 : i32 to vector<16xi32>
    %eq3A_655 = arith.cmpi eq, %iota3A, %eq3A_654 : vector<16xi32>
    %jit3A_656 = arith.constant 0 : i32
    %broadcast_in_dim3A_657 = vector.broadcast %jit3A_656 : i32 to vector<16xi32>
    %select_n3A_658 = arith.select %eq3A_655, %all_reduce_population_count3A_652, %broadcast_in_dim3A_657 : vector<16xi1>, vector<16xi32>
    %add3A_659 = arith.addi %add3A_641, %select_n3A_658 : vector<16xi32>
    %eq3A_660 = arith.constant 3 : i32
    %eq3A_661 = vector.broadcast %eq3A_660 : i32 to vector<16xi32>
    %eq3A_662 = arith.cmpi eq, %iota3A, %eq3A_661 : vector<16xi32>
    %jit3A_663 = arith.constant 0 : i32
    %broadcast_in_dim3A_664 = vector.broadcast %jit3A_663 : i32 to vector<16xi32>
    %select_n3A_665 = arith.select %eq3A_662, %all_reduce_population_count3A_652, %broadcast_in_dim3A_664 : vector<16xi1>, vector<16xi32>
    %add3A_666 = arith.addi %add3A_648, %select_n3A_665 : vector<16xi32>
    %eq3A_667 = arith.constant 4 : i32
    %eq3A_668 = vector.broadcast %eq3A_667 : i32 to vector<16xi32>
    %eq3A_669 = arith.cmpi eq, %get3A_594, %eq3A_668 : vector<16xi32>
    %all_reduce_population_count3A_670 = tpu.all_reduce %eq3A_669 {dim = 0 : i64, kind = #tpu.reduction_kind<sum>} : vector<16xi1> -> vector<16xi32>
    %eq3A_671 = arith.constant 4 : i32
    %eq3A_672 = vector.broadcast %eq3A_671 : i32 to vector<16xi32>
    %eq3A_673 = arith.cmpi eq, %iota3A, %eq3A_672 : vector<16xi32>
    %jit3A_674 = arith.constant 0 : i32
    %broadcast_in_dim3A_675 = vector.broadcast %jit3A_674 : i32 to vector<16xi32>
    %select_n3A_676 = arith.select %eq3A_673, %all_reduce_population_count3A_670, %broadcast_in_dim3A_675 : vector<16xi1>, vector<16xi32>
    %add3A_677 = arith.addi %add3A_659, %select_n3A_676 : vector<16xi32>
    %eq3A_678 = arith.constant 4 : i32
    %eq3A_679 = vector.broadcast %eq3A_678 : i32 to vector<16xi32>
    %eq3A_680 = arith.cmpi eq, %iota3A, %eq3A_679 : vector<16xi32>
    %jit3A_681 = arith.constant 0 : i32
    %broadcast_in_dim3A_682 = vector.broadcast %jit3A_681 : i32 to vector<16xi32>
    %select_n3A_683 = arith.select %eq3A_680, %all_reduce_population_count3A_670, %broadcast_in_dim3A_682 : vector<16xi1>, vector<16xi32>
    %add3A_684 = arith.addi %add3A_666, %select_n3A_683 : vector<16xi32>
    %eq3A_685 = arith.constant 5 : i32
    %eq3A_686 = vector.broadcast %eq3A_685 : i32 to vector<16xi32>
    %eq3A_687 = arith.cmpi eq, %get3A_594, %eq3A_686 : vector<16xi32>
    %all_reduce_population_count3A_688 = tpu.all_reduce %eq3A_687 {dim = 0 : i64, kind = #tpu.reduction_kind<sum>} : vector<16xi1> -> vector<16xi32>
    %eq3A_689 = arith.constant 5 : i32
    %eq3A_690 = vector.broadcast %eq3A_689 : i32 to vector<16xi32>
    %eq3A_691 = arith.cmpi eq, %iota3A, %eq3A_690 : vector<16xi32>
    %jit3A_692 = arith.constant 0 : i32
    %broadcast_in_dim3A_693 = vector.broadcast %jit3A_692 : i32 to vector<16xi32>
    %select_n3A_694 = arith.select %eq3A_691, %all_reduce_population_count3A_688, %broadcast_in_dim3A_693 : vector<16xi1>, vector<16xi32>
    %add3A_695 = arith.addi %add3A_677, %select_n3A_694 : vector<16xi32>
    %eq3A_696 = arith.constant 5 : i32
    %eq3A_697 = vector.broadcast %eq3A_696 : i32 to vector<16xi32>
    %eq3A_698 = arith.cmpi eq, %iota3A, %eq3A_697 : vector<16xi32>
    %jit3A_699 = arith.constant 0 : i32
    %broadcast_in_dim3A_700 = vector.broadcast %jit3A_699 : i32 to vector<16xi32>
    %select_n3A_701 = arith.select %eq3A_698, %all_reduce_population_count3A_688, %broadcast_in_dim3A_700 : vector<16xi1>, vector<16xi32>
    %add3A_702 = arith.addi %add3A_684, %select_n3A_701 : vector<16xi32>
    %eq3A_703 = arith.constant 6 : i32
    %eq3A_704 = vector.broadcast %eq3A_703 : i32 to vector<16xi32>
    %eq3A_705 = arith.cmpi eq, %get3A_594, %eq3A_704 : vector<16xi32>
    %all_reduce_population_count3A_706 = tpu.all_reduce %eq3A_705 {dim = 0 : i64, kind = #tpu.reduction_kind<sum>} : vector<16xi1> -> vector<16xi32>
    %eq3A_707 = arith.constant 6 : i32
    %eq3A_708 = vector.broadcast %eq3A_707 : i32 to vector<16xi32>
    %eq3A_709 = arith.cmpi eq, %iota3A, %eq3A_708 : vector<16xi32>
    %jit3A_710 = arith.constant 0 : i32
    %broadcast_in_dim3A_711 = vector.broadcast %jit3A_710 : i32 to vector<16xi32>
    %select_n3A_712 = arith.select %eq3A_709, %all_reduce_population_count3A_706, %broadcast_in_dim3A_711 : vector<16xi1>, vector<16xi32>
    %add3A_713 = arith.addi %add3A_695, %select_n3A_712 : vector<16xi32>
    %eq3A_714 = arith.constant 6 : i32
    %eq3A_715 = vector.broadcast %eq3A_714 : i32 to vector<16xi32>
    %eq3A_716 = arith.cmpi eq, %iota3A, %eq3A_715 : vector<16xi32>
    %jit3A_717 = arith.constant 0 : i32
    %broadcast_in_dim3A_718 = vector.broadcast %jit3A_717 : i32 to vector<16xi32>
    %select_n3A_719 = arith.select %eq3A_716, %all_reduce_population_count3A_706, %broadcast_in_dim3A_718 : vector<16xi1>, vector<16xi32>
    %add3A_720 = arith.addi %add3A_702, %select_n3A_719 : vector<16xi32>
    %eq3A_721 = arith.constant 7 : i32
    %eq3A_722 = vector.broadcast %eq3A_721 : i32 to vector<16xi32>
    %eq3A_723 = arith.cmpi eq, %get3A_594, %eq3A_722 : vector<16xi32>
    %all_reduce_population_count3A_724 = tpu.all_reduce %eq3A_723 {dim = 0 : i64, kind = #tpu.reduction_kind<sum>} : vector<16xi1> -> vector<16xi32>
    %eq3A_725 = arith.constant 7 : i32
    %eq3A_726 = vector.broadcast %eq3A_725 : i32 to vector<16xi32>
    %eq3A_727 = arith.cmpi eq, %iota3A, %eq3A_726 : vector<16xi32>
    %jit3A_728 = arith.constant 0 : i32
    %broadcast_in_dim3A_729 = vector.broadcast %jit3A_728 : i32 to vector<16xi32>
    %select_n3A_730 = arith.select %eq3A_727, %all_reduce_population_count3A_724, %broadcast_in_dim3A_729 : vector<16xi1>, vector<16xi32>
    %add3A_731 = arith.addi %add3A_713, %select_n3A_730 : vector<16xi32>
    %eq3A_732 = arith.constant 7 : i32
    %eq3A_733 = vector.broadcast %eq3A_732 : i32 to vector<16xi32>
    %eq3A_734 = arith.cmpi eq, %iota3A, %eq3A_733 : vector<16xi32>
    %jit3A_735 = arith.constant 0 : i32
    %broadcast_in_dim3A_736 = vector.broadcast %jit3A_735 : i32 to vector<16xi32>
    %select_n3A_737 = arith.select %eq3A_734, %all_reduce_population_count3A_724, %broadcast_in_dim3A_736 : vector<16xi1>, vector<16xi32>
    %add3A_738 = arith.addi %add3A_720, %select_n3A_737 : vector<16xi32>
    %get3A_739 = arith.constant 80 : index
    %get3A_740 = tpu.vector_load %arg8[%get3A_739] {strides = array<i32>} : memref<256xi32, #tpu.memory_space<vmem>>, vector<16xi32>,
    %eq3A_741 = arith.constant 0 : i32
    %eq3A_742 = vector.broadcast %eq3A_741 : i32 to vector<16xi32>
    %eq3A_743 = arith.cmpi eq, %get3A_740, %eq3A_742 : vector<16xi32>
    %all_reduce_population_count3A_744 = tpu.all_reduce %eq3A_743 {dim = 0 : i64, kind = #tpu.reduction_kind<sum>} : vector<16xi1> -> vector<16xi32>
    %eq3A_745 = arith.constant 0 : i32
    %eq3A_746 = vector.broadcast %eq3A_745 : i32 to vector<16xi32>
    %eq3A_747 = arith.cmpi eq, %iota3A, %eq3A_746 : vector<16xi32>
    %jit3A_748 = arith.constant 0 : i32
    %broadcast_in_dim3A_749 = vector.broadcast %jit3A_748 : i32 to vector<16xi32>
    %select_n3A_750 = arith.select %eq3A_747, %all_reduce_population_count3A_744, %broadcast_in_dim3A_749 : vector<16xi1>, vector<16xi32>
    %add3A_751 = arith.addi %add3A_731, %select_n3A_750 : vector<16xi32>
    %eq3A_752 = arith.constant 0 : i32
    %eq3A_753 = vector.broadcast %eq3A_752 : i32 to vector<16xi32>
    %eq3A_754 = arith.cmpi eq, %iota3A, %eq3A_753 : vector<16xi32>
    %jit3A_755 = arith.constant 0 : i32
    %broadcast_in_dim3A_756 = vector.broadcast %jit3A_755 : i32 to vector<16xi32>
    %select_n3A_757 = arith.select %eq3A_754, %all_reduce_population_count3A_744, %broadcast_in_dim3A_756 : vector<16xi1>, vector<16xi32>
    %add3A_758 = arith.addi %add3A_738, %select_n3A_757 : vector<16xi32>
    %eq3A_759 = arith.constant 1 : i32
    %eq3A_760 = vector.broadcast %eq3A_759 : i32 to vector<16xi32>
    %eq3A_761 = arith.cmpi eq, %get3A_740, %eq3A_760 : vector<16xi32>
    %all_reduce_population_count3A_762 = tpu.all_reduce %eq3A_761 {dim = 0 : i64, kind = #tpu.reduction_kind<sum>} : vector<16xi1> -> vector<16xi32>
    %eq3A_763 = arith.constant 1 : i32
    %eq3A_764 = vector.broadcast %eq3A_763 : i32 to vector<16xi32>
    %eq3A_765 = arith.cmpi eq, %iota3A, %eq3A_764 : vector<16xi32>
    %jit3A_766 = arith.constant 0 : i32
    %broadcast_in_dim3A_767 = vector.broadcast %jit3A_766 : i32 to vector<16xi32>
    %select_n3A_768 = arith.select %eq3A_765, %all_reduce_population_count3A_762, %broadcast_in_dim3A_767 : vector<16xi1>, vector<16xi32>
    %add3A_769 = arith.addi %add3A_751, %select_n3A_768 : vector<16xi32>
    %eq3A_770 = arith.constant 1 : i32
    %eq3A_771 = vector.broadcast %eq3A_770 : i32 to vector<16xi32>
    %eq3A_772 = arith.cmpi eq, %iota3A, %eq3A_771 : vector<16xi32>
    %jit3A_773 = arith.constant 0 : i32
    %broadcast_in_dim3A_774 = vector.broadcast %jit3A_773 : i32 to vector<16xi32>
    %select_n3A_775 = arith.select %eq3A_772, %all_reduce_population_count3A_762, %broadcast_in_dim3A_774 : vector<16xi1>, vector<16xi32>
    %add3A_776 = arith.addi %add3A_758, %select_n3A_775 : vector<16xi32>
    %eq3A_777 = arith.constant 2 : i32
    %eq3A_778 = vector.broadcast %eq3A_777 : i32 to vector<16xi32>
    %eq3A_779 = arith.cmpi eq, %get3A_740, %eq3A_778 : vector<16xi32>
    %all_reduce_population_count3A_780 = tpu.all_reduce %eq3A_779 {dim = 0 : i64, kind = #tpu.reduction_kind<sum>} : vector<16xi1> -> vector<16xi32>
    %eq3A_781 = arith.constant 2 : i32
    %eq3A_782 = vector.broadcast %eq3A_781 : i32 to vector<16xi32>
    %eq3A_783 = arith.cmpi eq, %iota3A, %eq3A_782 : vector<16xi32>
    %jit3A_784 = arith.constant 0 : i32
    %broadcast_in_dim3A_785 = vector.broadcast %jit3A_784 : i32 to vector<16xi32>
    %select_n3A_786 = arith.select %eq3A_783, %all_reduce_population_count3A_780, %broadcast_in_dim3A_785 : vector<16xi1>, vector<16xi32>
    %add3A_787 = arith.addi %add3A_769, %select_n3A_786 : vector<16xi32>
    %eq3A_788 = arith.constant 2 : i32
    %eq3A_789 = vector.broadcast %eq3A_788 : i32 to vector<16xi32>
    %eq3A_790 = arith.cmpi eq, %iota3A, %eq3A_789 : vector<16xi32>
    %jit3A_791 = arith.constant 0 : i32
    %broadcast_in_dim3A_792 = vector.broadcast %jit3A_791 : i32 to vector<16xi32>
    %select_n3A_793 = arith.select %eq3A_790, %all_reduce_population_count3A_780, %broadcast_in_dim3A_792 : vector<16xi1>, vector<16xi32>
    %add3A_794 = arith.addi %add3A_776, %select_n3A_793 : vector<16xi32>
    %eq3A_795 = arith.constant 3 : i32
    %eq3A_796 = vector.broadcast %eq3A_795 : i32 to vector<16xi32>
    %eq3A_797 = arith.cmpi eq, %get3A_740, %eq3A_796 : vector<16xi32>
    %all_reduce_population_count3A_798 = tpu.all_reduce %eq3A_797 {dim = 0 : i64, kind = #tpu.reduction_kind<sum>} : vector<16xi1> -> vector<16xi32>
    %eq3A_799 = arith.constant 3 : i32
    %eq3A_800 = vector.broadcast %eq3A_799 : i32 to vector<16xi32>
    %eq3A_801 = arith.cmpi eq, %iota3A, %eq3A_800 : vector<16xi32>
    %jit3A_802 = arith.constant 0 : i32
    %broadcast_in_dim3A_803 = vector.broadcast %jit3A_802 : i32 to vector<16xi32>
    %select_n3A_804 = arith.select %eq3A_801, %all_reduce_population_count3A_798, %broadcast_in_dim3A_803 : vector<16xi1>, vector<16xi32>
    %add3A_805 = arith.addi %add3A_787, %select_n3A_804 : vector<16xi32>
    %eq3A_806 = arith.constant 3 : i32
    %eq3A_807 = vector.broadcast %eq3A_806 : i32 to vector<16xi32>
    %eq3A_808 = arith.cmpi eq, %iota3A, %eq3A_807 : vector<16xi32>
    %jit3A_809 = arith.constant 0 : i32
    %broadcast_in_dim3A_810 = vector.broadcast %jit3A_809 : i32 to vector<16xi32>
    %select_n3A_811 = arith.select %eq3A_808, %all_reduce_population_count3A_798, %broadcast_in_dim3A_810 : vector<16xi1>, vector<16xi32>
    %add3A_812 = arith.addi %add3A_794, %select_n3A_811 : vector<16xi32>
    %eq3A_813 = arith.constant 4 : i32
    %eq3A_814 = vector.broadcast %eq3A_813 : i32 to vector<16xi32>
    %eq3A_815 = arith.cmpi eq, %get3A_740, %eq3A_814 : vector<16xi32>
    %all_reduce_population_count3A_816 = tpu.all_reduce %eq3A_815 {dim = 0 : i64, kind = #tpu.reduction_kind<sum>} : vector<16xi1> -> vector<16xi32>
    %eq3A_817 = arith.constant 4 : i32
    %eq3A_818 = vector.broadcast %eq3A_817 : i32 to vector<16xi32>
    %eq3A_819 = arith.cmpi eq, %iota3A, %eq3A_818 : vector<16xi32>
    %jit3A_820 = arith.constant 0 : i32
    %broadcast_in_dim3A_821 = vector.broadcast %jit3A_820 : i32 to vector<16xi32>
    %select_n3A_822 = arith.select %eq3A_819, %all_reduce_population_count3A_816, %broadcast_in_dim3A_821 : vector<16xi1>, vector<16xi32>
    %add3A_823 = arith.addi %add3A_805, %select_n3A_822 : vector<16xi32>
    %eq3A_824 = arith.constant 4 : i32
    %eq3A_825 = vector.broadcast %eq3A_824 : i32 to vector<16xi32>
    %eq3A_826 = arith.cmpi eq, %iota3A, %eq3A_825 : vector<16xi32>
    %jit3A_827 = arith.constant 0 : i32
    %broadcast_in_dim3A_828 = vector.broadcast %jit3A_827 : i32 to vector<16xi32>
    %select_n3A_829 = arith.select %eq3A_826, %all_reduce_population_count3A_816, %broadcast_in_dim3A_828 : vector<16xi1>, vector<16xi32>
    %add3A_830 = arith.addi %add3A_812, %select_n3A_829 : vector<16xi32>
    %eq3A_831 = arith.constant 5 : i32
    %eq3A_832 = vector.broadcast %eq3A_831 : i32 to vector<16xi32>
    %eq3A_833 = arith.cmpi eq, %get3A_740, %eq3A_832 : vector<16xi32>
    %all_reduce_population_count3A_834 = tpu.all_reduce %eq3A_833 {dim = 0 : i64, kind = #tpu.reduction_kind<sum>} : vector<16xi1> -> vector<16xi32>
    %eq3A_835 = arith.constant 5 : i32
    %eq3A_836 = vector.broadcast %eq3A_835 : i32 to vector<16xi32>
    %eq3A_837 = arith.cmpi eq, %iota3A, %eq3A_836 : vector<16xi32>
    %jit3A_838 = arith.constant 0 : i32
    %broadcast_in_dim3A_839 = vector.broadcast %jit3A_838 : i32 to vector<16xi32>
    %select_n3A_840 = arith.select %eq3A_837, %all_reduce_population_count3A_834, %broadcast_in_dim3A_839 : vector<16xi1>, vector<16xi32>
    %add3A_841 = arith.addi %add3A_823, %select_n3A_840 : vector<16xi32>
    %eq3A_842 = arith.constant 5 : i32
    %eq3A_843 = vector.broadcast %eq3A_842 : i32 to vector<16xi32>
    %eq3A_844 = arith.cmpi eq, %iota3A, %eq3A_843 : vector<16xi32>
    %jit3A_845 = arith.constant 0 : i32
    %broadcast_in_dim3A_846 = vector.broadcast %jit3A_845 : i32 to vector<16xi32>
    %select_n3A_847 = arith.select %eq3A_844, %all_reduce_population_count3A_834, %broadcast_in_dim3A_846 : vector<16xi1>, vector<16xi32>
    %add3A_848 = arith.addi %add3A_830, %select_n3A_847 : vector<16xi32>
    %eq3A_849 = arith.constant 6 : i32
    %eq3A_850 = vector.broadcast %eq3A_849 : i32 to vector<16xi32>
    %eq3A_851 = arith.cmpi eq, %get3A_740, %eq3A_850 : vector<16xi32>
    %all_reduce_population_count3A_852 = tpu.all_reduce %eq3A_851 {dim = 0 : i64, kind = #tpu.reduction_kind<sum>} : vector<16xi1> -> vector<16xi32>
    %eq3A_853 = arith.constant 6 : i32
    %eq3A_854 = vector.broadcast %eq3A_853 : i32 to vector<16xi32>
    %eq3A_855 = arith.cmpi eq, %iota3A, %eq3A_854 : vector<16xi32>
    %jit3A_856 = arith.constant 0 : i32
    %broadcast_in_dim3A_857 = vector.broadcast %jit3A_856 : i32 to vector<16xi32>
    %select_n3A_858 = arith.select %eq3A_855, %all_reduce_population_count3A_852, %broadcast_in_dim3A_857 : vector<16xi1>, vector<16xi32>
    %add3A_859 = arith.addi %add3A_841, %select_n3A_858 : vector<16xi32>
    %eq3A_860 = arith.constant 6 : i32
    %eq3A_861 = vector.broadcast %eq3A_860 : i32 to vector<16xi32>
    %eq3A_862 = arith.cmpi eq, %iota3A, %eq3A_861 : vector<16xi32>
    %jit3A_863 = arith.constant 0 : i32
    %broadcast_in_dim3A_864 = vector.broadcast %jit3A_863 : i32 to vector<16xi32>
    %select_n3A_865 = arith.select %eq3A_862, %all_reduce_population_count3A_852, %broadcast_in_dim3A_864 : vector<16xi1>, vector<16xi32>
    %add3A_866 = arith.addi %add3A_848, %select_n3A_865 : vector<16xi32>
    %eq3A_867 = arith.constant 7 : i32
    %eq3A_868 = vector.broadcast %eq3A_867 : i32 to vector<16xi32>
    %eq3A_869 = arith.cmpi eq, %get3A_740, %eq3A_868 : vector<16xi32>
    %all_reduce_population_count3A_870 = tpu.all_reduce %eq3A_869 {dim = 0 : i64, kind = #tpu.reduction_kind<sum>} : vector<16xi1> -> vector<16xi32>
    %eq3A_871 = arith.constant 7 : i32
    %eq3A_872 = vector.broadcast %eq3A_871 : i32 to vector<16xi32>
    %eq3A_873 = arith.cmpi eq, %iota3A, %eq3A_872 : vector<16xi32>
    %jit3A_874 = arith.constant 0 : i32
    %broadcast_in_dim3A_875 = vector.broadcast %jit3A_874 : i32 to vector<16xi32>
    %select_n3A_876 = arith.select %eq3A_873, %all_reduce_population_count3A_870, %broadcast_in_dim3A_875 : vector<16xi1>, vector<16xi32>
    %add3A_877 = arith.addi %add3A_859, %select_n3A_876 : vector<16xi32>
    %eq3A_878 = arith.constant 7 : i32
    %eq3A_879 = vector.broadcast %eq3A_878 : i32 to vector<16xi32>
    %eq3A_880 = arith.cmpi eq, %iota3A, %eq3A_879 : vector<16xi32>
    %jit3A_881 = arith.constant 0 : i32
    %broadcast_in_dim3A_882 = vector.broadcast %jit3A_881 : i32 to vector<16xi32>
    %select_n3A_883 = arith.select %eq3A_880, %all_reduce_population_count3A_870, %broadcast_in_dim3A_882 : vector<16xi1>, vector<16xi32>
    %add3A_884 = arith.addi %add3A_866, %select_n3A_883 : vector<16xi32>
    %get3A_885 = arith.constant 96 : index
    %get3A_886 = tpu.vector_load %arg8[%get3A_885] {strides = array<i32>} : memref<256xi32, #tpu.memory_space<vmem>>, vector<16xi32>,
    %eq3A_887 = arith.constant 0 : i32
    %eq3A_888 = vector.broadcast %eq3A_887 : i32 to vector<16xi32>
    %eq3A_889 = arith.cmpi eq, %get3A_886, %eq3A_888 : vector<16xi32>
    %all_reduce_population_count3A_890 = tpu.all_reduce %eq3A_889 {dim = 0 : i64, kind = #tpu.reduction_kind<sum>} : vector<16xi1> -> vector<16xi32>
    %eq3A_891 = arith.constant 0 : i32
    %eq3A_892 = vector.broadcast %eq3A_891 : i32 to vector<16xi32>
    %eq3A_893 = arith.cmpi eq, %iota3A, %eq3A_892 : vector<16xi32>
    %jit3A_894 = arith.constant 0 : i32
    %broadcast_in_dim3A_895 = vector.broadcast %jit3A_894 : i32 to vector<16xi32>
    %select_n3A_896 = arith.select %eq3A_893, %all_reduce_population_count3A_890, %broadcast_in_dim3A_895 : vector<16xi1>, vector<16xi32>
    %add3A_897 = arith.addi %add3A_877, %select_n3A_896 : vector<16xi32>
    %eq3A_898 = arith.constant 0 : i32
    %eq3A_899 = vector.broadcast %eq3A_898 : i32 to vector<16xi32>
    %eq3A_900 = arith.cmpi eq, %iota3A, %eq3A_899 : vector<16xi32>
    %jit3A_901 = arith.constant 0 : i32
    %broadcast_in_dim3A_902 = vector.broadcast %jit3A_901 : i32 to vector<16xi32>
    %select_n3A_903 = arith.select %eq3A_900, %all_reduce_population_count3A_890, %broadcast_in_dim3A_902 : vector<16xi1>, vector<16xi32>
    %add3A_904 = arith.addi %add3A_884, %select_n3A_903 : vector<16xi32>
    %eq3A_905 = arith.constant 1 : i32
    %eq3A_906 = vector.broadcast %eq3A_905 : i32 to vector<16xi32>
    %eq3A_907 = arith.cmpi eq, %get3A_886, %eq3A_906 : vector<16xi32>
    %all_reduce_population_count3A_908 = tpu.all_reduce %eq3A_907 {dim = 0 : i64, kind = #tpu.reduction_kind<sum>} : vector<16xi1> -> vector<16xi32>
    %eq3A_909 = arith.constant 1 : i32
    %eq3A_910 = vector.broadcast %eq3A_909 : i32 to vector<16xi32>
    %eq3A_911 = arith.cmpi eq, %iota3A, %eq3A_910 : vector<16xi32>
    %jit3A_912 = arith.constant 0 : i32
    %broadcast_in_dim3A_913 = vector.broadcast %jit3A_912 : i32 to vector<16xi32>
    %select_n3A_914 = arith.select %eq3A_911, %all_reduce_population_count3A_908, %broadcast_in_dim3A_913 : vector<16xi1>, vector<16xi32>
    %add3A_915 = arith.addi %add3A_897, %select_n3A_914 : vector<16xi32>
    %eq3A_916 = arith.constant 1 : i32
    %eq3A_917 = vector.broadcast %eq3A_916 : i32 to vector<16xi32>
    %eq3A_918 = arith.cmpi eq, %iota3A, %eq3A_917 : vector<16xi32>
    %jit3A_919 = arith.constant 0 : i32
    %broadcast_in_dim3A_920 = vector.broadcast %jit3A_919 : i32 to vector<16xi32>
    %select_n3A_921 = arith.select %eq3A_918, %all_reduce_population_count3A_908, %broadcast_in_dim3A_920 : vector<16xi1>, vector<16xi32>
    %add3A_922 = arith.addi %add3A_904, %select_n3A_921 : vector<16xi32>
    %eq3A_923 = arith.constant 2 : i32
    %eq3A_924 = vector.broadcast %eq3A_923 : i32 to vector<16xi32>
    %eq3A_925 = arith.cmpi eq, %get3A_886, %eq3A_924 : vector<16xi32>
    %all_reduce_population_count3A_926 = tpu.all_reduce %eq3A_925 {dim = 0 : i64, kind = #tpu.reduction_kind<sum>} : vector<16xi1> -> vector<16xi32>
    %eq3A_927 = arith.constant 2 : i32
    %eq3A_928 = vector.broadcast %eq3A_927 : i32 to vector<16xi32>
    %eq3A_929 = arith.cmpi eq, %iota3A, %eq3A_928 : vector<16xi32>
    %jit3A_930 = arith.constant 0 : i32
    %broadcast_in_dim3A_931 = vector.broadcast %jit3A_930 : i32 to vector<16xi32>
    %select_n3A_932 = arith.select %eq3A_929, %all_reduce_population_count3A_926, %broadcast_in_dim3A_931 : vector<16xi1>, vector<16xi32>
    %add3A_933 = arith.addi %add3A_915, %select_n3A_932 : vector<16xi32>
    %eq3A_934 = arith.constant 2 : i32
    %eq3A_935 = vector.broadcast %eq3A_934 : i32 to vector<16xi32>
    %eq3A_936 = arith.cmpi eq, %iota3A, %eq3A_935 : vector<16xi32>
    %jit3A_937 = arith.constant 0 : i32
    %broadcast_in_dim3A_938 = vector.broadcast %jit3A_937 : i32 to vector<16xi32>
    %select_n3A_939 = arith.select %eq3A_936, %all_reduce_population_count3A_926, %broadcast_in_dim3A_938 : vector<16xi1>, vector<16xi32>
    %add3A_940 = arith.addi %add3A_922, %select_n3A_939 : vector<16xi32>
    %eq3A_941 = arith.constant 3 : i32
    %eq3A_942 = vector.broadcast %eq3A_941 : i32 to vector<16xi32>
    %eq3A_943 = arith.cmpi eq, %get3A_886, %eq3A_942 : vector<16xi32>
    %all_reduce_population_count3A_944 = tpu.all_reduce %eq3A_943 {dim = 0 : i64, kind = #tpu.reduction_kind<sum>} : vector<16xi1> -> vector<16xi32>
    %eq3A_945 = arith.constant 3 : i32
    %eq3A_946 = vector.broadcast %eq3A_945 : i32 to vector<16xi32>
    %eq3A_947 = arith.cmpi eq, %iota3A, %eq3A_946 : vector<16xi32>
    %jit3A_948 = arith.constant 0 : i32
    %broadcast_in_dim3A_949 = vector.broadcast %jit3A_948 : i32 to vector<16xi32>
    %select_n3A_950 = arith.select %eq3A_947, %all_reduce_population_count3A_944, %broadcast_in_dim3A_949 : vector<16xi1>, vector<16xi32>
    %add3A_951 = arith.addi %add3A_933, %select_n3A_950 : vector<16xi32>
    %eq3A_952 = arith.constant 3 : i32
    %eq3A_953 = vector.broadcast %eq3A_952 : i32 to vector<16xi32>
    %eq3A_954 = arith.cmpi eq, %iota3A, %eq3A_953 : vector<16xi32>
    %jit3A_955 = arith.constant 0 : i32
    %broadcast_in_dim3A_956 = vector.broadcast %jit3A_955 : i32 to vector<16xi32>
    %select_n3A_957 = arith.select %eq3A_954, %all_reduce_population_count3A_944, %broadcast_in_dim3A_956 : vector<16xi1>, vector<16xi32>
    %add3A_958 = arith.addi %add3A_940, %select_n3A_957 : vector<16xi32>
    %eq3A_959 = arith.constant 4 : i32
    %eq3A_960 = vector.broadcast %eq3A_959 : i32 to vector<16xi32>
    %eq3A_961 = arith.cmpi eq, %get3A_886, %eq3A_960 : vector<16xi32>
    %all_reduce_population_count3A_962 = tpu.all_reduce %eq3A_961 {dim = 0 : i64, kind = #tpu.reduction_kind<sum>} : vector<16xi1> -> vector<16xi32>
    %eq3A_963 = arith.constant 4 : i32
    %eq3A_964 = vector.broadcast %eq3A_963 : i32 to vector<16xi32>
    %eq3A_965 = arith.cmpi eq, %iota3A, %eq3A_964 : vector<16xi32>
    %jit3A_966 = arith.constant 0 : i32
    %broadcast_in_dim3A_967 = vector.broadcast %jit3A_966 : i32 to vector<16xi32>
    %select_n3A_968 = arith.select %eq3A_965, %all_reduce_population_count3A_962, %broadcast_in_dim3A_967 : vector<16xi1>, vector<16xi32>
    %add3A_969 = arith.addi %add3A_951, %select_n3A_968 : vector<16xi32>
    %eq3A_970 = arith.constant 4 : i32
    %eq3A_971 = vector.broadcast %eq3A_970 : i32 to vector<16xi32>
    %eq3A_972 = arith.cmpi eq, %iota3A, %eq3A_971 : vector<16xi32>
    %jit3A_973 = arith.constant 0 : i32
    %broadcast_in_dim3A_974 = vector.broadcast %jit3A_973 : i32 to vector<16xi32>
    %select_n3A_975 = arith.select %eq3A_972, %all_reduce_population_count3A_962, %broadcast_in_dim3A_974 : vector<16xi1>, vector<16xi32>
    %add3A_976 = arith.addi %add3A_958, %select_n3A_975 : vector<16xi32>
    %eq3A_977 = arith.constant 5 : i32
    %eq3A_978 = vector.broadcast %eq3A_977 : i32 to vector<16xi32>
    %eq3A_979 = arith.cmpi eq, %get3A_886, %eq3A_978 : vector<16xi32>
    %all_reduce_population_count3A_980 = tpu.all_reduce %eq3A_979 {dim = 0 : i64, kind = #tpu.reduction_kind<sum>} : vector<16xi1> -> vector<16xi32>
    %eq3A_981 = arith.constant 5 : i32
    %eq3A_982 = vector.broadcast %eq3A_981 : i32 to vector<16xi32>
    %eq3A_983 = arith.cmpi eq, %iota3A, %eq3A_982 : vector<16xi32>
    %jit3A_984 = arith.constant 0 : i32
    %broadcast_in_dim3A_985 = vector.broadcast %jit3A_984 : i32 to vector<16xi32>
    %select_n3A_986 = arith.select %eq3A_983, %all_reduce_population_count3A_980, %broadcast_in_dim3A_985 : vector<16xi1>, vector<16xi32>
    %add3A_987 = arith.addi %add3A_969, %select_n3A_986 : vector<16xi32>
    %eq3A_988 = arith.constant 5 : i32
    %eq3A_989 = vector.broadcast %eq3A_988 : i32 to vector<16xi32>
    %eq3A_990 = arith.cmpi eq, %iota3A, %eq3A_989 : vector<16xi32>
    %jit3A_991 = arith.constant 0 : i32
    %broadcast_in_dim3A_992 = vector.broadcast %jit3A_991 : i32 to vector<16xi32>
    %select_n3A_993 = arith.select %eq3A_990, %all_reduce_population_count3A_980, %broadcast_in_dim3A_992 : vector<16xi1>, vector<16xi32>
    %add3A_994 = arith.addi %add3A_976, %select_n3A_993 : vector<16xi32>
    %eq3A_995 = arith.constant 6 : i32
    %eq3A_996 = vector.broadcast %eq3A_995 : i32 to vector<16xi32>
    %eq3A_997 = arith.cmpi eq, %get3A_886, %eq3A_996 : vector<16xi32>
    %all_reduce_population_count3A_998 = tpu.all_reduce %eq3A_997 {dim = 0 : i64, kind = #tpu.reduction_kind<sum>} : vector<16xi1> -> vector<16xi32>
    %eq3A_999 = arith.constant 6 : i32
    %eq3A_1000 = vector.broadcast %eq3A_999 : i32 to vector<16xi32>
    %eq3A_1001 = arith.cmpi eq, %iota3A, %eq3A_1000 : vector<16xi32>
    %jit3A_1002 = arith.constant 0 : i32
    %broadcast_in_dim3A_1003 = vector.broadcast %jit3A_1002 : i32 to vector<16xi32>
    %select_n3A_1004 = arith.select %eq3A_1001, %all_reduce_population_count3A_998, %broadcast_in_dim3A_1003 : vector<16xi1>, vector<16xi32>
    %add3A_1005 = arith.addi %add3A_987, %select_n3A_1004 : vector<16xi32>
    %eq3A_1006 = arith.constant 6 : i32
    %eq3A_1007 = vector.broadcast %eq3A_1006 : i32 to vector<16xi32>
    %eq3A_1008 = arith.cmpi eq, %iota3A, %eq3A_1007 : vector<16xi32>
    %jit3A_1009 = arith.constant 0 : i32
    %broadcast_in_dim3A_1010 = vector.broadcast %jit3A_1009 : i32 to vector<16xi32>
    %select_n3A_1011 = arith.select %eq3A_1008, %all_reduce_population_count3A_998, %broadcast_in_dim3A_1010 : vector<16xi1>, vector<16xi32>
    %add3A_1012 = arith.addi %add3A_994, %select_n3A_1011 : vector<16xi32>
    %eq3A_1013 = arith.constant 7 : i32
    %eq3A_1014 = vector.broadcast %eq3A_1013 : i32 to vector<16xi32>
    %eq3A_1015 = arith.cmpi eq, %get3A_886, %eq3A_1014 : vector<16xi32>
    %all_reduce_population_count3A_1016 = tpu.all_reduce %eq3A_1015 {dim = 0 : i64, kind = #tpu.reduction_kind<sum>} : vector<16xi1> -> vector<16xi32>
    %eq3A_1017 = arith.constant 7 : i32
    %eq3A_1018 = vector.broadcast %eq3A_1017 : i32 to vector<16xi32>
    %eq3A_1019 = arith.cmpi eq, %iota3A, %eq3A_1018 : vector<16xi32>
    %jit3A_1020 = arith.constant 0 : i32
    %broadcast_in_dim3A_1021 = vector.broadcast %jit3A_1020 : i32 to vector<16xi32>
    %select_n3A_1022 = arith.select %eq3A_1019, %all_reduce_population_count3A_1016, %broadcast_in_dim3A_1021 : vector<16xi1>, vector<16xi32>
    %add3A_1023 = arith.addi %add3A_1005, %select_n3A_1022 : vector<16xi32>
    %eq3A_1024 = arith.constant 7 : i32
    %eq3A_1025 = vector.broadcast %eq3A_1024 : i32 to vector<16xi32>
    %eq3A_1026 = arith.cmpi eq, %iota3A, %eq3A_1025 : vector<16xi32>
    %jit3A_1027 = arith.constant 0 : i32
    %broadcast_in_dim3A_1028 = vector.broadcast %jit3A_1027 : i32 to vector<16xi32>
    %select_n3A_1029 = arith.select %eq3A_1026, %all_reduce_population_count3A_1016, %broadcast_in_dim3A_1028 : vector<16xi1>, vector<16xi32>
    %add3A_1030 = arith.addi %add3A_1012, %select_n3A_1029 : vector<16xi32>
    %get3A_1031 = arith.constant 112 : index
    %get3A_1032 = tpu.vector_load %arg8[%get3A_1031] {strides = array<i32>} : memref<256xi32, #tpu.memory_space<vmem>>, vector<16xi32>,
    %eq3A_1033 = arith.constant 0 : i32
    %eq3A_1034 = vector.broadcast %eq3A_1033 : i32 to vector<16xi32>
    %eq3A_1035 = arith.cmpi eq, %get3A_1032, %eq3A_1034 : vector<16xi32>
    %all_reduce_population_count3A_1036 = tpu.all_reduce %eq3A_1035 {dim = 0 : i64, kind = #tpu.reduction_kind<sum>} : vector<16xi1> -> vector<16xi32>
    %eq3A_1037 = arith.constant 0 : i32
    %eq3A_1038 = vector.broadcast %eq3A_1037 : i32 to vector<16xi32>
    %eq3A_1039 = arith.cmpi eq, %iota3A, %eq3A_1038 : vector<16xi32>
    %jit3A_1040 = arith.constant 0 : i32
    %broadcast_in_dim3A_1041 = vector.broadcast %jit3A_1040 : i32 to vector<16xi32>
    %select_n3A_1042 = arith.select %eq3A_1039, %all_reduce_population_count3A_1036, %broadcast_in_dim3A_1041 : vector<16xi1>, vector<16xi32>
    %add3A_1043 = arith.addi %add3A_1023, %select_n3A_1042 : vector<16xi32>
    %eq3A_1044 = arith.constant 0 : i32
    %eq3A_1045 = vector.broadcast %eq3A_1044 : i32 to vector<16xi32>
    %eq3A_1046 = arith.cmpi eq, %iota3A, %eq3A_1045 : vector<16xi32>
    %jit3A_1047 = arith.constant 0 : i32
    %broadcast_in_dim3A_1048 = vector.broadcast %jit3A_1047 : i32 to vector<16xi32>
    %select_n3A_1049 = arith.select %eq3A_1046, %all_reduce_population_count3A_1036, %broadcast_in_dim3A_1048 : vector<16xi1>, vector<16xi32>
    %add3A_1050 = arith.addi %add3A_1030, %select_n3A_1049 : vector<16xi32>
    %eq3A_1051 = arith.constant 1 : i32
    %eq3A_1052 = vector.broadcast %eq3A_1051 : i32 to vector<16xi32>
    %eq3A_1053 = arith.cmpi eq, %get3A_1032, %eq3A_1052 : vector<16xi32>
    %all_reduce_population_count3A_1054 = tpu.all_reduce %eq3A_1053 {dim = 0 : i64, kind = #tpu.reduction_kind<sum>} : vector<16xi1> -> vector<16xi32>
    %eq3A_1055 = arith.constant 1 : i32
    %eq3A_1056 = vector.broadcast %eq3A_1055 : i32 to vector<16xi32>
    %eq3A_1057 = arith.cmpi eq, %iota3A, %eq3A_1056 : vector<16xi32>
    %jit3A_1058 = arith.constant 0 : i32
    %broadcast_in_dim3A_1059 = vector.broadcast %jit3A_1058 : i32 to vector<16xi32>
    %select_n3A_1060 = arith.select %eq3A_1057, %all_reduce_population_count3A_1054, %broadcast_in_dim3A_1059 : vector<16xi1>, vector<16xi32>
    %add3A_1061 = arith.addi %add3A_1043, %select_n3A_1060 : vector<16xi32>
    %eq3A_1062 = arith.constant 1 : i32
    %eq3A_1063 = vector.broadcast %eq3A_1062 : i32 to vector<16xi32>
    %eq3A_1064 = arith.cmpi eq, %iota3A, %eq3A_1063 : vector<16xi32>
    %jit3A_1065 = arith.constant 0 : i32
    %broadcast_in_dim3A_1066 = vector.broadcast %jit3A_1065 : i32 to vector<16xi32>
    %select_n3A_1067 = arith.select %eq3A_1064, %all_reduce_population_count3A_1054, %broadcast_in_dim3A_1066 : vector<16xi1>, vector<16xi32>
    %add3A_1068 = arith.addi %add3A_1050, %select_n3A_1067 : vector<16xi32>
    %eq3A_1069 = arith.constant 2 : i32
    %eq3A_1070 = vector.broadcast %eq3A_1069 : i32 to vector<16xi32>
    %eq3A_1071 = arith.cmpi eq, %get3A_1032, %eq3A_1070 : vector<16xi32>
    %all_reduce_population_count3A_1072 = tpu.all_reduce %eq3A_1071 {dim = 0 : i64, kind = #tpu.reduction_kind<sum>} : vector<16xi1> -> vector<16xi32>
    %eq3A_1073 = arith.constant 2 : i32
    %eq3A_1074 = vector.broadcast %eq3A_1073 : i32 to vector<16xi32>
    %eq3A_1075 = arith.cmpi eq, %iota3A, %eq3A_1074 : vector<16xi32>
    %jit3A_1076 = arith.constant 0 : i32
    %broadcast_in_dim3A_1077 = vector.broadcast %jit3A_1076 : i32 to vector<16xi32>
    %select_n3A_1078 = arith.select %eq3A_1075, %all_reduce_population_count3A_1072, %broadcast_in_dim3A_1077 : vector<16xi1>, vector<16xi32>
    %add3A_1079 = arith.addi %add3A_1061, %select_n3A_1078 : vector<16xi32>
    %eq3A_1080 = arith.constant 2 : i32
    %eq3A_1081 = vector.broadcast %eq3A_1080 : i32 to vector<16xi32>
    %eq3A_1082 = arith.cmpi eq, %iota3A, %eq3A_1081 : vector<16xi32>
    %jit3A_1083 = arith.constant 0 : i32
    %broadcast_in_dim3A_1084 = vector.broadcast %jit3A_1083 : i32 to vector<16xi32>
    %select_n3A_1085 = arith.select %eq3A_1082, %all_reduce_population_count3A_1072, %broadcast_in_dim3A_1084 : vector<16xi1>, vector<16xi32>
    %add3A_1086 = arith.addi %add3A_1068, %select_n3A_1085 : vector<16xi32>
    %eq3A_1087 = arith.constant 3 : i32
    %eq3A_1088 = vector.broadcast %eq3A_1087 : i32 to vector<16xi32>
    %eq3A_1089 = arith.cmpi eq, %get3A_1032, %eq3A_1088 : vector<16xi32>
    %all_reduce_population_count3A_1090 = tpu.all_reduce %eq3A_1089 {dim = 0 : i64, kind = #tpu.reduction_kind<sum>} : vector<16xi1> -> vector<16xi32>
    %eq3A_1091 = arith.constant 3 : i32
    %eq3A_1092 = vector.broadcast %eq3A_1091 : i32 to vector<16xi32>
    %eq3A_1093 = arith.cmpi eq, %iota3A, %eq3A_1092 : vector<16xi32>
    %jit3A_1094 = arith.constant 0 : i32
    %broadcast_in_dim3A_1095 = vector.broadcast %jit3A_1094 : i32 to vector<16xi32>
    %select_n3A_1096 = arith.select %eq3A_1093, %all_reduce_population_count3A_1090, %broadcast_in_dim3A_1095 : vector<16xi1>, vector<16xi32>
    %add3A_1097 = arith.addi %add3A_1079, %select_n3A_1096 : vector<16xi32>
    %eq3A_1098 = arith.constant 3 : i32
    %eq3A_1099 = vector.broadcast %eq3A_1098 : i32 to vector<16xi32>
    %eq3A_1100 = arith.cmpi eq, %iota3A, %eq3A_1099 : vector<16xi32>
    %jit3A_1101 = arith.constant 0 : i32
    %broadcast_in_dim3A_1102 = vector.broadcast %jit3A_1101 : i32 to vector<16xi32>
    %select_n3A_1103 = arith.select %eq3A_1100, %all_reduce_population_count3A_1090, %broadcast_in_dim3A_1102 : vector<16xi1>, vector<16xi32>
    %add3A_1104 = arith.addi %add3A_1086, %select_n3A_1103 : vector<16xi32>
    %eq3A_1105 = arith.constant 4 : i32
    %eq3A_1106 = vector.broadcast %eq3A_1105 : i32 to vector<16xi32>
    %eq3A_1107 = arith.cmpi eq, %get3A_1032, %eq3A_1106 : vector<16xi32>
    %all_reduce_population_count3A_1108 = tpu.all_reduce %eq3A_1107 {dim = 0 : i64, kind = #tpu.reduction_kind<sum>} : vector<16xi1> -> vector<16xi32>
    %eq3A_1109 = arith.constant 4 : i32
    %eq3A_1110 = vector.broadcast %eq3A_1109 : i32 to vector<16xi32>
    %eq3A_1111 = arith.cmpi eq, %iota3A, %eq3A_1110 : vector<16xi32>
    %jit3A_1112 = arith.constant 0 : i32
    %broadcast_in_dim3A_1113 = vector.broadcast %jit3A_1112 : i32 to vector<16xi32>
    %select_n3A_1114 = arith.select %eq3A_1111, %all_reduce_population_count3A_1108, %broadcast_in_dim3A_1113 : vector<16xi1>, vector<16xi32>
    %add3A_1115 = arith.addi %add3A_1097, %select_n3A_1114 : vector<16xi32>
    %eq3A_1116 = arith.constant 4 : i32
    %eq3A_1117 = vector.broadcast %eq3A_1116 : i32 to vector<16xi32>
    %eq3A_1118 = arith.cmpi eq, %iota3A, %eq3A_1117 : vector<16xi32>
    %jit3A_1119 = arith.constant 0 : i32
    %broadcast_in_dim3A_1120 = vector.broadcast %jit3A_1119 : i32 to vector<16xi32>
    %select_n3A_1121 = arith.select %eq3A_1118, %all_reduce_population_count3A_1108, %broadcast_in_dim3A_1120 : vector<16xi1>, vector<16xi32>
    %add3A_1122 = arith.addi %add3A_1104, %select_n3A_1121 : vector<16xi32>
    %eq3A_1123 = arith.constant 5 : i32
    %eq3A_1124 = vector.broadcast %eq3A_1123 : i32 to vector<16xi32>
    %eq3A_1125 = arith.cmpi eq, %get3A_1032, %eq3A_1124 : vector<16xi32>
    %all_reduce_population_count3A_1126 = tpu.all_reduce %eq3A_1125 {dim = 0 : i64, kind = #tpu.reduction_kind<sum>} : vector<16xi1> -> vector<16xi32>
    %eq3A_1127 = arith.constant 5 : i32
    %eq3A_1128 = vector.broadcast %eq3A_1127 : i32 to vector<16xi32>
    %eq3A_1129 = arith.cmpi eq, %iota3A, %eq3A_1128 : vector<16xi32>
    %jit3A_1130 = arith.constant 0 : i32
    %broadcast_in_dim3A_1131 = vector.broadcast %jit3A_1130 : i32 to vector<16xi32>
    %select_n3A_1132 = arith.select %eq3A_1129, %all_reduce_population_count3A_1126, %broadcast_in_dim3A_1131 : vector<16xi1>, vector<16xi32>
    %add3A_1133 = arith.addi %add3A_1115, %select_n3A_1132 : vector<16xi32>
    %eq3A_1134 = arith.constant 5 : i32
    %eq3A_1135 = vector.broadcast %eq3A_1134 : i32 to vector<16xi32>
    %eq3A_1136 = arith.cmpi eq, %iota3A, %eq3A_1135 : vector<16xi32>
    %jit3A_1137 = arith.constant 0 : i32
    %broadcast_in_dim3A_1138 = vector.broadcast %jit3A_1137 : i32 to vector<16xi32>
    %select_n3A_1139 = arith.select %eq3A_1136, %all_reduce_population_count3A_1126, %broadcast_in_dim3A_1138 : vector<16xi1>, vector<16xi32>
    %add3A_1140 = arith.addi %add3A_1122, %select_n3A_1139 : vector<16xi32>
    %eq3A_1141 = arith.constant 6 : i32
    %eq3A_1142 = vector.broadcast %eq3A_1141 : i32 to vector<16xi32>
    %eq3A_1143 = arith.cmpi eq, %get3A_1032, %eq3A_1142 : vector<16xi32>
    %all_reduce_population_count3A_1144 = tpu.all_reduce %eq3A_1143 {dim = 0 : i64, kind = #tpu.reduction_kind<sum>} : vector<16xi1> -> vector<16xi32>
    %eq3A_1145 = arith.constant 6 : i32
    %eq3A_1146 = vector.broadcast %eq3A_1145 : i32 to vector<16xi32>
    %eq3A_1147 = arith.cmpi eq, %iota3A, %eq3A_1146 : vector<16xi32>
    %jit3A_1148 = arith.constant 0 : i32
    %broadcast_in_dim3A_1149 = vector.broadcast %jit3A_1148 : i32 to vector<16xi32>
    %select_n3A_1150 = arith.select %eq3A_1147, %all_reduce_population_count3A_1144, %broadcast_in_dim3A_1149 : vector<16xi1>, vector<16xi32>
    %add3A_1151 = arith.addi %add3A_1133, %select_n3A_1150 : vector<16xi32>
    %eq3A_1152 = arith.constant 6 : i32
    %eq3A_1153 = vector.broadcast %eq3A_1152 : i32 to vector<16xi32>
    %eq3A_1154 = arith.cmpi eq, %iota3A, %eq3A_1153 : vector<16xi32>
    %jit3A_1155 = arith.constant 0 : i32
    %broadcast_in_dim3A_1156 = vector.broadcast %jit3A_1155 : i32 to vector<16xi32>
    %select_n3A_1157 = arith.select %eq3A_1154, %all_reduce_population_count3A_1144, %broadcast_in_dim3A_1156 : vector<16xi1>, vector<16xi32>
    %add3A_1158 = arith.addi %add3A_1140, %select_n3A_1157 : vector<16xi32>
    %eq3A_1159 = arith.constant 7 : i32
    %eq3A_1160 = vector.broadcast %eq3A_1159 : i32 to vector<16xi32>
    %eq3A_1161 = arith.cmpi eq, %get3A_1032, %eq3A_1160 : vector<16xi32>
    %all_reduce_population_count3A_1162 = tpu.all_reduce %eq3A_1161 {dim = 0 : i64, kind = #tpu.reduction_kind<sum>} : vector<16xi1> -> vector<16xi32>
    %eq3A_1163 = arith.constant 7 : i32
    %eq3A_1164 = vector.broadcast %eq3A_1163 : i32 to vector<16xi32>
    %eq3A_1165 = arith.cmpi eq, %iota3A, %eq3A_1164 : vector<16xi32>
    %jit3A_1166 = arith.constant 0 : i32
    %broadcast_in_dim3A_1167 = vector.broadcast %jit3A_1166 : i32 to vector<16xi32>
    %select_n3A_1168 = arith.select %eq3A_1165, %all_reduce_population_count3A_1162, %broadcast_in_dim3A_1167 : vector<16xi1>, vector<16xi32>
    %add3A_1169 = arith.addi %add3A_1151, %select_n3A_1168 : vector<16xi32>
    %eq3A_1170 = arith.constant 7 : i32
    %eq3A_1171 = vector.broadcast %eq3A_1170 : i32 to vector<16xi32>
    %eq3A_1172 = arith.cmpi eq, %iota3A, %eq3A_1171 : vector<16xi32>
    %jit3A_1173 = arith.constant 0 : i32
    %broadcast_in_dim3A_1174 = vector.broadcast %jit3A_1173 : i32 to vector<16xi32>
    %select_n3A_1175 = arith.select %eq3A_1172, %all_reduce_population_count3A_1162, %broadcast_in_dim3A_1174 : vector<16xi1>, vector<16xi32>
    %add3A_1176 = arith.addi %add3A_1158, %select_n3A_1175 : vector<16xi32>
    %get3A_1177 = arith.constant 128 : index
    %get3A_1178 = tpu.vector_load %arg8[%get3A_1177] {strides = array<i32>} : memref<256xi32, #tpu.memory_space<vmem>>, vector<16xi32>,
    %eq3A_1179 = arith.constant 0 : i32
    %eq3A_1180 = vector.broadcast %eq3A_1179 : i32 to vector<16xi32>
    %eq3A_1181 = arith.cmpi eq, %get3A_1178, %eq3A_1180 : vector<16xi32>
    %all_reduce_population_count3A_1182 = tpu.all_reduce %eq3A_1181 {dim = 0 : i64, kind = #tpu.reduction_kind<sum>} : vector<16xi1> -> vector<16xi32>
    %eq3A_1183 = arith.constant 0 : i32
    %eq3A_1184 = vector.broadcast %eq3A_1183 : i32 to vector<16xi32>
    %eq3A_1185 = arith.cmpi eq, %iota3A, %eq3A_1184 : vector<16xi32>
    %jit3A_1186 = arith.constant 0 : i32
    %broadcast_in_dim3A_1187 = vector.broadcast %jit3A_1186 : i32 to vector<16xi32>
    %select_n3A_1188 = arith.select %eq3A_1185, %all_reduce_population_count3A_1182, %broadcast_in_dim3A_1187 : vector<16xi1>, vector<16xi32>
    %add3A_1189 = arith.addi %add3A_1169, %select_n3A_1188 : vector<16xi32>
    %eq3A_1190 = arith.constant 1 : i32
    %eq3A_1191 = vector.broadcast %eq3A_1190 : i32 to vector<16xi32>
    %eq3A_1192 = arith.cmpi eq, %get3A_1178, %eq3A_1191 : vector<16xi32>
    %all_reduce_population_count3A_1193 = tpu.all_reduce %eq3A_1192 {dim = 0 : i64, kind = #tpu.reduction_kind<sum>} : vector<16xi1> -> vector<16xi32>
    %eq3A_1194 = arith.constant 1 : i32
    %eq3A_1195 = vector.broadcast %eq3A_1194 : i32 to vector<16xi32>
    %eq3A_1196 = arith.cmpi eq, %iota3A, %eq3A_1195 : vector<16xi32>
    %jit3A_1197 = arith.constant 0 : i32
    %broadcast_in_dim3A_1198 = vector.broadcast %jit3A_1197 : i32 to vector<16xi32>
    %select_n3A_1199 = arith.select %eq3A_1196, %all_reduce_population_count3A_1193, %broadcast_in_dim3A_1198 : vector<16xi1>, vector<16xi32>
    %add3A_1200 = arith.addi %add3A_1189, %select_n3A_1199 : vector<16xi32>
    %eq3A_1201 = arith.constant 2 : i32
    %eq3A_1202 = vector.broadcast %eq3A_1201 : i32 to vector<16xi32>
    %eq3A_1203 = arith.cmpi eq, %get3A_1178, %eq3A_1202 : vector<16xi32>
    %all_reduce_population_count3A_1204 = tpu.all_reduce %eq3A_1203 {dim = 0 : i64, kind = #tpu.reduction_kind<sum>} : vector<16xi1> -> vector<16xi32>
    %eq3A_1205 = arith.constant 2 : i32
    %eq3A_1206 = vector.broadcast %eq3A_1205 : i32 to vector<16xi32>
    %eq3A_1207 = arith.cmpi eq, %iota3A, %eq3A_1206 : vector<16xi32>
    %jit3A_1208 = arith.constant 0 : i32
    %broadcast_in_dim3A_1209 = vector.broadcast %jit3A_1208 : i32 to vector<16xi32>
    %select_n3A_1210 = arith.select %eq3A_1207, %all_reduce_population_count3A_1204, %broadcast_in_dim3A_1209 : vector<16xi1>, vector<16xi32>
    %add3A_1211 = arith.addi %add3A_1200, %select_n3A_1210 : vector<16xi32>
    %eq3A_1212 = arith.constant 3 : i32
    %eq3A_1213 = vector.broadcast %eq3A_1212 : i32 to vector<16xi32>
    %eq3A_1214 = arith.cmpi eq, %get3A_1178, %eq3A_1213 : vector<16xi32>
    %all_reduce_population_count3A_1215 = tpu.all_reduce %eq3A_1214 {dim = 0 : i64, kind = #tpu.reduction_kind<sum>} : vector<16xi1> -> vector<16xi32>
    %eq3A_1216 = arith.constant 3 : i32
    %eq3A_1217 = vector.broadcast %eq3A_1216 : i32 to vector<16xi32>
    %eq3A_1218 = arith.cmpi eq, %iota3A, %eq3A_1217 : vector<16xi32>
    %jit3A_1219 = arith.constant 0 : i32
    %broadcast_in_dim3A_1220 = vector.broadcast %jit3A_1219 : i32 to vector<16xi32>
    %select_n3A_1221 = arith.select %eq3A_1218, %all_reduce_population_count3A_1215, %broadcast_in_dim3A_1220 : vector<16xi1>, vector<16xi32>
    %add3A_1222 = arith.addi %add3A_1211, %select_n3A_1221 : vector<16xi32>
    %eq3A_1223 = arith.constant 4 : i32
    %eq3A_1224 = vector.broadcast %eq3A_1223 : i32 to vector<16xi32>
    %eq3A_1225 = arith.cmpi eq, %get3A_1178, %eq3A_1224 : vector<16xi32>
    %all_reduce_population_count3A_1226 = tpu.all_reduce %eq3A_1225 {dim = 0 : i64, kind = #tpu.reduction_kind<sum>} : vector<16xi1> -> vector<16xi32>
    %eq3A_1227 = arith.constant 4 : i32
    %eq3A_1228 = vector.broadcast %eq3A_1227 : i32 to vector<16xi32>
    %eq3A_1229 = arith.cmpi eq, %iota3A, %eq3A_1228 : vector<16xi32>
    %jit3A_1230 = arith.constant 0 : i32
    %broadcast_in_dim3A_1231 = vector.broadcast %jit3A_1230 : i32 to vector<16xi32>
    %select_n3A_1232 = arith.select %eq3A_1229, %all_reduce_population_count3A_1226, %broadcast_in_dim3A_1231 : vector<16xi1>, vector<16xi32>
    %add3A_1233 = arith.addi %add3A_1222, %select_n3A_1232 : vector<16xi32>
    %eq3A_1234 = arith.constant 5 : i32
    %eq3A_1235 = vector.broadcast %eq3A_1234 : i32 to vector<16xi32>
    %eq3A_1236 = arith.cmpi eq, %get3A_1178, %eq3A_1235 : vector<16xi32>
    %all_reduce_population_count3A_1237 = tpu.all_reduce %eq3A_1236 {dim = 0 : i64, kind = #tpu.reduction_kind<sum>} : vector<16xi1> -> vector<16xi32>
    %eq3A_1238 = arith.constant 5 : i32
    %eq3A_1239 = vector.broadcast %eq3A_1238 : i32 to vector<16xi32>
    %eq3A_1240 = arith.cmpi eq, %iota3A, %eq3A_1239 : vector<16xi32>
    %jit3A_1241 = arith.constant 0 : i32
    %broadcast_in_dim3A_1242 = vector.broadcast %jit3A_1241 : i32 to vector<16xi32>
    %select_n3A_1243 = arith.select %eq3A_1240, %all_reduce_population_count3A_1237, %broadcast_in_dim3A_1242 : vector<16xi1>, vector<16xi32>
    %add3A_1244 = arith.addi %add3A_1233, %select_n3A_1243 : vector<16xi32>
    %eq3A_1245 = arith.constant 6 : i32
    %eq3A_1246 = vector.broadcast %eq3A_1245 : i32 to vector<16xi32>
    %eq3A_1247 = arith.cmpi eq, %get3A_1178, %eq3A_1246 : vector<16xi32>
    %all_reduce_population_count3A_1248 = tpu.all_reduce %eq3A_1247 {dim = 0 : i64, kind = #tpu.reduction_kind<sum>} : vector<16xi1> -> vector<16xi32>
    %eq3A_1249 = arith.constant 6 : i32
    %eq3A_1250 = vector.broadcast %eq3A_1249 : i32 to vector<16xi32>
    %eq3A_1251 = arith.cmpi eq, %iota3A, %eq3A_1250 : vector<16xi32>
    %jit3A_1252 = arith.constant 0 : i32
    %broadcast_in_dim3A_1253 = vector.broadcast %jit3A_1252 : i32 to vector<16xi32>
    %select_n3A_1254 = arith.select %eq3A_1251, %all_reduce_population_count3A_1248, %broadcast_in_dim3A_1253 : vector<16xi1>, vector<16xi32>
    %add3A_1255 = arith.addi %add3A_1244, %select_n3A_1254 : vector<16xi32>
    %eq3A_1256 = arith.constant 7 : i32
    %eq3A_1257 = vector.broadcast %eq3A_1256 : i32 to vector<16xi32>
    %eq3A_1258 = arith.cmpi eq, %get3A_1178, %eq3A_1257 : vector<16xi32>
    %all_reduce_population_count3A_1259 = tpu.all_reduce %eq3A_1258 {dim = 0 : i64, kind = #tpu.reduction_kind<sum>} : vector<16xi1> -> vector<16xi32>
    %eq3A_1260 = arith.constant 7 : i32
    %eq3A_1261 = vector.broadcast %eq3A_1260 : i32 to vector<16xi32>
    %eq3A_1262 = arith.cmpi eq, %iota3A, %eq3A_1261 : vector<16xi32>
    %jit3A_1263 = arith.constant 0 : i32
    %broadcast_in_dim3A_1264 = vector.broadcast %jit3A_1263 : i32 to vector<16xi32>
    %select_n3A_1265 = arith.select %eq3A_1262, %all_reduce_population_count3A_1259, %broadcast_in_dim3A_1264 : vector<16xi1>, vector<16xi32>
    %add3A_1266 = arith.addi %add3A_1255, %select_n3A_1265 : vector<16xi32>
    %get3A_1267 = arith.constant 144 : index
    %get3A_1268 = tpu.vector_load %arg8[%get3A_1267] {strides = array<i32>} : memref<256xi32, #tpu.memory_space<vmem>>, vector<16xi32>,
    %eq3A_1269 = arith.constant 0 : i32
    %eq3A_1270 = vector.broadcast %eq3A_1269 : i32 to vector<16xi32>
    %eq3A_1271 = arith.cmpi eq, %get3A_1268, %eq3A_1270 : vector<16xi32>
    %all_reduce_population_count3A_1272 = tpu.all_reduce %eq3A_1271 {dim = 0 : i64, kind = #tpu.reduction_kind<sum>} : vector<16xi1> -> vector<16xi32>
    %eq3A_1273 = arith.constant 0 : i32
    %eq3A_1274 = vector.broadcast %eq3A_1273 : i32 to vector<16xi32>
    %eq3A_1275 = arith.cmpi eq, %iota3A, %eq3A_1274 : vector<16xi32>
    %jit3A_1276 = arith.constant 0 : i32
    %broadcast_in_dim3A_1277 = vector.broadcast %jit3A_1276 : i32 to vector<16xi32>
    %select_n3A_1278 = arith.select %eq3A_1275, %all_reduce_population_count3A_1272, %broadcast_in_dim3A_1277 : vector<16xi1>, vector<16xi32>
    %add3A_1279 = arith.addi %add3A_1266, %select_n3A_1278 : vector<16xi32>
    %eq3A_1280 = arith.constant 1 : i32
    %eq3A_1281 = vector.broadcast %eq3A_1280 : i32 to vector<16xi32>
    %eq3A_1282 = arith.cmpi eq, %get3A_1268, %eq3A_1281 : vector<16xi32>
    %all_reduce_population_count3A_1283 = tpu.all_reduce %eq3A_1282 {dim = 0 : i64, kind = #tpu.reduction_kind<sum>} : vector<16xi1> -> vector<16xi32>
    %eq3A_1284 = arith.constant 1 : i32
    %eq3A_1285 = vector.broadcast %eq3A_1284 : i32 to vector<16xi32>
    %eq3A_1286 = arith.cmpi eq, %iota3A, %eq3A_1285 : vector<16xi32>
    %jit3A_1287 = arith.constant 0 : i32
    %broadcast_in_dim3A_1288 = vector.broadcast %jit3A_1287 : i32 to vector<16xi32>
    %select_n3A_1289 = arith.select %eq3A_1286, %all_reduce_population_count3A_1283, %broadcast_in_dim3A_1288 : vector<16xi1>, vector<16xi32>
    %add3A_1290 = arith.addi %add3A_1279, %select_n3A_1289 : vector<16xi32>
    %eq3A_1291 = arith.constant 2 : i32
    %eq3A_1292 = vector.broadcast %eq3A_1291 : i32 to vector<16xi32>
    %eq3A_1293 = arith.cmpi eq, %get3A_1268, %eq3A_1292 : vector<16xi32>
    %all_reduce_population_count3A_1294 = tpu.all_reduce %eq3A_1293 {dim = 0 : i64, kind = #tpu.reduction_kind<sum>} : vector<16xi1> -> vector<16xi32>
    %eq3A_1295 = arith.constant 2 : i32
    %eq3A_1296 = vector.broadcast %eq3A_1295 : i32 to vector<16xi32>
    %eq3A_1297 = arith.cmpi eq, %iota3A, %eq3A_1296 : vector<16xi32>
    %jit3A_1298 = arith.constant 0 : i32
    %broadcast_in_dim3A_1299 = vector.broadcast %jit3A_1298 : i32 to vector<16xi32>
    %select_n3A_1300 = arith.select %eq3A_1297, %all_reduce_population_count3A_1294, %broadcast_in_dim3A_1299 : vector<16xi1>, vector<16xi32>
    %add3A_1301 = arith.addi %add3A_1290, %select_n3A_1300 : vector<16xi32>
    %eq3A_1302 = arith.constant 3 : i32
    %eq3A_1303 = vector.broadcast %eq3A_1302 : i32 to vector<16xi32>
    %eq3A_1304 = arith.cmpi eq, %get3A_1268, %eq3A_1303 : vector<16xi32>
    %all_reduce_population_count3A_1305 = tpu.all_reduce %eq3A_1304 {dim = 0 : i64, kind = #tpu.reduction_kind<sum>} : vector<16xi1> -> vector<16xi32>
    %eq3A_1306 = arith.constant 3 : i32
    %eq3A_1307 = vector.broadcast %eq3A_1306 : i32 to vector<16xi32>
    %eq3A_1308 = arith.cmpi eq, %iota3A, %eq3A_1307 : vector<16xi32>
    %jit3A_1309 = arith.constant 0 : i32
    %broadcast_in_dim3A_1310 = vector.broadcast %jit3A_1309 : i32 to vector<16xi32>
    %select_n3A_1311 = arith.select %eq3A_1308, %all_reduce_population_count3A_1305, %broadcast_in_dim3A_1310 : vector<16xi1>, vector<16xi32>
    %add3A_1312 = arith.addi %add3A_1301, %select_n3A_1311 : vector<16xi32>
    %eq3A_1313 = arith.constant 4 : i32
    %eq3A_1314 = vector.broadcast %eq3A_1313 : i32 to vector<16xi32>
    %eq3A_1315 = arith.cmpi eq, %get3A_1268, %eq3A_1314 : vector<16xi32>
    %all_reduce_population_count3A_1316 = tpu.all_reduce %eq3A_1315 {dim = 0 : i64, kind = #tpu.reduction_kind<sum>} : vector<16xi1> -> vector<16xi32>
    %eq3A_1317 = arith.constant 4 : i32
    %eq3A_1318 = vector.broadcast %eq3A_1317 : i32 to vector<16xi32>
    %eq3A_1319 = arith.cmpi eq, %iota3A, %eq3A_1318 : vector<16xi32>
    %jit3A_1320 = arith.constant 0 : i32
    %broadcast_in_dim3A_1321 = vector.broadcast %jit3A_1320 : i32 to vector<16xi32>
    %select_n3A_1322 = arith.select %eq3A_1319, %all_reduce_population_count3A_1316, %broadcast_in_dim3A_1321 : vector<16xi1>, vector<16xi32>
    %add3A_1323 = arith.addi %add3A_1312, %select_n3A_1322 : vector<16xi32>
    %eq3A_1324 = arith.constant 5 : i32
    %eq3A_1325 = vector.broadcast %eq3A_1324 : i32 to vector<16xi32>
    %eq3A_1326 = arith.cmpi eq, %get3A_1268, %eq3A_1325 : vector<16xi32>
    %all_reduce_population_count3A_1327 = tpu.all_reduce %eq3A_1326 {dim = 0 : i64, kind = #tpu.reduction_kind<sum>} : vector<16xi1> -> vector<16xi32>
    %eq3A_1328 = arith.constant 5 : i32
    %eq3A_1329 = vector.broadcast %eq3A_1328 : i32 to vector<16xi32>
    %eq3A_1330 = arith.cmpi eq, %iota3A, %eq3A_1329 : vector<16xi32>
    %jit3A_1331 = arith.constant 0 : i32
    %broadcast_in_dim3A_1332 = vector.broadcast %jit3A_1331 : i32 to vector<16xi32>
    %select_n3A_1333 = arith.select %eq3A_1330, %all_reduce_population_count3A_1327, %broadcast_in_dim3A_1332 : vector<16xi1>, vector<16xi32>
    %add3A_1334 = arith.addi %add3A_1323, %select_n3A_1333 : vector<16xi32>
    %eq3A_1335 = arith.constant 6 : i32
    %eq3A_1336 = vector.broadcast %eq3A_1335 : i32 to vector<16xi32>
    %eq3A_1337 = arith.cmpi eq, %get3A_1268, %eq3A_1336 : vector<16xi32>
    %all_reduce_population_count3A_1338 = tpu.all_reduce %eq3A_1337 {dim = 0 : i64, kind = #tpu.reduction_kind<sum>} : vector<16xi1> -> vector<16xi32>
    %eq3A_1339 = arith.constant 6 : i32
    %eq3A_1340 = vector.broadcast %eq3A_1339 : i32 to vector<16xi32>
    %eq3A_1341 = arith.cmpi eq, %iota3A, %eq3A_1340 : vector<16xi32>
    %jit3A_1342 = arith.constant 0 : i32
    %broadcast_in_dim3A_1343 = vector.broadcast %jit3A_1342 : i32 to vector<16xi32>
    %select_n3A_1344 = arith.select %eq3A_1341, %all_reduce_population_count3A_1338, %broadcast_in_dim3A_1343 : vector<16xi1>, vector<16xi32>
    %add3A_1345 = arith.addi %add3A_1334, %select_n3A_1344 : vector<16xi32>
    %eq3A_1346 = arith.constant 7 : i32
    %eq3A_1347 = vector.broadcast %eq3A_1346 : i32 to vector<16xi32>
    %eq3A_1348 = arith.cmpi eq, %get3A_1268, %eq3A_1347 : vector<16xi32>
    %all_reduce_population_count3A_1349 = tpu.all_reduce %eq3A_1348 {dim = 0 : i64, kind = #tpu.reduction_kind<sum>} : vector<16xi1> -> vector<16xi32>
    %eq3A_1350 = arith.constant 7 : i32
    %eq3A_1351 = vector.broadcast %eq3A_1350 : i32 to vector<16xi32>
    %eq3A_1352 = arith.cmpi eq, %iota3A, %eq3A_1351 : vector<16xi32>
    %jit3A_1353 = arith.constant 0 : i32
    %broadcast_in_dim3A_1354 = vector.broadcast %jit3A_1353 : i32 to vector<16xi32>
    %select_n3A_1355 = arith.select %eq3A_1352, %all_reduce_population_count3A_1349, %broadcast_in_dim3A_1354 : vector<16xi1>, vector<16xi32>
    %add3A_1356 = arith.addi %add3A_1345, %select_n3A_1355 : vector<16xi32>
    %get3A_1357 = arith.constant 160 : index
    %get3A_1358 = tpu.vector_load %arg8[%get3A_1357] {strides = array<i32>} : memref<256xi32, #tpu.memory_space<vmem>>, vector<16xi32>,
    %eq3A_1359 = arith.constant 0 : i32
    %eq3A_1360 = vector.broadcast %eq3A_1359 : i32 to vector<16xi32>
    %eq3A_1361 = arith.cmpi eq, %get3A_1358, %eq3A_1360 : vector<16xi32>
    %all_reduce_population_count3A_1362 = tpu.all_reduce %eq3A_1361 {dim = 0 : i64, kind = #tpu.reduction_kind<sum>} : vector<16xi1> -> vector<16xi32>
    %eq3A_1363 = arith.constant 0 : i32
    %eq3A_1364 = vector.broadcast %eq3A_1363 : i32 to vector<16xi32>
    %eq3A_1365 = arith.cmpi eq, %iota3A, %eq3A_1364 : vector<16xi32>
    %jit3A_1366 = arith.constant 0 : i32
    %broadcast_in_dim3A_1367 = vector.broadcast %jit3A_1366 : i32 to vector<16xi32>
    %select_n3A_1368 = arith.select %eq3A_1365, %all_reduce_population_count3A_1362, %broadcast_in_dim3A_1367 : vector<16xi1>, vector<16xi32>
    %add3A_1369 = arith.addi %add3A_1356, %select_n3A_1368 : vector<16xi32>
    %eq3A_1370 = arith.constant 1 : i32
    %eq3A_1371 = vector.broadcast %eq3A_1370 : i32 to vector<16xi32>
    %eq3A_1372 = arith.cmpi eq, %get3A_1358, %eq3A_1371 : vector<16xi32>
    %all_reduce_population_count3A_1373 = tpu.all_reduce %eq3A_1372 {dim = 0 : i64, kind = #tpu.reduction_kind<sum>} : vector<16xi1> -> vector<16xi32>
    %eq3A_1374 = arith.constant 1 : i32
    %eq3A_1375 = vector.broadcast %eq3A_1374 : i32 to vector<16xi32>
    %eq3A_1376 = arith.cmpi eq, %iota3A, %eq3A_1375 : vector<16xi32>
    %jit3A_1377 = arith.constant 0 : i32
    %broadcast_in_dim3A_1378 = vector.broadcast %jit3A_1377 : i32 to vector<16xi32>
    %select_n3A_1379 = arith.select %eq3A_1376, %all_reduce_population_count3A_1373, %broadcast_in_dim3A_1378 : vector<16xi1>, vector<16xi32>
    %add3A_1380 = arith.addi %add3A_1369, %select_n3A_1379 : vector<16xi32>
    %eq3A_1381 = arith.constant 2 : i32
    %eq3A_1382 = vector.broadcast %eq3A_1381 : i32 to vector<16xi32>
    %eq3A_1383 = arith.cmpi eq, %get3A_1358, %eq3A_1382 : vector<16xi32>
    %all_reduce_population_count3A_1384 = tpu.all_reduce %eq3A_1383 {dim = 0 : i64, kind = #tpu.reduction_kind<sum>} : vector<16xi1> -> vector<16xi32>
    %eq3A_1385 = arith.constant 2 : i32
    %eq3A_1386 = vector.broadcast %eq3A_1385 : i32 to vector<16xi32>
    %eq3A_1387 = arith.cmpi eq, %iota3A, %eq3A_1386 : vector<16xi32>
    %jit3A_1388 = arith.constant 0 : i32
    %broadcast_in_dim3A_1389 = vector.broadcast %jit3A_1388 : i32 to vector<16xi32>
    %select_n3A_1390 = arith.select %eq3A_1387, %all_reduce_population_count3A_1384, %broadcast_in_dim3A_1389 : vector<16xi1>, vector<16xi32>
    %add3A_1391 = arith.addi %add3A_1380, %select_n3A_1390 : vector<16xi32>
    %eq3A_1392 = arith.constant 3 : i32
    %eq3A_1393 = vector.broadcast %eq3A_1392 : i32 to vector<16xi32>
    %eq3A_1394 = arith.cmpi eq, %get3A_1358, %eq3A_1393 : vector<16xi32>
    %all_reduce_population_count3A_1395 = tpu.all_reduce %eq3A_1394 {dim = 0 : i64, kind = #tpu.reduction_kind<sum>} : vector<16xi1> -> vector<16xi32>
    %eq3A_1396 = arith.constant 3 : i32
    %eq3A_1397 = vector.broadcast %eq3A_1396 : i32 to vector<16xi32>
    %eq3A_1398 = arith.cmpi eq, %iota3A, %eq3A_1397 : vector<16xi32>
    %jit3A_1399 = arith.constant 0 : i32
    %broadcast_in_dim3A_1400 = vector.broadcast %jit3A_1399 : i32 to vector<16xi32>
    %select_n3A_1401 = arith.select %eq3A_1398, %all_reduce_population_count3A_1395, %broadcast_in_dim3A_1400 : vector<16xi1>, vector<16xi32>
    %add3A_1402 = arith.addi %add3A_1391, %select_n3A_1401 : vector<16xi32>
    %eq3A_1403 = arith.constant 4 : i32
    %eq3A_1404 = vector.broadcast %eq3A_1403 : i32 to vector<16xi32>
    %eq3A_1405 = arith.cmpi eq, %get3A_1358, %eq3A_1404 : vector<16xi32>
    %all_reduce_population_count3A_1406 = tpu.all_reduce %eq3A_1405 {dim = 0 : i64, kind = #tpu.reduction_kind<sum>} : vector<16xi1> -> vector<16xi32>
    %eq3A_1407 = arith.constant 4 : i32
    %eq3A_1408 = vector.broadcast %eq3A_1407 : i32 to vector<16xi32>
    %eq3A_1409 = arith.cmpi eq, %iota3A, %eq3A_1408 : vector<16xi32>
    %jit3A_1410 = arith.constant 0 : i32
    %broadcast_in_dim3A_1411 = vector.broadcast %jit3A_1410 : i32 to vector<16xi32>
    %select_n3A_1412 = arith.select %eq3A_1409, %all_reduce_population_count3A_1406, %broadcast_in_dim3A_1411 : vector<16xi1>, vector<16xi32>
    %add3A_1413 = arith.addi %add3A_1402, %select_n3A_1412 : vector<16xi32>
    %eq3A_1414 = arith.constant 5 : i32
    %eq3A_1415 = vector.broadcast %eq3A_1414 : i32 to vector<16xi32>
    %eq3A_1416 = arith.cmpi eq, %get3A_1358, %eq3A_1415 : vector<16xi32>
    %all_reduce_population_count3A_1417 = tpu.all_reduce %eq3A_1416 {dim = 0 : i64, kind = #tpu.reduction_kind<sum>} : vector<16xi1> -> vector<16xi32>
    %eq3A_1418 = arith.constant 5 : i32
    %eq3A_1419 = vector.broadcast %eq3A_1418 : i32 to vector<16xi32>
    %eq3A_1420 = arith.cmpi eq, %iota3A, %eq3A_1419 : vector<16xi32>
    %jit3A_1421 = arith.constant 0 : i32
    %broadcast_in_dim3A_1422 = vector.broadcast %jit3A_1421 : i32 to vector<16xi32>
    %select_n3A_1423 = arith.select %eq3A_1420, %all_reduce_population_count3A_1417, %broadcast_in_dim3A_1422 : vector<16xi1>, vector<16xi32>
    %add3A_1424 = arith.addi %add3A_1413, %select_n3A_1423 : vector<16xi32>
    %eq3A_1425 = arith.constant 6 : i32
    %eq3A_1426 = vector.broadcast %eq3A_1425 : i32 to vector<16xi32>
    %eq3A_1427 = arith.cmpi eq, %get3A_1358, %eq3A_1426 : vector<16xi32>
    %all_reduce_population_count3A_1428 = tpu.all_reduce %eq3A_1427 {dim = 0 : i64, kind = #tpu.reduction_kind<sum>} : vector<16xi1> -> vector<16xi32>
    %eq3A_1429 = arith.constant 6 : i32
    %eq3A_1430 = vector.broadcast %eq3A_1429 : i32 to vector<16xi32>
    %eq3A_1431 = arith.cmpi eq, %iota3A, %eq3A_1430 : vector<16xi32>
    %jit3A_1432 = arith.constant 0 : i32
    %broadcast_in_dim3A_1433 = vector.broadcast %jit3A_1432 : i32 to vector<16xi32>
    %select_n3A_1434 = arith.select %eq3A_1431, %all_reduce_population_count3A_1428, %broadcast_in_dim3A_1433 : vector<16xi1>, vector<16xi32>
    %add3A_1435 = arith.addi %add3A_1424, %select_n3A_1434 : vector<16xi32>
    %eq3A_1436 = arith.constant 7 : i32
    %eq3A_1437 = vector.broadcast %eq3A_1436 : i32 to vector<16xi32>
    %eq3A_1438 = arith.cmpi eq, %get3A_1358, %eq3A_1437 : vector<16xi32>
    %all_reduce_population_count3A_1439 = tpu.all_reduce %eq3A_1438 {dim = 0 : i64, kind = #tpu.reduction_kind<sum>} : vector<16xi1> -> vector<16xi32>
    %eq3A_1440 = arith.constant 7 : i32
    %eq3A_1441 = vector.broadcast %eq3A_1440 : i32 to vector<16xi32>
    %eq3A_1442 = arith.cmpi eq, %iota3A, %eq3A_1441 : vector<16xi32>
    %jit3A_1443 = arith.constant 0 : i32
    %broadcast_in_dim3A_1444 = vector.broadcast %jit3A_1443 : i32 to vector<16xi32>
    %select_n3A_1445 = arith.select %eq3A_1442, %all_reduce_population_count3A_1439, %broadcast_in_dim3A_1444 : vector<16xi1>, vector<16xi32>
    %add3A_1446 = arith.addi %add3A_1435, %select_n3A_1445 : vector<16xi32>
    %get3A_1447 = arith.constant 176 : index
    %get3A_1448 = tpu.vector_load %arg8[%get3A_1447] {strides = array<i32>} : memref<256xi32, #tpu.memory_space<vmem>>, vector<16xi32>,
    %eq3A_1449 = arith.constant 0 : i32
    %eq3A_1450 = vector.broadcast %eq3A_1449 : i32 to vector<16xi32>
    %eq3A_1451 = arith.cmpi eq, %get3A_1448, %eq3A_1450 : vector<16xi32>
    %all_reduce_population_count3A_1452 = tpu.all_reduce %eq3A_1451 {dim = 0 : i64, kind = #tpu.reduction_kind<sum>} : vector<16xi1> -> vector<16xi32>
    %eq3A_1453 = arith.constant 0 : i32
    %eq3A_1454 = vector.broadcast %eq3A_1453 : i32 to vector<16xi32>
    %eq3A_1455 = arith.cmpi eq, %iota3A, %eq3A_1454 : vector<16xi32>
    %jit3A_1456 = arith.constant 0 : i32
    %broadcast_in_dim3A_1457 = vector.broadcast %jit3A_1456 : i32 to vector<16xi32>
    %select_n3A_1458 = arith.select %eq3A_1455, %all_reduce_population_count3A_1452, %broadcast_in_dim3A_1457 : vector<16xi1>, vector<16xi32>
    %add3A_1459 = arith.addi %add3A_1446, %select_n3A_1458 : vector<16xi32>
    %eq3A_1460 = arith.constant 1 : i32
    %eq3A_1461 = vector.broadcast %eq3A_1460 : i32 to vector<16xi32>
    %eq3A_1462 = arith.cmpi eq, %get3A_1448, %eq3A_1461 : vector<16xi32>
    %all_reduce_population_count3A_1463 = tpu.all_reduce %eq3A_1462 {dim = 0 : i64, kind = #tpu.reduction_kind<sum>} : vector<16xi1> -> vector<16xi32>
    %eq3A_1464 = arith.constant 1 : i32
    %eq3A_1465 = vector.broadcast %eq3A_1464 : i32 to vector<16xi32>
    %eq3A_1466 = arith.cmpi eq, %iota3A, %eq3A_1465 : vector<16xi32>
    %jit3A_1467 = arith.constant 0 : i32
    %broadcast_in_dim3A_1468 = vector.broadcast %jit3A_1467 : i32 to vector<16xi32>
    %select_n3A_1469 = arith.select %eq3A_1466, %all_reduce_population_count3A_1463, %broadcast_in_dim3A_1468 : vector<16xi1>, vector<16xi32>
    %add3A_1470 = arith.addi %add3A_1459, %select_n3A_1469 : vector<16xi32>
    %eq3A_1471 = arith.constant 2 : i32
    %eq3A_1472 = vector.broadcast %eq3A_1471 : i32 to vector<16xi32>
    %eq3A_1473 = arith.cmpi eq, %get3A_1448, %eq3A_1472 : vector<16xi32>
    %all_reduce_population_count3A_1474 = tpu.all_reduce %eq3A_1473 {dim = 0 : i64, kind = #tpu.reduction_kind<sum>} : vector<16xi1> -> vector<16xi32>
    %eq3A_1475 = arith.constant 2 : i32
    %eq3A_1476 = vector.broadcast %eq3A_1475 : i32 to vector<16xi32>
    %eq3A_1477 = arith.cmpi eq, %iota3A, %eq3A_1476 : vector<16xi32>
    %jit3A_1478 = arith.constant 0 : i32
    %broadcast_in_dim3A_1479 = vector.broadcast %jit3A_1478 : i32 to vector<16xi32>
    %select_n3A_1480 = arith.select %eq3A_1477, %all_reduce_population_count3A_1474, %broadcast_in_dim3A_1479 : vector<16xi1>, vector<16xi32>
    %add3A_1481 = arith.addi %add3A_1470, %select_n3A_1480 : vector<16xi32>
    %eq3A_1482 = arith.constant 3 : i32
    %eq3A_1483 = vector.broadcast %eq3A_1482 : i32 to vector<16xi32>
    %eq3A_1484 = arith.cmpi eq, %get3A_1448, %eq3A_1483 : vector<16xi32>
    %all_reduce_population_count3A_1485 = tpu.all_reduce %eq3A_1484 {dim = 0 : i64, kind = #tpu.reduction_kind<sum>} : vector<16xi1> -> vector<16xi32>
    %eq3A_1486 = arith.constant 3 : i32
    %eq3A_1487 = vector.broadcast %eq3A_1486 : i32 to vector<16xi32>
    %eq3A_1488 = arith.cmpi eq, %iota3A, %eq3A_1487 : vector<16xi32>
    %jit3A_1489 = arith.constant 0 : i32
    %broadcast_in_dim3A_1490 = vector.broadcast %jit3A_1489 : i32 to vector<16xi32>
    %select_n3A_1491 = arith.select %eq3A_1488, %all_reduce_population_count3A_1485, %broadcast_in_dim3A_1490 : vector<16xi1>, vector<16xi32>
    %add3A_1492 = arith.addi %add3A_1481, %select_n3A_1491 : vector<16xi32>
    %eq3A_1493 = arith.constant 4 : i32
    %eq3A_1494 = vector.broadcast %eq3A_1493 : i32 to vector<16xi32>
    %eq3A_1495 = arith.cmpi eq, %get3A_1448, %eq3A_1494 : vector<16xi32>
    %all_reduce_population_count3A_1496 = tpu.all_reduce %eq3A_1495 {dim = 0 : i64, kind = #tpu.reduction_kind<sum>} : vector<16xi1> -> vector<16xi32>
    %eq3A_1497 = arith.constant 4 : i32
    %eq3A_1498 = vector.broadcast %eq3A_1497 : i32 to vector<16xi32>
    %eq3A_1499 = arith.cmpi eq, %iota3A, %eq3A_1498 : vector<16xi32>
    %jit3A_1500 = arith.constant 0 : i32
    %broadcast_in_dim3A_1501 = vector.broadcast %jit3A_1500 : i32 to vector<16xi32>
    %select_n3A_1502 = arith.select %eq3A_1499, %all_reduce_population_count3A_1496, %broadcast_in_dim3A_1501 : vector<16xi1>, vector<16xi32>
    %add3A_1503 = arith.addi %add3A_1492, %select_n3A_1502 : vector<16xi32>
    %eq3A_1504 = arith.constant 5 : i32
    %eq3A_1505 = vector.broadcast %eq3A_1504 : i32 to vector<16xi32>
    %eq3A_1506 = arith.cmpi eq, %get3A_1448, %eq3A_1505 : vector<16xi32>
    %all_reduce_population_count3A_1507 = tpu.all_reduce %eq3A_1506 {dim = 0 : i64, kind = #tpu.reduction_kind<sum>} : vector<16xi1> -> vector<16xi32>
    %eq3A_1508 = arith.constant 5 : i32
    %eq3A_1509 = vector.broadcast %eq3A_1508 : i32 to vector<16xi32>
    %eq3A_1510 = arith.cmpi eq, %iota3A, %eq3A_1509 : vector<16xi32>
    %jit3A_1511 = arith.constant 0 : i32
    %broadcast_in_dim3A_1512 = vector.broadcast %jit3A_1511 : i32 to vector<16xi32>
    %select_n3A_1513 = arith.select %eq3A_1510, %all_reduce_population_count3A_1507, %broadcast_in_dim3A_1512 : vector<16xi1>, vector<16xi32>
    %add3A_1514 = arith.addi %add3A_1503, %select_n3A_1513 : vector<16xi32>
    %eq3A_1515 = arith.constant 6 : i32
    %eq3A_1516 = vector.broadcast %eq3A_1515 : i32 to vector<16xi32>
    %eq3A_1517 = arith.cmpi eq, %get3A_1448, %eq3A_1516 : vector<16xi32>
    %all_reduce_population_count3A_1518 = tpu.all_reduce %eq3A_1517 {dim = 0 : i64, kind = #tpu.reduction_kind<sum>} : vector<16xi1> -> vector<16xi32>
    %eq3A_1519 = arith.constant 6 : i32
    %eq3A_1520 = vector.broadcast %eq3A_1519 : i32 to vector<16xi32>
    %eq3A_1521 = arith.cmpi eq, %iota3A, %eq3A_1520 : vector<16xi32>
    %jit3A_1522 = arith.constant 0 : i32
    %broadcast_in_dim3A_1523 = vector.broadcast %jit3A_1522 : i32 to vector<16xi32>
    %select_n3A_1524 = arith.select %eq3A_1521, %all_reduce_population_count3A_1518, %broadcast_in_dim3A_1523 : vector<16xi1>, vector<16xi32>
    %add3A_1525 = arith.addi %add3A_1514, %select_n3A_1524 : vector<16xi32>
    %eq3A_1526 = arith.constant 7 : i32
    %eq3A_1527 = vector.broadcast %eq3A_1526 : i32 to vector<16xi32>
    %eq3A_1528 = arith.cmpi eq, %get3A_1448, %eq3A_1527 : vector<16xi32>
    %all_reduce_population_count3A_1529 = tpu.all_reduce %eq3A_1528 {dim = 0 : i64, kind = #tpu.reduction_kind<sum>} : vector<16xi1> -> vector<16xi32>
    %eq3A_1530 = arith.constant 7 : i32
    %eq3A_1531 = vector.broadcast %eq3A_1530 : i32 to vector<16xi32>
    %eq3A_1532 = arith.cmpi eq, %iota3A, %eq3A_1531 : vector<16xi32>
    %jit3A_1533 = arith.constant 0 : i32
    %broadcast_in_dim3A_1534 = vector.broadcast %jit3A_1533 : i32 to vector<16xi32>
    %select_n3A_1535 = arith.select %eq3A_1532, %all_reduce_population_count3A_1529, %broadcast_in_dim3A_1534 : vector<16xi1>, vector<16xi32>
    %add3A_1536 = arith.addi %add3A_1525, %select_n3A_1535 : vector<16xi32>
    %get3A_1537 = arith.constant 192 : index
    %get3A_1538 = tpu.vector_load %arg8[%get3A_1537] {strides = array<i32>} : memref<256xi32, #tpu.memory_space<vmem>>, vector<16xi32>,
    %eq3A_1539 = arith.constant 0 : i32
    %eq3A_1540 = vector.broadcast %eq3A_1539 : i32 to vector<16xi32>
    %eq3A_1541 = arith.cmpi eq, %get3A_1538, %eq3A_1540 : vector<16xi32>
    %all_reduce_population_count3A_1542 = tpu.all_reduce %eq3A_1541 {dim = 0 : i64, kind = #tpu.reduction_kind<sum>} : vector<16xi1> -> vector<16xi32>
    %eq3A_1543 = arith.constant 0 : i32
    %eq3A_1544 = vector.broadcast %eq3A_1543 : i32 to vector<16xi32>
    %eq3A_1545 = arith.cmpi eq, %iota3A, %eq3A_1544 : vector<16xi32>
    %jit3A_1546 = arith.constant 0 : i32
    %broadcast_in_dim3A_1547 = vector.broadcast %jit3A_1546 : i32 to vector<16xi32>
    %select_n3A_1548 = arith.select %eq3A_1545, %all_reduce_population_count3A_1542, %broadcast_in_dim3A_1547 : vector<16xi1>, vector<16xi32>
    %add3A_1549 = arith.addi %add3A_1536, %select_n3A_1548 : vector<16xi32>
    %eq3A_1550 = arith.constant 1 : i32
    %eq3A_1551 = vector.broadcast %eq3A_1550 : i32 to vector<16xi32>
    %eq3A_1552 = arith.cmpi eq, %get3A_1538, %eq3A_1551 : vector<16xi32>
    %all_reduce_population_count3A_1553 = tpu.all_reduce %eq3A_1552 {dim = 0 : i64, kind = #tpu.reduction_kind<sum>} : vector<16xi1> -> vector<16xi32>
    %eq3A_1554 = arith.constant 1 : i32
    %eq3A_1555 = vector.broadcast %eq3A_1554 : i32 to vector<16xi32>
    %eq3A_1556 = arith.cmpi eq, %iota3A, %eq3A_1555 : vector<16xi32>
    %jit3A_1557 = arith.constant 0 : i32
    %broadcast_in_dim3A_1558 = vector.broadcast %jit3A_1557 : i32 to vector<16xi32>
    %select_n3A_1559 = arith.select %eq3A_1556, %all_reduce_population_count3A_1553, %broadcast_in_dim3A_1558 : vector<16xi1>, vector<16xi32>
    %add3A_1560 = arith.addi %add3A_1549, %select_n3A_1559 : vector<16xi32>
    %eq3A_1561 = arith.constant 2 : i32
    %eq3A_1562 = vector.broadcast %eq3A_1561 : i32 to vector<16xi32>
    %eq3A_1563 = arith.cmpi eq, %get3A_1538, %eq3A_1562 : vector<16xi32>
    %all_reduce_population_count3A_1564 = tpu.all_reduce %eq3A_1563 {dim = 0 : i64, kind = #tpu.reduction_kind<sum>} : vector<16xi1> -> vector<16xi32>
    %eq3A_1565 = arith.constant 2 : i32
    %eq3A_1566 = vector.broadcast %eq3A_1565 : i32 to vector<16xi32>
    %eq3A_1567 = arith.cmpi eq, %iota3A, %eq3A_1566 : vector<16xi32>
    %jit3A_1568 = arith.constant 0 : i32
    %broadcast_in_dim3A_1569 = vector.broadcast %jit3A_1568 : i32 to vector<16xi32>
    %select_n3A_1570 = arith.select %eq3A_1567, %all_reduce_population_count3A_1564, %broadcast_in_dim3A_1569 : vector<16xi1>, vector<16xi32>
    %add3A_1571 = arith.addi %add3A_1560, %select_n3A_1570 : vector<16xi32>
    %eq3A_1572 = arith.constant 3 : i32
    %eq3A_1573 = vector.broadcast %eq3A_1572 : i32 to vector<16xi32>
    %eq3A_1574 = arith.cmpi eq, %get3A_1538, %eq3A_1573 : vector<16xi32>
    %all_reduce_population_count3A_1575 = tpu.all_reduce %eq3A_1574 {dim = 0 : i64, kind = #tpu.reduction_kind<sum>} : vector<16xi1> -> vector<16xi32>
    %eq3A_1576 = arith.constant 3 : i32
    %eq3A_1577 = vector.broadcast %eq3A_1576 : i32 to vector<16xi32>
    %eq3A_1578 = arith.cmpi eq, %iota3A, %eq3A_1577 : vector<16xi32>
    %jit3A_1579 = arith.constant 0 : i32
    %broadcast_in_dim3A_1580 = vector.broadcast %jit3A_1579 : i32 to vector<16xi32>
    %select_n3A_1581 = arith.select %eq3A_1578, %all_reduce_population_count3A_1575, %broadcast_in_dim3A_1580 : vector<16xi1>, vector<16xi32>
    %add3A_1582 = arith.addi %add3A_1571, %select_n3A_1581 : vector<16xi32>
    %eq3A_1583 = arith.constant 4 : i32
    %eq3A_1584 = vector.broadcast %eq3A_1583 : i32 to vector<16xi32>
    %eq3A_1585 = arith.cmpi eq, %get3A_1538, %eq3A_1584 : vector<16xi32>
    %all_reduce_population_count3A_1586 = tpu.all_reduce %eq3A_1585 {dim = 0 : i64, kind = #tpu.reduction_kind<sum>} : vector<16xi1> -> vector<16xi32>
    %eq3A_1587 = arith.constant 4 : i32
    %eq3A_1588 = vector.broadcast %eq3A_1587 : i32 to vector<16xi32>
    %eq3A_1589 = arith.cmpi eq, %iota3A, %eq3A_1588 : vector<16xi32>
    %jit3A_1590 = arith.constant 0 : i32
    %broadcast_in_dim3A_1591 = vector.broadcast %jit3A_1590 : i32 to vector<16xi32>
    %select_n3A_1592 = arith.select %eq3A_1589, %all_reduce_population_count3A_1586, %broadcast_in_dim3A_1591 : vector<16xi1>, vector<16xi32>
    %add3A_1593 = arith.addi %add3A_1582, %select_n3A_1592 : vector<16xi32>
    %eq3A_1594 = arith.constant 5 : i32
    %eq3A_1595 = vector.broadcast %eq3A_1594 : i32 to vector<16xi32>
    %eq3A_1596 = arith.cmpi eq, %get3A_1538, %eq3A_1595 : vector<16xi32>
    %all_reduce_population_count3A_1597 = tpu.all_reduce %eq3A_1596 {dim = 0 : i64, kind = #tpu.reduction_kind<sum>} : vector<16xi1> -> vector<16xi32>
    %eq3A_1598 = arith.constant 5 : i32
    %eq3A_1599 = vector.broadcast %eq3A_1598 : i32 to vector<16xi32>
    %eq3A_1600 = arith.cmpi eq, %iota3A, %eq3A_1599 : vector<16xi32>
    %jit3A_1601 = arith.constant 0 : i32
    %broadcast_in_dim3A_1602 = vector.broadcast %jit3A_1601 : i32 to vector<16xi32>
    %select_n3A_1603 = arith.select %eq3A_1600, %all_reduce_population_count3A_1597, %broadcast_in_dim3A_1602 : vector<16xi1>, vector<16xi32>
    %add3A_1604 = arith.addi %add3A_1593, %select_n3A_1603 : vector<16xi32>
    %eq3A_1605 = arith.constant 6 : i32
    %eq3A_1606 = vector.broadcast %eq3A_1605 : i32 to vector<16xi32>
    %eq3A_1607 = arith.cmpi eq, %get3A_1538, %eq3A_1606 : vector<16xi32>
    %all_reduce_population_count3A_1608 = tpu.all_reduce %eq3A_1607 {dim = 0 : i64, kind = #tpu.reduction_kind<sum>} : vector<16xi1> -> vector<16xi32>
    %eq3A_1609 = arith.constant 6 : i32
    %eq3A_1610 = vector.broadcast %eq3A_1609 : i32 to vector<16xi32>
    %eq3A_1611 = arith.cmpi eq, %iota3A, %eq3A_1610 : vector<16xi32>
    %jit3A_1612 = arith.constant 0 : i32
    %broadcast_in_dim3A_1613 = vector.broadcast %jit3A_1612 : i32 to vector<16xi32>
    %select_n3A_1614 = arith.select %eq3A_1611, %all_reduce_population_count3A_1608, %broadcast_in_dim3A_1613 : vector<16xi1>, vector<16xi32>
    %add3A_1615 = arith.addi %add3A_1604, %select_n3A_1614 : vector<16xi32>
    %eq3A_1616 = arith.constant 7 : i32
    %eq3A_1617 = vector.broadcast %eq3A_1616 : i32 to vector<16xi32>
    %eq3A_1618 = arith.cmpi eq, %get3A_1538, %eq3A_1617 : vector<16xi32>
    %all_reduce_population_count3A_1619 = tpu.all_reduce %eq3A_1618 {dim = 0 : i64, kind = #tpu.reduction_kind<sum>} : vector<16xi1> -> vector<16xi32>
    %eq3A_1620 = arith.constant 7 : i32
    %eq3A_1621 = vector.broadcast %eq3A_1620 : i32 to vector<16xi32>
    %eq3A_1622 = arith.cmpi eq, %iota3A, %eq3A_1621 : vector<16xi32>
    %jit3A_1623 = arith.constant 0 : i32
    %broadcast_in_dim3A_1624 = vector.broadcast %jit3A_1623 : i32 to vector<16xi32>
    %select_n3A_1625 = arith.select %eq3A_1622, %all_reduce_population_count3A_1619, %broadcast_in_dim3A_1624 : vector<16xi1>, vector<16xi32>
    %add3A_1626 = arith.addi %add3A_1615, %select_n3A_1625 : vector<16xi32>
    %get3A_1627 = arith.constant 208 : index
    %get3A_1628 = tpu.vector_load %arg8[%get3A_1627] {strides = array<i32>} : memref<256xi32, #tpu.memory_space<vmem>>, vector<16xi32>,
    %eq3A_1629 = arith.constant 0 : i32
    %eq3A_1630 = vector.broadcast %eq3A_1629 : i32 to vector<16xi32>
    %eq3A_1631 = arith.cmpi eq, %get3A_1628, %eq3A_1630 : vector<16xi32>
    %all_reduce_population_count3A_1632 = tpu.all_reduce %eq3A_1631 {dim = 0 : i64, kind = #tpu.reduction_kind<sum>} : vector<16xi1> -> vector<16xi32>
    %eq3A_1633 = arith.constant 0 : i32
    %eq3A_1634 = vector.broadcast %eq3A_1633 : i32 to vector<16xi32>
    %eq3A_1635 = arith.cmpi eq, %iota3A, %eq3A_1634 : vector<16xi32>
    %jit3A_1636 = arith.constant 0 : i32
    %broadcast_in_dim3A_1637 = vector.broadcast %jit3A_1636 : i32 to vector<16xi32>
    %select_n3A_1638 = arith.select %eq3A_1635, %all_reduce_population_count3A_1632, %broadcast_in_dim3A_1637 : vector<16xi1>, vector<16xi32>
    %add3A_1639 = arith.addi %add3A_1626, %select_n3A_1638 : vector<16xi32>
    %eq3A_1640 = arith.constant 1 : i32
    %eq3A_1641 = vector.broadcast %eq3A_1640 : i32 to vector<16xi32>
    %eq3A_1642 = arith.cmpi eq, %get3A_1628, %eq3A_1641 : vector<16xi32>
    %all_reduce_population_count3A_1643 = tpu.all_reduce %eq3A_1642 {dim = 0 : i64, kind = #tpu.reduction_kind<sum>} : vector<16xi1> -> vector<16xi32>
    %eq3A_1644 = arith.constant 1 : i32
    %eq3A_1645 = vector.broadcast %eq3A_1644 : i32 to vector<16xi32>
    %eq3A_1646 = arith.cmpi eq, %iota3A, %eq3A_1645 : vector<16xi32>
    %jit3A_1647 = arith.constant 0 : i32
    %broadcast_in_dim3A_1648 = vector.broadcast %jit3A_1647 : i32 to vector<16xi32>
    %select_n3A_1649 = arith.select %eq3A_1646, %all_reduce_population_count3A_1643, %broadcast_in_dim3A_1648 : vector<16xi1>, vector<16xi32>
    %add3A_1650 = arith.addi %add3A_1639, %select_n3A_1649 : vector<16xi32>
    %eq3A_1651 = arith.constant 2 : i32
    %eq3A_1652 = vector.broadcast %eq3A_1651 : i32 to vector<16xi32>
    %eq3A_1653 = arith.cmpi eq, %get3A_1628, %eq3A_1652 : vector<16xi32>
    %all_reduce_population_count3A_1654 = tpu.all_reduce %eq3A_1653 {dim = 0 : i64, kind = #tpu.reduction_kind<sum>} : vector<16xi1> -> vector<16xi32>
    %eq3A_1655 = arith.constant 2 : i32
    %eq3A_1656 = vector.broadcast %eq3A_1655 : i32 to vector<16xi32>
    %eq3A_1657 = arith.cmpi eq, %iota3A, %eq3A_1656 : vector<16xi32>
    %jit3A_1658 = arith.constant 0 : i32
    %broadcast_in_dim3A_1659 = vector.broadcast %jit3A_1658 : i32 to vector<16xi32>
    %select_n3A_1660 = arith.select %eq3A_1657, %all_reduce_population_count3A_1654, %broadcast_in_dim3A_1659 : vector<16xi1>, vector<16xi32>
    %add3A_1661 = arith.addi %add3A_1650, %select_n3A_1660 : vector<16xi32>
    %eq3A_1662 = arith.constant 3 : i32
    %eq3A_1663 = vector.broadcast %eq3A_1662 : i32 to vector<16xi32>
    %eq3A_1664 = arith.cmpi eq, %get3A_1628, %eq3A_1663 : vector<16xi32>
    %all_reduce_population_count3A_1665 = tpu.all_reduce %eq3A_1664 {dim = 0 : i64, kind = #tpu.reduction_kind<sum>} : vector<16xi1> -> vector<16xi32>
    %eq3A_1666 = arith.constant 3 : i32
    %eq3A_1667 = vector.broadcast %eq3A_1666 : i32 to vector<16xi32>
    %eq3A_1668 = arith.cmpi eq, %iota3A, %eq3A_1667 : vector<16xi32>
    %jit3A_1669 = arith.constant 0 : i32
    %broadcast_in_dim3A_1670 = vector.broadcast %jit3A_1669 : i32 to vector<16xi32>
    %select_n3A_1671 = arith.select %eq3A_1668, %all_reduce_population_count3A_1665, %broadcast_in_dim3A_1670 : vector<16xi1>, vector<16xi32>
    %add3A_1672 = arith.addi %add3A_1661, %select_n3A_1671 : vector<16xi32>
    %eq3A_1673 = arith.constant 4 : i32
    %eq3A_1674 = vector.broadcast %eq3A_1673 : i32 to vector<16xi32>
    %eq3A_1675 = arith.cmpi eq, %get3A_1628, %eq3A_1674 : vector<16xi32>
    %all_reduce_population_count3A_1676 = tpu.all_reduce %eq3A_1675 {dim = 0 : i64, kind = #tpu.reduction_kind<sum>} : vector<16xi1> -> vector<16xi32>
    %eq3A_1677 = arith.constant 4 : i32
    %eq3A_1678 = vector.broadcast %eq3A_1677 : i32 to vector<16xi32>
    %eq3A_1679 = arith.cmpi eq, %iota3A, %eq3A_1678 : vector<16xi32>
    %jit3A_1680 = arith.constant 0 : i32
    %broadcast_in_dim3A_1681 = vector.broadcast %jit3A_1680 : i32 to vector<16xi32>
    %select_n3A_1682 = arith.select %eq3A_1679, %all_reduce_population_count3A_1676, %broadcast_in_dim3A_1681 : vector<16xi1>, vector<16xi32>
    %add3A_1683 = arith.addi %add3A_1672, %select_n3A_1682 : vector<16xi32>
    %eq3A_1684 = arith.constant 5 : i32
    %eq3A_1685 = vector.broadcast %eq3A_1684 : i32 to vector<16xi32>
    %eq3A_1686 = arith.cmpi eq, %get3A_1628, %eq3A_1685 : vector<16xi32>
    %all_reduce_population_count3A_1687 = tpu.all_reduce %eq3A_1686 {dim = 0 : i64, kind = #tpu.reduction_kind<sum>} : vector<16xi1> -> vector<16xi32>
    %eq3A_1688 = arith.constant 5 : i32
    %eq3A_1689 = vector.broadcast %eq3A_1688 : i32 to vector<16xi32>
    %eq3A_1690 = arith.cmpi eq, %iota3A, %eq3A_1689 : vector<16xi32>
    %jit3A_1691 = arith.constant 0 : i32
    %broadcast_in_dim3A_1692 = vector.broadcast %jit3A_1691 : i32 to vector<16xi32>
    %select_n3A_1693 = arith.select %eq3A_1690, %all_reduce_population_count3A_1687, %broadcast_in_dim3A_1692 : vector<16xi1>, vector<16xi32>
    %add3A_1694 = arith.addi %add3A_1683, %select_n3A_1693 : vector<16xi32>
    %eq3A_1695 = arith.constant 6 : i32
    %eq3A_1696 = vector.broadcast %eq3A_1695 : i32 to vector<16xi32>
    %eq3A_1697 = arith.cmpi eq, %get3A_1628, %eq3A_1696 : vector<16xi32>
    %all_reduce_population_count3A_1698 = tpu.all_reduce %eq3A_1697 {dim = 0 : i64, kind = #tpu.reduction_kind<sum>} : vector<16xi1> -> vector<16xi32>
    %eq3A_1699 = arith.constant 6 : i32
    %eq3A_1700 = vector.broadcast %eq3A_1699 : i32 to vector<16xi32>
    %eq3A_1701 = arith.cmpi eq, %iota3A, %eq3A_1700 : vector<16xi32>
    %jit3A_1702 = arith.constant 0 : i32
    %broadcast_in_dim3A_1703 = vector.broadcast %jit3A_1702 : i32 to vector<16xi32>
    %select_n3A_1704 = arith.select %eq3A_1701, %all_reduce_population_count3A_1698, %broadcast_in_dim3A_1703 : vector<16xi1>, vector<16xi32>
    %add3A_1705 = arith.addi %add3A_1694, %select_n3A_1704 : vector<16xi32>
    %eq3A_1706 = arith.constant 7 : i32
    %eq3A_1707 = vector.broadcast %eq3A_1706 : i32 to vector<16xi32>
    %eq3A_1708 = arith.cmpi eq, %get3A_1628, %eq3A_1707 : vector<16xi32>
    %all_reduce_population_count3A_1709 = tpu.all_reduce %eq3A_1708 {dim = 0 : i64, kind = #tpu.reduction_kind<sum>} : vector<16xi1> -> vector<16xi32>
    %eq3A_1710 = arith.constant 7 : i32
    %eq3A_1711 = vector.broadcast %eq3A_1710 : i32 to vector<16xi32>
    %eq3A_1712 = arith.cmpi eq, %iota3A, %eq3A_1711 : vector<16xi32>
    %jit3A_1713 = arith.constant 0 : i32
    %broadcast_in_dim3A_1714 = vector.broadcast %jit3A_1713 : i32 to vector<16xi32>
    %select_n3A_1715 = arith.select %eq3A_1712, %all_reduce_population_count3A_1709, %broadcast_in_dim3A_1714 : vector<16xi1>, vector<16xi32>
    %add3A_1716 = arith.addi %add3A_1705, %select_n3A_1715 : vector<16xi32>
    %get3A_1717 = arith.constant 224 : index
    %get3A_1718 = tpu.vector_load %arg8[%get3A_1717] {strides = array<i32>} : memref<256xi32, #tpu.memory_space<vmem>>, vector<16xi32>,
    %eq3A_1719 = arith.constant 0 : i32
    %eq3A_1720 = vector.broadcast %eq3A_1719 : i32 to vector<16xi32>
    %eq3A_1721 = arith.cmpi eq, %get3A_1718, %eq3A_1720 : vector<16xi32>
    %all_reduce_population_count3A_1722 = tpu.all_reduce %eq3A_1721 {dim = 0 : i64, kind = #tpu.reduction_kind<sum>} : vector<16xi1> -> vector<16xi32>
    %eq3A_1723 = arith.constant 0 : i32
    %eq3A_1724 = vector.broadcast %eq3A_1723 : i32 to vector<16xi32>
    %eq3A_1725 = arith.cmpi eq, %iota3A, %eq3A_1724 : vector<16xi32>
    %jit3A_1726 = arith.constant 0 : i32
    %broadcast_in_dim3A_1727 = vector.broadcast %jit3A_1726 : i32 to vector<16xi32>
    %select_n3A_1728 = arith.select %eq3A_1725, %all_reduce_population_count3A_1722, %broadcast_in_dim3A_1727 : vector<16xi1>, vector<16xi32>
    %add3A_1729 = arith.addi %add3A_1716, %select_n3A_1728 : vector<16xi32>
    %eq3A_1730 = arith.constant 1 : i32
    %eq3A_1731 = vector.broadcast %eq3A_1730 : i32 to vector<16xi32>
    %eq3A_1732 = arith.cmpi eq, %get3A_1718, %eq3A_1731 : vector<16xi32>
    %all_reduce_population_count3A_1733 = tpu.all_reduce %eq3A_1732 {dim = 0 : i64, kind = #tpu.reduction_kind<sum>} : vector<16xi1> -> vector<16xi32>
    %eq3A_1734 = arith.constant 1 : i32
    %eq3A_1735 = vector.broadcast %eq3A_1734 : i32 to vector<16xi32>
    %eq3A_1736 = arith.cmpi eq, %iota3A, %eq3A_1735 : vector<16xi32>
    %jit3A_1737 = arith.constant 0 : i32
    %broadcast_in_dim3A_1738 = vector.broadcast %jit3A_1737 : i32 to vector<16xi32>
    %select_n3A_1739 = arith.select %eq3A_1736, %all_reduce_population_count3A_1733, %broadcast_in_dim3A_1738 : vector<16xi1>, vector<16xi32>
    %add3A_1740 = arith.addi %add3A_1729, %select_n3A_1739 : vector<16xi32>
    %eq3A_1741 = arith.constant 2 : i32
    %eq3A_1742 = vector.broadcast %eq3A_1741 : i32 to vector<16xi32>
    %eq3A_1743 = arith.cmpi eq, %get3A_1718, %eq3A_1742 : vector<16xi32>
    %all_reduce_population_count3A_1744 = tpu.all_reduce %eq3A_1743 {dim = 0 : i64, kind = #tpu.reduction_kind<sum>} : vector<16xi1> -> vector<16xi32>
    %eq3A_1745 = arith.constant 2 : i32
    %eq3A_1746 = vector.broadcast %eq3A_1745 : i32 to vector<16xi32>
    %eq3A_1747 = arith.cmpi eq, %iota3A, %eq3A_1746 : vector<16xi32>
    %jit3A_1748 = arith.constant 0 : i32
    %broadcast_in_dim3A_1749 = vector.broadcast %jit3A_1748 : i32 to vector<16xi32>
    %select_n3A_1750 = arith.select %eq3A_1747, %all_reduce_population_count3A_1744, %broadcast_in_dim3A_1749 : vector<16xi1>, vector<16xi32>
    %add3A_1751 = arith.addi %add3A_1740, %select_n3A_1750 : vector<16xi32>
    %eq3A_1752 = arith.constant 3 : i32
    %eq3A_1753 = vector.broadcast %eq3A_1752 : i32 to vector<16xi32>
    %eq3A_1754 = arith.cmpi eq, %get3A_1718, %eq3A_1753 : vector<16xi32>
    %all_reduce_population_count3A_1755 = tpu.all_reduce %eq3A_1754 {dim = 0 : i64, kind = #tpu.reduction_kind<sum>} : vector<16xi1> -> vector<16xi32>
    %eq3A_1756 = arith.constant 3 : i32
    %eq3A_1757 = vector.broadcast %eq3A_1756 : i32 to vector<16xi32>
    %eq3A_1758 = arith.cmpi eq, %iota3A, %eq3A_1757 : vector<16xi32>
    %jit3A_1759 = arith.constant 0 : i32
    %broadcast_in_dim3A_1760 = vector.broadcast %jit3A_1759 : i32 to vector<16xi32>
    %select_n3A_1761 = arith.select %eq3A_1758, %all_reduce_population_count3A_1755, %broadcast_in_dim3A_1760 : vector<16xi1>, vector<16xi32>
    %add3A_1762 = arith.addi %add3A_1751, %select_n3A_1761 : vector<16xi32>
    %eq3A_1763 = arith.constant 4 : i32
    %eq3A_1764 = vector.broadcast %eq3A_1763 : i32 to vector<16xi32>
    %eq3A_1765 = arith.cmpi eq, %get3A_1718, %eq3A_1764 : vector<16xi32>
    %all_reduce_population_count3A_1766 = tpu.all_reduce %eq3A_1765 {dim = 0 : i64, kind = #tpu.reduction_kind<sum>} : vector<16xi1> -> vector<16xi32>
    %eq3A_1767 = arith.constant 4 : i32
    %eq3A_1768 = vector.broadcast %eq3A_1767 : i32 to vector<16xi32>
    %eq3A_1769 = arith.cmpi eq, %iota3A, %eq3A_1768 : vector<16xi32>
    %jit3A_1770 = arith.constant 0 : i32
    %broadcast_in_dim3A_1771 = vector.broadcast %jit3A_1770 : i32 to vector<16xi32>
    %select_n3A_1772 = arith.select %eq3A_1769, %all_reduce_population_count3A_1766, %broadcast_in_dim3A_1771 : vector<16xi1>, vector<16xi32>
    %add3A_1773 = arith.addi %add3A_1762, %select_n3A_1772 : vector<16xi32>
    %eq3A_1774 = arith.constant 5 : i32
    %eq3A_1775 = vector.broadcast %eq3A_1774 : i32 to vector<16xi32>
    %eq3A_1776 = arith.cmpi eq, %get3A_1718, %eq3A_1775 : vector<16xi32>
    %all_reduce_population_count3A_1777 = tpu.all_reduce %eq3A_1776 {dim = 0 : i64, kind = #tpu.reduction_kind<sum>} : vector<16xi1> -> vector<16xi32>
    %eq3A_1778 = arith.constant 5 : i32
    %eq3A_1779 = vector.broadcast %eq3A_1778 : i32 to vector<16xi32>
    %eq3A_1780 = arith.cmpi eq, %iota3A, %eq3A_1779 : vector<16xi32>
    %jit3A_1781 = arith.constant 0 : i32
    %broadcast_in_dim3A_1782 = vector.broadcast %jit3A_1781 : i32 to vector<16xi32>
    %select_n3A_1783 = arith.select %eq3A_1780, %all_reduce_population_count3A_1777, %broadcast_in_dim3A_1782 : vector<16xi1>, vector<16xi32>
    %add3A_1784 = arith.addi %add3A_1773, %select_n3A_1783 : vector<16xi32>
    %eq3A_1785 = arith.constant 6 : i32
    %eq3A_1786 = vector.broadcast %eq3A_1785 : i32 to vector<16xi32>
    %eq3A_1787 = arith.cmpi eq, %get3A_1718, %eq3A_1786 : vector<16xi32>
    %all_reduce_population_count3A_1788 = tpu.all_reduce %eq3A_1787 {dim = 0 : i64, kind = #tpu.reduction_kind<sum>} : vector<16xi1> -> vector<16xi32>
    %eq3A_1789 = arith.constant 6 : i32
    %eq3A_1790 = vector.broadcast %eq3A_1789 : i32 to vector<16xi32>
    %eq3A_1791 = arith.cmpi eq, %iota3A, %eq3A_1790 : vector<16xi32>
    %jit3A_1792 = arith.constant 0 : i32
    %broadcast_in_dim3A_1793 = vector.broadcast %jit3A_1792 : i32 to vector<16xi32>
    %select_n3A_1794 = arith.select %eq3A_1791, %all_reduce_population_count3A_1788, %broadcast_in_dim3A_1793 : vector<16xi1>, vector<16xi32>
    %add3A_1795 = arith.addi %add3A_1784, %select_n3A_1794 : vector<16xi32>
    %eq3A_1796 = arith.constant 7 : i32
    %eq3A_1797 = vector.broadcast %eq3A_1796 : i32 to vector<16xi32>
    %eq3A_1798 = arith.cmpi eq, %get3A_1718, %eq3A_1797 : vector<16xi32>
    %all_reduce_population_count3A_1799 = tpu.all_reduce %eq3A_1798 {dim = 0 : i64, kind = #tpu.reduction_kind<sum>} : vector<16xi1> -> vector<16xi32>
    %eq3A_1800 = arith.constant 7 : i32
    %eq3A_1801 = vector.broadcast %eq3A_1800 : i32 to vector<16xi32>
    %eq3A_1802 = arith.cmpi eq, %iota3A, %eq3A_1801 : vector<16xi32>
    %jit3A_1803 = arith.constant 0 : i32
    %broadcast_in_dim3A_1804 = vector.broadcast %jit3A_1803 : i32 to vector<16xi32>
    %select_n3A_1805 = arith.select %eq3A_1802, %all_reduce_population_count3A_1799, %broadcast_in_dim3A_1804 : vector<16xi1>, vector<16xi32>
    %add3A_1806 = arith.addi %add3A_1795, %select_n3A_1805 : vector<16xi32>
    %get3A_1807 = arith.constant 240 : index
    %get3A_1808 = tpu.vector_load %arg8[%get3A_1807] {strides = array<i32>} : memref<256xi32, #tpu.memory_space<vmem>>, vector<16xi32>,
    %eq3A_1809 = arith.constant 0 : i32
    %eq3A_1810 = vector.broadcast %eq3A_1809 : i32 to vector<16xi32>
    %eq3A_1811 = arith.cmpi eq, %get3A_1808, %eq3A_1810 : vector<16xi32>
    %all_reduce_population_count3A_1812 = tpu.all_reduce %eq3A_1811 {dim = 0 : i64, kind = #tpu.reduction_kind<sum>} : vector<16xi1> -> vector<16xi32>
    %eq3A_1813 = arith.constant 0 : i32
    %eq3A_1814 = vector.broadcast %eq3A_1813 : i32 to vector<16xi32>
    %eq3A_1815 = arith.cmpi eq, %iota3A, %eq3A_1814 : vector<16xi32>
    %jit3A_1816 = arith.constant 0 : i32
    %broadcast_in_dim3A_1817 = vector.broadcast %jit3A_1816 : i32 to vector<16xi32>
    %select_n3A_1818 = arith.select %eq3A_1815, %all_reduce_population_count3A_1812, %broadcast_in_dim3A_1817 : vector<16xi1>, vector<16xi32>
    %add3A_1819 = arith.addi %add3A_1806, %select_n3A_1818 : vector<16xi32>
    %eq3A_1820 = arith.constant 1 : i32
    %eq3A_1821 = vector.broadcast %eq3A_1820 : i32 to vector<16xi32>
    %eq3A_1822 = arith.cmpi eq, %get3A_1808, %eq3A_1821 : vector<16xi32>
    %all_reduce_population_count3A_1823 = tpu.all_reduce %eq3A_1822 {dim = 0 : i64, kind = #tpu.reduction_kind<sum>} : vector<16xi1> -> vector<16xi32>
    %eq3A_1824 = arith.constant 1 : i32
    %eq3A_1825 = vector.broadcast %eq3A_1824 : i32 to vector<16xi32>
    %eq3A_1826 = arith.cmpi eq, %iota3A, %eq3A_1825 : vector<16xi32>
    %jit3A_1827 = arith.constant 0 : i32
    %broadcast_in_dim3A_1828 = vector.broadcast %jit3A_1827 : i32 to vector<16xi32>
    %select_n3A_1829 = arith.select %eq3A_1826, %all_reduce_population_count3A_1823, %broadcast_in_dim3A_1828 : vector<16xi1>, vector<16xi32>
    %add3A_1830 = arith.addi %add3A_1819, %select_n3A_1829 : vector<16xi32>
    %eq3A_1831 = arith.constant 2 : i32
    %eq3A_1832 = vector.broadcast %eq3A_1831 : i32 to vector<16xi32>
    %eq3A_1833 = arith.cmpi eq, %get3A_1808, %eq3A_1832 : vector<16xi32>
    %all_reduce_population_count3A_1834 = tpu.all_reduce %eq3A_1833 {dim = 0 : i64, kind = #tpu.reduction_kind<sum>} : vector<16xi1> -> vector<16xi32>
    %eq3A_1835 = arith.constant 2 : i32
    %eq3A_1836 = vector.broadcast %eq3A_1835 : i32 to vector<16xi32>
    %eq3A_1837 = arith.cmpi eq, %iota3A, %eq3A_1836 : vector<16xi32>
    %jit3A_1838 = arith.constant 0 : i32
    %broadcast_in_dim3A_1839 = vector.broadcast %jit3A_1838 : i32 to vector<16xi32>
    %select_n3A_1840 = arith.select %eq3A_1837, %all_reduce_population_count3A_1834, %broadcast_in_dim3A_1839 : vector<16xi1>, vector<16xi32>
    %add3A_1841 = arith.addi %add3A_1830, %select_n3A_1840 : vector<16xi32>
    %eq3A_1842 = arith.constant 3 : i32
    %eq3A_1843 = vector.broadcast %eq3A_1842 : i32 to vector<16xi32>
    %eq3A_1844 = arith.cmpi eq, %get3A_1808, %eq3A_1843 : vector<16xi32>
    %all_reduce_population_count3A_1845 = tpu.all_reduce %eq3A_1844 {dim = 0 : i64, kind = #tpu.reduction_kind<sum>} : vector<16xi1> -> vector<16xi32>
    %eq3A_1846 = arith.constant 3 : i32
    %eq3A_1847 = vector.broadcast %eq3A_1846 : i32 to vector<16xi32>
    %eq3A_1848 = arith.cmpi eq, %iota3A, %eq3A_1847 : vector<16xi32>
    %jit3A_1849 = arith.constant 0 : i32
    %broadcast_in_dim3A_1850 = vector.broadcast %jit3A_1849 : i32 to vector<16xi32>
    %select_n3A_1851 = arith.select %eq3A_1848, %all_reduce_population_count3A_1845, %broadcast_in_dim3A_1850 : vector<16xi1>, vector<16xi32>
    %add3A_1852 = arith.addi %add3A_1841, %select_n3A_1851 : vector<16xi32>
    %eq3A_1853 = arith.constant 4 : i32
    %eq3A_1854 = vector.broadcast %eq3A_1853 : i32 to vector<16xi32>
    %eq3A_1855 = arith.cmpi eq, %get3A_1808, %eq3A_1854 : vector<16xi32>
    %all_reduce_population_count3A_1856 = tpu.all_reduce %eq3A_1855 {dim = 0 : i64, kind = #tpu.reduction_kind<sum>} : vector<16xi1> -> vector<16xi32>
    %eq3A_1857 = arith.constant 4 : i32
    %eq3A_1858 = vector.broadcast %eq3A_1857 : i32 to vector<16xi32>
    %eq3A_1859 = arith.cmpi eq, %iota3A, %eq3A_1858 : vector<16xi32>
    %jit3A_1860 = arith.constant 0 : i32
    %broadcast_in_dim3A_1861 = vector.broadcast %jit3A_1860 : i32 to vector<16xi32>
    %select_n3A_1862 = arith.select %eq3A_1859, %all_reduce_population_count3A_1856, %broadcast_in_dim3A_1861 : vector<16xi1>, vector<16xi32>
    %add3A_1863 = arith.addi %add3A_1852, %select_n3A_1862 : vector<16xi32>
    %eq3A_1864 = arith.constant 5 : i32
    %eq3A_1865 = vector.broadcast %eq3A_1864 : i32 to vector<16xi32>
    %eq3A_1866 = arith.cmpi eq, %get3A_1808, %eq3A_1865 : vector<16xi32>
    %all_reduce_population_count3A_1867 = tpu.all_reduce %eq3A_1866 {dim = 0 : i64, kind = #tpu.reduction_kind<sum>} : vector<16xi1> -> vector<16xi32>
    %eq3A_1868 = arith.constant 5 : i32
    %eq3A_1869 = vector.broadcast %eq3A_1868 : i32 to vector<16xi32>
    %eq3A_1870 = arith.cmpi eq, %iota3A, %eq3A_1869 : vector<16xi32>
    %jit3A_1871 = arith.constant 0 : i32
    %broadcast_in_dim3A_1872 = vector.broadcast %jit3A_1871 : i32 to vector<16xi32>
    %select_n3A_1873 = arith.select %eq3A_1870, %all_reduce_population_count3A_1867, %broadcast_in_dim3A_1872 : vector<16xi1>, vector<16xi32>
    %add3A_1874 = arith.addi %add3A_1863, %select_n3A_1873 : vector<16xi32>
    %eq3A_1875 = arith.constant 6 : i32
    %eq3A_1876 = vector.broadcast %eq3A_1875 : i32 to vector<16xi32>
    %eq3A_1877 = arith.cmpi eq, %get3A_1808, %eq3A_1876 : vector<16xi32>
    %all_reduce_population_count3A_1878 = tpu.all_reduce %eq3A_1877 {dim = 0 : i64, kind = #tpu.reduction_kind<sum>} : vector<16xi1> -> vector<16xi32>
    %eq3A_1879 = arith.constant 6 : i32
    %eq3A_1880 = vector.broadcast %eq3A_1879 : i32 to vector<16xi32>
    %eq3A_1881 = arith.cmpi eq, %iota3A, %eq3A_1880 : vector<16xi32>
    %jit3A_1882 = arith.constant 0 : i32
    %broadcast_in_dim3A_1883 = vector.broadcast %jit3A_1882 : i32 to vector<16xi32>
    %select_n3A_1884 = arith.select %eq3A_1881, %all_reduce_population_count3A_1878, %broadcast_in_dim3A_1883 : vector<16xi1>, vector<16xi32>
    %add3A_1885 = arith.addi %add3A_1874, %select_n3A_1884 : vector<16xi32>
    %eq3A_1886 = arith.constant 7 : i32
    %eq3A_1887 = vector.broadcast %eq3A_1886 : i32 to vector<16xi32>
    %eq3A_1888 = arith.cmpi eq, %get3A_1808, %eq3A_1887 : vector<16xi32>
    %all_reduce_population_count3A_1889 = tpu.all_reduce %eq3A_1888 {dim = 0 : i64, kind = #tpu.reduction_kind<sum>} : vector<16xi1> -> vector<16xi32>
    %eq3A_1890 = arith.constant 7 : i32
    %eq3A_1891 = vector.broadcast %eq3A_1890 : i32 to vector<16xi32>
    %eq3A_1892 = arith.cmpi eq, %iota3A, %eq3A_1891 : vector<16xi32>
    %jit3A_1893 = arith.constant 0 : i32
    %broadcast_in_dim3A_1894 = vector.broadcast %jit3A_1893 : i32 to vector<16xi32>
    %select_n3A_1895 = arith.select %eq3A_1892, %all_reduce_population_count3A_1889, %broadcast_in_dim3A_1894 : vector<16xi1>, vector<16xi32>
    %add3A_1896 = arith.addi %add3A_1885, %select_n3A_1895 : vector<16xi32>
    %swap3A = arith.constant 0 : index
    %swap3A_1897 = tpu.vector_load %arg11[%swap3A] {strides = array<i32>} : memref<16xi32, #tpu.memory_space<vmem>>, vector<16xi32>,
    tpu.vector_store %arg11[%swap3A], %add3A_1896 {strides = array<i32>} : memref<16xi32, #tpu.memory_space<vmem>>, vector<16xi32>,
    %mul3A_1898 = arith.constant 16 : i32
    %mul3A_1899 = arith.muli %arg1, %mul3A_1898 : i32
    %multiple_of3A_1900 = tpu.assume_multiple %mul3A_1899, 16 : i32
    "tpu.region"() ({
      %run_scoped3A = tpu.sem_alloc : memref<!tpu.dma_semaphore, #tpu.memory_space<semaphore_mem>>
      %dma_start3A_4077 = tpu.memref_slice %arg9[%multiple_of3A_1900] : memref<256xi32, #tpu.memory_space<vmem_shared>> -> memref<16xi32, #tpu.memory_space<vmem_shared>>
      %dma_start3A_4078 = tpu.memref_slice %arg9[%multiple_of3A_1900] : memref<256xi32, #tpu.memory_space<vmem_shared>> -> memref<16xi32, #tpu.memory_space<vmem_shared>>
      tpu.enqueue_dma source(%arg11 : memref<16xi32, #tpu.memory_space<vmem>>) target(%dma_start3A_4078 : memref<16xi32, #tpu.memory_space<vmem_shared>>) target_semaphore(%run_scoped3A : memref<!tpu.dma_semaphore, #tpu.memory_space<semaphore_mem>>)
      %dma_wait3A_4079 = tpu.memref_slice %arg9[%multiple_of3A_1900] : memref<256xi32, #tpu.memory_space<vmem_shared>> -> memref<16xi32, #tpu.memory_space<vmem_shared>>
      %dma_wait3A_4080 = tpu.memref_slice %arg9[%multiple_of3A_1900] : memref<256xi32, #tpu.memory_space<vmem_shared>> -> memref<16xi32, #tpu.memory_space<vmem_shared>>
      tpu.wait_dma2 semaphore(%run_scoped3A : memref<!tpu.dma_semaphore, #tpu.memory_space<semaphore_mem>>) src(%arg11 : memref<16xi32, #tpu.memory_space<vmem>>) dst(%dma_wait3A_4080 : memref<16xi32, #tpu.memory_space<vmem_shared>>)
      tpu.yield
    }) : () -> ()
    %barrier3A = arith.constant 0 : index
    tpu.barrier barrier_id(%barrier3A)
    "tpu.region"() ({
      %run_scoped3A = tpu.sem_alloc : memref<!tpu.dma_semaphore, #tpu.memory_space<semaphore_mem>>
      tpu.enqueue_dma source(%arg9 : memref<256xi32, #tpu.memory_space<vmem_shared>>) target(%arg10 : memref<256xi32, #tpu.memory_space<vmem>>) target_semaphore(%run_scoped3A : memref<!tpu.dma_semaphore, #tpu.memory_space<semaphore_mem>>)
      tpu.wait_dma2 semaphore(%run_scoped3A : memref<!tpu.dma_semaphore, #tpu.memory_space<semaphore_mem>>) src(%arg9 : memref<256xi32, #tpu.memory_space<vmem_shared>>) dst(%arg10 : memref<256xi32, #tpu.memory_space<vmem>>)
      tpu.yield
    }) : () -> ()
    %broadcast_in_dim3A_1901 = arith.constant 0 : i32
    %broadcast_in_dim3A_1902 = vector.broadcast %broadcast_in_dim3A_1901 : i32 to vector<16xi32>
    %broadcast_in_dim3A_1903 = arith.constant 0 : i32
    %broadcast_in_dim3A_1904 = vector.broadcast %broadcast_in_dim3A_1903 : i32 to vector<16xi32>
    %get3A_1905 = arith.constant 0 : index
    %get3A_1906 = tpu.vector_load %arg10[%get3A_1905] {strides = array<i32>} : memref<256xi32, #tpu.memory_space<vmem>>, vector<16xi32>,
    %add3A_1907 = arith.addi %broadcast_in_dim3A_1902, %get3A_1906 : vector<16xi32>
    %lt3A = arith.constant 0 : i32
    %lt3A_1908 = arith.cmpi slt, %lt3A, %arg1 : i32
    %jit3A_1909 = arith.constant 0 : i32
    %broadcast_in_dim3A_1910 = vector.broadcast %jit3A_1909 : i32 to vector<16xi32>
    %select_n3A_1911 = arith.select %lt3A_1908, %get3A_1906, %broadcast_in_dim3A_1910 : vector<16xi32>
    %add3A_1912 = arith.addi %broadcast_in_dim3A_1904, %select_n3A_1911 : vector<16xi32>
    %get3A_1913 = arith.constant 16 : index
    %get3A_1914 = tpu.vector_load %arg10[%get3A_1913] {strides = array<i32>} : memref<256xi32, #tpu.memory_space<vmem>>, vector<16xi32>,
    %add3A_1915 = arith.addi %add3A_1907, %get3A_1914 : vector<16xi32>
    %lt3A_1916 = arith.constant 1 : i32
    %lt3A_1917 = arith.cmpi slt, %lt3A_1916, %arg1 : i32
    %jit3A_1918 = arith.constant 0 : i32
    %broadcast_in_dim3A_1919 = vector.broadcast %jit3A_1918 : i32 to vector<16xi32>
    %select_n3A_1920 = arith.select %lt3A_1917, %get3A_1914, %broadcast_in_dim3A_1919 : vector<16xi32>
    %add3A_1921 = arith.addi %add3A_1912, %select_n3A_1920 : vector<16xi32>
    %get3A_1922 = arith.constant 32 : index
    %get3A_1923 = tpu.vector_load %arg10[%get3A_1922] {strides = array<i32>} : memref<256xi32, #tpu.memory_space<vmem>>, vector<16xi32>,
    %add3A_1924 = arith.addi %add3A_1915, %get3A_1923 : vector<16xi32>
    %lt3A_1925 = arith.constant 2 : i32
    %lt3A_1926 = arith.cmpi slt, %lt3A_1925, %arg1 : i32
    %jit3A_1927 = arith.constant 0 : i32
    %broadcast_in_dim3A_1928 = vector.broadcast %jit3A_1927 : i32 to vector<16xi32>
    %select_n3A_1929 = arith.select %lt3A_1926, %get3A_1923, %broadcast_in_dim3A_1928 : vector<16xi32>
    %add3A_1930 = arith.addi %add3A_1921, %select_n3A_1929 : vector<16xi32>
    %get3A_1931 = arith.constant 48 : index
    %get3A_1932 = tpu.vector_load %arg10[%get3A_1931] {strides = array<i32>} : memref<256xi32, #tpu.memory_space<vmem>>, vector<16xi32>,
    %add3A_1933 = arith.addi %add3A_1924, %get3A_1932 : vector<16xi32>
    %lt3A_1934 = arith.constant 3 : i32
    %lt3A_1935 = arith.cmpi slt, %lt3A_1934, %arg1 : i32
    %jit3A_1936 = arith.constant 0 : i32
    %broadcast_in_dim3A_1937 = vector.broadcast %jit3A_1936 : i32 to vector<16xi32>
    %select_n3A_1938 = arith.select %lt3A_1935, %get3A_1932, %broadcast_in_dim3A_1937 : vector<16xi32>
    %add3A_1939 = arith.addi %add3A_1930, %select_n3A_1938 : vector<16xi32>
    %get3A_1940 = arith.constant 64 : index
    %get3A_1941 = tpu.vector_load %arg10[%get3A_1940] {strides = array<i32>} : memref<256xi32, #tpu.memory_space<vmem>>, vector<16xi32>,
    %add3A_1942 = arith.addi %add3A_1933, %get3A_1941 : vector<16xi32>
    %lt3A_1943 = arith.constant 4 : i32
    %lt3A_1944 = arith.cmpi slt, %lt3A_1943, %arg1 : i32
    %jit3A_1945 = arith.constant 0 : i32
    %broadcast_in_dim3A_1946 = vector.broadcast %jit3A_1945 : i32 to vector<16xi32>
    %select_n3A_1947 = arith.select %lt3A_1944, %get3A_1941, %broadcast_in_dim3A_1946 : vector<16xi32>
    %add3A_1948 = arith.addi %add3A_1939, %select_n3A_1947 : vector<16xi32>
    %get3A_1949 = arith.constant 80 : index
    %get3A_1950 = tpu.vector_load %arg10[%get3A_1949] {strides = array<i32>} : memref<256xi32, #tpu.memory_space<vmem>>, vector<16xi32>,
    %add3A_1951 = arith.addi %add3A_1942, %get3A_1950 : vector<16xi32>
    %lt3A_1952 = arith.constant 5 : i32
    %lt3A_1953 = arith.cmpi slt, %lt3A_1952, %arg1 : i32
    %jit3A_1954 = arith.constant 0 : i32
    %broadcast_in_dim3A_1955 = vector.broadcast %jit3A_1954 : i32 to vector<16xi32>
    %select_n3A_1956 = arith.select %lt3A_1953, %get3A_1950, %broadcast_in_dim3A_1955 : vector<16xi32>
    %add3A_1957 = arith.addi %add3A_1948, %select_n3A_1956 : vector<16xi32>
    %get3A_1958 = arith.constant 96 : index
    %get3A_1959 = tpu.vector_load %arg10[%get3A_1958] {strides = array<i32>} : memref<256xi32, #tpu.memory_space<vmem>>, vector<16xi32>,
    %add3A_1960 = arith.addi %add3A_1951, %get3A_1959 : vector<16xi32>
    %lt3A_1961 = arith.constant 6 : i32
    %lt3A_1962 = arith.cmpi slt, %lt3A_1961, %arg1 : i32
    %jit3A_1963 = arith.constant 0 : i32
    %broadcast_in_dim3A_1964 = vector.broadcast %jit3A_1963 : i32 to vector<16xi32>
    %select_n3A_1965 = arith.select %lt3A_1962, %get3A_1959, %broadcast_in_dim3A_1964 : vector<16xi32>
    %add3A_1966 = arith.addi %add3A_1957, %select_n3A_1965 : vector<16xi32>
    %get3A_1967 = arith.constant 112 : index
    %get3A_1968 = tpu.vector_load %arg10[%get3A_1967] {strides = array<i32>} : memref<256xi32, #tpu.memory_space<vmem>>, vector<16xi32>,
    %add3A_1969 = arith.addi %add3A_1960, %get3A_1968 : vector<16xi32>
    %lt3A_1970 = arith.constant 7 : i32
    %lt3A_1971 = arith.cmpi slt, %lt3A_1970, %arg1 : i32
    %jit3A_1972 = arith.constant 0 : i32
    %broadcast_in_dim3A_1973 = vector.broadcast %jit3A_1972 : i32 to vector<16xi32>
    %select_n3A_1974 = arith.select %lt3A_1971, %get3A_1968, %broadcast_in_dim3A_1973 : vector<16xi32>
    %add3A_1975 = arith.addi %add3A_1966, %select_n3A_1974 : vector<16xi32>
    %get3A_1976 = arith.constant 128 : index
    %get3A_1977 = tpu.vector_load %arg10[%get3A_1976] {strides = array<i32>} : memref<256xi32, #tpu.memory_space<vmem>>, vector<16xi32>,
    %add3A_1978 = arith.addi %add3A_1969, %get3A_1977 : vector<16xi32>
    %lt3A_1979 = arith.constant 8 : i32
    %lt3A_1980 = arith.cmpi slt, %lt3A_1979, %arg1 : i32
    %jit3A_1981 = arith.constant 0 : i32
    %broadcast_in_dim3A_1982 = vector.broadcast %jit3A_1981 : i32 to vector<16xi32>
    %select_n3A_1983 = arith.select %lt3A_1980, %get3A_1977, %broadcast_in_dim3A_1982 : vector<16xi32>
    %add3A_1984 = arith.addi %add3A_1975, %select_n3A_1983 : vector<16xi32>
    %get3A_1985 = arith.constant 144 : index
    %get3A_1986 = tpu.vector_load %arg10[%get3A_1985] {strides = array<i32>} : memref<256xi32, #tpu.memory_space<vmem>>, vector<16xi32>,
    %add3A_1987 = arith.addi %add3A_1978, %get3A_1986 : vector<16xi32>
    %lt3A_1988 = arith.constant 9 : i32
    %lt3A_1989 = arith.cmpi slt, %lt3A_1988, %arg1 : i32
    %jit3A_1990 = arith.constant 0 : i32
    %broadcast_in_dim3A_1991 = vector.broadcast %jit3A_1990 : i32 to vector<16xi32>
    %select_n3A_1992 = arith.select %lt3A_1989, %get3A_1986, %broadcast_in_dim3A_1991 : vector<16xi32>
    %add3A_1993 = arith.addi %add3A_1984, %select_n3A_1992 : vector<16xi32>
    %get3A_1994 = arith.constant 160 : index
    %get3A_1995 = tpu.vector_load %arg10[%get3A_1994] {strides = array<i32>} : memref<256xi32, #tpu.memory_space<vmem>>, vector<16xi32>,
    %add3A_1996 = arith.addi %add3A_1987, %get3A_1995 : vector<16xi32>
    %lt3A_1997 = arith.constant 10 : i32
    %lt3A_1998 = arith.cmpi slt, %lt3A_1997, %arg1 : i32
    %jit3A_1999 = arith.constant 0 : i32
    %broadcast_in_dim3A_2000 = vector.broadcast %jit3A_1999 : i32 to vector<16xi32>
    %select_n3A_2001 = arith.select %lt3A_1998, %get3A_1995, %broadcast_in_dim3A_2000 : vector<16xi32>
    %add3A_2002 = arith.addi %add3A_1993, %select_n3A_2001 : vector<16xi32>
    %get3A_2003 = arith.constant 176 : index
    %get3A_2004 = tpu.vector_load %arg10[%get3A_2003] {strides = array<i32>} : memref<256xi32, #tpu.memory_space<vmem>>, vector<16xi32>,
    %add3A_2005 = arith.addi %add3A_1996, %get3A_2004 : vector<16xi32>
    %lt3A_2006 = arith.constant 11 : i32
    %lt3A_2007 = arith.cmpi slt, %lt3A_2006, %arg1 : i32
    %jit3A_2008 = arith.constant 0 : i32
    %broadcast_in_dim3A_2009 = vector.broadcast %jit3A_2008 : i32 to vector<16xi32>
    %select_n3A_2010 = arith.select %lt3A_2007, %get3A_2004, %broadcast_in_dim3A_2009 : vector<16xi32>
    %add3A_2011 = arith.addi %add3A_2002, %select_n3A_2010 : vector<16xi32>
    %get3A_2012 = arith.constant 192 : index
    %get3A_2013 = tpu.vector_load %arg10[%get3A_2012] {strides = array<i32>} : memref<256xi32, #tpu.memory_space<vmem>>, vector<16xi32>,
    %add3A_2014 = arith.addi %add3A_2005, %get3A_2013 : vector<16xi32>
    %lt3A_2015 = arith.constant 12 : i32
    %lt3A_2016 = arith.cmpi slt, %lt3A_2015, %arg1 : i32
    %jit3A_2017 = arith.constant 0 : i32
    %broadcast_in_dim3A_2018 = vector.broadcast %jit3A_2017 : i32 to vector<16xi32>
    %select_n3A_2019 = arith.select %lt3A_2016, %get3A_2013, %broadcast_in_dim3A_2018 : vector<16xi32>
    %add3A_2020 = arith.addi %add3A_2011, %select_n3A_2019 : vector<16xi32>
    %get3A_2021 = arith.constant 208 : index
    %get3A_2022 = tpu.vector_load %arg10[%get3A_2021] {strides = array<i32>} : memref<256xi32, #tpu.memory_space<vmem>>, vector<16xi32>,
    %add3A_2023 = arith.addi %add3A_2014, %get3A_2022 : vector<16xi32>
    %lt3A_2024 = arith.constant 13 : i32
    %lt3A_2025 = arith.cmpi slt, %lt3A_2024, %arg1 : i32
    %jit3A_2026 = arith.constant 0 : i32
    %broadcast_in_dim3A_2027 = vector.broadcast %jit3A_2026 : i32 to vector<16xi32>
    %select_n3A_2028 = arith.select %lt3A_2025, %get3A_2022, %broadcast_in_dim3A_2027 : vector<16xi32>
    %add3A_2029 = arith.addi %add3A_2020, %select_n3A_2028 : vector<16xi32>
    %get3A_2030 = arith.constant 224 : index
    %get3A_2031 = tpu.vector_load %arg10[%get3A_2030] {strides = array<i32>} : memref<256xi32, #tpu.memory_space<vmem>>, vector<16xi32>,
    %add3A_2032 = arith.addi %add3A_2023, %get3A_2031 : vector<16xi32>
    %lt3A_2033 = arith.constant 14 : i32
    %lt3A_2034 = arith.cmpi slt, %lt3A_2033, %arg1 : i32
    %jit3A_2035 = arith.constant 0 : i32
    %broadcast_in_dim3A_2036 = vector.broadcast %jit3A_2035 : i32 to vector<16xi32>
    %select_n3A_2037 = arith.select %lt3A_2034, %get3A_2031, %broadcast_in_dim3A_2036 : vector<16xi32>
    %add3A_2038 = arith.addi %add3A_2029, %select_n3A_2037 : vector<16xi32>
    %get3A_2039 = arith.constant 240 : index
    %get3A_2040 = tpu.vector_load %arg10[%get3A_2039] {strides = array<i32>} : memref<256xi32, #tpu.memory_space<vmem>>, vector<16xi32>,
    %add3A_2041 = arith.addi %add3A_2032, %get3A_2040 : vector<16xi32>
    %lt3A_2042 = arith.constant 15 : i32
    %lt3A_2043 = arith.cmpi slt, %lt3A_2042, %arg1 : i32
    %jit3A_2044 = arith.constant 0 : i32
    %broadcast_in_dim3A_2045 = vector.broadcast %jit3A_2044 : i32 to vector<16xi32>
    %select_n3A_2046 = arith.select %lt3A_2043, %get3A_2040, %broadcast_in_dim3A_2045 : vector<16xi32>
    %add3A_2047 = arith.addi %add3A_2038, %select_n3A_2046 : vector<16xi32>
    %eq3A_2048 = arith.constant 1 : i32
    %eq3A_2049 = arith.cmpi eq, %arg0, %eq3A_2048 : i32
    %jit3A_2050 = arith.constant 0 : i32
    %broadcast_in_dim3A_2051 = vector.broadcast %jit3A_2050 : i32 to vector<16xi32>
    %select_n3A_2052 = arith.select %eq3A_2049, %add3A_1176, %broadcast_in_dim3A_2051 : vector<16xi32>
    %add3A_2053 = arith.addi %add3A_2047, %select_n3A_2052 : vector<16xi32>
    %slice3A = vector.extract_strided_slice %add3A_2041 {offsets = [0], sizes = [1], strides = [1]} : vector<16xi32> to vector<1xi32>
    %squeeze3A = vector.extract %slice3A[0] : i32 from vector<1xi32>
    %slice3A_2054 = vector.extract_strided_slice %add3A_2041 {offsets = [1], sizes = [1], strides = [1]} : vector<16xi32> to vector<1xi32>
    %squeeze3A_2055 = vector.extract %slice3A_2054[0] : i32 from vector<1xi32>
    %slice3A_2056 = vector.extract_strided_slice %add3A_2041 {offsets = [2], sizes = [1], strides = [1]} : vector<16xi32> to vector<1xi32>
    %squeeze3A_2057 = vector.extract %slice3A_2056[0] : i32 from vector<1xi32>
    %slice3A_2058 = vector.extract_strided_slice %add3A_2041 {offsets = [3], sizes = [1], strides = [1]} : vector<16xi32> to vector<1xi32>
    %squeeze3A_2059 = vector.extract %slice3A_2058[0] : i32 from vector<1xi32>
    %slice3A_2060 = vector.extract_strided_slice %add3A_2041 {offsets = [4], sizes = [1], strides = [1]} : vector<16xi32> to vector<1xi32>
    %squeeze3A_2061 = vector.extract %slice3A_2060[0] : i32 from vector<1xi32>
    %slice3A_2062 = vector.extract_strided_slice %add3A_2041 {offsets = [5], sizes = [1], strides = [1]} : vector<16xi32> to vector<1xi32>
    %squeeze3A_2063 = vector.extract %slice3A_2062[0] : i32 from vector<1xi32>
    %slice3A_2064 = vector.extract_strided_slice %add3A_2041 {offsets = [6], sizes = [1], strides = [1]} : vector<16xi32> to vector<1xi32>
    %squeeze3A_2065 = vector.extract %slice3A_2064[0] : i32 from vector<1xi32>
    %slice3A_2066 = vector.extract_strided_slice %add3A_2041 {offsets = [7], sizes = [1], strides = [1]} : vector<16xi32> to vector<1xi32>
    %squeeze3A_2067 = vector.extract %slice3A_2066[0] : i32 from vector<1xi32>
    %add3A_2068 = arith.constant 511 : i32
    %add3A_2069 = arith.addi %squeeze3A, %add3A_2068 : i32
    %jit3A_2070 = arith.constant 512 : i32
    %div3A = arith.divsi %add3A_2069, %jit3A_2070 : i32
    %sign3A = arith.constant 0 : i32
    %sign3A_2071 = arith.cmpi sgt, %add3A_2069, %sign3A : i32
    %sign3A_2072 = arith.extui %sign3A_2071 : i1 to i32
    %sign3A_2073 = arith.constant 0 : i32
    %sign3A_2074 = arith.cmpi slt, %add3A_2069, %sign3A_2073 : i32
    %sign3A_2075 = arith.extui %sign3A_2074 : i1 to i32
    %sign3A_2076 = arith.subi %sign3A_2072, %sign3A_2075 : i32
    %sign3A_2077 = arith.constant 0 : i32
    %sign3A_2078 = arith.cmpi sgt, %jit3A_2070, %sign3A_2077 : i32
    %sign3A_2079 = arith.extui %sign3A_2078 : i1 to i32
    %sign3A_2080 = arith.constant 0 : i32
    %sign3A_2081 = arith.cmpi slt, %jit3A_2070, %sign3A_2080 : i32
    %sign3A_2082 = arith.extui %sign3A_2081 : i1 to i32
    %sign3A_2083 = arith.subi %sign3A_2079, %sign3A_2082 : i32
    %ne3A = arith.cmpi ne, %sign3A_2076, %sign3A_2083 : i32
    %rem3A = arith.remsi %add3A_2069, %jit3A_2070 : i32
    %ne3A_2084 = arith.constant 0 : i32
    %ne3A_2085 = arith.cmpi ne, %rem3A, %ne3A_2084 : i32
    %and3A = arith.andi %ne3A, %ne3A_2085 : i1
    %sub3A = arith.constant 1 : i32
    %sub3A_2086 = arith.subi %div3A, %sub3A : i32
    %select_n3A_2087 = arith.select %and3A, %sub3A_2086, %div3A : i32
    %add3A_2088 = arith.constant 511 : i32
    %add3A_2089 = arith.addi %squeeze3A_2055, %add3A_2088 : i32
    %jit3A_2090 = arith.constant 512 : i32
    %div3A_2091 = arith.divsi %add3A_2089, %jit3A_2090 : i32
    %sign3A_2092 = arith.constant 0 : i32
    %sign3A_2093 = arith.cmpi sgt, %add3A_2089, %sign3A_2092 : i32
    %sign3A_2094 = arith.extui %sign3A_2093 : i1 to i32
    %sign3A_2095 = arith.constant 0 : i32
    %sign3A_2096 = arith.cmpi slt, %add3A_2089, %sign3A_2095 : i32
    %sign3A_2097 = arith.extui %sign3A_2096 : i1 to i32
    %sign3A_2098 = arith.subi %sign3A_2094, %sign3A_2097 : i32
    %sign3A_2099 = arith.constant 0 : i32
    %sign3A_2100 = arith.cmpi sgt, %jit3A_2090, %sign3A_2099 : i32
    %sign3A_2101 = arith.extui %sign3A_2100 : i1 to i32
    %sign3A_2102 = arith.constant 0 : i32
    %sign3A_2103 = arith.cmpi slt, %jit3A_2090, %sign3A_2102 : i32
    %sign3A_2104 = arith.extui %sign3A_2103 : i1 to i32
    %sign3A_2105 = arith.subi %sign3A_2101, %sign3A_2104 : i32
    %ne3A_2106 = arith.cmpi ne, %sign3A_2098, %sign3A_2105 : i32
    %rem3A_2107 = arith.remsi %add3A_2089, %jit3A_2090 : i32
    %ne3A_2108 = arith.constant 0 : i32
    %ne3A_2109 = arith.cmpi ne, %rem3A_2107, %ne3A_2108 : i32
    %and3A_2110 = arith.andi %ne3A_2106, %ne3A_2109 : i1
    %sub3A_2111 = arith.constant 1 : i32
    %sub3A_2112 = arith.subi %div3A_2091, %sub3A_2111 : i32
    %select_n3A_2113 = arith.select %and3A_2110, %sub3A_2112, %div3A_2091 : i32
    %add3A_2114 = arith.constant 511 : i32
    %add3A_2115 = arith.addi %squeeze3A_2057, %add3A_2114 : i32
    %jit3A_2116 = arith.constant 512 : i32
    %div3A_2117 = arith.divsi %add3A_2115, %jit3A_2116 : i32
    %sign3A_2118 = arith.constant 0 : i32
    %sign3A_2119 = arith.cmpi sgt, %add3A_2115, %sign3A_2118 : i32
    %sign3A_2120 = arith.extui %sign3A_2119 : i1 to i32
    %sign3A_2121 = arith.constant 0 : i32
    %sign3A_2122 = arith.cmpi slt, %add3A_2115, %sign3A_2121 : i32
    %sign3A_2123 = arith.extui %sign3A_2122 : i1 to i32
    %sign3A_2124 = arith.subi %sign3A_2120, %sign3A_2123 : i32
    %sign3A_2125 = arith.constant 0 : i32
    %sign3A_2126 = arith.cmpi sgt, %jit3A_2116, %sign3A_2125 : i32
    %sign3A_2127 = arith.extui %sign3A_2126 : i1 to i32
    %sign3A_2128 = arith.constant 0 : i32
    %sign3A_2129 = arith.cmpi slt, %jit3A_2116, %sign3A_2128 : i32
    %sign3A_2130 = arith.extui %sign3A_2129 : i1 to i32
    %sign3A_2131 = arith.subi %sign3A_2127, %sign3A_2130 : i32
    %ne3A_2132 = arith.cmpi ne, %sign3A_2124, %sign3A_2131 : i32
    %rem3A_2133 = arith.remsi %add3A_2115, %jit3A_2116 : i32
    %ne3A_2134 = arith.constant 0 : i32
    %ne3A_2135 = arith.cmpi ne, %rem3A_2133, %ne3A_2134 : i32
    %and3A_2136 = arith.andi %ne3A_2132, %ne3A_2135 : i1
    %sub3A_2137 = arith.constant 1 : i32
    %sub3A_2138 = arith.subi %div3A_2117, %sub3A_2137 : i32
    %select_n3A_2139 = arith.select %and3A_2136, %sub3A_2138, %div3A_2117 : i32
    %add3A_2140 = arith.constant 511 : i32
    %add3A_2141 = arith.addi %squeeze3A_2059, %add3A_2140 : i32
    %jit3A_2142 = arith.constant 512 : i32
    %div3A_2143 = arith.divsi %add3A_2141, %jit3A_2142 : i32
    %sign3A_2144 = arith.constant 0 : i32
    %sign3A_2145 = arith.cmpi sgt, %add3A_2141, %sign3A_2144 : i32
    %sign3A_2146 = arith.extui %sign3A_2145 : i1 to i32
    %sign3A_2147 = arith.constant 0 : i32
    %sign3A_2148 = arith.cmpi slt, %add3A_2141, %sign3A_2147 : i32
    %sign3A_2149 = arith.extui %sign3A_2148 : i1 to i32
    %sign3A_2150 = arith.subi %sign3A_2146, %sign3A_2149 : i32
    %sign3A_2151 = arith.constant 0 : i32
    %sign3A_2152 = arith.cmpi sgt, %jit3A_2142, %sign3A_2151 : i32
    %sign3A_2153 = arith.extui %sign3A_2152 : i1 to i32
    %sign3A_2154 = arith.constant 0 : i32
    %sign3A_2155 = arith.cmpi slt, %jit3A_2142, %sign3A_2154 : i32
    %sign3A_2156 = arith.extui %sign3A_2155 : i1 to i32
    %sign3A_2157 = arith.subi %sign3A_2153, %sign3A_2156 : i32
    %ne3A_2158 = arith.cmpi ne, %sign3A_2150, %sign3A_2157 : i32
    %rem3A_2159 = arith.remsi %add3A_2141, %jit3A_2142 : i32
    %ne3A_2160 = arith.constant 0 : i32
    %ne3A_2161 = arith.cmpi ne, %rem3A_2159, %ne3A_2160 : i32
    %and3A_2162 = arith.andi %ne3A_2158, %ne3A_2161 : i1
    %sub3A_2163 = arith.constant 1 : i32
    %sub3A_2164 = arith.subi %div3A_2143, %sub3A_2163 : i32
    %select_n3A_2165 = arith.select %and3A_2162, %sub3A_2164, %div3A_2143 : i32
    %add3A_2166 = arith.constant 511 : i32
    %add3A_2167 = arith.addi %squeeze3A_2061, %add3A_2166 : i32
    %jit3A_2168 = arith.constant 512 : i32
    %div3A_2169 = arith.divsi %add3A_2167, %jit3A_2168 : i32
    %sign3A_2170 = arith.constant 0 : i32
    %sign3A_2171 = arith.cmpi sgt, %add3A_2167, %sign3A_2170 : i32
    %sign3A_2172 = arith.extui %sign3A_2171 : i1 to i32
    %sign3A_2173 = arith.constant 0 : i32
    %sign3A_2174 = arith.cmpi slt, %add3A_2167, %sign3A_2173 : i32
    %sign3A_2175 = arith.extui %sign3A_2174 : i1 to i32
    %sign3A_2176 = arith.subi %sign3A_2172, %sign3A_2175 : i32
    %sign3A_2177 = arith.constant 0 : i32
    %sign3A_2178 = arith.cmpi sgt, %jit3A_2168, %sign3A_2177 : i32
    %sign3A_2179 = arith.extui %sign3A_2178 : i1 to i32
    %sign3A_2180 = arith.constant 0 : i32
    %sign3A_2181 = arith.cmpi slt, %jit3A_2168, %sign3A_2180 : i32
    %sign3A_2182 = arith.extui %sign3A_2181 : i1 to i32
    %sign3A_2183 = arith.subi %sign3A_2179, %sign3A_2182 : i32
    %ne3A_2184 = arith.cmpi ne, %sign3A_2176, %sign3A_2183 : i32
    %rem3A_2185 = arith.remsi %add3A_2167, %jit3A_2168 : i32
    %ne3A_2186 = arith.constant 0 : i32
    %ne3A_2187 = arith.cmpi ne, %rem3A_2185, %ne3A_2186 : i32
    %and3A_2188 = arith.andi %ne3A_2184, %ne3A_2187 : i1
    %sub3A_2189 = arith.constant 1 : i32
    %sub3A_2190 = arith.subi %div3A_2169, %sub3A_2189 : i32
    %select_n3A_2191 = arith.select %and3A_2188, %sub3A_2190, %div3A_2169 : i32
    %add3A_2192 = arith.constant 511 : i32
    %add3A_2193 = arith.addi %squeeze3A_2063, %add3A_2192 : i32
    %jit3A_2194 = arith.constant 512 : i32
    %div3A_2195 = arith.divsi %add3A_2193, %jit3A_2194 : i32
    %sign3A_2196 = arith.constant 0 : i32
    %sign3A_2197 = arith.cmpi sgt, %add3A_2193, %sign3A_2196 : i32
    %sign3A_2198 = arith.extui %sign3A_2197 : i1 to i32
    %sign3A_2199 = arith.constant 0 : i32
    %sign3A_2200 = arith.cmpi slt, %add3A_2193, %sign3A_2199 : i32
    %sign3A_2201 = arith.extui %sign3A_2200 : i1 to i32
    %sign3A_2202 = arith.subi %sign3A_2198, %sign3A_2201 : i32
    %sign3A_2203 = arith.constant 0 : i32
    %sign3A_2204 = arith.cmpi sgt, %jit3A_2194, %sign3A_2203 : i32
    %sign3A_2205 = arith.extui %sign3A_2204 : i1 to i32
    %sign3A_2206 = arith.constant 0 : i32
    %sign3A_2207 = arith.cmpi slt, %jit3A_2194, %sign3A_2206 : i32
    %sign3A_2208 = arith.extui %sign3A_2207 : i1 to i32
    %sign3A_2209 = arith.subi %sign3A_2205, %sign3A_2208 : i32
    %ne3A_2210 = arith.cmpi ne, %sign3A_2202, %sign3A_2209 : i32
    %rem3A_2211 = arith.remsi %add3A_2193, %jit3A_2194 : i32
    %ne3A_2212 = arith.constant 0 : i32
    %ne3A_2213 = arith.cmpi ne, %rem3A_2211, %ne3A_2212 : i32
    %and3A_2214 = arith.andi %ne3A_2210, %ne3A_2213 : i1
    %sub3A_2215 = arith.constant 1 : i32
    %sub3A_2216 = arith.subi %div3A_2195, %sub3A_2215 : i32
    %select_n3A_2217 = arith.select %and3A_2214, %sub3A_2216, %div3A_2195 : i32
    %add3A_2218 = arith.constant 511 : i32
    %add3A_2219 = arith.addi %squeeze3A_2065, %add3A_2218 : i32
    %jit3A_2220 = arith.constant 512 : i32
    %div3A_2221 = arith.divsi %add3A_2219, %jit3A_2220 : i32
    %sign3A_2222 = arith.constant 0 : i32
    %sign3A_2223 = arith.cmpi sgt, %add3A_2219, %sign3A_2222 : i32
    %sign3A_2224 = arith.extui %sign3A_2223 : i1 to i32
    %sign3A_2225 = arith.constant 0 : i32
    %sign3A_2226 = arith.cmpi slt, %add3A_2219, %sign3A_2225 : i32
    %sign3A_2227 = arith.extui %sign3A_2226 : i1 to i32
    %sign3A_2228 = arith.subi %sign3A_2224, %sign3A_2227 : i32
    %sign3A_2229 = arith.constant 0 : i32
    %sign3A_2230 = arith.cmpi sgt, %jit3A_2220, %sign3A_2229 : i32
    %sign3A_2231 = arith.extui %sign3A_2230 : i1 to i32
    %sign3A_2232 = arith.constant 0 : i32
    %sign3A_2233 = arith.cmpi slt, %jit3A_2220, %sign3A_2232 : i32
    %sign3A_2234 = arith.extui %sign3A_2233 : i1 to i32
    %sign3A_2235 = arith.subi %sign3A_2231, %sign3A_2234 : i32
    %ne3A_2236 = arith.cmpi ne, %sign3A_2228, %sign3A_2235 : i32
    %rem3A_2237 = arith.remsi %add3A_2219, %jit3A_2220 : i32
    %ne3A_2238 = arith.constant 0 : i32
    %ne3A_2239 = arith.cmpi ne, %rem3A_2237, %ne3A_2238 : i32
    %and3A_2240 = arith.andi %ne3A_2236, %ne3A_2239 : i1
    %sub3A_2241 = arith.constant 1 : i32
    %sub3A_2242 = arith.subi %div3A_2221, %sub3A_2241 : i32
    %select_n3A_2243 = arith.select %and3A_2240, %sub3A_2242, %div3A_2221 : i32
    %add3A_2244 = arith.constant 511 : i32
    %add3A_2245 = arith.addi %squeeze3A_2067, %add3A_2244 : i32
    %jit3A_2246 = arith.constant 512 : i32
    %div3A_2247 = arith.divsi %add3A_2245, %jit3A_2246 : i32
    %sign3A_2248 = arith.constant 0 : i32
    %sign3A_2249 = arith.cmpi sgt, %add3A_2245, %sign3A_2248 : i32
    %sign3A_2250 = arith.extui %sign3A_2249 : i1 to i32
    %sign3A_2251 = arith.constant 0 : i32
    %sign3A_2252 = arith.cmpi slt, %add3A_2245, %sign3A_2251 : i32
    %sign3A_2253 = arith.extui %sign3A_2252 : i1 to i32
    %sign3A_2254 = arith.subi %sign3A_2250, %sign3A_2253 : i32
    %sign3A_2255 = arith.constant 0 : i32
    %sign3A_2256 = arith.cmpi sgt, %jit3A_2246, %sign3A_2255 : i32
    %sign3A_2257 = arith.extui %sign3A_2256 : i1 to i32
    %sign3A_2258 = arith.constant 0 : i32
    %sign3A_2259 = arith.cmpi slt, %jit3A_2246, %sign3A_2258 : i32
    %sign3A_2260 = arith.extui %sign3A_2259 : i1 to i32
    %sign3A_2261 = arith.subi %sign3A_2257, %sign3A_2260 : i32
    %ne3A_2262 = arith.cmpi ne, %sign3A_2254, %sign3A_2261 : i32
    %rem3A_2263 = arith.remsi %add3A_2245, %jit3A_2246 : i32
    %ne3A_2264 = arith.constant 0 : i32
    %ne3A_2265 = arith.cmpi ne, %rem3A_2263, %ne3A_2264 : i32
    %and3A_2266 = arith.andi %ne3A_2262, %ne3A_2265 : i1
    %sub3A_2267 = arith.constant 1 : i32
    %sub3A_2268 = arith.subi %div3A_2247, %sub3A_2267 : i32
    %select_n3A_2269 = arith.select %and3A_2266, %sub3A_2268, %div3A_2247 : i32
    %mul3A_2270 = arith.constant 512 : i32
    %mul3A_2271 = arith.muli %select_n3A_2087, %mul3A_2270 : i32
    %add3A_2272 = arith.constant 0 : i32
    %add3A_2273 = arith.addi %add3A_2272, %mul3A_2271 : i32
    %mul3A_2274 = arith.constant 512 : i32
    %mul3A_2275 = arith.muli %select_n3A_2113, %mul3A_2274 : i32
    %add3A_2276 = arith.addi %add3A_2273, %mul3A_2275 : i32
    %mul3A_2277 = arith.constant 512 : i32
    %mul3A_2278 = arith.muli %select_n3A_2139, %mul3A_2277 : i32
    %add3A_2279 = arith.addi %add3A_2276, %mul3A_2278 : i32
    %mul3A_2280 = arith.constant 512 : i32
    %mul3A_2281 = arith.muli %select_n3A_2165, %mul3A_2280 : i32
    %add3A_2282 = arith.addi %add3A_2279, %mul3A_2281 : i32
    %mul3A_2283 = arith.constant 512 : i32
    %mul3A_2284 = arith.muli %select_n3A_2191, %mul3A_2283 : i32
    %add3A_2285 = arith.addi %add3A_2282, %mul3A_2284 : i32
    %mul3A_2286 = arith.constant 512 : i32
    %mul3A_2287 = arith.muli %select_n3A_2217, %mul3A_2286 : i32
    %add3A_2288 = arith.addi %add3A_2285, %mul3A_2287 : i32
    %mul3A_2289 = arith.constant 512 : i32
    %mul3A_2290 = arith.muli %select_n3A_2243, %mul3A_2289 : i32
    %add3A_2291 = arith.addi %add3A_2288, %mul3A_2290 : i32
    %mul3A_2292 = arith.constant 512 : i32
    %mul3A_2293 = arith.muli %select_n3A_2269, %mul3A_2292 : i32
    %add3A_2294 = arith.addi %add3A_2291, %mul3A_2293 : i32
    %jit3A_2295 = arith.constant 512 : i32
    %div3A_2296 = arith.divsi %add3A_2294, %jit3A_2295 : i32
    %sign3A_2297 = arith.constant 0 : i32
    %sign3A_2298 = arith.cmpi sgt, %add3A_2294, %sign3A_2297 : i32
    %sign3A_2299 = arith.extui %sign3A_2298 : i1 to i32
    %sign3A_2300 = arith.constant 0 : i32
    %sign3A_2301 = arith.cmpi slt, %add3A_2294, %sign3A_2300 : i32
    %sign3A_2302 = arith.extui %sign3A_2301 : i1 to i32
    %sign3A_2303 = arith.subi %sign3A_2299, %sign3A_2302 : i32
    %sign3A_2304 = arith.constant 0 : i32
    %sign3A_2305 = arith.cmpi sgt, %jit3A_2295, %sign3A_2304 : i32
    %sign3A_2306 = arith.extui %sign3A_2305 : i1 to i32
    %sign3A_2307 = arith.constant 0 : i32
    %sign3A_2308 = arith.cmpi slt, %jit3A_2295, %sign3A_2307 : i32
    %sign3A_2309 = arith.extui %sign3A_2308 : i1 to i32
    %sign3A_2310 = arith.subi %sign3A_2306, %sign3A_2309 : i32
    %ne3A_2311 = arith.cmpi ne, %sign3A_2303, %sign3A_2310 : i32
    %rem3A_2312 = arith.remsi %add3A_2294, %jit3A_2295 : i32
    %ne3A_2313 = arith.constant 0 : i32
    %ne3A_2314 = arith.cmpi ne, %rem3A_2312, %ne3A_2313 : i32
    %and3A_2315 = arith.andi %ne3A_2311, %ne3A_2314 : i1
    %sub3A_2316 = arith.constant 1 : i32
    %sub3A_2317 = arith.subi %div3A_2296, %sub3A_2316 : i32
    %select_n3A_2318 = arith.select %and3A_2315, %sub3A_2317, %div3A_2296 : i32
    %broadcast_in_dim3A_2319 = arith.constant 0 : i32
    %broadcast_in_dim3A_2320 = vector.broadcast %broadcast_in_dim3A_2319 : i32 to vector<16xi32>
    %eq3A_2321 = arith.constant 0 : i32
    %eq3A_2322 = vector.broadcast %eq3A_2321 : i32 to vector<16xi32>
    %eq3A_2323 = arith.cmpi eq, %iota3A, %eq3A_2322 : vector<16xi32>
    %jit3A_2324 = arith.constant 0 : i32
    %jit3A_2325 = arith.constant 0 : i32
    %broadcast_in_dim3A_2326 = vector.broadcast %jit3A_2324 : i32 to vector<16xi32>
    %broadcast_in_dim3A_2327 = vector.broadcast %jit3A_2325 : i32 to vector<16xi32>
    %select_n3A_2328 = arith.select %eq3A_2323, %broadcast_in_dim3A_2326, %broadcast_in_dim3A_2327 : vector<16xi1>, vector<16xi32>
    %add3A_2329 = arith.addi %broadcast_in_dim3A_2320, %select_n3A_2328 : vector<16xi32>
    %eq3A_2330 = arith.constant 1 : i32
    %eq3A_2331 = vector.broadcast %eq3A_2330 : i32 to vector<16xi32>
    %eq3A_2332 = arith.cmpi eq, %iota3A, %eq3A_2331 : vector<16xi32>
    %jit3A_2333 = arith.constant 0 : i32
    %broadcast_in_dim3A_2334 = vector.broadcast %add3A_2273 : i32 to vector<16xi32>
    %broadcast_in_dim3A_2335 = vector.broadcast %jit3A_2333 : i32 to vector<16xi32>
    %select_n3A_2336 = arith.select %eq3A_2332, %broadcast_in_dim3A_2334, %broadcast_in_dim3A_2335 : vector<16xi1>, vector<16xi32>
    %add3A_2337 = arith.addi %add3A_2329, %select_n3A_2336 : vector<16xi32>
    %eq3A_2338 = arith.constant 2 : i32
    %eq3A_2339 = vector.broadcast %eq3A_2338 : i32 to vector<16xi32>
    %eq3A_2340 = arith.cmpi eq, %iota3A, %eq3A_2339 : vector<16xi32>
    %jit3A_2341 = arith.constant 0 : i32
    %broadcast_in_dim3A_2342 = vector.broadcast %add3A_2276 : i32 to vector<16xi32>
    %broadcast_in_dim3A_2343 = vector.broadcast %jit3A_2341 : i32 to vector<16xi32>
    %select_n3A_2344 = arith.select %eq3A_2340, %broadcast_in_dim3A_2342, %broadcast_in_dim3A_2343 : vector<16xi1>, vector<16xi32>
    %add3A_2345 = arith.addi %add3A_2337, %select_n3A_2344 : vector<16xi32>
    %eq3A_2346 = arith.constant 3 : i32
    %eq3A_2347 = vector.broadcast %eq3A_2346 : i32 to vector<16xi32>
    %eq3A_2348 = arith.cmpi eq, %iota3A, %eq3A_2347 : vector<16xi32>
    %jit3A_2349 = arith.constant 0 : i32
    %broadcast_in_dim3A_2350 = vector.broadcast %add3A_2279 : i32 to vector<16xi32>
    %broadcast_in_dim3A_2351 = vector.broadcast %jit3A_2349 : i32 to vector<16xi32>
    %select_n3A_2352 = arith.select %eq3A_2348, %broadcast_in_dim3A_2350, %broadcast_in_dim3A_2351 : vector<16xi1>, vector<16xi32>
    %add3A_2353 = arith.addi %add3A_2345, %select_n3A_2352 : vector<16xi32>
    %eq3A_2354 = arith.constant 4 : i32
    %eq3A_2355 = vector.broadcast %eq3A_2354 : i32 to vector<16xi32>
    %eq3A_2356 = arith.cmpi eq, %iota3A, %eq3A_2355 : vector<16xi32>
    %jit3A_2357 = arith.constant 0 : i32
    %broadcast_in_dim3A_2358 = vector.broadcast %add3A_2282 : i32 to vector<16xi32>
    %broadcast_in_dim3A_2359 = vector.broadcast %jit3A_2357 : i32 to vector<16xi32>
    %select_n3A_2360 = arith.select %eq3A_2356, %broadcast_in_dim3A_2358, %broadcast_in_dim3A_2359 : vector<16xi1>, vector<16xi32>
    %add3A_2361 = arith.addi %add3A_2353, %select_n3A_2360 : vector<16xi32>
    %eq3A_2362 = arith.constant 5 : i32
    %eq3A_2363 = vector.broadcast %eq3A_2362 : i32 to vector<16xi32>
    %eq3A_2364 = arith.cmpi eq, %iota3A, %eq3A_2363 : vector<16xi32>
    %jit3A_2365 = arith.constant 0 : i32
    %broadcast_in_dim3A_2366 = vector.broadcast %add3A_2285 : i32 to vector<16xi32>
    %broadcast_in_dim3A_2367 = vector.broadcast %jit3A_2365 : i32 to vector<16xi32>
    %select_n3A_2368 = arith.select %eq3A_2364, %broadcast_in_dim3A_2366, %broadcast_in_dim3A_2367 : vector<16xi1>, vector<16xi32>
    %add3A_2369 = arith.addi %add3A_2361, %select_n3A_2368 : vector<16xi32>
    %eq3A_2370 = arith.constant 6 : i32
    %eq3A_2371 = vector.broadcast %eq3A_2370 : i32 to vector<16xi32>
    %eq3A_2372 = arith.cmpi eq, %iota3A, %eq3A_2371 : vector<16xi32>
    %jit3A_2373 = arith.constant 0 : i32
    %broadcast_in_dim3A_2374 = vector.broadcast %add3A_2288 : i32 to vector<16xi32>
    %broadcast_in_dim3A_2375 = vector.broadcast %jit3A_2373 : i32 to vector<16xi32>
    %select_n3A_2376 = arith.select %eq3A_2372, %broadcast_in_dim3A_2374, %broadcast_in_dim3A_2375 : vector<16xi1>, vector<16xi32>
    %add3A_2377 = arith.addi %add3A_2369, %select_n3A_2376 : vector<16xi32>
    %eq3A_2378 = arith.constant 7 : i32
    %eq3A_2379 = vector.broadcast %eq3A_2378 : i32 to vector<16xi32>
    %eq3A_2380 = arith.cmpi eq, %iota3A, %eq3A_2379 : vector<16xi32>
    %jit3A_2381 = arith.constant 0 : i32
    %broadcast_in_dim3A_2382 = vector.broadcast %add3A_2291 : i32 to vector<16xi32>
    %broadcast_in_dim3A_2383 = vector.broadcast %jit3A_2381 : i32 to vector<16xi32>
    %select_n3A_2384 = arith.select %eq3A_2380, %broadcast_in_dim3A_2382, %broadcast_in_dim3A_2383 : vector<16xi1>, vector<16xi32>
    %add3A_2385 = arith.addi %add3A_2377, %select_n3A_2384 : vector<16xi32>
    %add3A_2386 = arith.addi %add3A_2385, %add3A_2053 : vector<16xi32>
    %slice3A_2387 = vector.extract_strided_slice %add3A_2386 {offsets = [0], sizes = [1], strides = [1]} : vector<16xi32> to vector<1xi32>
    %squeeze3A_2388 = vector.extract %slice3A_2387[0] : i32 from vector<1xi32>
    %slice3A_2389 = vector.extract_strided_slice %add3A_2386 {offsets = [1], sizes = [1], strides = [1]} : vector<16xi32> to vector<1xi32>
    %squeeze3A_2390 = vector.extract %slice3A_2389[0] : i32 from vector<1xi32>
    %slice3A_2391 = vector.extract_strided_slice %add3A_2386 {offsets = [2], sizes = [1], strides = [1]} : vector<16xi32> to vector<1xi32>
    %squeeze3A_2392 = vector.extract %slice3A_2391[0] : i32 from vector<1xi32>
    %slice3A_2393 = vector.extract_strided_slice %add3A_2386 {offsets = [3], sizes = [1], strides = [1]} : vector<16xi32> to vector<1xi32>
    %squeeze3A_2394 = vector.extract %slice3A_2393[0] : i32 from vector<1xi32>
    %slice3A_2395 = vector.extract_strided_slice %add3A_2386 {offsets = [4], sizes = [1], strides = [1]} : vector<16xi32> to vector<1xi32>
    %squeeze3A_2396 = vector.extract %slice3A_2395[0] : i32 from vector<1xi32>
    %slice3A_2397 = vector.extract_strided_slice %add3A_2386 {offsets = [5], sizes = [1], strides = [1]} : vector<16xi32> to vector<1xi32>
    %squeeze3A_2398 = vector.extract %slice3A_2397[0] : i32 from vector<1xi32>
    %slice3A_2399 = vector.extract_strided_slice %add3A_2386 {offsets = [6], sizes = [1], strides = [1]} : vector<16xi32> to vector<1xi32>
    %squeeze3A_2400 = vector.extract %slice3A_2399[0] : i32 from vector<1xi32>
    %slice3A_2401 = vector.extract_strided_slice %add3A_2386 {offsets = [7], sizes = [1], strides = [1]} : vector<16xi32> to vector<1xi32>
    %squeeze3A_2402 = vector.extract %slice3A_2401[0] : i32 from vector<1xi32>
    %eq3A_2403 = arith.constant 0 : i32
    %eq3A_2404 = arith.cmpi eq, %arg0, %eq3A_2403 : i32
    %select_n3A_2405 = arith.select %eq3A_2404, %get3A_14, %get3A_1178 : vector<16xi32>
    %mul3A_2406 = arith.constant 256 : i32
    %mul3A_2407 = arith.muli %arg1, %mul3A_2406 : i32
    %mul3A_2408 = arith.constant 256 : i32
    %mul3A_2409 = arith.muli %arg0, %mul3A_2408 : i32
    %jit3A_2410 = arith.constant 2 : i32
    %div3A_2411 = arith.divsi %mul3A_2409, %jit3A_2410 : i32
    %sign3A_2412 = arith.constant 0 : i32
    %sign3A_2413 = arith.cmpi sgt, %mul3A_2409, %sign3A_2412 : i32
    %sign3A_2414 = arith.extui %sign3A_2413 : i1 to i32
    %sign3A_2415 = arith.constant 0 : i32
    %sign3A_2416 = arith.cmpi slt, %mul3A_2409, %sign3A_2415 : i32
    %sign3A_2417 = arith.extui %sign3A_2416 : i1 to i32
    %sign3A_2418 = arith.subi %sign3A_2414, %sign3A_2417 : i32
    %sign3A_2419 = arith.constant 0 : i32
    %sign3A_2420 = arith.cmpi sgt, %jit3A_2410, %sign3A_2419 : i32
    %sign3A_2421 = arith.extui %sign3A_2420 : i1 to i32
    %sign3A_2422 = arith.constant 0 : i32
    %sign3A_2423 = arith.cmpi slt, %jit3A_2410, %sign3A_2422 : i32
    %sign3A_2424 = arith.extui %sign3A_2423 : i1 to i32
    %sign3A_2425 = arith.subi %sign3A_2421, %sign3A_2424 : i32
    %ne3A_2426 = arith.cmpi ne, %sign3A_2418, %sign3A_2425 : i32
    %rem3A_2427 = arith.remsi %mul3A_2409, %jit3A_2410 : i32
    %ne3A_2428 = arith.constant 0 : i32
    %ne3A_2429 = arith.cmpi ne, %rem3A_2427, %ne3A_2428 : i32
    %and3A_2430 = arith.andi %ne3A_2426, %ne3A_2429 : i1
    %sub3A_2431 = arith.constant 1 : i32
    %sub3A_2432 = arith.subi %div3A_2411, %sub3A_2431 : i32
    %select_n3A_2433 = arith.select %and3A_2430, %sub3A_2432, %div3A_2411 : i32
    %add3A_2434 = arith.addi %mul3A_2407, %select_n3A_2433 : i32
    %add3A_2435 = arith.constant 0 : i32
    %add3A_2436 = arith.addi %add3A_2434, %add3A_2435 : i32
    %add3A_2437 = vector.broadcast %add3A_2436 : i32 to vector<16xi32>
    %add3A_2438 = arith.addi %add3A_2437, %iota3A : vector<16xi32>
    %broadcast_in_dim3A_2439 = arith.constant 0 : i32
    %broadcast_in_dim3A_2440 = vector.broadcast %broadcast_in_dim3A_2439 : i32 to vector<16xi32>
    %eq3A_2441 = arith.constant 0 : i32
    %eq3A_2442 = vector.broadcast %eq3A_2441 : i32 to vector<16xi32>
    %eq3A_2443 = arith.cmpi eq, %select_n3A_2405, %eq3A_2442 : vector<16xi32>
    %convert_element_type3A = arith.extui %eq3A_2443 : vector<16xi1> to vector<16xi32>
    %broadcast_in_dim3A_2444 = arith.constant true
    %broadcast_in_dim3A_2445 = vector.broadcast %broadcast_in_dim3A_2444 : i1 to vector<16xi1>
    %masked_cumsum3A = tpu.scan <sum>, %convert_element_type3A masked %broadcast_in_dim3A_2445 : vector<16xi32>, vector<16xi1> -> vector<16xi32>
    %add3A_2446 = vector.broadcast %squeeze3A_2388 : i32 to vector<16xi32>
    %add3A_2447 = arith.addi %add3A_2446, %masked_cumsum3A : vector<16xi32>
    %sub3A_2448 = arith.constant 1 : i32
    %sub3A_2449 = vector.broadcast %sub3A_2448 : i32 to vector<16xi32>
    %sub3A_2450 = arith.subi %add3A_2447, %sub3A_2449 : vector<16xi32>
    %select_n3A_2451 = arith.select %eq3A_2443, %sub3A_2450, %broadcast_in_dim3A_2440 : vector<16xi1>, vector<16xi32>
    %slice3A_2452 = vector.extract_strided_slice %masked_cumsum3A {offsets = [15], sizes = [1], strides = [1]} : vector<16xi32> to vector<1xi32>
    %squeeze3A_2453 = vector.extract %slice3A_2452[0] : i32 from vector<1xi32>
    %add3A_2454 = arith.addi %squeeze3A_2388, %squeeze3A_2453 : i32
    %eq3A_2455 = arith.constant 1 : i32
    %eq3A_2456 = vector.broadcast %eq3A_2455 : i32 to vector<16xi32>
    %eq3A_2457 = arith.cmpi eq, %select_n3A_2405, %eq3A_2456 : vector<16xi32>
    %convert_element_type3A_2458 = arith.extui %eq3A_2457 : vector<16xi1> to vector<16xi32>
    %broadcast_in_dim3A_2459 = arith.constant true
    %broadcast_in_dim3A_2460 = vector.broadcast %broadcast_in_dim3A_2459 : i1 to vector<16xi1>
    %masked_cumsum3A_2461 = tpu.scan <sum>, %convert_element_type3A_2458 masked %broadcast_in_dim3A_2460 : vector<16xi32>, vector<16xi1> -> vector<16xi32>
    %add3A_2462 = vector.broadcast %squeeze3A_2390 : i32 to vector<16xi32>
    %add3A_2463 = arith.addi %add3A_2462, %masked_cumsum3A_2461 : vector<16xi32>
    %sub3A_2464 = arith.constant 1 : i32
    %sub3A_2465 = vector.broadcast %sub3A_2464 : i32 to vector<16xi32>
    %sub3A_2466 = arith.subi %add3A_2463, %sub3A_2465 : vector<16xi32>
    %select_n3A_2467 = arith.select %eq3A_2457, %sub3A_2466, %select_n3A_2451 : vector<16xi1>, vector<16xi32>
    %slice3A_2468 = vector.extract_strided_slice %masked_cumsum3A_2461 {offsets = [15], sizes = [1], strides = [1]} : vector<16xi32> to vector<1xi32>
    %squeeze3A_2469 = vector.extract %slice3A_2468[0] : i32 from vector<1xi32>
    %add3A_2470 = arith.addi %squeeze3A_2390, %squeeze3A_2469 : i32
    %eq3A_2471 = arith.constant 2 : i32
    %eq3A_2472 = vector.broadcast %eq3A_2471 : i32 to vector<16xi32>
    %eq3A_2473 = arith.cmpi eq, %select_n3A_2405, %eq3A_2472 : vector<16xi32>
    %convert_element_type3A_2474 = arith.extui %eq3A_2473 : vector<16xi1> to vector<16xi32>
    %broadcast_in_dim3A_2475 = arith.constant true
    %broadcast_in_dim3A_2476 = vector.broadcast %broadcast_in_dim3A_2475 : i1 to vector<16xi1>
    %masked_cumsum3A_2477 = tpu.scan <sum>, %convert_element_type3A_2474 masked %broadcast_in_dim3A_2476 : vector<16xi32>, vector<16xi1> -> vector<16xi32>
    %add3A_2478 = vector.broadcast %squeeze3A_2392 : i32 to vector<16xi32>
    %add3A_2479 = arith.addi %add3A_2478, %masked_cumsum3A_2477 : vector<16xi32>
    %sub3A_2480 = arith.constant 1 : i32
    %sub3A_2481 = vector.broadcast %sub3A_2480 : i32 to vector<16xi32>
    %sub3A_2482 = arith.subi %add3A_2479, %sub3A_2481 : vector<16xi32>
    %select_n3A_2483 = arith.select %eq3A_2473, %sub3A_2482, %select_n3A_2467 : vector<16xi1>, vector<16xi32>
    %slice3A_2484 = vector.extract_strided_slice %masked_cumsum3A_2477 {offsets = [15], sizes = [1], strides = [1]} : vector<16xi32> to vector<1xi32>
    %squeeze3A_2485 = vector.extract %slice3A_2484[0] : i32 from vector<1xi32>
    %add3A_2486 = arith.addi %squeeze3A_2392, %squeeze3A_2485 : i32
    %eq3A_2487 = arith.constant 3 : i32
    %eq3A_2488 = vector.broadcast %eq3A_2487 : i32 to vector<16xi32>
    %eq3A_2489 = arith.cmpi eq, %select_n3A_2405, %eq3A_2488 : vector<16xi32>
    %convert_element_type3A_2490 = arith.extui %eq3A_2489 : vector<16xi1> to vector<16xi32>
    %broadcast_in_dim3A_2491 = arith.constant true
    %broadcast_in_dim3A_2492 = vector.broadcast %broadcast_in_dim3A_2491 : i1 to vector<16xi1>
    %masked_cumsum3A_2493 = tpu.scan <sum>, %convert_element_type3A_2490 masked %broadcast_in_dim3A_2492 : vector<16xi32>, vector<16xi1> -> vector<16xi32>
    %add3A_2494 = vector.broadcast %squeeze3A_2394 : i32 to vector<16xi32>
    %add3A_2495 = arith.addi %add3A_2494, %masked_cumsum3A_2493 : vector<16xi32>
    %sub3A_2496 = arith.constant 1 : i32
    %sub3A_2497 = vector.broadcast %sub3A_2496 : i32 to vector<16xi32>
    %sub3A_2498 = arith.subi %add3A_2495, %sub3A_2497 : vector<16xi32>
    %select_n3A_2499 = arith.select %eq3A_2489, %sub3A_2498, %select_n3A_2483 : vector<16xi1>, vector<16xi32>
    %slice3A_2500 = vector.extract_strided_slice %masked_cumsum3A_2493 {offsets = [15], sizes = [1], strides = [1]} : vector<16xi32> to vector<1xi32>
    %squeeze3A_2501 = vector.extract %slice3A_2500[0] : i32 from vector<1xi32>
    %add3A_2502 = arith.addi %squeeze3A_2394, %squeeze3A_2501 : i32
    %eq3A_2503 = arith.constant 4 : i32
    %eq3A_2504 = vector.broadcast %eq3A_2503 : i32 to vector<16xi32>
    %eq3A_2505 = arith.cmpi eq, %select_n3A_2405, %eq3A_2504 : vector<16xi32>
    %convert_element_type3A_2506 = arith.extui %eq3A_2505 : vector<16xi1> to vector<16xi32>
    %broadcast_in_dim3A_2507 = arith.constant true
    %broadcast_in_dim3A_2508 = vector.broadcast %broadcast_in_dim3A_2507 : i1 to vector<16xi1>
    %masked_cumsum3A_2509 = tpu.scan <sum>, %convert_element_type3A_2506 masked %broadcast_in_dim3A_2508 : vector<16xi32>, vector<16xi1> -> vector<16xi32>
    %add3A_2510 = vector.broadcast %squeeze3A_2396 : i32 to vector<16xi32>
    %add3A_2511 = arith.addi %add3A_2510, %masked_cumsum3A_2509 : vector<16xi32>
    %sub3A_2512 = arith.constant 1 : i32
    %sub3A_2513 = vector.broadcast %sub3A_2512 : i32 to vector<16xi32>
    %sub3A_2514 = arith.subi %add3A_2511, %sub3A_2513 : vector<16xi32>
    %select_n3A_2515 = arith.select %eq3A_2505, %sub3A_2514, %select_n3A_2499 : vector<16xi1>, vector<16xi32>
    %slice3A_2516 = vector.extract_strided_slice %masked_cumsum3A_2509 {offsets = [15], sizes = [1], strides = [1]} : vector<16xi32> to vector<1xi32>
    %squeeze3A_2517 = vector.extract %slice3A_2516[0] : i32 from vector<1xi32>
    %add3A_2518 = arith.addi %squeeze3A_2396, %squeeze3A_2517 : i32
    %eq3A_2519 = arith.constant 5 : i32
    %eq3A_2520 = vector.broadcast %eq3A_2519 : i32 to vector<16xi32>
    %eq3A_2521 = arith.cmpi eq, %select_n3A_2405, %eq3A_2520 : vector<16xi32>
    %convert_element_type3A_2522 = arith.extui %eq3A_2521 : vector<16xi1> to vector<16xi32>
    %broadcast_in_dim3A_2523 = arith.constant true
    %broadcast_in_dim3A_2524 = vector.broadcast %broadcast_in_dim3A_2523 : i1 to vector<16xi1>
    %masked_cumsum3A_2525 = tpu.scan <sum>, %convert_element_type3A_2522 masked %broadcast_in_dim3A_2524 : vector<16xi32>, vector<16xi1> -> vector<16xi32>
    %add3A_2526 = vector.broadcast %squeeze3A_2398 : i32 to vector<16xi32>
    %add3A_2527 = arith.addi %add3A_2526, %masked_cumsum3A_2525 : vector<16xi32>
    %sub3A_2528 = arith.constant 1 : i32
    %sub3A_2529 = vector.broadcast %sub3A_2528 : i32 to vector<16xi32>
    %sub3A_2530 = arith.subi %add3A_2527, %sub3A_2529 : vector<16xi32>
    %select_n3A_2531 = arith.select %eq3A_2521, %sub3A_2530, %select_n3A_2515 : vector<16xi1>, vector<16xi32>
    %slice3A_2532 = vector.extract_strided_slice %masked_cumsum3A_2525 {offsets = [15], sizes = [1], strides = [1]} : vector<16xi32> to vector<1xi32>
    %squeeze3A_2533 = vector.extract %slice3A_2532[0] : i32 from vector<1xi32>
    %add3A_2534 = arith.addi %squeeze3A_2398, %squeeze3A_2533 : i32
    %eq3A_2535 = arith.constant 6 : i32
    %eq3A_2536 = vector.broadcast %eq3A_2535 : i32 to vector<16xi32>
    %eq3A_2537 = arith.cmpi eq, %select_n3A_2405, %eq3A_2536 : vector<16xi32>
    %convert_element_type3A_2538 = arith.extui %eq3A_2537 : vector<16xi1> to vector<16xi32>
    %broadcast_in_dim3A_2539 = arith.constant true
    %broadcast_in_dim3A_2540 = vector.broadcast %broadcast_in_dim3A_2539 : i1 to vector<16xi1>
    %masked_cumsum3A_2541 = tpu.scan <sum>, %convert_element_type3A_2538 masked %broadcast_in_dim3A_2540 : vector<16xi32>, vector<16xi1> -> vector<16xi32>
    %add3A_2542 = vector.broadcast %squeeze3A_2400 : i32 to vector<16xi32>
    %add3A_2543 = arith.addi %add3A_2542, %masked_cumsum3A_2541 : vector<16xi32>
    %sub3A_2544 = arith.constant 1 : i32
    %sub3A_2545 = vector.broadcast %sub3A_2544 : i32 to vector<16xi32>
    %sub3A_2546 = arith.subi %add3A_2543, %sub3A_2545 : vector<16xi32>
    %select_n3A_2547 = arith.select %eq3A_2537, %sub3A_2546, %select_n3A_2531 : vector<16xi1>, vector<16xi32>
    %slice3A_2548 = vector.extract_strided_slice %masked_cumsum3A_2541 {offsets = [15], sizes = [1], strides = [1]} : vector<16xi32> to vector<1xi32>
    %squeeze3A_2549 = vector.extract %slice3A_2548[0] : i32 from vector<1xi32>
    %add3A_2550 = arith.addi %squeeze3A_2400, %squeeze3A_2549 : i32
    %eq3A_2551 = arith.constant 7 : i32
    %eq3A_2552 = vector.broadcast %eq3A_2551 : i32 to vector<16xi32>
    %eq3A_2553 = arith.cmpi eq, %select_n3A_2405, %eq3A_2552 : vector<16xi32>
    %convert_element_type3A_2554 = arith.extui %eq3A_2553 : vector<16xi1> to vector<16xi32>
    %broadcast_in_dim3A_2555 = arith.constant true
    %broadcast_in_dim3A_2556 = vector.broadcast %broadcast_in_dim3A_2555 : i1 to vector<16xi1>
    %masked_cumsum3A_2557 = tpu.scan <sum>, %convert_element_type3A_2554 masked %broadcast_in_dim3A_2556 : vector<16xi32>, vector<16xi1> -> vector<16xi32>
    %add3A_2558 = vector.broadcast %squeeze3A_2402 : i32 to vector<16xi32>
    %add3A_2559 = arith.addi %add3A_2558, %masked_cumsum3A_2557 : vector<16xi32>
    %sub3A_2560 = arith.constant 1 : i32
    %sub3A_2561 = vector.broadcast %sub3A_2560 : i32 to vector<16xi32>
    %sub3A_2562 = arith.subi %add3A_2559, %sub3A_2561 : vector<16xi32>
    %select_n3A_2563 = arith.select %eq3A_2553, %sub3A_2562, %select_n3A_2547 : vector<16xi1>, vector<16xi32>
    %slice3A_2564 = vector.extract_strided_slice %masked_cumsum3A_2557 {offsets = [15], sizes = [1], strides = [1]} : vector<16xi32> to vector<1xi32>
    %squeeze3A_2565 = vector.extract %slice3A_2564[0] : i32 from vector<1xi32>
    %add3A_2566 = arith.addi %squeeze3A_2402, %squeeze3A_2565 : i32
    %jit3A_2567 = arith.constant 2 : i32
    %div3A_2568 = vector.broadcast %jit3A_2567 : i32 to vector<16xi32>
    %div3A_2569 = arith.divsi %add3A_2438, %div3A_2568 : vector<16xi32>
    %sign3A_2570 = arith.constant 0 : i32
    %sign3A_2571 = vector.broadcast %sign3A_2570 : i32 to vector<16xi32>
    %sign3A_2572 = arith.cmpi sgt, %add3A_2438, %sign3A_2571 : vector<16xi32>
    %sign3A_2573 = arith.extui %sign3A_2572 : vector<16xi1> to vector<16xi32>
    %sign3A_2574 = arith.constant 0 : i32
    %sign3A_2575 = vector.broadcast %sign3A_2574 : i32 to vector<16xi32>
    %sign3A_2576 = arith.cmpi slt, %add3A_2438, %sign3A_2575 : vector<16xi32>
    %sign3A_2577 = arith.extui %sign3A_2576 : vector<16xi1> to vector<16xi32>
    %sign3A_2578 = arith.subi %sign3A_2573, %sign3A_2577 : vector<16xi32>
    %sign3A_2579 = arith.constant 0 : i32
    %sign3A_2580 = arith.cmpi sgt, %jit3A_2567, %sign3A_2579 : i32
    %sign3A_2581 = arith.extui %sign3A_2580 : i1 to i32
    %sign3A_2582 = arith.constant 0 : i32
    %sign3A_2583 = arith.cmpi slt, %jit3A_2567, %sign3A_2582 : i32
    %sign3A_2584 = arith.extui %sign3A_2583 : i1 to i32
    %sign3A_2585 = arith.subi %sign3A_2581, %sign3A_2584 : i32
    %ne3A_2586 = vector.broadcast %sign3A_2585 : i32 to vector<16xi32>
    %ne3A_2587 = arith.cmpi ne, %sign3A_2578, %ne3A_2586 : vector<16xi32>
    %rem3A_2588 = vector.broadcast %jit3A_2567 : i32 to vector<16xi32>
    %rem3A_2589 = arith.remsi %add3A_2438, %rem3A_2588 : vector<16xi32>
    %ne3A_2590 = arith.constant 0 : i32
    %ne3A_2591 = vector.broadcast %ne3A_2590 : i32 to vector<16xi32>
    %ne3A_2592 = arith.cmpi ne, %rem3A_2589, %ne3A_2591 : vector<16xi32>
    %and3A_2593 = arith.andi %ne3A_2587, %ne3A_2592 : vector<16xi1>
    %sub3A_2594 = arith.constant 1 : i32
    %sub3A_2595 = vector.broadcast %sub3A_2594 : i32 to vector<16xi32>
    %sub3A_2596 = arith.subi %div3A_2569, %sub3A_2595 : vector<16xi32>
    %select_n3A_2597 = arith.select %and3A_2593, %sub3A_2596, %div3A_2569 : vector<16xi1>, vector<16xi32>
    %sub3A_2598 = vector.broadcast %add3A_5 : i32 to vector<16xi32>
    %sub3A_2599 = arith.subi %select_n3A_2597, %sub3A_2598 : vector<16xi32>
    %and3A_2600 = arith.constant 1 : i32
    %and3A_2601 = vector.broadcast %and3A_2600 : i32 to vector<16xi32>
    %and3A_2602 = arith.andi %add3A_2438, %and3A_2601 : vector<16xi32>
    %eq3A_2603 = arith.constant 0 : i32
    %eq3A_2604 = vector.broadcast %eq3A_2603 : i32 to vector<16xi32>
    %eq3A_2605 = arith.cmpi eq, %and3A_2602, %eq3A_2604 : vector<16xi32>
    tpu.vector_store_idx %arg12[%sub3A_2599], %select_n3A_2563 masked %eq3A_2605 : memref<64xi32, #tpu.memory_space<vmem>>[vector<16xi32>], vector<16xi32>, vector<16xi1>
    %not3A = arith.constant dense<true> : vector<16xi1>
    %not3A_2606 = arith.xori %eq3A_2605, %not3A : vector<16xi1>
    tpu.vector_store_idx %arg13[%sub3A_2599], %select_n3A_2563 masked %not3A_2606 : memref<64xi32, #tpu.memory_space<vmem>>[vector<16xi32>], vector<16xi32>, vector<16xi1>
    %eq3A_2607 = arith.constant 0 : i32
    %eq3A_2608 = arith.cmpi eq, %arg0, %eq3A_2607 : i32
    %select_n3A_2609 = arith.select %eq3A_2608, %get3A_156, %get3A_1268 : vector<16xi32>
    %mul3A_2610 = arith.constant 256 : i32
    %mul3A_2611 = arith.muli %arg1, %mul3A_2610 : i32
    %mul3A_2612 = arith.constant 256 : i32
    %mul3A_2613 = arith.muli %arg0, %mul3A_2612 : i32
    %jit3A_2614 = arith.constant 2 : i32
    %div3A_2615 = arith.divsi %mul3A_2613, %jit3A_2614 : i32
    %sign3A_2616 = arith.constant 0 : i32
    %sign3A_2617 = arith.cmpi sgt, %mul3A_2613, %sign3A_2616 : i32
    %sign3A_2618 = arith.extui %sign3A_2617 : i1 to i32
    %sign3A_2619 = arith.constant 0 : i32
    %sign3A_2620 = arith.cmpi slt, %mul3A_2613, %sign3A_2619 : i32
    %sign3A_2621 = arith.extui %sign3A_2620 : i1 to i32
    %sign3A_2622 = arith.subi %sign3A_2618, %sign3A_2621 : i32
    %sign3A_2623 = arith.constant 0 : i32
    %sign3A_2624 = arith.cmpi sgt, %jit3A_2614, %sign3A_2623 : i32
    %sign3A_2625 = arith.extui %sign3A_2624 : i1 to i32
    %sign3A_2626 = arith.constant 0 : i32
    %sign3A_2627 = arith.cmpi slt, %jit3A_2614, %sign3A_2626 : i32
    %sign3A_2628 = arith.extui %sign3A_2627 : i1 to i32
    %sign3A_2629 = arith.subi %sign3A_2625, %sign3A_2628 : i32
    %ne3A_2630 = arith.cmpi ne, %sign3A_2622, %sign3A_2629 : i32
    %rem3A_2631 = arith.remsi %mul3A_2613, %jit3A_2614 : i32
    %ne3A_2632 = arith.constant 0 : i32
    %ne3A_2633 = arith.cmpi ne, %rem3A_2631, %ne3A_2632 : i32
    %and3A_2634 = arith.andi %ne3A_2630, %ne3A_2633 : i1
    %sub3A_2635 = arith.constant 1 : i32
    %sub3A_2636 = arith.subi %div3A_2615, %sub3A_2635 : i32
    %select_n3A_2637 = arith.select %and3A_2634, %sub3A_2636, %div3A_2615 : i32
    %add3A_2638 = arith.addi %mul3A_2611, %select_n3A_2637 : i32
    %add3A_2639 = arith.constant 16 : i32
    %add3A_2640 = arith.addi %add3A_2638, %add3A_2639 : i32
    %add3A_2641 = vector.broadcast %add3A_2640 : i32 to vector<16xi32>
    %add3A_2642 = arith.addi %add3A_2641, %iota3A : vector<16xi32>
    %broadcast_in_dim3A_2643 = arith.constant 0 : i32
    %broadcast_in_dim3A_2644 = vector.broadcast %broadcast_in_dim3A_2643 : i32 to vector<16xi32>
    %eq3A_2645 = arith.constant 0 : i32
    %eq3A_2646 = vector.broadcast %eq3A_2645 : i32 to vector<16xi32>
    %eq3A_2647 = arith.cmpi eq, %select_n3A_2609, %eq3A_2646 : vector<16xi32>
    %convert_element_type3A_2648 = arith.extui %eq3A_2647 : vector<16xi1> to vector<16xi32>
    %broadcast_in_dim3A_2649 = arith.constant true
    %broadcast_in_dim3A_2650 = vector.broadcast %broadcast_in_dim3A_2649 : i1 to vector<16xi1>
    %masked_cumsum3A_2651 = tpu.scan <sum>, %convert_element_type3A_2648 masked %broadcast_in_dim3A_2650 : vector<16xi32>, vector<16xi1> -> vector<16xi32>
    %add3A_2652 = vector.broadcast %add3A_2454 : i32 to vector<16xi32>
    %add3A_2653 = arith.addi %add3A_2652, %masked_cumsum3A_2651 : vector<16xi32>
    %sub3A_2654 = arith.constant 1 : i32
    %sub3A_2655 = vector.broadcast %sub3A_2654 : i32 to vector<16xi32>
    %sub3A_2656 = arith.subi %add3A_2653, %sub3A_2655 : vector<16xi32>
    %select_n3A_2657 = arith.select %eq3A_2647, %sub3A_2656, %broadcast_in_dim3A_2644 : vector<16xi1>, vector<16xi32>
    %slice3A_2658 = vector.extract_strided_slice %masked_cumsum3A_2651 {offsets = [15], sizes = [1], strides = [1]} : vector<16xi32> to vector<1xi32>
    %squeeze3A_2659 = vector.extract %slice3A_2658[0] : i32 from vector<1xi32>
    %add3A_2660 = arith.addi %add3A_2454, %squeeze3A_2659 : i32
    %eq3A_2661 = arith.constant 1 : i32
    %eq3A_2662 = vector.broadcast %eq3A_2661 : i32 to vector<16xi32>
    %eq3A_2663 = arith.cmpi eq, %select_n3A_2609, %eq3A_2662 : vector<16xi32>
    %convert_element_type3A_2664 = arith.extui %eq3A_2663 : vector<16xi1> to vector<16xi32>
    %broadcast_in_dim3A_2665 = arith.constant true
    %broadcast_in_dim3A_2666 = vector.broadcast %broadcast_in_dim3A_2665 : i1 to vector<16xi1>
    %masked_cumsum3A_2667 = tpu.scan <sum>, %convert_element_type3A_2664 masked %broadcast_in_dim3A_2666 : vector<16xi32>, vector<16xi1> -> vector<16xi32>
    %add3A_2668 = vector.broadcast %add3A_2470 : i32 to vector<16xi32>
    %add3A_2669 = arith.addi %add3A_2668, %masked_cumsum3A_2667 : vector<16xi32>
    %sub3A_2670 = arith.constant 1 : i32
    %sub3A_2671 = vector.broadcast %sub3A_2670 : i32 to vector<16xi32>
    %sub3A_2672 = arith.subi %add3A_2669, %sub3A_2671 : vector<16xi32>
    %select_n3A_2673 = arith.select %eq3A_2663, %sub3A_2672, %select_n3A_2657 : vector<16xi1>, vector<16xi32>
    %slice3A_2674 = vector.extract_strided_slice %masked_cumsum3A_2667 {offsets = [15], sizes = [1], strides = [1]} : vector<16xi32> to vector<1xi32>
    %squeeze3A_2675 = vector.extract %slice3A_2674[0] : i32 from vector<1xi32>
    %add3A_2676 = arith.addi %add3A_2470, %squeeze3A_2675 : i32
    %eq3A_2677 = arith.constant 2 : i32
    %eq3A_2678 = vector.broadcast %eq3A_2677 : i32 to vector<16xi32>
    %eq3A_2679 = arith.cmpi eq, %select_n3A_2609, %eq3A_2678 : vector<16xi32>
    %convert_element_type3A_2680 = arith.extui %eq3A_2679 : vector<16xi1> to vector<16xi32>
    %broadcast_in_dim3A_2681 = arith.constant true
    %broadcast_in_dim3A_2682 = vector.broadcast %broadcast_in_dim3A_2681 : i1 to vector<16xi1>
    %masked_cumsum3A_2683 = tpu.scan <sum>, %convert_element_type3A_2680 masked %broadcast_in_dim3A_2682 : vector<16xi32>, vector<16xi1> -> vector<16xi32>
    %add3A_2684 = vector.broadcast %add3A_2486 : i32 to vector<16xi32>
    %add3A_2685 = arith.addi %add3A_2684, %masked_cumsum3A_2683 : vector<16xi32>
    %sub3A_2686 = arith.constant 1 : i32
    %sub3A_2687 = vector.broadcast %sub3A_2686 : i32 to vector<16xi32>
    %sub3A_2688 = arith.subi %add3A_2685, %sub3A_2687 : vector<16xi32>
    %select_n3A_2689 = arith.select %eq3A_2679, %sub3A_2688, %select_n3A_2673 : vector<16xi1>, vector<16xi32>
    %slice3A_2690 = vector.extract_strided_slice %masked_cumsum3A_2683 {offsets = [15], sizes = [1], strides = [1]} : vector<16xi32> to vector<1xi32>
    %squeeze3A_2691 = vector.extract %slice3A_2690[0] : i32 from vector<1xi32>
    %add3A_2692 = arith.addi %add3A_2486, %squeeze3A_2691 : i32
    %eq3A_2693 = arith.constant 3 : i32
    %eq3A_2694 = vector.broadcast %eq3A_2693 : i32 to vector<16xi32>
    %eq3A_2695 = arith.cmpi eq, %select_n3A_2609, %eq3A_2694 : vector<16xi32>
    %convert_element_type3A_2696 = arith.extui %eq3A_2695 : vector<16xi1> to vector<16xi32>
    %broadcast_in_dim3A_2697 = arith.constant true
    %broadcast_in_dim3A_2698 = vector.broadcast %broadcast_in_dim3A_2697 : i1 to vector<16xi1>
    %masked_cumsum3A_2699 = tpu.scan <sum>, %convert_element_type3A_2696 masked %broadcast_in_dim3A_2698 : vector<16xi32>, vector<16xi1> -> vector<16xi32>
    %add3A_2700 = vector.broadcast %add3A_2502 : i32 to vector<16xi32>
    %add3A_2701 = arith.addi %add3A_2700, %masked_cumsum3A_2699 : vector<16xi32>
    %sub3A_2702 = arith.constant 1 : i32
    %sub3A_2703 = vector.broadcast %sub3A_2702 : i32 to vector<16xi32>
    %sub3A_2704 = arith.subi %add3A_2701, %sub3A_2703 : vector<16xi32>
    %select_n3A_2705 = arith.select %eq3A_2695, %sub3A_2704, %select_n3A_2689 : vector<16xi1>, vector<16xi32>
    %slice3A_2706 = vector.extract_strided_slice %masked_cumsum3A_2699 {offsets = [15], sizes = [1], strides = [1]} : vector<16xi32> to vector<1xi32>
    %squeeze3A_2707 = vector.extract %slice3A_2706[0] : i32 from vector<1xi32>
    %add3A_2708 = arith.addi %add3A_2502, %squeeze3A_2707 : i32
    %eq3A_2709 = arith.constant 4 : i32
    %eq3A_2710 = vector.broadcast %eq3A_2709 : i32 to vector<16xi32>
    %eq3A_2711 = arith.cmpi eq, %select_n3A_2609, %eq3A_2710 : vector<16xi32>
    %convert_element_type3A_2712 = arith.extui %eq3A_2711 : vector<16xi1> to vector<16xi32>
    %broadcast_in_dim3A_2713 = arith.constant true
    %broadcast_in_dim3A_2714 = vector.broadcast %broadcast_in_dim3A_2713 : i1 to vector<16xi1>
    %masked_cumsum3A_2715 = tpu.scan <sum>, %convert_element_type3A_2712 masked %broadcast_in_dim3A_2714 : vector<16xi32>, vector<16xi1> -> vector<16xi32>
    %add3A_2716 = vector.broadcast %add3A_2518 : i32 to vector<16xi32>
    %add3A_2717 = arith.addi %add3A_2716, %masked_cumsum3A_2715 : vector<16xi32>
    %sub3A_2718 = arith.constant 1 : i32
    %sub3A_2719 = vector.broadcast %sub3A_2718 : i32 to vector<16xi32>
    %sub3A_2720 = arith.subi %add3A_2717, %sub3A_2719 : vector<16xi32>
    %select_n3A_2721 = arith.select %eq3A_2711, %sub3A_2720, %select_n3A_2705 : vector<16xi1>, vector<16xi32>
    %slice3A_2722 = vector.extract_strided_slice %masked_cumsum3A_2715 {offsets = [15], sizes = [1], strides = [1]} : vector<16xi32> to vector<1xi32>
    %squeeze3A_2723 = vector.extract %slice3A_2722[0] : i32 from vector<1xi32>
    %add3A_2724 = arith.addi %add3A_2518, %squeeze3A_2723 : i32
    %eq3A_2725 = arith.constant 5 : i32
    %eq3A_2726 = vector.broadcast %eq3A_2725 : i32 to vector<16xi32>
    %eq3A_2727 = arith.cmpi eq, %select_n3A_2609, %eq3A_2726 : vector<16xi32>
    %convert_element_type3A_2728 = arith.extui %eq3A_2727 : vector<16xi1> to vector<16xi32>
    %broadcast_in_dim3A_2729 = arith.constant true
    %broadcast_in_dim3A_2730 = vector.broadcast %broadcast_in_dim3A_2729 : i1 to vector<16xi1>
    %masked_cumsum3A_2731 = tpu.scan <sum>, %convert_element_type3A_2728 masked %broadcast_in_dim3A_2730 : vector<16xi32>, vector<16xi1> -> vector<16xi32>
    %add3A_2732 = vector.broadcast %add3A_2534 : i32 to vector<16xi32>
    %add3A_2733 = arith.addi %add3A_2732, %masked_cumsum3A_2731 : vector<16xi32>
    %sub3A_2734 = arith.constant 1 : i32
    %sub3A_2735 = vector.broadcast %sub3A_2734 : i32 to vector<16xi32>
    %sub3A_2736 = arith.subi %add3A_2733, %sub3A_2735 : vector<16xi32>
    %select_n3A_2737 = arith.select %eq3A_2727, %sub3A_2736, %select_n3A_2721 : vector<16xi1>, vector<16xi32>
    %slice3A_2738 = vector.extract_strided_slice %masked_cumsum3A_2731 {offsets = [15], sizes = [1], strides = [1]} : vector<16xi32> to vector<1xi32>
    %squeeze3A_2739 = vector.extract %slice3A_2738[0] : i32 from vector<1xi32>
    %add3A_2740 = arith.addi %add3A_2534, %squeeze3A_2739 : i32
    %eq3A_2741 = arith.constant 6 : i32
    %eq3A_2742 = vector.broadcast %eq3A_2741 : i32 to vector<16xi32>
    %eq3A_2743 = arith.cmpi eq, %select_n3A_2609, %eq3A_2742 : vector<16xi32>
    %convert_element_type3A_2744 = arith.extui %eq3A_2743 : vector<16xi1> to vector<16xi32>
    %broadcast_in_dim3A_2745 = arith.constant true
    %broadcast_in_dim3A_2746 = vector.broadcast %broadcast_in_dim3A_2745 : i1 to vector<16xi1>
    %masked_cumsum3A_2747 = tpu.scan <sum>, %convert_element_type3A_2744 masked %broadcast_in_dim3A_2746 : vector<16xi32>, vector<16xi1> -> vector<16xi32>
    %add3A_2748 = vector.broadcast %add3A_2550 : i32 to vector<16xi32>
    %add3A_2749 = arith.addi %add3A_2748, %masked_cumsum3A_2747 : vector<16xi32>
    %sub3A_2750 = arith.constant 1 : i32
    %sub3A_2751 = vector.broadcast %sub3A_2750 : i32 to vector<16xi32>
    %sub3A_2752 = arith.subi %add3A_2749, %sub3A_2751 : vector<16xi32>
    %select_n3A_2753 = arith.select %eq3A_2743, %sub3A_2752, %select_n3A_2737 : vector<16xi1>, vector<16xi32>
    %slice3A_2754 = vector.extract_strided_slice %masked_cumsum3A_2747 {offsets = [15], sizes = [1], strides = [1]} : vector<16xi32> to vector<1xi32>
    %squeeze3A_2755 = vector.extract %slice3A_2754[0] : i32 from vector<1xi32>
    %add3A_2756 = arith.addi %add3A_2550, %squeeze3A_2755 : i32
    %eq3A_2757 = arith.constant 7 : i32
    %eq3A_2758 = vector.broadcast %eq3A_2757 : i32 to vector<16xi32>
    %eq3A_2759 = arith.cmpi eq, %select_n3A_2609, %eq3A_2758 : vector<16xi32>
    %convert_element_type3A_2760 = arith.extui %eq3A_2759 : vector<16xi1> to vector<16xi32>
    %broadcast_in_dim3A_2761 = arith.constant true
    %broadcast_in_dim3A_2762 = vector.broadcast %broadcast_in_dim3A_2761 : i1 to vector<16xi1>
    %masked_cumsum3A_2763 = tpu.scan <sum>, %convert_element_type3A_2760 masked %broadcast_in_dim3A_2762 : vector<16xi32>, vector<16xi1> -> vector<16xi32>
    %add3A_2764 = vector.broadcast %add3A_2566 : i32 to vector<16xi32>
    %add3A_2765 = arith.addi %add3A_2764, %masked_cumsum3A_2763 : vector<16xi32>
    %sub3A_2766 = arith.constant 1 : i32
    %sub3A_2767 = vector.broadcast %sub3A_2766 : i32 to vector<16xi32>
    %sub3A_2768 = arith.subi %add3A_2765, %sub3A_2767 : vector<16xi32>
    %select_n3A_2769 = arith.select %eq3A_2759, %sub3A_2768, %select_n3A_2753 : vector<16xi1>, vector<16xi32>
    %slice3A_2770 = vector.extract_strided_slice %masked_cumsum3A_2763 {offsets = [15], sizes = [1], strides = [1]} : vector<16xi32> to vector<1xi32>
    %squeeze3A_2771 = vector.extract %slice3A_2770[0] : i32 from vector<1xi32>
    %add3A_2772 = arith.addi %add3A_2566, %squeeze3A_2771 : i32
    %jit3A_2773 = arith.constant 2 : i32
    %div3A_2774 = vector.broadcast %jit3A_2773 : i32 to vector<16xi32>
    %div3A_2775 = arith.divsi %add3A_2642, %div3A_2774 : vector<16xi32>
    %sign3A_2776 = arith.constant 0 : i32
    %sign3A_2777 = vector.broadcast %sign3A_2776 : i32 to vector<16xi32>
    %sign3A_2778 = arith.cmpi sgt, %add3A_2642, %sign3A_2777 : vector<16xi32>
    %sign3A_2779 = arith.extui %sign3A_2778 : vector<16xi1> to vector<16xi32>
    %sign3A_2780 = arith.constant 0 : i32
    %sign3A_2781 = vector.broadcast %sign3A_2780 : i32 to vector<16xi32>
    %sign3A_2782 = arith.cmpi slt, %add3A_2642, %sign3A_2781 : vector<16xi32>
    %sign3A_2783 = arith.extui %sign3A_2782 : vector<16xi1> to vector<16xi32>
    %sign3A_2784 = arith.subi %sign3A_2779, %sign3A_2783 : vector<16xi32>
    %sign3A_2785 = arith.constant 0 : i32
    %sign3A_2786 = arith.cmpi sgt, %jit3A_2773, %sign3A_2785 : i32
    %sign3A_2787 = arith.extui %sign3A_2786 : i1 to i32
    %sign3A_2788 = arith.constant 0 : i32
    %sign3A_2789 = arith.cmpi slt, %jit3A_2773, %sign3A_2788 : i32
    %sign3A_2790 = arith.extui %sign3A_2789 : i1 to i32
    %sign3A_2791 = arith.subi %sign3A_2787, %sign3A_2790 : i32
    %ne3A_2792 = vector.broadcast %sign3A_2791 : i32 to vector<16xi32>
    %ne3A_2793 = arith.cmpi ne, %sign3A_2784, %ne3A_2792 : vector<16xi32>
    %rem3A_2794 = vector.broadcast %jit3A_2773 : i32 to vector<16xi32>
    %rem3A_2795 = arith.remsi %add3A_2642, %rem3A_2794 : vector<16xi32>
    %ne3A_2796 = arith.constant 0 : i32
    %ne3A_2797 = vector.broadcast %ne3A_2796 : i32 to vector<16xi32>
    %ne3A_2798 = arith.cmpi ne, %rem3A_2795, %ne3A_2797 : vector<16xi32>
    %and3A_2799 = arith.andi %ne3A_2793, %ne3A_2798 : vector<16xi1>
    %sub3A_2800 = arith.constant 1 : i32
    %sub3A_2801 = vector.broadcast %sub3A_2800 : i32 to vector<16xi32>
    %sub3A_2802 = arith.subi %div3A_2775, %sub3A_2801 : vector<16xi32>
    %select_n3A_2803 = arith.select %and3A_2799, %sub3A_2802, %div3A_2775 : vector<16xi1>, vector<16xi32>
    %sub3A_2804 = vector.broadcast %add3A_5 : i32 to vector<16xi32>
    %sub3A_2805 = arith.subi %select_n3A_2803, %sub3A_2804 : vector<16xi32>
    %and3A_2806 = arith.constant 1 : i32
    %and3A_2807 = vector.broadcast %and3A_2806 : i32 to vector<16xi32>
    %and3A_2808 = arith.andi %add3A_2642, %and3A_2807 : vector<16xi32>
    %eq3A_2809 = arith.constant 0 : i32
    %eq3A_2810 = vector.broadcast %eq3A_2809 : i32 to vector<16xi32>
    %eq3A_2811 = arith.cmpi eq, %and3A_2808, %eq3A_2810 : vector<16xi32>
    tpu.vector_store_idx %arg12[%sub3A_2805], %select_n3A_2769 masked %eq3A_2811 : memref<64xi32, #tpu.memory_space<vmem>>[vector<16xi32>], vector<16xi32>, vector<16xi1>
    %not3A_2812 = arith.constant dense<true> : vector<16xi1>
    %not3A_2813 = arith.xori %eq3A_2811, %not3A_2812 : vector<16xi1>
    tpu.vector_store_idx %arg13[%sub3A_2805], %select_n3A_2769 masked %not3A_2813 : memref<64xi32, #tpu.memory_space<vmem>>[vector<16xi32>], vector<16xi32>, vector<16xi1>
    %eq3A_2814 = arith.constant 0 : i32
    %eq3A_2815 = arith.cmpi eq, %arg0, %eq3A_2814 : i32
    %select_n3A_2816 = arith.select %eq3A_2815, %get3A_302, %get3A_1358 : vector<16xi32>
    %mul3A_2817 = arith.constant 256 : i32
    %mul3A_2818 = arith.muli %arg1, %mul3A_2817 : i32
    %mul3A_2819 = arith.constant 256 : i32
    %mul3A_2820 = arith.muli %arg0, %mul3A_2819 : i32
    %jit3A_2821 = arith.constant 2 : i32
    %div3A_2822 = arith.divsi %mul3A_2820, %jit3A_2821 : i32
    %sign3A_2823 = arith.constant 0 : i32
    %sign3A_2824 = arith.cmpi sgt, %mul3A_2820, %sign3A_2823 : i32
    %sign3A_2825 = arith.extui %sign3A_2824 : i1 to i32
    %sign3A_2826 = arith.constant 0 : i32
    %sign3A_2827 = arith.cmpi slt, %mul3A_2820, %sign3A_2826 : i32
    %sign3A_2828 = arith.extui %sign3A_2827 : i1 to i32
    %sign3A_2829 = arith.subi %sign3A_2825, %sign3A_2828 : i32
    %sign3A_2830 = arith.constant 0 : i32
    %sign3A_2831 = arith.cmpi sgt, %jit3A_2821, %sign3A_2830 : i32
    %sign3A_2832 = arith.extui %sign3A_2831 : i1 to i32
    %sign3A_2833 = arith.constant 0 : i32
    %sign3A_2834 = arith.cmpi slt, %jit3A_2821, %sign3A_2833 : i32
    %sign3A_2835 = arith.extui %sign3A_2834 : i1 to i32
    %sign3A_2836 = arith.subi %sign3A_2832, %sign3A_2835 : i32
    %ne3A_2837 = arith.cmpi ne, %sign3A_2829, %sign3A_2836 : i32
    %rem3A_2838 = arith.remsi %mul3A_2820, %jit3A_2821 : i32
    %ne3A_2839 = arith.constant 0 : i32
    %ne3A_2840 = arith.cmpi ne, %rem3A_2838, %ne3A_2839 : i32
    %and3A_2841 = arith.andi %ne3A_2837, %ne3A_2840 : i1
    %sub3A_2842 = arith.constant 1 : i32
    %sub3A_2843 = arith.subi %div3A_2822, %sub3A_2842 : i32
    %select_n3A_2844 = arith.select %and3A_2841, %sub3A_2843, %div3A_2822 : i32
    %add3A_2845 = arith.addi %mul3A_2818, %select_n3A_2844 : i32
    %add3A_2846 = arith.constant 32 : i32
    %add3A_2847 = arith.addi %add3A_2845, %add3A_2846 : i32
    %add3A_2848 = vector.broadcast %add3A_2847 : i32 to vector<16xi32>
    %add3A_2849 = arith.addi %add3A_2848, %iota3A : vector<16xi32>
    %broadcast_in_dim3A_2850 = arith.constant 0 : i32
    %broadcast_in_dim3A_2851 = vector.broadcast %broadcast_in_dim3A_2850 : i32 to vector<16xi32>
    %eq3A_2852 = arith.constant 0 : i32
    %eq3A_2853 = vector.broadcast %eq3A_2852 : i32 to vector<16xi32>
    %eq3A_2854 = arith.cmpi eq, %select_n3A_2816, %eq3A_2853 : vector<16xi32>
    %convert_element_type3A_2855 = arith.extui %eq3A_2854 : vector<16xi1> to vector<16xi32>
    %broadcast_in_dim3A_2856 = arith.constant true
    %broadcast_in_dim3A_2857 = vector.broadcast %broadcast_in_dim3A_2856 : i1 to vector<16xi1>
    %masked_cumsum3A_2858 = tpu.scan <sum>, %convert_element_type3A_2855 masked %broadcast_in_dim3A_2857 : vector<16xi32>, vector<16xi1> -> vector<16xi32>
    %add3A_2859 = vector.broadcast %add3A_2660 : i32 to vector<16xi32>
    %add3A_2860 = arith.addi %add3A_2859, %masked_cumsum3A_2858 : vector<16xi32>
    %sub3A_2861 = arith.constant 1 : i32
    %sub3A_2862 = vector.broadcast %sub3A_2861 : i32 to vector<16xi32>
    %sub3A_2863 = arith.subi %add3A_2860, %sub3A_2862 : vector<16xi32>
    %select_n3A_2864 = arith.select %eq3A_2854, %sub3A_2863, %broadcast_in_dim3A_2851 : vector<16xi1>, vector<16xi32>
    %slice3A_2865 = vector.extract_strided_slice %masked_cumsum3A_2858 {offsets = [15], sizes = [1], strides = [1]} : vector<16xi32> to vector<1xi32>
    %squeeze3A_2866 = vector.extract %slice3A_2865[0] : i32 from vector<1xi32>
    %add3A_2867 = arith.addi %add3A_2660, %squeeze3A_2866 : i32
    %eq3A_2868 = arith.constant 1 : i32
    %eq3A_2869 = vector.broadcast %eq3A_2868 : i32 to vector<16xi32>
    %eq3A_2870 = arith.cmpi eq, %select_n3A_2816, %eq3A_2869 : vector<16xi32>
    %convert_element_type3A_2871 = arith.extui %eq3A_2870 : vector<16xi1> to vector<16xi32>
    %broadcast_in_dim3A_2872 = arith.constant true
    %broadcast_in_dim3A_2873 = vector.broadcast %broadcast_in_dim3A_2872 : i1 to vector<16xi1>
    %masked_cumsum3A_2874 = tpu.scan <sum>, %convert_element_type3A_2871 masked %broadcast_in_dim3A_2873 : vector<16xi32>, vector<16xi1> -> vector<16xi32>
    %add3A_2875 = vector.broadcast %add3A_2676 : i32 to vector<16xi32>
    %add3A_2876 = arith.addi %add3A_2875, %masked_cumsum3A_2874 : vector<16xi32>
    %sub3A_2877 = arith.constant 1 : i32
    %sub3A_2878 = vector.broadcast %sub3A_2877 : i32 to vector<16xi32>
    %sub3A_2879 = arith.subi %add3A_2876, %sub3A_2878 : vector<16xi32>
    %select_n3A_2880 = arith.select %eq3A_2870, %sub3A_2879, %select_n3A_2864 : vector<16xi1>, vector<16xi32>
    %slice3A_2881 = vector.extract_strided_slice %masked_cumsum3A_2874 {offsets = [15], sizes = [1], strides = [1]} : vector<16xi32> to vector<1xi32>
    %squeeze3A_2882 = vector.extract %slice3A_2881[0] : i32 from vector<1xi32>
    %add3A_2883 = arith.addi %add3A_2676, %squeeze3A_2882 : i32
    %eq3A_2884 = arith.constant 2 : i32
    %eq3A_2885 = vector.broadcast %eq3A_2884 : i32 to vector<16xi32>
    %eq3A_2886 = arith.cmpi eq, %select_n3A_2816, %eq3A_2885 : vector<16xi32>
    %convert_element_type3A_2887 = arith.extui %eq3A_2886 : vector<16xi1> to vector<16xi32>
    %broadcast_in_dim3A_2888 = arith.constant true
    %broadcast_in_dim3A_2889 = vector.broadcast %broadcast_in_dim3A_2888 : i1 to vector<16xi1>
    %masked_cumsum3A_2890 = tpu.scan <sum>, %convert_element_type3A_2887 masked %broadcast_in_dim3A_2889 : vector<16xi32>, vector<16xi1> -> vector<16xi32>
    %add3A_2891 = vector.broadcast %add3A_2692 : i32 to vector<16xi32>
    %add3A_2892 = arith.addi %add3A_2891, %masked_cumsum3A_2890 : vector<16xi32>
    %sub3A_2893 = arith.constant 1 : i32
    %sub3A_2894 = vector.broadcast %sub3A_2893 : i32 to vector<16xi32>
    %sub3A_2895 = arith.subi %add3A_2892, %sub3A_2894 : vector<16xi32>
    %select_n3A_2896 = arith.select %eq3A_2886, %sub3A_2895, %select_n3A_2880 : vector<16xi1>, vector<16xi32>
    %slice3A_2897 = vector.extract_strided_slice %masked_cumsum3A_2890 {offsets = [15], sizes = [1], strides = [1]} : vector<16xi32> to vector<1xi32>
    %squeeze3A_2898 = vector.extract %slice3A_2897[0] : i32 from vector<1xi32>
    %add3A_2899 = arith.addi %add3A_2692, %squeeze3A_2898 : i32
    %eq3A_2900 = arith.constant 3 : i32
    %eq3A_2901 = vector.broadcast %eq3A_2900 : i32 to vector<16xi32>
    %eq3A_2902 = arith.cmpi eq, %select_n3A_2816, %eq3A_2901 : vector<16xi32>
    %convert_element_type3A_2903 = arith.extui %eq3A_2902 : vector<16xi1> to vector<16xi32>
    %broadcast_in_dim3A_2904 = arith.constant true
    %broadcast_in_dim3A_2905 = vector.broadcast %broadcast_in_dim3A_2904 : i1 to vector<16xi1>
    %masked_cumsum3A_2906 = tpu.scan <sum>, %convert_element_type3A_2903 masked %broadcast_in_dim3A_2905 : vector<16xi32>, vector<16xi1> -> vector<16xi32>
    %add3A_2907 = vector.broadcast %add3A_2708 : i32 to vector<16xi32>
    %add3A_2908 = arith.addi %add3A_2907, %masked_cumsum3A_2906 : vector<16xi32>
    %sub3A_2909 = arith.constant 1 : i32
    %sub3A_2910 = vector.broadcast %sub3A_2909 : i32 to vector<16xi32>
    %sub3A_2911 = arith.subi %add3A_2908, %sub3A_2910 : vector<16xi32>
    %select_n3A_2912 = arith.select %eq3A_2902, %sub3A_2911, %select_n3A_2896 : vector<16xi1>, vector<16xi32>
    %slice3A_2913 = vector.extract_strided_slice %masked_cumsum3A_2906 {offsets = [15], sizes = [1], strides = [1]} : vector<16xi32> to vector<1xi32>
    %squeeze3A_2914 = vector.extract %slice3A_2913[0] : i32 from vector<1xi32>
    %add3A_2915 = arith.addi %add3A_2708, %squeeze3A_2914 : i32
    %eq3A_2916 = arith.constant 4 : i32
    %eq3A_2917 = vector.broadcast %eq3A_2916 : i32 to vector<16xi32>
    %eq3A_2918 = arith.cmpi eq, %select_n3A_2816, %eq3A_2917 : vector<16xi32>
    %convert_element_type3A_2919 = arith.extui %eq3A_2918 : vector<16xi1> to vector<16xi32>
    %broadcast_in_dim3A_2920 = arith.constant true
    %broadcast_in_dim3A_2921 = vector.broadcast %broadcast_in_dim3A_2920 : i1 to vector<16xi1>
    %masked_cumsum3A_2922 = tpu.scan <sum>, %convert_element_type3A_2919 masked %broadcast_in_dim3A_2921 : vector<16xi32>, vector<16xi1> -> vector<16xi32>
    %add3A_2923 = vector.broadcast %add3A_2724 : i32 to vector<16xi32>
    %add3A_2924 = arith.addi %add3A_2923, %masked_cumsum3A_2922 : vector<16xi32>
    %sub3A_2925 = arith.constant 1 : i32
    %sub3A_2926 = vector.broadcast %sub3A_2925 : i32 to vector<16xi32>
    %sub3A_2927 = arith.subi %add3A_2924, %sub3A_2926 : vector<16xi32>
    %select_n3A_2928 = arith.select %eq3A_2918, %sub3A_2927, %select_n3A_2912 : vector<16xi1>, vector<16xi32>
    %slice3A_2929 = vector.extract_strided_slice %masked_cumsum3A_2922 {offsets = [15], sizes = [1], strides = [1]} : vector<16xi32> to vector<1xi32>
    %squeeze3A_2930 = vector.extract %slice3A_2929[0] : i32 from vector<1xi32>
    %add3A_2931 = arith.addi %add3A_2724, %squeeze3A_2930 : i32
    %eq3A_2932 = arith.constant 5 : i32
    %eq3A_2933 = vector.broadcast %eq3A_2932 : i32 to vector<16xi32>
    %eq3A_2934 = arith.cmpi eq, %select_n3A_2816, %eq3A_2933 : vector<16xi32>
    %convert_element_type3A_2935 = arith.extui %eq3A_2934 : vector<16xi1> to vector<16xi32>
    %broadcast_in_dim3A_2936 = arith.constant true
    %broadcast_in_dim3A_2937 = vector.broadcast %broadcast_in_dim3A_2936 : i1 to vector<16xi1>
    %masked_cumsum3A_2938 = tpu.scan <sum>, %convert_element_type3A_2935 masked %broadcast_in_dim3A_2937 : vector<16xi32>, vector<16xi1> -> vector<16xi32>
    %add3A_2939 = vector.broadcast %add3A_2740 : i32 to vector<16xi32>
    %add3A_2940 = arith.addi %add3A_2939, %masked_cumsum3A_2938 : vector<16xi32>
    %sub3A_2941 = arith.constant 1 : i32
    %sub3A_2942 = vector.broadcast %sub3A_2941 : i32 to vector<16xi32>
    %sub3A_2943 = arith.subi %add3A_2940, %sub3A_2942 : vector<16xi32>
    %select_n3A_2944 = arith.select %eq3A_2934, %sub3A_2943, %select_n3A_2928 : vector<16xi1>, vector<16xi32>
    %slice3A_2945 = vector.extract_strided_slice %masked_cumsum3A_2938 {offsets = [15], sizes = [1], strides = [1]} : vector<16xi32> to vector<1xi32>
    %squeeze3A_2946 = vector.extract %slice3A_2945[0] : i32 from vector<1xi32>
    %add3A_2947 = arith.addi %add3A_2740, %squeeze3A_2946 : i32
    %eq3A_2948 = arith.constant 6 : i32
    %eq3A_2949 = vector.broadcast %eq3A_2948 : i32 to vector<16xi32>
    %eq3A_2950 = arith.cmpi eq, %select_n3A_2816, %eq3A_2949 : vector<16xi32>
    %convert_element_type3A_2951 = arith.extui %eq3A_2950 : vector<16xi1> to vector<16xi32>
    %broadcast_in_dim3A_2952 = arith.constant true
    %broadcast_in_dim3A_2953 = vector.broadcast %broadcast_in_dim3A_2952 : i1 to vector<16xi1>
    %masked_cumsum3A_2954 = tpu.scan <sum>, %convert_element_type3A_2951 masked %broadcast_in_dim3A_2953 : vector<16xi32>, vector<16xi1> -> vector<16xi32>
    %add3A_2955 = vector.broadcast %add3A_2756 : i32 to vector<16xi32>
    %add3A_2956 = arith.addi %add3A_2955, %masked_cumsum3A_2954 : vector<16xi32>
    %sub3A_2957 = arith.constant 1 : i32
    %sub3A_2958 = vector.broadcast %sub3A_2957 : i32 to vector<16xi32>
    %sub3A_2959 = arith.subi %add3A_2956, %sub3A_2958 : vector<16xi32>
    %select_n3A_2960 = arith.select %eq3A_2950, %sub3A_2959, %select_n3A_2944 : vector<16xi1>, vector<16xi32>
    %slice3A_2961 = vector.extract_strided_slice %masked_cumsum3A_2954 {offsets = [15], sizes = [1], strides = [1]} : vector<16xi32> to vector<1xi32>
    %squeeze3A_2962 = vector.extract %slice3A_2961[0] : i32 from vector<1xi32>
    %add3A_2963 = arith.addi %add3A_2756, %squeeze3A_2962 : i32
    %eq3A_2964 = arith.constant 7 : i32
    %eq3A_2965 = vector.broadcast %eq3A_2964 : i32 to vector<16xi32>
    %eq3A_2966 = arith.cmpi eq, %select_n3A_2816, %eq3A_2965 : vector<16xi32>
    %convert_element_type3A_2967 = arith.extui %eq3A_2966 : vector<16xi1> to vector<16xi32>
    %broadcast_in_dim3A_2968 = arith.constant true
    %broadcast_in_dim3A_2969 = vector.broadcast %broadcast_in_dim3A_2968 : i1 to vector<16xi1>
    %masked_cumsum3A_2970 = tpu.scan <sum>, %convert_element_type3A_2967 masked %broadcast_in_dim3A_2969 : vector<16xi32>, vector<16xi1> -> vector<16xi32>
    %add3A_2971 = vector.broadcast %add3A_2772 : i32 to vector<16xi32>
    %add3A_2972 = arith.addi %add3A_2971, %masked_cumsum3A_2970 : vector<16xi32>
    %sub3A_2973 = arith.constant 1 : i32
    %sub3A_2974 = vector.broadcast %sub3A_2973 : i32 to vector<16xi32>
    %sub3A_2975 = arith.subi %add3A_2972, %sub3A_2974 : vector<16xi32>
    %select_n3A_2976 = arith.select %eq3A_2966, %sub3A_2975, %select_n3A_2960 : vector<16xi1>, vector<16xi32>
    %slice3A_2977 = vector.extract_strided_slice %masked_cumsum3A_2970 {offsets = [15], sizes = [1], strides = [1]} : vector<16xi32> to vector<1xi32>
    %squeeze3A_2978 = vector.extract %slice3A_2977[0] : i32 from vector<1xi32>
    %add3A_2979 = arith.addi %add3A_2772, %squeeze3A_2978 : i32
    %jit3A_2980 = arith.constant 2 : i32
    %div3A_2981 = vector.broadcast %jit3A_2980 : i32 to vector<16xi32>
    %div3A_2982 = arith.divsi %add3A_2849, %div3A_2981 : vector<16xi32>
    %sign3A_2983 = arith.constant 0 : i32
    %sign3A_2984 = vector.broadcast %sign3A_2983 : i32 to vector<16xi32>
    %sign3A_2985 = arith.cmpi sgt, %add3A_2849, %sign3A_2984 : vector<16xi32>
    %sign3A_2986 = arith.extui %sign3A_2985 : vector<16xi1> to vector<16xi32>
    %sign3A_2987 = arith.constant 0 : i32
    %sign3A_2988 = vector.broadcast %sign3A_2987 : i32 to vector<16xi32>
    %sign3A_2989 = arith.cmpi slt, %add3A_2849, %sign3A_2988 : vector<16xi32>
    %sign3A_2990 = arith.extui %sign3A_2989 : vector<16xi1> to vector<16xi32>
    %sign3A_2991 = arith.subi %sign3A_2986, %sign3A_2990 : vector<16xi32>
    %sign3A_2992 = arith.constant 0 : i32
    %sign3A_2993 = arith.cmpi sgt, %jit3A_2980, %sign3A_2992 : i32
    %sign3A_2994 = arith.extui %sign3A_2993 : i1 to i32
    %sign3A_2995 = arith.constant 0 : i32
    %sign3A_2996 = arith.cmpi slt, %jit3A_2980, %sign3A_2995 : i32
    %sign3A_2997 = arith.extui %sign3A_2996 : i1 to i32
    %sign3A_2998 = arith.subi %sign3A_2994, %sign3A_2997 : i32
    %ne3A_2999 = vector.broadcast %sign3A_2998 : i32 to vector<16xi32>
    %ne3A_3000 = arith.cmpi ne, %sign3A_2991, %ne3A_2999 : vector<16xi32>
    %rem3A_3001 = vector.broadcast %jit3A_2980 : i32 to vector<16xi32>
    %rem3A_3002 = arith.remsi %add3A_2849, %rem3A_3001 : vector<16xi32>
    %ne3A_3003 = arith.constant 0 : i32
    %ne3A_3004 = vector.broadcast %ne3A_3003 : i32 to vector<16xi32>
    %ne3A_3005 = arith.cmpi ne, %rem3A_3002, %ne3A_3004 : vector<16xi32>
    %and3A_3006 = arith.andi %ne3A_3000, %ne3A_3005 : vector<16xi1>
    %sub3A_3007 = arith.constant 1 : i32
    %sub3A_3008 = vector.broadcast %sub3A_3007 : i32 to vector<16xi32>
    %sub3A_3009 = arith.subi %div3A_2982, %sub3A_3008 : vector<16xi32>
    %select_n3A_3010 = arith.select %and3A_3006, %sub3A_3009, %div3A_2982 : vector<16xi1>, vector<16xi32>
    %sub3A_3011 = vector.broadcast %add3A_5 : i32 to vector<16xi32>
    %sub3A_3012 = arith.subi %select_n3A_3010, %sub3A_3011 : vector<16xi32>
    %and3A_3013 = arith.constant 1 : i32
    %and3A_3014 = vector.broadcast %and3A_3013 : i32 to vector<16xi32>
    %and3A_3015 = arith.andi %add3A_2849, %and3A_3014 : vector<16xi32>
    %eq3A_3016 = arith.constant 0 : i32
    %eq3A_3017 = vector.broadcast %eq3A_3016 : i32 to vector<16xi32>
    %eq3A_3018 = arith.cmpi eq, %and3A_3015, %eq3A_3017 : vector<16xi32>
    tpu.vector_store_idx %arg12[%sub3A_3012], %select_n3A_2976 masked %eq3A_3018 : memref<64xi32, #tpu.memory_space<vmem>>[vector<16xi32>], vector<16xi32>, vector<16xi1>
    %not3A_3019 = arith.constant dense<true> : vector<16xi1>
    %not3A_3020 = arith.xori %eq3A_3018, %not3A_3019 : vector<16xi1>
    tpu.vector_store_idx %arg13[%sub3A_3012], %select_n3A_2976 masked %not3A_3020 : memref<64xi32, #tpu.memory_space<vmem>>[vector<16xi32>], vector<16xi32>, vector<16xi1>
    %eq3A_3021 = arith.constant 0 : i32
    %eq3A_3022 = arith.cmpi eq, %arg0, %eq3A_3021 : i32
    %select_n3A_3023 = arith.select %eq3A_3022, %get3A_448, %get3A_1448 : vector<16xi32>
    %mul3A_3024 = arith.constant 256 : i32
    %mul3A_3025 = arith.muli %arg1, %mul3A_3024 : i32
    %mul3A_3026 = arith.constant 256 : i32
    %mul3A_3027 = arith.muli %arg0, %mul3A_3026 : i32
    %jit3A_3028 = arith.constant 2 : i32
    %div3A_3029 = arith.divsi %mul3A_3027, %jit3A_3028 : i32
    %sign3A_3030 = arith.constant 0 : i32
    %sign3A_3031 = arith.cmpi sgt, %mul3A_3027, %sign3A_3030 : i32
    %sign3A_3032 = arith.extui %sign3A_3031 : i1 to i32
    %sign3A_3033 = arith.constant 0 : i32
    %sign3A_3034 = arith.cmpi slt, %mul3A_3027, %sign3A_3033 : i32
    %sign3A_3035 = arith.extui %sign3A_3034 : i1 to i32
    %sign3A_3036 = arith.subi %sign3A_3032, %sign3A_3035 : i32
    %sign3A_3037 = arith.constant 0 : i32
    %sign3A_3038 = arith.cmpi sgt, %jit3A_3028, %sign3A_3037 : i32
    %sign3A_3039 = arith.extui %sign3A_3038 : i1 to i32
    %sign3A_3040 = arith.constant 0 : i32
    %sign3A_3041 = arith.cmpi slt, %jit3A_3028, %sign3A_3040 : i32
    %sign3A_3042 = arith.extui %sign3A_3041 : i1 to i32
    %sign3A_3043 = arith.subi %sign3A_3039, %sign3A_3042 : i32
    %ne3A_3044 = arith.cmpi ne, %sign3A_3036, %sign3A_3043 : i32
    %rem3A_3045 = arith.remsi %mul3A_3027, %jit3A_3028 : i32
    %ne3A_3046 = arith.constant 0 : i32
    %ne3A_3047 = arith.cmpi ne, %rem3A_3045, %ne3A_3046 : i32
    %and3A_3048 = arith.andi %ne3A_3044, %ne3A_3047 : i1
    %sub3A_3049 = arith.constant 1 : i32
    %sub3A_3050 = arith.subi %div3A_3029, %sub3A_3049 : i32
    %select_n3A_3051 = arith.select %and3A_3048, %sub3A_3050, %div3A_3029 : i32
    %add3A_3052 = arith.addi %mul3A_3025, %select_n3A_3051 : i32
    %add3A_3053 = arith.constant 48 : i32
    %add3A_3054 = arith.addi %add3A_3052, %add3A_3053 : i32
    %add3A_3055 = vector.broadcast %add3A_3054 : i32 to vector<16xi32>
    %add3A_3056 = arith.addi %add3A_3055, %iota3A : vector<16xi32>
    %broadcast_in_dim3A_3057 = arith.constant 0 : i32
    %broadcast_in_dim3A_3058 = vector.broadcast %broadcast_in_dim3A_3057 : i32 to vector<16xi32>
    %eq3A_3059 = arith.constant 0 : i32
    %eq3A_3060 = vector.broadcast %eq3A_3059 : i32 to vector<16xi32>
    %eq3A_3061 = arith.cmpi eq, %select_n3A_3023, %eq3A_3060 : vector<16xi32>
    %convert_element_type3A_3062 = arith.extui %eq3A_3061 : vector<16xi1> to vector<16xi32>
    %broadcast_in_dim3A_3063 = arith.constant true
    %broadcast_in_dim3A_3064 = vector.broadcast %broadcast_in_dim3A_3063 : i1 to vector<16xi1>
    %masked_cumsum3A_3065 = tpu.scan <sum>, %convert_element_type3A_3062 masked %broadcast_in_dim3A_3064 : vector<16xi32>, vector<16xi1> -> vector<16xi32>
    %add3A_3066 = vector.broadcast %add3A_2867 : i32 to vector<16xi32>
    %add3A_3067 = arith.addi %add3A_3066, %masked_cumsum3A_3065 : vector<16xi32>
    %sub3A_3068 = arith.constant 1 : i32
    %sub3A_3069 = vector.broadcast %sub3A_3068 : i32 to vector<16xi32>
    %sub3A_3070 = arith.subi %add3A_3067, %sub3A_3069 : vector<16xi32>
    %select_n3A_3071 = arith.select %eq3A_3061, %sub3A_3070, %broadcast_in_dim3A_3058 : vector<16xi1>, vector<16xi32>
    %slice3A_3072 = vector.extract_strided_slice %masked_cumsum3A_3065 {offsets = [15], sizes = [1], strides = [1]} : vector<16xi32> to vector<1xi32>
    %squeeze3A_3073 = vector.extract %slice3A_3072[0] : i32 from vector<1xi32>
    %add3A_3074 = arith.addi %add3A_2867, %squeeze3A_3073 : i32
    %eq3A_3075 = arith.constant 1 : i32
    %eq3A_3076 = vector.broadcast %eq3A_3075 : i32 to vector<16xi32>
    %eq3A_3077 = arith.cmpi eq, %select_n3A_3023, %eq3A_3076 : vector<16xi32>
    %convert_element_type3A_3078 = arith.extui %eq3A_3077 : vector<16xi1> to vector<16xi32>
    %broadcast_in_dim3A_3079 = arith.constant true
    %broadcast_in_dim3A_3080 = vector.broadcast %broadcast_in_dim3A_3079 : i1 to vector<16xi1>
    %masked_cumsum3A_3081 = tpu.scan <sum>, %convert_element_type3A_3078 masked %broadcast_in_dim3A_3080 : vector<16xi32>, vector<16xi1> -> vector<16xi32>
    %add3A_3082 = vector.broadcast %add3A_2883 : i32 to vector<16xi32>
    %add3A_3083 = arith.addi %add3A_3082, %masked_cumsum3A_3081 : vector<16xi32>
    %sub3A_3084 = arith.constant 1 : i32
    %sub3A_3085 = vector.broadcast %sub3A_3084 : i32 to vector<16xi32>
    %sub3A_3086 = arith.subi %add3A_3083, %sub3A_3085 : vector<16xi32>
    %select_n3A_3087 = arith.select %eq3A_3077, %sub3A_3086, %select_n3A_3071 : vector<16xi1>, vector<16xi32>
    %slice3A_3088 = vector.extract_strided_slice %masked_cumsum3A_3081 {offsets = [15], sizes = [1], strides = [1]} : vector<16xi32> to vector<1xi32>
    %squeeze3A_3089 = vector.extract %slice3A_3088[0] : i32 from vector<1xi32>
    %add3A_3090 = arith.addi %add3A_2883, %squeeze3A_3089 : i32
    %eq3A_3091 = arith.constant 2 : i32
    %eq3A_3092 = vector.broadcast %eq3A_3091 : i32 to vector<16xi32>
    %eq3A_3093 = arith.cmpi eq, %select_n3A_3023, %eq3A_3092 : vector<16xi32>
    %convert_element_type3A_3094 = arith.extui %eq3A_3093 : vector<16xi1> to vector<16xi32>
    %broadcast_in_dim3A_3095 = arith.constant true
    %broadcast_in_dim3A_3096 = vector.broadcast %broadcast_in_dim3A_3095 : i1 to vector<16xi1>
    %masked_cumsum3A_3097 = tpu.scan <sum>, %convert_element_type3A_3094 masked %broadcast_in_dim3A_3096 : vector<16xi32>, vector<16xi1> -> vector<16xi32>
    %add3A_3098 = vector.broadcast %add3A_2899 : i32 to vector<16xi32>
    %add3A_3099 = arith.addi %add3A_3098, %masked_cumsum3A_3097 : vector<16xi32>
    %sub3A_3100 = arith.constant 1 : i32
    %sub3A_3101 = vector.broadcast %sub3A_3100 : i32 to vector<16xi32>
    %sub3A_3102 = arith.subi %add3A_3099, %sub3A_3101 : vector<16xi32>
    %select_n3A_3103 = arith.select %eq3A_3093, %sub3A_3102, %select_n3A_3087 : vector<16xi1>, vector<16xi32>
    %slice3A_3104 = vector.extract_strided_slice %masked_cumsum3A_3097 {offsets = [15], sizes = [1], strides = [1]} : vector<16xi32> to vector<1xi32>
    %squeeze3A_3105 = vector.extract %slice3A_3104[0] : i32 from vector<1xi32>
    %add3A_3106 = arith.addi %add3A_2899, %squeeze3A_3105 : i32
    %eq3A_3107 = arith.constant 3 : i32
    %eq3A_3108 = vector.broadcast %eq3A_3107 : i32 to vector<16xi32>
    %eq3A_3109 = arith.cmpi eq, %select_n3A_3023, %eq3A_3108 : vector<16xi32>
    %convert_element_type3A_3110 = arith.extui %eq3A_3109 : vector<16xi1> to vector<16xi32>
    %broadcast_in_dim3A_3111 = arith.constant true
    %broadcast_in_dim3A_3112 = vector.broadcast %broadcast_in_dim3A_3111 : i1 to vector<16xi1>
    %masked_cumsum3A_3113 = tpu.scan <sum>, %convert_element_type3A_3110 masked %broadcast_in_dim3A_3112 : vector<16xi32>, vector<16xi1> -> vector<16xi32>
    %add3A_3114 = vector.broadcast %add3A_2915 : i32 to vector<16xi32>
    %add3A_3115 = arith.addi %add3A_3114, %masked_cumsum3A_3113 : vector<16xi32>
    %sub3A_3116 = arith.constant 1 : i32
    %sub3A_3117 = vector.broadcast %sub3A_3116 : i32 to vector<16xi32>
    %sub3A_3118 = arith.subi %add3A_3115, %sub3A_3117 : vector<16xi32>
    %select_n3A_3119 = arith.select %eq3A_3109, %sub3A_3118, %select_n3A_3103 : vector<16xi1>, vector<16xi32>
    %slice3A_3120 = vector.extract_strided_slice %masked_cumsum3A_3113 {offsets = [15], sizes = [1], strides = [1]} : vector<16xi32> to vector<1xi32>
    %squeeze3A_3121 = vector.extract %slice3A_3120[0] : i32 from vector<1xi32>
    %add3A_3122 = arith.addi %add3A_2915, %squeeze3A_3121 : i32
    %eq3A_3123 = arith.constant 4 : i32
    %eq3A_3124 = vector.broadcast %eq3A_3123 : i32 to vector<16xi32>
    %eq3A_3125 = arith.cmpi eq, %select_n3A_3023, %eq3A_3124 : vector<16xi32>
    %convert_element_type3A_3126 = arith.extui %eq3A_3125 : vector<16xi1> to vector<16xi32>
    %broadcast_in_dim3A_3127 = arith.constant true
    %broadcast_in_dim3A_3128 = vector.broadcast %broadcast_in_dim3A_3127 : i1 to vector<16xi1>
    %masked_cumsum3A_3129 = tpu.scan <sum>, %convert_element_type3A_3126 masked %broadcast_in_dim3A_3128 : vector<16xi32>, vector<16xi1> -> vector<16xi32>
    %add3A_3130 = vector.broadcast %add3A_2931 : i32 to vector<16xi32>
    %add3A_3131 = arith.addi %add3A_3130, %masked_cumsum3A_3129 : vector<16xi32>
    %sub3A_3132 = arith.constant 1 : i32
    %sub3A_3133 = vector.broadcast %sub3A_3132 : i32 to vector<16xi32>
    %sub3A_3134 = arith.subi %add3A_3131, %sub3A_3133 : vector<16xi32>
    %select_n3A_3135 = arith.select %eq3A_3125, %sub3A_3134, %select_n3A_3119 : vector<16xi1>, vector<16xi32>
    %slice3A_3136 = vector.extract_strided_slice %masked_cumsum3A_3129 {offsets = [15], sizes = [1], strides = [1]} : vector<16xi32> to vector<1xi32>
    %squeeze3A_3137 = vector.extract %slice3A_3136[0] : i32 from vector<1xi32>
    %add3A_3138 = arith.addi %add3A_2931, %squeeze3A_3137 : i32
    %eq3A_3139 = arith.constant 5 : i32
    %eq3A_3140 = vector.broadcast %eq3A_3139 : i32 to vector<16xi32>
    %eq3A_3141 = arith.cmpi eq, %select_n3A_3023, %eq3A_3140 : vector<16xi32>
    %convert_element_type3A_3142 = arith.extui %eq3A_3141 : vector<16xi1> to vector<16xi32>
    %broadcast_in_dim3A_3143 = arith.constant true
    %broadcast_in_dim3A_3144 = vector.broadcast %broadcast_in_dim3A_3143 : i1 to vector<16xi1>
    %masked_cumsum3A_3145 = tpu.scan <sum>, %convert_element_type3A_3142 masked %broadcast_in_dim3A_3144 : vector<16xi32>, vector<16xi1> -> vector<16xi32>
    %add3A_3146 = vector.broadcast %add3A_2947 : i32 to vector<16xi32>
    %add3A_3147 = arith.addi %add3A_3146, %masked_cumsum3A_3145 : vector<16xi32>
    %sub3A_3148 = arith.constant 1 : i32
    %sub3A_3149 = vector.broadcast %sub3A_3148 : i32 to vector<16xi32>
    %sub3A_3150 = arith.subi %add3A_3147, %sub3A_3149 : vector<16xi32>
    %select_n3A_3151 = arith.select %eq3A_3141, %sub3A_3150, %select_n3A_3135 : vector<16xi1>, vector<16xi32>
    %slice3A_3152 = vector.extract_strided_slice %masked_cumsum3A_3145 {offsets = [15], sizes = [1], strides = [1]} : vector<16xi32> to vector<1xi32>
    %squeeze3A_3153 = vector.extract %slice3A_3152[0] : i32 from vector<1xi32>
    %add3A_3154 = arith.addi %add3A_2947, %squeeze3A_3153 : i32
    %eq3A_3155 = arith.constant 6 : i32
    %eq3A_3156 = vector.broadcast %eq3A_3155 : i32 to vector<16xi32>
    %eq3A_3157 = arith.cmpi eq, %select_n3A_3023, %eq3A_3156 : vector<16xi32>
    %convert_element_type3A_3158 = arith.extui %eq3A_3157 : vector<16xi1> to vector<16xi32>
    %broadcast_in_dim3A_3159 = arith.constant true
    %broadcast_in_dim3A_3160 = vector.broadcast %broadcast_in_dim3A_3159 : i1 to vector<16xi1>
    %masked_cumsum3A_3161 = tpu.scan <sum>, %convert_element_type3A_3158 masked %broadcast_in_dim3A_3160 : vector<16xi32>, vector<16xi1> -> vector<16xi32>
    %add3A_3162 = vector.broadcast %add3A_2963 : i32 to vector<16xi32>
    %add3A_3163 = arith.addi %add3A_3162, %masked_cumsum3A_3161 : vector<16xi32>
    %sub3A_3164 = arith.constant 1 : i32
    %sub3A_3165 = vector.broadcast %sub3A_3164 : i32 to vector<16xi32>
    %sub3A_3166 = arith.subi %add3A_3163, %sub3A_3165 : vector<16xi32>
    %select_n3A_3167 = arith.select %eq3A_3157, %sub3A_3166, %select_n3A_3151 : vector<16xi1>, vector<16xi32>
    %slice3A_3168 = vector.extract_strided_slice %masked_cumsum3A_3161 {offsets = [15], sizes = [1], strides = [1]} : vector<16xi32> to vector<1xi32>
    %squeeze3A_3169 = vector.extract %slice3A_3168[0] : i32 from vector<1xi32>
    %add3A_3170 = arith.addi %add3A_2963, %squeeze3A_3169 : i32
    %eq3A_3171 = arith.constant 7 : i32
    %eq3A_3172 = vector.broadcast %eq3A_3171 : i32 to vector<16xi32>
    %eq3A_3173 = arith.cmpi eq, %select_n3A_3023, %eq3A_3172 : vector<16xi32>
    %convert_element_type3A_3174 = arith.extui %eq3A_3173 : vector<16xi1> to vector<16xi32>
    %broadcast_in_dim3A_3175 = arith.constant true
    %broadcast_in_dim3A_3176 = vector.broadcast %broadcast_in_dim3A_3175 : i1 to vector<16xi1>
    %masked_cumsum3A_3177 = tpu.scan <sum>, %convert_element_type3A_3174 masked %broadcast_in_dim3A_3176 : vector<16xi32>, vector<16xi1> -> vector<16xi32>
    %add3A_3178 = vector.broadcast %add3A_2979 : i32 to vector<16xi32>
    %add3A_3179 = arith.addi %add3A_3178, %masked_cumsum3A_3177 : vector<16xi32>
    %sub3A_3180 = arith.constant 1 : i32
    %sub3A_3181 = vector.broadcast %sub3A_3180 : i32 to vector<16xi32>
    %sub3A_3182 = arith.subi %add3A_3179, %sub3A_3181 : vector<16xi32>
    %select_n3A_3183 = arith.select %eq3A_3173, %sub3A_3182, %select_n3A_3167 : vector<16xi1>, vector<16xi32>
    %slice3A_3184 = vector.extract_strided_slice %masked_cumsum3A_3177 {offsets = [15], sizes = [1], strides = [1]} : vector<16xi32> to vector<1xi32>
    %squeeze3A_3185 = vector.extract %slice3A_3184[0] : i32 from vector<1xi32>
    %add3A_3186 = arith.addi %add3A_2979, %squeeze3A_3185 : i32
    %jit3A_3187 = arith.constant 2 : i32
    %div3A_3188 = vector.broadcast %jit3A_3187 : i32 to vector<16xi32>
    %div3A_3189 = arith.divsi %add3A_3056, %div3A_3188 : vector<16xi32>
    %sign3A_3190 = arith.constant 0 : i32
    %sign3A_3191 = vector.broadcast %sign3A_3190 : i32 to vector<16xi32>
    %sign3A_3192 = arith.cmpi sgt, %add3A_3056, %sign3A_3191 : vector<16xi32>
    %sign3A_3193 = arith.extui %sign3A_3192 : vector<16xi1> to vector<16xi32>
    %sign3A_3194 = arith.constant 0 : i32
    %sign3A_3195 = vector.broadcast %sign3A_3194 : i32 to vector<16xi32>
    %sign3A_3196 = arith.cmpi slt, %add3A_3056, %sign3A_3195 : vector<16xi32>
    %sign3A_3197 = arith.extui %sign3A_3196 : vector<16xi1> to vector<16xi32>
    %sign3A_3198 = arith.subi %sign3A_3193, %sign3A_3197 : vector<16xi32>
    %sign3A_3199 = arith.constant 0 : i32
    %sign3A_3200 = arith.cmpi sgt, %jit3A_3187, %sign3A_3199 : i32
    %sign3A_3201 = arith.extui %sign3A_3200 : i1 to i32
    %sign3A_3202 = arith.constant 0 : i32
    %sign3A_3203 = arith.cmpi slt, %jit3A_3187, %sign3A_3202 : i32
    %sign3A_3204 = arith.extui %sign3A_3203 : i1 to i32
    %sign3A_3205 = arith.subi %sign3A_3201, %sign3A_3204 : i32
    %ne3A_3206 = vector.broadcast %sign3A_3205 : i32 to vector<16xi32>
    %ne3A_3207 = arith.cmpi ne, %sign3A_3198, %ne3A_3206 : vector<16xi32>
    %rem3A_3208 = vector.broadcast %jit3A_3187 : i32 to vector<16xi32>
    %rem3A_3209 = arith.remsi %add3A_3056, %rem3A_3208 : vector<16xi32>
    %ne3A_3210 = arith.constant 0 : i32
    %ne3A_3211 = vector.broadcast %ne3A_3210 : i32 to vector<16xi32>
    %ne3A_3212 = arith.cmpi ne, %rem3A_3209, %ne3A_3211 : vector<16xi32>
    %and3A_3213 = arith.andi %ne3A_3207, %ne3A_3212 : vector<16xi1>
    %sub3A_3214 = arith.constant 1 : i32
    %sub3A_3215 = vector.broadcast %sub3A_3214 : i32 to vector<16xi32>
    %sub3A_3216 = arith.subi %div3A_3189, %sub3A_3215 : vector<16xi32>
    %select_n3A_3217 = arith.select %and3A_3213, %sub3A_3216, %div3A_3189 : vector<16xi1>, vector<16xi32>
    %sub3A_3218 = vector.broadcast %add3A_5 : i32 to vector<16xi32>
    %sub3A_3219 = arith.subi %select_n3A_3217, %sub3A_3218 : vector<16xi32>
    %and3A_3220 = arith.constant 1 : i32
    %and3A_3221 = vector.broadcast %and3A_3220 : i32 to vector<16xi32>
    %and3A_3222 = arith.andi %add3A_3056, %and3A_3221 : vector<16xi32>
    %eq3A_3223 = arith.constant 0 : i32
    %eq3A_3224 = vector.broadcast %eq3A_3223 : i32 to vector<16xi32>
    %eq3A_3225 = arith.cmpi eq, %and3A_3222, %eq3A_3224 : vector<16xi32>
    tpu.vector_store_idx %arg12[%sub3A_3219], %select_n3A_3183 masked %eq3A_3225 : memref<64xi32, #tpu.memory_space<vmem>>[vector<16xi32>], vector<16xi32>, vector<16xi1>
    %not3A_3226 = arith.constant dense<true> : vector<16xi1>
    %not3A_3227 = arith.xori %eq3A_3225, %not3A_3226 : vector<16xi1>
    tpu.vector_store_idx %arg13[%sub3A_3219], %select_n3A_3183 masked %not3A_3227 : memref<64xi32, #tpu.memory_space<vmem>>[vector<16xi32>], vector<16xi32>, vector<16xi1>
    %eq3A_3228 = arith.constant 0 : i32
    %eq3A_3229 = arith.cmpi eq, %arg0, %eq3A_3228 : i32
    %select_n3A_3230 = arith.select %eq3A_3229, %get3A_594, %get3A_1538 : vector<16xi32>
    %mul3A_3231 = arith.constant 256 : i32
    %mul3A_3232 = arith.muli %arg1, %mul3A_3231 : i32
    %mul3A_3233 = arith.constant 256 : i32
    %mul3A_3234 = arith.muli %arg0, %mul3A_3233 : i32
    %jit3A_3235 = arith.constant 2 : i32
    %div3A_3236 = arith.divsi %mul3A_3234, %jit3A_3235 : i32
    %sign3A_3237 = arith.constant 0 : i32
    %sign3A_3238 = arith.cmpi sgt, %mul3A_3234, %sign3A_3237 : i32
    %sign3A_3239 = arith.extui %sign3A_3238 : i1 to i32
    %sign3A_3240 = arith.constant 0 : i32
    %sign3A_3241 = arith.cmpi slt, %mul3A_3234, %sign3A_3240 : i32
    %sign3A_3242 = arith.extui %sign3A_3241 : i1 to i32
    %sign3A_3243 = arith.subi %sign3A_3239, %sign3A_3242 : i32
    %sign3A_3244 = arith.constant 0 : i32
    %sign3A_3245 = arith.cmpi sgt, %jit3A_3235, %sign3A_3244 : i32
    %sign3A_3246 = arith.extui %sign3A_3245 : i1 to i32
    %sign3A_3247 = arith.constant 0 : i32
    %sign3A_3248 = arith.cmpi slt, %jit3A_3235, %sign3A_3247 : i32
    %sign3A_3249 = arith.extui %sign3A_3248 : i1 to i32
    %sign3A_3250 = arith.subi %sign3A_3246, %sign3A_3249 : i32
    %ne3A_3251 = arith.cmpi ne, %sign3A_3243, %sign3A_3250 : i32
    %rem3A_3252 = arith.remsi %mul3A_3234, %jit3A_3235 : i32
    %ne3A_3253 = arith.constant 0 : i32
    %ne3A_3254 = arith.cmpi ne, %rem3A_3252, %ne3A_3253 : i32
    %and3A_3255 = arith.andi %ne3A_3251, %ne3A_3254 : i1
    %sub3A_3256 = arith.constant 1 : i32
    %sub3A_3257 = arith.subi %div3A_3236, %sub3A_3256 : i32
    %select_n3A_3258 = arith.select %and3A_3255, %sub3A_3257, %div3A_3236 : i32
    %add3A_3259 = arith.addi %mul3A_3232, %select_n3A_3258 : i32
    %add3A_3260 = arith.constant 64 : i32
    %add3A_3261 = arith.addi %add3A_3259, %add3A_3260 : i32
    %add3A_3262 = vector.broadcast %add3A_3261 : i32 to vector<16xi32>
    %add3A_3263 = arith.addi %add3A_3262, %iota3A : vector<16xi32>
    %broadcast_in_dim3A_3264 = arith.constant 0 : i32
    %broadcast_in_dim3A_3265 = vector.broadcast %broadcast_in_dim3A_3264 : i32 to vector<16xi32>
    %eq3A_3266 = arith.constant 0 : i32
    %eq3A_3267 = vector.broadcast %eq3A_3266 : i32 to vector<16xi32>
    %eq3A_3268 = arith.cmpi eq, %select_n3A_3230, %eq3A_3267 : vector<16xi32>
    %convert_element_type3A_3269 = arith.extui %eq3A_3268 : vector<16xi1> to vector<16xi32>
    %broadcast_in_dim3A_3270 = arith.constant true
    %broadcast_in_dim3A_3271 = vector.broadcast %broadcast_in_dim3A_3270 : i1 to vector<16xi1>
    %masked_cumsum3A_3272 = tpu.scan <sum>, %convert_element_type3A_3269 masked %broadcast_in_dim3A_3271 : vector<16xi32>, vector<16xi1> -> vector<16xi32>
    %add3A_3273 = vector.broadcast %add3A_3074 : i32 to vector<16xi32>
    %add3A_3274 = arith.addi %add3A_3273, %masked_cumsum3A_3272 : vector<16xi32>
    %sub3A_3275 = arith.constant 1 : i32
    %sub3A_3276 = vector.broadcast %sub3A_3275 : i32 to vector<16xi32>
    %sub3A_3277 = arith.subi %add3A_3274, %sub3A_3276 : vector<16xi32>
    %select_n3A_3278 = arith.select %eq3A_3268, %sub3A_3277, %broadcast_in_dim3A_3265 : vector<16xi1>, vector<16xi32>
    %slice3A_3279 = vector.extract_strided_slice %masked_cumsum3A_3272 {offsets = [15], sizes = [1], strides = [1]} : vector<16xi32> to vector<1xi32>
    %squeeze3A_3280 = vector.extract %slice3A_3279[0] : i32 from vector<1xi32>
    %add3A_3281 = arith.addi %add3A_3074, %squeeze3A_3280 : i32
    %eq3A_3282 = arith.constant 1 : i32
    %eq3A_3283 = vector.broadcast %eq3A_3282 : i32 to vector<16xi32>
    %eq3A_3284 = arith.cmpi eq, %select_n3A_3230, %eq3A_3283 : vector<16xi32>
    %convert_element_type3A_3285 = arith.extui %eq3A_3284 : vector<16xi1> to vector<16xi32>
    %broadcast_in_dim3A_3286 = arith.constant true
    %broadcast_in_dim3A_3287 = vector.broadcast %broadcast_in_dim3A_3286 : i1 to vector<16xi1>
    %masked_cumsum3A_3288 = tpu.scan <sum>, %convert_element_type3A_3285 masked %broadcast_in_dim3A_3287 : vector<16xi32>, vector<16xi1> -> vector<16xi32>
    %add3A_3289 = vector.broadcast %add3A_3090 : i32 to vector<16xi32>
    %add3A_3290 = arith.addi %add3A_3289, %masked_cumsum3A_3288 : vector<16xi32>
    %sub3A_3291 = arith.constant 1 : i32
    %sub3A_3292 = vector.broadcast %sub3A_3291 : i32 to vector<16xi32>
    %sub3A_3293 = arith.subi %add3A_3290, %sub3A_3292 : vector<16xi32>
    %select_n3A_3294 = arith.select %eq3A_3284, %sub3A_3293, %select_n3A_3278 : vector<16xi1>, vector<16xi32>
    %slice3A_3295 = vector.extract_strided_slice %masked_cumsum3A_3288 {offsets = [15], sizes = [1], strides = [1]} : vector<16xi32> to vector<1xi32>
    %squeeze3A_3296 = vector.extract %slice3A_3295[0] : i32 from vector<1xi32>
    %add3A_3297 = arith.addi %add3A_3090, %squeeze3A_3296 : i32
    %eq3A_3298 = arith.constant 2 : i32
    %eq3A_3299 = vector.broadcast %eq3A_3298 : i32 to vector<16xi32>
    %eq3A_3300 = arith.cmpi eq, %select_n3A_3230, %eq3A_3299 : vector<16xi32>
    %convert_element_type3A_3301 = arith.extui %eq3A_3300 : vector<16xi1> to vector<16xi32>
    %broadcast_in_dim3A_3302 = arith.constant true
    %broadcast_in_dim3A_3303 = vector.broadcast %broadcast_in_dim3A_3302 : i1 to vector<16xi1>
    %masked_cumsum3A_3304 = tpu.scan <sum>, %convert_element_type3A_3301 masked %broadcast_in_dim3A_3303 : vector<16xi32>, vector<16xi1> -> vector<16xi32>
    %add3A_3305 = vector.broadcast %add3A_3106 : i32 to vector<16xi32>
    %add3A_3306 = arith.addi %add3A_3305, %masked_cumsum3A_3304 : vector<16xi32>
    %sub3A_3307 = arith.constant 1 : i32
    %sub3A_3308 = vector.broadcast %sub3A_3307 : i32 to vector<16xi32>
    %sub3A_3309 = arith.subi %add3A_3306, %sub3A_3308 : vector<16xi32>
    %select_n3A_3310 = arith.select %eq3A_3300, %sub3A_3309, %select_n3A_3294 : vector<16xi1>, vector<16xi32>
    %slice3A_3311 = vector.extract_strided_slice %masked_cumsum3A_3304 {offsets = [15], sizes = [1], strides = [1]} : vector<16xi32> to vector<1xi32>
    %squeeze3A_3312 = vector.extract %slice3A_3311[0] : i32 from vector<1xi32>
    %add3A_3313 = arith.addi %add3A_3106, %squeeze3A_3312 : i32
    %eq3A_3314 = arith.constant 3 : i32
    %eq3A_3315 = vector.broadcast %eq3A_3314 : i32 to vector<16xi32>
    %eq3A_3316 = arith.cmpi eq, %select_n3A_3230, %eq3A_3315 : vector<16xi32>
    %convert_element_type3A_3317 = arith.extui %eq3A_3316 : vector<16xi1> to vector<16xi32>
    %broadcast_in_dim3A_3318 = arith.constant true
    %broadcast_in_dim3A_3319 = vector.broadcast %broadcast_in_dim3A_3318 : i1 to vector<16xi1>
    %masked_cumsum3A_3320 = tpu.scan <sum>, %convert_element_type3A_3317 masked %broadcast_in_dim3A_3319 : vector<16xi32>, vector<16xi1> -> vector<16xi32>
    %add3A_3321 = vector.broadcast %add3A_3122 : i32 to vector<16xi32>
    %add3A_3322 = arith.addi %add3A_3321, %masked_cumsum3A_3320 : vector<16xi32>
    %sub3A_3323 = arith.constant 1 : i32
    %sub3A_3324 = vector.broadcast %sub3A_3323 : i32 to vector<16xi32>
    %sub3A_3325 = arith.subi %add3A_3322, %sub3A_3324 : vector<16xi32>
    %select_n3A_3326 = arith.select %eq3A_3316, %sub3A_3325, %select_n3A_3310 : vector<16xi1>, vector<16xi32>
    %slice3A_3327 = vector.extract_strided_slice %masked_cumsum3A_3320 {offsets = [15], sizes = [1], strides = [1]} : vector<16xi32> to vector<1xi32>
    %squeeze3A_3328 = vector.extract %slice3A_3327[0] : i32 from vector<1xi32>
    %add3A_3329 = arith.addi %add3A_3122, %squeeze3A_3328 : i32
    %eq3A_3330 = arith.constant 4 : i32
    %eq3A_3331 = vector.broadcast %eq3A_3330 : i32 to vector<16xi32>
    %eq3A_3332 = arith.cmpi eq, %select_n3A_3230, %eq3A_3331 : vector<16xi32>
    %convert_element_type3A_3333 = arith.extui %eq3A_3332 : vector<16xi1> to vector<16xi32>
    %broadcast_in_dim3A_3334 = arith.constant true
    %broadcast_in_dim3A_3335 = vector.broadcast %broadcast_in_dim3A_3334 : i1 to vector<16xi1>
    %masked_cumsum3A_3336 = tpu.scan <sum>, %convert_element_type3A_3333 masked %broadcast_in_dim3A_3335 : vector<16xi32>, vector<16xi1> -> vector<16xi32>
    %add3A_3337 = vector.broadcast %add3A_3138 : i32 to vector<16xi32>
    %add3A_3338 = arith.addi %add3A_3337, %masked_cumsum3A_3336 : vector<16xi32>
    %sub3A_3339 = arith.constant 1 : i32
    %sub3A_3340 = vector.broadcast %sub3A_3339 : i32 to vector<16xi32>
    %sub3A_3341 = arith.subi %add3A_3338, %sub3A_3340 : vector<16xi32>
    %select_n3A_3342 = arith.select %eq3A_3332, %sub3A_3341, %select_n3A_3326 : vector<16xi1>, vector<16xi32>
    %slice3A_3343 = vector.extract_strided_slice %masked_cumsum3A_3336 {offsets = [15], sizes = [1], strides = [1]} : vector<16xi32> to vector<1xi32>
    %squeeze3A_3344 = vector.extract %slice3A_3343[0] : i32 from vector<1xi32>
    %add3A_3345 = arith.addi %add3A_3138, %squeeze3A_3344 : i32
    %eq3A_3346 = arith.constant 5 : i32
    %eq3A_3347 = vector.broadcast %eq3A_3346 : i32 to vector<16xi32>
    %eq3A_3348 = arith.cmpi eq, %select_n3A_3230, %eq3A_3347 : vector<16xi32>
    %convert_element_type3A_3349 = arith.extui %eq3A_3348 : vector<16xi1> to vector<16xi32>
    %broadcast_in_dim3A_3350 = arith.constant true
    %broadcast_in_dim3A_3351 = vector.broadcast %broadcast_in_dim3A_3350 : i1 to vector<16xi1>
    %masked_cumsum3A_3352 = tpu.scan <sum>, %convert_element_type3A_3349 masked %broadcast_in_dim3A_3351 : vector<16xi32>, vector<16xi1> -> vector<16xi32>
    %add3A_3353 = vector.broadcast %add3A_3154 : i32 to vector<16xi32>
    %add3A_3354 = arith.addi %add3A_3353, %masked_cumsum3A_3352 : vector<16xi32>
    %sub3A_3355 = arith.constant 1 : i32
    %sub3A_3356 = vector.broadcast %sub3A_3355 : i32 to vector<16xi32>
    %sub3A_3357 = arith.subi %add3A_3354, %sub3A_3356 : vector<16xi32>
    %select_n3A_3358 = arith.select %eq3A_3348, %sub3A_3357, %select_n3A_3342 : vector<16xi1>, vector<16xi32>
    %slice3A_3359 = vector.extract_strided_slice %masked_cumsum3A_3352 {offsets = [15], sizes = [1], strides = [1]} : vector<16xi32> to vector<1xi32>
    %squeeze3A_3360 = vector.extract %slice3A_3359[0] : i32 from vector<1xi32>
    %add3A_3361 = arith.addi %add3A_3154, %squeeze3A_3360 : i32
    %eq3A_3362 = arith.constant 6 : i32
    %eq3A_3363 = vector.broadcast %eq3A_3362 : i32 to vector<16xi32>
    %eq3A_3364 = arith.cmpi eq, %select_n3A_3230, %eq3A_3363 : vector<16xi32>
    %convert_element_type3A_3365 = arith.extui %eq3A_3364 : vector<16xi1> to vector<16xi32>
    %broadcast_in_dim3A_3366 = arith.constant true
    %broadcast_in_dim3A_3367 = vector.broadcast %broadcast_in_dim3A_3366 : i1 to vector<16xi1>
    %masked_cumsum3A_3368 = tpu.scan <sum>, %convert_element_type3A_3365 masked %broadcast_in_dim3A_3367 : vector<16xi32>, vector<16xi1> -> vector<16xi32>
    %add3A_3369 = vector.broadcast %add3A_3170 : i32 to vector<16xi32>
    %add3A_3370 = arith.addi %add3A_3369, %masked_cumsum3A_3368 : vector<16xi32>
    %sub3A_3371 = arith.constant 1 : i32
    %sub3A_3372 = vector.broadcast %sub3A_3371 : i32 to vector<16xi32>
    %sub3A_3373 = arith.subi %add3A_3370, %sub3A_3372 : vector<16xi32>
    %select_n3A_3374 = arith.select %eq3A_3364, %sub3A_3373, %select_n3A_3358 : vector<16xi1>, vector<16xi32>
    %slice3A_3375 = vector.extract_strided_slice %masked_cumsum3A_3368 {offsets = [15], sizes = [1], strides = [1]} : vector<16xi32> to vector<1xi32>
    %squeeze3A_3376 = vector.extract %slice3A_3375[0] : i32 from vector<1xi32>
    %add3A_3377 = arith.addi %add3A_3170, %squeeze3A_3376 : i32
    %eq3A_3378 = arith.constant 7 : i32
    %eq3A_3379 = vector.broadcast %eq3A_3378 : i32 to vector<16xi32>
    %eq3A_3380 = arith.cmpi eq, %select_n3A_3230, %eq3A_3379 : vector<16xi32>
    %convert_element_type3A_3381 = arith.extui %eq3A_3380 : vector<16xi1> to vector<16xi32>
    %broadcast_in_dim3A_3382 = arith.constant true
    %broadcast_in_dim3A_3383 = vector.broadcast %broadcast_in_dim3A_3382 : i1 to vector<16xi1>
    %masked_cumsum3A_3384 = tpu.scan <sum>, %convert_element_type3A_3381 masked %broadcast_in_dim3A_3383 : vector<16xi32>, vector<16xi1> -> vector<16xi32>
    %add3A_3385 = vector.broadcast %add3A_3186 : i32 to vector<16xi32>
    %add3A_3386 = arith.addi %add3A_3385, %masked_cumsum3A_3384 : vector<16xi32>
    %sub3A_3387 = arith.constant 1 : i32
    %sub3A_3388 = vector.broadcast %sub3A_3387 : i32 to vector<16xi32>
    %sub3A_3389 = arith.subi %add3A_3386, %sub3A_3388 : vector<16xi32>
    %select_n3A_3390 = arith.select %eq3A_3380, %sub3A_3389, %select_n3A_3374 : vector<16xi1>, vector<16xi32>
    %slice3A_3391 = vector.extract_strided_slice %masked_cumsum3A_3384 {offsets = [15], sizes = [1], strides = [1]} : vector<16xi32> to vector<1xi32>
    %squeeze3A_3392 = vector.extract %slice3A_3391[0] : i32 from vector<1xi32>
    %add3A_3393 = arith.addi %add3A_3186, %squeeze3A_3392 : i32
    %jit3A_3394 = arith.constant 2 : i32
    %div3A_3395 = vector.broadcast %jit3A_3394 : i32 to vector<16xi32>
    %div3A_3396 = arith.divsi %add3A_3263, %div3A_3395 : vector<16xi32>
    %sign3A_3397 = arith.constant 0 : i32
    %sign3A_3398 = vector.broadcast %sign3A_3397 : i32 to vector<16xi32>
    %sign3A_3399 = arith.cmpi sgt, %add3A_3263, %sign3A_3398 : vector<16xi32>
    %sign3A_3400 = arith.extui %sign3A_3399 : vector<16xi1> to vector<16xi32>
    %sign3A_3401 = arith.constant 0 : i32
    %sign3A_3402 = vector.broadcast %sign3A_3401 : i32 to vector<16xi32>
    %sign3A_3403 = arith.cmpi slt, %add3A_3263, %sign3A_3402 : vector<16xi32>
    %sign3A_3404 = arith.extui %sign3A_3403 : vector<16xi1> to vector<16xi32>
    %sign3A_3405 = arith.subi %sign3A_3400, %sign3A_3404 : vector<16xi32>
    %sign3A_3406 = arith.constant 0 : i32
    %sign3A_3407 = arith.cmpi sgt, %jit3A_3394, %sign3A_3406 : i32
    %sign3A_3408 = arith.extui %sign3A_3407 : i1 to i32
    %sign3A_3409 = arith.constant 0 : i32
    %sign3A_3410 = arith.cmpi slt, %jit3A_3394, %sign3A_3409 : i32
    %sign3A_3411 = arith.extui %sign3A_3410 : i1 to i32
    %sign3A_3412 = arith.subi %sign3A_3408, %sign3A_3411 : i32
    %ne3A_3413 = vector.broadcast %sign3A_3412 : i32 to vector<16xi32>
    %ne3A_3414 = arith.cmpi ne, %sign3A_3405, %ne3A_3413 : vector<16xi32>
    %rem3A_3415 = vector.broadcast %jit3A_3394 : i32 to vector<16xi32>
    %rem3A_3416 = arith.remsi %add3A_3263, %rem3A_3415 : vector<16xi32>
    %ne3A_3417 = arith.constant 0 : i32
    %ne3A_3418 = vector.broadcast %ne3A_3417 : i32 to vector<16xi32>
    %ne3A_3419 = arith.cmpi ne, %rem3A_3416, %ne3A_3418 : vector<16xi32>
    %and3A_3420 = arith.andi %ne3A_3414, %ne3A_3419 : vector<16xi1>
    %sub3A_3421 = arith.constant 1 : i32
    %sub3A_3422 = vector.broadcast %sub3A_3421 : i32 to vector<16xi32>
    %sub3A_3423 = arith.subi %div3A_3396, %sub3A_3422 : vector<16xi32>
    %select_n3A_3424 = arith.select %and3A_3420, %sub3A_3423, %div3A_3396 : vector<16xi1>, vector<16xi32>
    %sub3A_3425 = vector.broadcast %add3A_5 : i32 to vector<16xi32>
    %sub3A_3426 = arith.subi %select_n3A_3424, %sub3A_3425 : vector<16xi32>
    %and3A_3427 = arith.constant 1 : i32
    %and3A_3428 = vector.broadcast %and3A_3427 : i32 to vector<16xi32>
    %and3A_3429 = arith.andi %add3A_3263, %and3A_3428 : vector<16xi32>
    %eq3A_3430 = arith.constant 0 : i32
    %eq3A_3431 = vector.broadcast %eq3A_3430 : i32 to vector<16xi32>
    %eq3A_3432 = arith.cmpi eq, %and3A_3429, %eq3A_3431 : vector<16xi32>
    tpu.vector_store_idx %arg12[%sub3A_3426], %select_n3A_3390 masked %eq3A_3432 : memref<64xi32, #tpu.memory_space<vmem>>[vector<16xi32>], vector<16xi32>, vector<16xi1>
    %not3A_3433 = arith.constant dense<true> : vector<16xi1>
    %not3A_3434 = arith.xori %eq3A_3432, %not3A_3433 : vector<16xi1>
    tpu.vector_store_idx %arg13[%sub3A_3426], %select_n3A_3390 masked %not3A_3434 : memref<64xi32, #tpu.memory_space<vmem>>[vector<16xi32>], vector<16xi32>, vector<16xi1>
    %eq3A_3435 = arith.constant 0 : i32
    %eq3A_3436 = arith.cmpi eq, %arg0, %eq3A_3435 : i32
    %select_n3A_3437 = arith.select %eq3A_3436, %get3A_740, %get3A_1628 : vector<16xi32>
    %mul3A_3438 = arith.constant 256 : i32
    %mul3A_3439 = arith.muli %arg1, %mul3A_3438 : i32
    %mul3A_3440 = arith.constant 256 : i32
    %mul3A_3441 = arith.muli %arg0, %mul3A_3440 : i32
    %jit3A_3442 = arith.constant 2 : i32
    %div3A_3443 = arith.divsi %mul3A_3441, %jit3A_3442 : i32
    %sign3A_3444 = arith.constant 0 : i32
    %sign3A_3445 = arith.cmpi sgt, %mul3A_3441, %sign3A_3444 : i32
    %sign3A_3446 = arith.extui %sign3A_3445 : i1 to i32
    %sign3A_3447 = arith.constant 0 : i32
    %sign3A_3448 = arith.cmpi slt, %mul3A_3441, %sign3A_3447 : i32
    %sign3A_3449 = arith.extui %sign3A_3448 : i1 to i32
    %sign3A_3450 = arith.subi %sign3A_3446, %sign3A_3449 : i32
    %sign3A_3451 = arith.constant 0 : i32
    %sign3A_3452 = arith.cmpi sgt, %jit3A_3442, %sign3A_3451 : i32
    %sign3A_3453 = arith.extui %sign3A_3452 : i1 to i32
    %sign3A_3454 = arith.constant 0 : i32
    %sign3A_3455 = arith.cmpi slt, %jit3A_3442, %sign3A_3454 : i32
    %sign3A_3456 = arith.extui %sign3A_3455 : i1 to i32
    %sign3A_3457 = arith.subi %sign3A_3453, %sign3A_3456 : i32
    %ne3A_3458 = arith.cmpi ne, %sign3A_3450, %sign3A_3457 : i32
    %rem3A_3459 = arith.remsi %mul3A_3441, %jit3A_3442 : i32
    %ne3A_3460 = arith.constant 0 : i32
    %ne3A_3461 = arith.cmpi ne, %rem3A_3459, %ne3A_3460 : i32
    %and3A_3462 = arith.andi %ne3A_3458, %ne3A_3461 : i1
    %sub3A_3463 = arith.constant 1 : i32
    %sub3A_3464 = arith.subi %div3A_3443, %sub3A_3463 : i32
    %select_n3A_3465 = arith.select %and3A_3462, %sub3A_3464, %div3A_3443 : i32
    %add3A_3466 = arith.addi %mul3A_3439, %select_n3A_3465 : i32
    %add3A_3467 = arith.constant 80 : i32
    %add3A_3468 = arith.addi %add3A_3466, %add3A_3467 : i32
    %add3A_3469 = vector.broadcast %add3A_3468 : i32 to vector<16xi32>
    %add3A_3470 = arith.addi %add3A_3469, %iota3A : vector<16xi32>
    %broadcast_in_dim3A_3471 = arith.constant 0 : i32
    %broadcast_in_dim3A_3472 = vector.broadcast %broadcast_in_dim3A_3471 : i32 to vector<16xi32>
    %eq3A_3473 = arith.constant 0 : i32
    %eq3A_3474 = vector.broadcast %eq3A_3473 : i32 to vector<16xi32>
    %eq3A_3475 = arith.cmpi eq, %select_n3A_3437, %eq3A_3474 : vector<16xi32>
    %convert_element_type3A_3476 = arith.extui %eq3A_3475 : vector<16xi1> to vector<16xi32>
    %broadcast_in_dim3A_3477 = arith.constant true
    %broadcast_in_dim3A_3478 = vector.broadcast %broadcast_in_dim3A_3477 : i1 to vector<16xi1>
    %masked_cumsum3A_3479 = tpu.scan <sum>, %convert_element_type3A_3476 masked %broadcast_in_dim3A_3478 : vector<16xi32>, vector<16xi1> -> vector<16xi32>
    %add3A_3480 = vector.broadcast %add3A_3281 : i32 to vector<16xi32>
    %add3A_3481 = arith.addi %add3A_3480, %masked_cumsum3A_3479 : vector<16xi32>
    %sub3A_3482 = arith.constant 1 : i32
    %sub3A_3483 = vector.broadcast %sub3A_3482 : i32 to vector<16xi32>
    %sub3A_3484 = arith.subi %add3A_3481, %sub3A_3483 : vector<16xi32>
    %select_n3A_3485 = arith.select %eq3A_3475, %sub3A_3484, %broadcast_in_dim3A_3472 : vector<16xi1>, vector<16xi32>
    %slice3A_3486 = vector.extract_strided_slice %masked_cumsum3A_3479 {offsets = [15], sizes = [1], strides = [1]} : vector<16xi32> to vector<1xi32>
    %squeeze3A_3487 = vector.extract %slice3A_3486[0] : i32 from vector<1xi32>
    %add3A_3488 = arith.addi %add3A_3281, %squeeze3A_3487 : i32
    %eq3A_3489 = arith.constant 1 : i32
    %eq3A_3490 = vector.broadcast %eq3A_3489 : i32 to vector<16xi32>
    %eq3A_3491 = arith.cmpi eq, %select_n3A_3437, %eq3A_3490 : vector<16xi32>
    %convert_element_type3A_3492 = arith.extui %eq3A_3491 : vector<16xi1> to vector<16xi32>
    %broadcast_in_dim3A_3493 = arith.constant true
    %broadcast_in_dim3A_3494 = vector.broadcast %broadcast_in_dim3A_3493 : i1 to vector<16xi1>
    %masked_cumsum3A_3495 = tpu.scan <sum>, %convert_element_type3A_3492 masked %broadcast_in_dim3A_3494 : vector<16xi32>, vector<16xi1> -> vector<16xi32>
    %add3A_3496 = vector.broadcast %add3A_3297 : i32 to vector<16xi32>
    %add3A_3497 = arith.addi %add3A_3496, %masked_cumsum3A_3495 : vector<16xi32>
    %sub3A_3498 = arith.constant 1 : i32
    %sub3A_3499 = vector.broadcast %sub3A_3498 : i32 to vector<16xi32>
    %sub3A_3500 = arith.subi %add3A_3497, %sub3A_3499 : vector<16xi32>
    %select_n3A_3501 = arith.select %eq3A_3491, %sub3A_3500, %select_n3A_3485 : vector<16xi1>, vector<16xi32>
    %slice3A_3502 = vector.extract_strided_slice %masked_cumsum3A_3495 {offsets = [15], sizes = [1], strides = [1]} : vector<16xi32> to vector<1xi32>
    %squeeze3A_3503 = vector.extract %slice3A_3502[0] : i32 from vector<1xi32>
    %add3A_3504 = arith.addi %add3A_3297, %squeeze3A_3503 : i32
    %eq3A_3505 = arith.constant 2 : i32
    %eq3A_3506 = vector.broadcast %eq3A_3505 : i32 to vector<16xi32>
    %eq3A_3507 = arith.cmpi eq, %select_n3A_3437, %eq3A_3506 : vector<16xi32>
    %convert_element_type3A_3508 = arith.extui %eq3A_3507 : vector<16xi1> to vector<16xi32>
    %broadcast_in_dim3A_3509 = arith.constant true
    %broadcast_in_dim3A_3510 = vector.broadcast %broadcast_in_dim3A_3509 : i1 to vector<16xi1>
    %masked_cumsum3A_3511 = tpu.scan <sum>, %convert_element_type3A_3508 masked %broadcast_in_dim3A_3510 : vector<16xi32>, vector<16xi1> -> vector<16xi32>
    %add3A_3512 = vector.broadcast %add3A_3313 : i32 to vector<16xi32>
    %add3A_3513 = arith.addi %add3A_3512, %masked_cumsum3A_3511 : vector<16xi32>
    %sub3A_3514 = arith.constant 1 : i32
    %sub3A_3515 = vector.broadcast %sub3A_3514 : i32 to vector<16xi32>
    %sub3A_3516 = arith.subi %add3A_3513, %sub3A_3515 : vector<16xi32>
    %select_n3A_3517 = arith.select %eq3A_3507, %sub3A_3516, %select_n3A_3501 : vector<16xi1>, vector<16xi32>
    %slice3A_3518 = vector.extract_strided_slice %masked_cumsum3A_3511 {offsets = [15], sizes = [1], strides = [1]} : vector<16xi32> to vector<1xi32>
    %squeeze3A_3519 = vector.extract %slice3A_3518[0] : i32 from vector<1xi32>
    %add3A_3520 = arith.addi %add3A_3313, %squeeze3A_3519 : i32
    %eq3A_3521 = arith.constant 3 : i32
    %eq3A_3522 = vector.broadcast %eq3A_3521 : i32 to vector<16xi32>
    %eq3A_3523 = arith.cmpi eq, %select_n3A_3437, %eq3A_3522 : vector<16xi32>
    %convert_element_type3A_3524 = arith.extui %eq3A_3523 : vector<16xi1> to vector<16xi32>
    %broadcast_in_dim3A_3525 = arith.constant true
    %broadcast_in_dim3A_3526 = vector.broadcast %broadcast_in_dim3A_3525 : i1 to vector<16xi1>
    %masked_cumsum3A_3527 = tpu.scan <sum>, %convert_element_type3A_3524 masked %broadcast_in_dim3A_3526 : vector<16xi32>, vector<16xi1> -> vector<16xi32>
    %add3A_3528 = vector.broadcast %add3A_3329 : i32 to vector<16xi32>
    %add3A_3529 = arith.addi %add3A_3528, %masked_cumsum3A_3527 : vector<16xi32>
    %sub3A_3530 = arith.constant 1 : i32
    %sub3A_3531 = vector.broadcast %sub3A_3530 : i32 to vector<16xi32>
    %sub3A_3532 = arith.subi %add3A_3529, %sub3A_3531 : vector<16xi32>
    %select_n3A_3533 = arith.select %eq3A_3523, %sub3A_3532, %select_n3A_3517 : vector<16xi1>, vector<16xi32>
    %slice3A_3534 = vector.extract_strided_slice %masked_cumsum3A_3527 {offsets = [15], sizes = [1], strides = [1]} : vector<16xi32> to vector<1xi32>
    %squeeze3A_3535 = vector.extract %slice3A_3534[0] : i32 from vector<1xi32>
    %add3A_3536 = arith.addi %add3A_3329, %squeeze3A_3535 : i32
    %eq3A_3537 = arith.constant 4 : i32
    %eq3A_3538 = vector.broadcast %eq3A_3537 : i32 to vector<16xi32>
    %eq3A_3539 = arith.cmpi eq, %select_n3A_3437, %eq3A_3538 : vector<16xi32>
    %convert_element_type3A_3540 = arith.extui %eq3A_3539 : vector<16xi1> to vector<16xi32>
    %broadcast_in_dim3A_3541 = arith.constant true
    %broadcast_in_dim3A_3542 = vector.broadcast %broadcast_in_dim3A_3541 : i1 to vector<16xi1>
    %masked_cumsum3A_3543 = tpu.scan <sum>, %convert_element_type3A_3540 masked %broadcast_in_dim3A_3542 : vector<16xi32>, vector<16xi1> -> vector<16xi32>
    %add3A_3544 = vector.broadcast %add3A_3345 : i32 to vector<16xi32>
    %add3A_3545 = arith.addi %add3A_3544, %masked_cumsum3A_3543 : vector<16xi32>
    %sub3A_3546 = arith.constant 1 : i32
    %sub3A_3547 = vector.broadcast %sub3A_3546 : i32 to vector<16xi32>
    %sub3A_3548 = arith.subi %add3A_3545, %sub3A_3547 : vector<16xi32>
    %select_n3A_3549 = arith.select %eq3A_3539, %sub3A_3548, %select_n3A_3533 : vector<16xi1>, vector<16xi32>
    %slice3A_3550 = vector.extract_strided_slice %masked_cumsum3A_3543 {offsets = [15], sizes = [1], strides = [1]} : vector<16xi32> to vector<1xi32>
    %squeeze3A_3551 = vector.extract %slice3A_3550[0] : i32 from vector<1xi32>
    %add3A_3552 = arith.addi %add3A_3345, %squeeze3A_3551 : i32
    %eq3A_3553 = arith.constant 5 : i32
    %eq3A_3554 = vector.broadcast %eq3A_3553 : i32 to vector<16xi32>
    %eq3A_3555 = arith.cmpi eq, %select_n3A_3437, %eq3A_3554 : vector<16xi32>
    %convert_element_type3A_3556 = arith.extui %eq3A_3555 : vector<16xi1> to vector<16xi32>
    %broadcast_in_dim3A_3557 = arith.constant true
    %broadcast_in_dim3A_3558 = vector.broadcast %broadcast_in_dim3A_3557 : i1 to vector<16xi1>
    %masked_cumsum3A_3559 = tpu.scan <sum>, %convert_element_type3A_3556 masked %broadcast_in_dim3A_3558 : vector<16xi32>, vector<16xi1> -> vector<16xi32>
    %add3A_3560 = vector.broadcast %add3A_3361 : i32 to vector<16xi32>
    %add3A_3561 = arith.addi %add3A_3560, %masked_cumsum3A_3559 : vector<16xi32>
    %sub3A_3562 = arith.constant 1 : i32
    %sub3A_3563 = vector.broadcast %sub3A_3562 : i32 to vector<16xi32>
    %sub3A_3564 = arith.subi %add3A_3561, %sub3A_3563 : vector<16xi32>
    %select_n3A_3565 = arith.select %eq3A_3555, %sub3A_3564, %select_n3A_3549 : vector<16xi1>, vector<16xi32>
    %slice3A_3566 = vector.extract_strided_slice %masked_cumsum3A_3559 {offsets = [15], sizes = [1], strides = [1]} : vector<16xi32> to vector<1xi32>
    %squeeze3A_3567 = vector.extract %slice3A_3566[0] : i32 from vector<1xi32>
    %add3A_3568 = arith.addi %add3A_3361, %squeeze3A_3567 : i32
    %eq3A_3569 = arith.constant 6 : i32
    %eq3A_3570 = vector.broadcast %eq3A_3569 : i32 to vector<16xi32>
    %eq3A_3571 = arith.cmpi eq, %select_n3A_3437, %eq3A_3570 : vector<16xi32>
    %convert_element_type3A_3572 = arith.extui %eq3A_3571 : vector<16xi1> to vector<16xi32>
    %broadcast_in_dim3A_3573 = arith.constant true
    %broadcast_in_dim3A_3574 = vector.broadcast %broadcast_in_dim3A_3573 : i1 to vector<16xi1>
    %masked_cumsum3A_3575 = tpu.scan <sum>, %convert_element_type3A_3572 masked %broadcast_in_dim3A_3574 : vector<16xi32>, vector<16xi1> -> vector<16xi32>
    %add3A_3576 = vector.broadcast %add3A_3377 : i32 to vector<16xi32>
    %add3A_3577 = arith.addi %add3A_3576, %masked_cumsum3A_3575 : vector<16xi32>
    %sub3A_3578 = arith.constant 1 : i32
    %sub3A_3579 = vector.broadcast %sub3A_3578 : i32 to vector<16xi32>
    %sub3A_3580 = arith.subi %add3A_3577, %sub3A_3579 : vector<16xi32>
    %select_n3A_3581 = arith.select %eq3A_3571, %sub3A_3580, %select_n3A_3565 : vector<16xi1>, vector<16xi32>
    %slice3A_3582 = vector.extract_strided_slice %masked_cumsum3A_3575 {offsets = [15], sizes = [1], strides = [1]} : vector<16xi32> to vector<1xi32>
    %squeeze3A_3583 = vector.extract %slice3A_3582[0] : i32 from vector<1xi32>
    %add3A_3584 = arith.addi %add3A_3377, %squeeze3A_3583 : i32
    %eq3A_3585 = arith.constant 7 : i32
    %eq3A_3586 = vector.broadcast %eq3A_3585 : i32 to vector<16xi32>
    %eq3A_3587 = arith.cmpi eq, %select_n3A_3437, %eq3A_3586 : vector<16xi32>
    %convert_element_type3A_3588 = arith.extui %eq3A_3587 : vector<16xi1> to vector<16xi32>
    %broadcast_in_dim3A_3589 = arith.constant true
    %broadcast_in_dim3A_3590 = vector.broadcast %broadcast_in_dim3A_3589 : i1 to vector<16xi1>
    %masked_cumsum3A_3591 = tpu.scan <sum>, %convert_element_type3A_3588 masked %broadcast_in_dim3A_3590 : vector<16xi32>, vector<16xi1> -> vector<16xi32>
    %add3A_3592 = vector.broadcast %add3A_3393 : i32 to vector<16xi32>
    %add3A_3593 = arith.addi %add3A_3592, %masked_cumsum3A_3591 : vector<16xi32>
    %sub3A_3594 = arith.constant 1 : i32
    %sub3A_3595 = vector.broadcast %sub3A_3594 : i32 to vector<16xi32>
    %sub3A_3596 = arith.subi %add3A_3593, %sub3A_3595 : vector<16xi32>
    %select_n3A_3597 = arith.select %eq3A_3587, %sub3A_3596, %select_n3A_3581 : vector<16xi1>, vector<16xi32>
    %slice3A_3598 = vector.extract_strided_slice %masked_cumsum3A_3591 {offsets = [15], sizes = [1], strides = [1]} : vector<16xi32> to vector<1xi32>
    %squeeze3A_3599 = vector.extract %slice3A_3598[0] : i32 from vector<1xi32>
    %add3A_3600 = arith.addi %add3A_3393, %squeeze3A_3599 : i32
    %jit3A_3601 = arith.constant 2 : i32
    %div3A_3602 = vector.broadcast %jit3A_3601 : i32 to vector<16xi32>
    %div3A_3603 = arith.divsi %add3A_3470, %div3A_3602 : vector<16xi32>
    %sign3A_3604 = arith.constant 0 : i32
    %sign3A_3605 = vector.broadcast %sign3A_3604 : i32 to vector<16xi32>
    %sign3A_3606 = arith.cmpi sgt, %add3A_3470, %sign3A_3605 : vector<16xi32>
    %sign3A_3607 = arith.extui %sign3A_3606 : vector<16xi1> to vector<16xi32>
    %sign3A_3608 = arith.constant 0 : i32
    %sign3A_3609 = vector.broadcast %sign3A_3608 : i32 to vector<16xi32>
    %sign3A_3610 = arith.cmpi slt, %add3A_3470, %sign3A_3609 : vector<16xi32>
    %sign3A_3611 = arith.extui %sign3A_3610 : vector<16xi1> to vector<16xi32>
    %sign3A_3612 = arith.subi %sign3A_3607, %sign3A_3611 : vector<16xi32>
    %sign3A_3613 = arith.constant 0 : i32
    %sign3A_3614 = arith.cmpi sgt, %jit3A_3601, %sign3A_3613 : i32
    %sign3A_3615 = arith.extui %sign3A_3614 : i1 to i32
    %sign3A_3616 = arith.constant 0 : i32
    %sign3A_3617 = arith.cmpi slt, %jit3A_3601, %sign3A_3616 : i32
    %sign3A_3618 = arith.extui %sign3A_3617 : i1 to i32
    %sign3A_3619 = arith.subi %sign3A_3615, %sign3A_3618 : i32
    %ne3A_3620 = vector.broadcast %sign3A_3619 : i32 to vector<16xi32>
    %ne3A_3621 = arith.cmpi ne, %sign3A_3612, %ne3A_3620 : vector<16xi32>
    %rem3A_3622 = vector.broadcast %jit3A_3601 : i32 to vector<16xi32>
    %rem3A_3623 = arith.remsi %add3A_3470, %rem3A_3622 : vector<16xi32>
    %ne3A_3624 = arith.constant 0 : i32
    %ne3A_3625 = vector.broadcast %ne3A_3624 : i32 to vector<16xi32>
    %ne3A_3626 = arith.cmpi ne, %rem3A_3623, %ne3A_3625 : vector<16xi32>
    %and3A_3627 = arith.andi %ne3A_3621, %ne3A_3626 : vector<16xi1>
    %sub3A_3628 = arith.constant 1 : i32
    %sub3A_3629 = vector.broadcast %sub3A_3628 : i32 to vector<16xi32>
    %sub3A_3630 = arith.subi %div3A_3603, %sub3A_3629 : vector<16xi32>
    %select_n3A_3631 = arith.select %and3A_3627, %sub3A_3630, %div3A_3603 : vector<16xi1>, vector<16xi32>
    %sub3A_3632 = vector.broadcast %add3A_5 : i32 to vector<16xi32>
    %sub3A_3633 = arith.subi %select_n3A_3631, %sub3A_3632 : vector<16xi32>
    %and3A_3634 = arith.constant 1 : i32
    %and3A_3635 = vector.broadcast %and3A_3634 : i32 to vector<16xi32>
    %and3A_3636 = arith.andi %add3A_3470, %and3A_3635 : vector<16xi32>
    %eq3A_3637 = arith.constant 0 : i32
    %eq3A_3638 = vector.broadcast %eq3A_3637 : i32 to vector<16xi32>
    %eq3A_3639 = arith.cmpi eq, %and3A_3636, %eq3A_3638 : vector<16xi32>
    tpu.vector_store_idx %arg12[%sub3A_3633], %select_n3A_3597 masked %eq3A_3639 : memref<64xi32, #tpu.memory_space<vmem>>[vector<16xi32>], vector<16xi32>, vector<16xi1>
    %not3A_3640 = arith.constant dense<true> : vector<16xi1>
    %not3A_3641 = arith.xori %eq3A_3639, %not3A_3640 : vector<16xi1>
    tpu.vector_store_idx %arg13[%sub3A_3633], %select_n3A_3597 masked %not3A_3641 : memref<64xi32, #tpu.memory_space<vmem>>[vector<16xi32>], vector<16xi32>, vector<16xi1>
    %eq3A_3642 = arith.constant 0 : i32
    %eq3A_3643 = arith.cmpi eq, %arg0, %eq3A_3642 : i32
    %select_n3A_3644 = arith.select %eq3A_3643, %get3A_886, %get3A_1718 : vector<16xi32>
    %mul3A_3645 = arith.constant 256 : i32
    %mul3A_3646 = arith.muli %arg1, %mul3A_3645 : i32
    %mul3A_3647 = arith.constant 256 : i32
    %mul3A_3648 = arith.muli %arg0, %mul3A_3647 : i32
    %jit3A_3649 = arith.constant 2 : i32
    %div3A_3650 = arith.divsi %mul3A_3648, %jit3A_3649 : i32
    %sign3A_3651 = arith.constant 0 : i32
    %sign3A_3652 = arith.cmpi sgt, %mul3A_3648, %sign3A_3651 : i32
    %sign3A_3653 = arith.extui %sign3A_3652 : i1 to i32
    %sign3A_3654 = arith.constant 0 : i32
    %sign3A_3655 = arith.cmpi slt, %mul3A_3648, %sign3A_3654 : i32
    %sign3A_3656 = arith.extui %sign3A_3655 : i1 to i32
    %sign3A_3657 = arith.subi %sign3A_3653, %sign3A_3656 : i32
    %sign3A_3658 = arith.constant 0 : i32
    %sign3A_3659 = arith.cmpi sgt, %jit3A_3649, %sign3A_3658 : i32
    %sign3A_3660 = arith.extui %sign3A_3659 : i1 to i32
    %sign3A_3661 = arith.constant 0 : i32
    %sign3A_3662 = arith.cmpi slt, %jit3A_3649, %sign3A_3661 : i32
    %sign3A_3663 = arith.extui %sign3A_3662 : i1 to i32
    %sign3A_3664 = arith.subi %sign3A_3660, %sign3A_3663 : i32
    %ne3A_3665 = arith.cmpi ne, %sign3A_3657, %sign3A_3664 : i32
    %rem3A_3666 = arith.remsi %mul3A_3648, %jit3A_3649 : i32
    %ne3A_3667 = arith.constant 0 : i32
    %ne3A_3668 = arith.cmpi ne, %rem3A_3666, %ne3A_3667 : i32
    %and3A_3669 = arith.andi %ne3A_3665, %ne3A_3668 : i1
    %sub3A_3670 = arith.constant 1 : i32
    %sub3A_3671 = arith.subi %div3A_3650, %sub3A_3670 : i32
    %select_n3A_3672 = arith.select %and3A_3669, %sub3A_3671, %div3A_3650 : i32
    %add3A_3673 = arith.addi %mul3A_3646, %select_n3A_3672 : i32
    %add3A_3674 = arith.constant 96 : i32
    %add3A_3675 = arith.addi %add3A_3673, %add3A_3674 : i32
    %add3A_3676 = vector.broadcast %add3A_3675 : i32 to vector<16xi32>
    %add3A_3677 = arith.addi %add3A_3676, %iota3A : vector<16xi32>
    %broadcast_in_dim3A_3678 = arith.constant 0 : i32
    %broadcast_in_dim3A_3679 = vector.broadcast %broadcast_in_dim3A_3678 : i32 to vector<16xi32>
    %eq3A_3680 = arith.constant 0 : i32
    %eq3A_3681 = vector.broadcast %eq3A_3680 : i32 to vector<16xi32>
    %eq3A_3682 = arith.cmpi eq, %select_n3A_3644, %eq3A_3681 : vector<16xi32>
    %convert_element_type3A_3683 = arith.extui %eq3A_3682 : vector<16xi1> to vector<16xi32>
    %broadcast_in_dim3A_3684 = arith.constant true
    %broadcast_in_dim3A_3685 = vector.broadcast %broadcast_in_dim3A_3684 : i1 to vector<16xi1>
    %masked_cumsum3A_3686 = tpu.scan <sum>, %convert_element_type3A_3683 masked %broadcast_in_dim3A_3685 : vector<16xi32>, vector<16xi1> -> vector<16xi32>
    %add3A_3687 = vector.broadcast %add3A_3488 : i32 to vector<16xi32>
    %add3A_3688 = arith.addi %add3A_3687, %masked_cumsum3A_3686 : vector<16xi32>
    %sub3A_3689 = arith.constant 1 : i32
    %sub3A_3690 = vector.broadcast %sub3A_3689 : i32 to vector<16xi32>
    %sub3A_3691 = arith.subi %add3A_3688, %sub3A_3690 : vector<16xi32>
    %select_n3A_3692 = arith.select %eq3A_3682, %sub3A_3691, %broadcast_in_dim3A_3679 : vector<16xi1>, vector<16xi32>
    %slice3A_3693 = vector.extract_strided_slice %masked_cumsum3A_3686 {offsets = [15], sizes = [1], strides = [1]} : vector<16xi32> to vector<1xi32>
    %squeeze3A_3694 = vector.extract %slice3A_3693[0] : i32 from vector<1xi32>
    %add3A_3695 = arith.addi %add3A_3488, %squeeze3A_3694 : i32
    %eq3A_3696 = arith.constant 1 : i32
    %eq3A_3697 = vector.broadcast %eq3A_3696 : i32 to vector<16xi32>
    %eq3A_3698 = arith.cmpi eq, %select_n3A_3644, %eq3A_3697 : vector<16xi32>
    %convert_element_type3A_3699 = arith.extui %eq3A_3698 : vector<16xi1> to vector<16xi32>
    %broadcast_in_dim3A_3700 = arith.constant true
    %broadcast_in_dim3A_3701 = vector.broadcast %broadcast_in_dim3A_3700 : i1 to vector<16xi1>
    %masked_cumsum3A_3702 = tpu.scan <sum>, %convert_element_type3A_3699 masked %broadcast_in_dim3A_3701 : vector<16xi32>, vector<16xi1> -> vector<16xi32>
    %add3A_3703 = vector.broadcast %add3A_3504 : i32 to vector<16xi32>
    %add3A_3704 = arith.addi %add3A_3703, %masked_cumsum3A_3702 : vector<16xi32>
    %sub3A_3705 = arith.constant 1 : i32
    %sub3A_3706 = vector.broadcast %sub3A_3705 : i32 to vector<16xi32>
    %sub3A_3707 = arith.subi %add3A_3704, %sub3A_3706 : vector<16xi32>
    %select_n3A_3708 = arith.select %eq3A_3698, %sub3A_3707, %select_n3A_3692 : vector<16xi1>, vector<16xi32>
    %slice3A_3709 = vector.extract_strided_slice %masked_cumsum3A_3702 {offsets = [15], sizes = [1], strides = [1]} : vector<16xi32> to vector<1xi32>
    %squeeze3A_3710 = vector.extract %slice3A_3709[0] : i32 from vector<1xi32>
    %add3A_3711 = arith.addi %add3A_3504, %squeeze3A_3710 : i32
    %eq3A_3712 = arith.constant 2 : i32
    %eq3A_3713 = vector.broadcast %eq3A_3712 : i32 to vector<16xi32>
    %eq3A_3714 = arith.cmpi eq, %select_n3A_3644, %eq3A_3713 : vector<16xi32>
    %convert_element_type3A_3715 = arith.extui %eq3A_3714 : vector<16xi1> to vector<16xi32>
    %broadcast_in_dim3A_3716 = arith.constant true
    %broadcast_in_dim3A_3717 = vector.broadcast %broadcast_in_dim3A_3716 : i1 to vector<16xi1>
    %masked_cumsum3A_3718 = tpu.scan <sum>, %convert_element_type3A_3715 masked %broadcast_in_dim3A_3717 : vector<16xi32>, vector<16xi1> -> vector<16xi32>
    %add3A_3719 = vector.broadcast %add3A_3520 : i32 to vector<16xi32>
    %add3A_3720 = arith.addi %add3A_3719, %masked_cumsum3A_3718 : vector<16xi32>
    %sub3A_3721 = arith.constant 1 : i32
    %sub3A_3722 = vector.broadcast %sub3A_3721 : i32 to vector<16xi32>
    %sub3A_3723 = arith.subi %add3A_3720, %sub3A_3722 : vector<16xi32>
    %select_n3A_3724 = arith.select %eq3A_3714, %sub3A_3723, %select_n3A_3708 : vector<16xi1>, vector<16xi32>
    %slice3A_3725 = vector.extract_strided_slice %masked_cumsum3A_3718 {offsets = [15], sizes = [1], strides = [1]} : vector<16xi32> to vector<1xi32>
    %squeeze3A_3726 = vector.extract %slice3A_3725[0] : i32 from vector<1xi32>
    %add3A_3727 = arith.addi %add3A_3520, %squeeze3A_3726 : i32
    %eq3A_3728 = arith.constant 3 : i32
    %eq3A_3729 = vector.broadcast %eq3A_3728 : i32 to vector<16xi32>
    %eq3A_3730 = arith.cmpi eq, %select_n3A_3644, %eq3A_3729 : vector<16xi32>
    %convert_element_type3A_3731 = arith.extui %eq3A_3730 : vector<16xi1> to vector<16xi32>
    %broadcast_in_dim3A_3732 = arith.constant true
    %broadcast_in_dim3A_3733 = vector.broadcast %broadcast_in_dim3A_3732 : i1 to vector<16xi1>
    %masked_cumsum3A_3734 = tpu.scan <sum>, %convert_element_type3A_3731 masked %broadcast_in_dim3A_3733 : vector<16xi32>, vector<16xi1> -> vector<16xi32>
    %add3A_3735 = vector.broadcast %add3A_3536 : i32 to vector<16xi32>
    %add3A_3736 = arith.addi %add3A_3735, %masked_cumsum3A_3734 : vector<16xi32>
    %sub3A_3737 = arith.constant 1 : i32
    %sub3A_3738 = vector.broadcast %sub3A_3737 : i32 to vector<16xi32>
    %sub3A_3739 = arith.subi %add3A_3736, %sub3A_3738 : vector<16xi32>
    %select_n3A_3740 = arith.select %eq3A_3730, %sub3A_3739, %select_n3A_3724 : vector<16xi1>, vector<16xi32>
    %slice3A_3741 = vector.extract_strided_slice %masked_cumsum3A_3734 {offsets = [15], sizes = [1], strides = [1]} : vector<16xi32> to vector<1xi32>
    %squeeze3A_3742 = vector.extract %slice3A_3741[0] : i32 from vector<1xi32>
    %add3A_3743 = arith.addi %add3A_3536, %squeeze3A_3742 : i32
    %eq3A_3744 = arith.constant 4 : i32
    %eq3A_3745 = vector.broadcast %eq3A_3744 : i32 to vector<16xi32>
    %eq3A_3746 = arith.cmpi eq, %select_n3A_3644, %eq3A_3745 : vector<16xi32>
    %convert_element_type3A_3747 = arith.extui %eq3A_3746 : vector<16xi1> to vector<16xi32>
    %broadcast_in_dim3A_3748 = arith.constant true
    %broadcast_in_dim3A_3749 = vector.broadcast %broadcast_in_dim3A_3748 : i1 to vector<16xi1>
    %masked_cumsum3A_3750 = tpu.scan <sum>, %convert_element_type3A_3747 masked %broadcast_in_dim3A_3749 : vector<16xi32>, vector<16xi1> -> vector<16xi32>
    %add3A_3751 = vector.broadcast %add3A_3552 : i32 to vector<16xi32>
    %add3A_3752 = arith.addi %add3A_3751, %masked_cumsum3A_3750 : vector<16xi32>
    %sub3A_3753 = arith.constant 1 : i32
    %sub3A_3754 = vector.broadcast %sub3A_3753 : i32 to vector<16xi32>
    %sub3A_3755 = arith.subi %add3A_3752, %sub3A_3754 : vector<16xi32>
    %select_n3A_3756 = arith.select %eq3A_3746, %sub3A_3755, %select_n3A_3740 : vector<16xi1>, vector<16xi32>
    %slice3A_3757 = vector.extract_strided_slice %masked_cumsum3A_3750 {offsets = [15], sizes = [1], strides = [1]} : vector<16xi32> to vector<1xi32>
    %squeeze3A_3758 = vector.extract %slice3A_3757[0] : i32 from vector<1xi32>
    %add3A_3759 = arith.addi %add3A_3552, %squeeze3A_3758 : i32
    %eq3A_3760 = arith.constant 5 : i32
    %eq3A_3761 = vector.broadcast %eq3A_3760 : i32 to vector<16xi32>
    %eq3A_3762 = arith.cmpi eq, %select_n3A_3644, %eq3A_3761 : vector<16xi32>
    %convert_element_type3A_3763 = arith.extui %eq3A_3762 : vector<16xi1> to vector<16xi32>
    %broadcast_in_dim3A_3764 = arith.constant true
    %broadcast_in_dim3A_3765 = vector.broadcast %broadcast_in_dim3A_3764 : i1 to vector<16xi1>
    %masked_cumsum3A_3766 = tpu.scan <sum>, %convert_element_type3A_3763 masked %broadcast_in_dim3A_3765 : vector<16xi32>, vector<16xi1> -> vector<16xi32>
    %add3A_3767 = vector.broadcast %add3A_3568 : i32 to vector<16xi32>
    %add3A_3768 = arith.addi %add3A_3767, %masked_cumsum3A_3766 : vector<16xi32>
    %sub3A_3769 = arith.constant 1 : i32
    %sub3A_3770 = vector.broadcast %sub3A_3769 : i32 to vector<16xi32>
    %sub3A_3771 = arith.subi %add3A_3768, %sub3A_3770 : vector<16xi32>
    %select_n3A_3772 = arith.select %eq3A_3762, %sub3A_3771, %select_n3A_3756 : vector<16xi1>, vector<16xi32>
    %slice3A_3773 = vector.extract_strided_slice %masked_cumsum3A_3766 {offsets = [15], sizes = [1], strides = [1]} : vector<16xi32> to vector<1xi32>
    %squeeze3A_3774 = vector.extract %slice3A_3773[0] : i32 from vector<1xi32>
    %add3A_3775 = arith.addi %add3A_3568, %squeeze3A_3774 : i32
    %eq3A_3776 = arith.constant 6 : i32
    %eq3A_3777 = vector.broadcast %eq3A_3776 : i32 to vector<16xi32>
    %eq3A_3778 = arith.cmpi eq, %select_n3A_3644, %eq3A_3777 : vector<16xi32>
    %convert_element_type3A_3779 = arith.extui %eq3A_3778 : vector<16xi1> to vector<16xi32>
    %broadcast_in_dim3A_3780 = arith.constant true
    %broadcast_in_dim3A_3781 = vector.broadcast %broadcast_in_dim3A_3780 : i1 to vector<16xi1>
    %masked_cumsum3A_3782 = tpu.scan <sum>, %convert_element_type3A_3779 masked %broadcast_in_dim3A_3781 : vector<16xi32>, vector<16xi1> -> vector<16xi32>
    %add3A_3783 = vector.broadcast %add3A_3584 : i32 to vector<16xi32>
    %add3A_3784 = arith.addi %add3A_3783, %masked_cumsum3A_3782 : vector<16xi32>
    %sub3A_3785 = arith.constant 1 : i32
    %sub3A_3786 = vector.broadcast %sub3A_3785 : i32 to vector<16xi32>
    %sub3A_3787 = arith.subi %add3A_3784, %sub3A_3786 : vector<16xi32>
    %select_n3A_3788 = arith.select %eq3A_3778, %sub3A_3787, %select_n3A_3772 : vector<16xi1>, vector<16xi32>
    %slice3A_3789 = vector.extract_strided_slice %masked_cumsum3A_3782 {offsets = [15], sizes = [1], strides = [1]} : vector<16xi32> to vector<1xi32>
    %squeeze3A_3790 = vector.extract %slice3A_3789[0] : i32 from vector<1xi32>
    %add3A_3791 = arith.addi %add3A_3584, %squeeze3A_3790 : i32
    %eq3A_3792 = arith.constant 7 : i32
    %eq3A_3793 = vector.broadcast %eq3A_3792 : i32 to vector<16xi32>
    %eq3A_3794 = arith.cmpi eq, %select_n3A_3644, %eq3A_3793 : vector<16xi32>
    %convert_element_type3A_3795 = arith.extui %eq3A_3794 : vector<16xi1> to vector<16xi32>
    %broadcast_in_dim3A_3796 = arith.constant true
    %broadcast_in_dim3A_3797 = vector.broadcast %broadcast_in_dim3A_3796 : i1 to vector<16xi1>
    %masked_cumsum3A_3798 = tpu.scan <sum>, %convert_element_type3A_3795 masked %broadcast_in_dim3A_3797 : vector<16xi32>, vector<16xi1> -> vector<16xi32>
    %add3A_3799 = vector.broadcast %add3A_3600 : i32 to vector<16xi32>
    %add3A_3800 = arith.addi %add3A_3799, %masked_cumsum3A_3798 : vector<16xi32>
    %sub3A_3801 = arith.constant 1 : i32
    %sub3A_3802 = vector.broadcast %sub3A_3801 : i32 to vector<16xi32>
    %sub3A_3803 = arith.subi %add3A_3800, %sub3A_3802 : vector<16xi32>
    %select_n3A_3804 = arith.select %eq3A_3794, %sub3A_3803, %select_n3A_3788 : vector<16xi1>, vector<16xi32>
    %slice3A_3805 = vector.extract_strided_slice %masked_cumsum3A_3798 {offsets = [15], sizes = [1], strides = [1]} : vector<16xi32> to vector<1xi32>
    %squeeze3A_3806 = vector.extract %slice3A_3805[0] : i32 from vector<1xi32>
    %add3A_3807 = arith.addi %add3A_3600, %squeeze3A_3806 : i32
    %jit3A_3808 = arith.constant 2 : i32
    %div3A_3809 = vector.broadcast %jit3A_3808 : i32 to vector<16xi32>
    %div3A_3810 = arith.divsi %add3A_3677, %div3A_3809 : vector<16xi32>
    %sign3A_3811 = arith.constant 0 : i32
    %sign3A_3812 = vector.broadcast %sign3A_3811 : i32 to vector<16xi32>
    %sign3A_3813 = arith.cmpi sgt, %add3A_3677, %sign3A_3812 : vector<16xi32>
    %sign3A_3814 = arith.extui %sign3A_3813 : vector<16xi1> to vector<16xi32>
    %sign3A_3815 = arith.constant 0 : i32
    %sign3A_3816 = vector.broadcast %sign3A_3815 : i32 to vector<16xi32>
    %sign3A_3817 = arith.cmpi slt, %add3A_3677, %sign3A_3816 : vector<16xi32>
    %sign3A_3818 = arith.extui %sign3A_3817 : vector<16xi1> to vector<16xi32>
    %sign3A_3819 = arith.subi %sign3A_3814, %sign3A_3818 : vector<16xi32>
    %sign3A_3820 = arith.constant 0 : i32
    %sign3A_3821 = arith.cmpi sgt, %jit3A_3808, %sign3A_3820 : i32
    %sign3A_3822 = arith.extui %sign3A_3821 : i1 to i32
    %sign3A_3823 = arith.constant 0 : i32
    %sign3A_3824 = arith.cmpi slt, %jit3A_3808, %sign3A_3823 : i32
    %sign3A_3825 = arith.extui %sign3A_3824 : i1 to i32
    %sign3A_3826 = arith.subi %sign3A_3822, %sign3A_3825 : i32
    %ne3A_3827 = vector.broadcast %sign3A_3826 : i32 to vector<16xi32>
    %ne3A_3828 = arith.cmpi ne, %sign3A_3819, %ne3A_3827 : vector<16xi32>
    %rem3A_3829 = vector.broadcast %jit3A_3808 : i32 to vector<16xi32>
    %rem3A_3830 = arith.remsi %add3A_3677, %rem3A_3829 : vector<16xi32>
    %ne3A_3831 = arith.constant 0 : i32
    %ne3A_3832 = vector.broadcast %ne3A_3831 : i32 to vector<16xi32>
    %ne3A_3833 = arith.cmpi ne, %rem3A_3830, %ne3A_3832 : vector<16xi32>
    %and3A_3834 = arith.andi %ne3A_3828, %ne3A_3833 : vector<16xi1>
    %sub3A_3835 = arith.constant 1 : i32
    %sub3A_3836 = vector.broadcast %sub3A_3835 : i32 to vector<16xi32>
    %sub3A_3837 = arith.subi %div3A_3810, %sub3A_3836 : vector<16xi32>
    %select_n3A_3838 = arith.select %and3A_3834, %sub3A_3837, %div3A_3810 : vector<16xi1>, vector<16xi32>
    %sub3A_3839 = vector.broadcast %add3A_5 : i32 to vector<16xi32>
    %sub3A_3840 = arith.subi %select_n3A_3838, %sub3A_3839 : vector<16xi32>
    %and3A_3841 = arith.constant 1 : i32
    %and3A_3842 = vector.broadcast %and3A_3841 : i32 to vector<16xi32>
    %and3A_3843 = arith.andi %add3A_3677, %and3A_3842 : vector<16xi32>
    %eq3A_3844 = arith.constant 0 : i32
    %eq3A_3845 = vector.broadcast %eq3A_3844 : i32 to vector<16xi32>
    %eq3A_3846 = arith.cmpi eq, %and3A_3843, %eq3A_3845 : vector<16xi32>
    tpu.vector_store_idx %arg12[%sub3A_3840], %select_n3A_3804 masked %eq3A_3846 : memref<64xi32, #tpu.memory_space<vmem>>[vector<16xi32>], vector<16xi32>, vector<16xi1>
    %not3A_3847 = arith.constant dense<true> : vector<16xi1>
    %not3A_3848 = arith.xori %eq3A_3846, %not3A_3847 : vector<16xi1>
    tpu.vector_store_idx %arg13[%sub3A_3840], %select_n3A_3804 masked %not3A_3848 : memref<64xi32, #tpu.memory_space<vmem>>[vector<16xi32>], vector<16xi32>, vector<16xi1>
    %eq3A_3849 = arith.constant 0 : i32
    %eq3A_3850 = arith.cmpi eq, %arg0, %eq3A_3849 : i32
    %select_n3A_3851 = arith.select %eq3A_3850, %get3A_1032, %get3A_1808 : vector<16xi32>
    %mul3A_3852 = arith.constant 256 : i32
    %mul3A_3853 = arith.muli %arg1, %mul3A_3852 : i32
    %mul3A_3854 = arith.constant 256 : i32
    %mul3A_3855 = arith.muli %arg0, %mul3A_3854 : i32
    %jit3A_3856 = arith.constant 2 : i32
    %div3A_3857 = arith.divsi %mul3A_3855, %jit3A_3856 : i32
    %sign3A_3858 = arith.constant 0 : i32
    %sign3A_3859 = arith.cmpi sgt, %mul3A_3855, %sign3A_3858 : i32
    %sign3A_3860 = arith.extui %sign3A_3859 : i1 to i32
    %sign3A_3861 = arith.constant 0 : i32
    %sign3A_3862 = arith.cmpi slt, %mul3A_3855, %sign3A_3861 : i32
    %sign3A_3863 = arith.extui %sign3A_3862 : i1 to i32
    %sign3A_3864 = arith.subi %sign3A_3860, %sign3A_3863 : i32
    %sign3A_3865 = arith.constant 0 : i32
    %sign3A_3866 = arith.cmpi sgt, %jit3A_3856, %sign3A_3865 : i32
    %sign3A_3867 = arith.extui %sign3A_3866 : i1 to i32
    %sign3A_3868 = arith.constant 0 : i32
    %sign3A_3869 = arith.cmpi slt, %jit3A_3856, %sign3A_3868 : i32
    %sign3A_3870 = arith.extui %sign3A_3869 : i1 to i32
    %sign3A_3871 = arith.subi %sign3A_3867, %sign3A_3870 : i32
    %ne3A_3872 = arith.cmpi ne, %sign3A_3864, %sign3A_3871 : i32
    %rem3A_3873 = arith.remsi %mul3A_3855, %jit3A_3856 : i32
    %ne3A_3874 = arith.constant 0 : i32
    %ne3A_3875 = arith.cmpi ne, %rem3A_3873, %ne3A_3874 : i32
    %and3A_3876 = arith.andi %ne3A_3872, %ne3A_3875 : i1
    %sub3A_3877 = arith.constant 1 : i32
    %sub3A_3878 = arith.subi %div3A_3857, %sub3A_3877 : i32
    %select_n3A_3879 = arith.select %and3A_3876, %sub3A_3878, %div3A_3857 : i32
    %add3A_3880 = arith.addi %mul3A_3853, %select_n3A_3879 : i32
    %add3A_3881 = arith.constant 112 : i32
    %add3A_3882 = arith.addi %add3A_3880, %add3A_3881 : i32
    %add3A_3883 = vector.broadcast %add3A_3882 : i32 to vector<16xi32>
    %add3A_3884 = arith.addi %add3A_3883, %iota3A : vector<16xi32>
    %broadcast_in_dim3A_3885 = arith.constant 0 : i32
    %broadcast_in_dim3A_3886 = vector.broadcast %broadcast_in_dim3A_3885 : i32 to vector<16xi32>
    %eq3A_3887 = arith.constant 0 : i32
    %eq3A_3888 = vector.broadcast %eq3A_3887 : i32 to vector<16xi32>
    %eq3A_3889 = arith.cmpi eq, %select_n3A_3851, %eq3A_3888 : vector<16xi32>
    %convert_element_type3A_3890 = arith.extui %eq3A_3889 : vector<16xi1> to vector<16xi32>
    %broadcast_in_dim3A_3891 = arith.constant true
    %broadcast_in_dim3A_3892 = vector.broadcast %broadcast_in_dim3A_3891 : i1 to vector<16xi1>
    %masked_cumsum3A_3893 = tpu.scan <sum>, %convert_element_type3A_3890 masked %broadcast_in_dim3A_3892 : vector<16xi32>, vector<16xi1> -> vector<16xi32>
    %add3A_3894 = vector.broadcast %add3A_3695 : i32 to vector<16xi32>
    %add3A_3895 = arith.addi %add3A_3894, %masked_cumsum3A_3893 : vector<16xi32>
    %sub3A_3896 = arith.constant 1 : i32
    %sub3A_3897 = vector.broadcast %sub3A_3896 : i32 to vector<16xi32>
    %sub3A_3898 = arith.subi %add3A_3895, %sub3A_3897 : vector<16xi32>
    %select_n3A_3899 = arith.select %eq3A_3889, %sub3A_3898, %broadcast_in_dim3A_3886 : vector<16xi1>, vector<16xi32>
    %slice3A_3900 = vector.extract_strided_slice %masked_cumsum3A_3893 {offsets = [15], sizes = [1], strides = [1]} : vector<16xi32> to vector<1xi32>
    %squeeze3A_3901 = vector.extract %slice3A_3900[0] : i32 from vector<1xi32>
    %add3A_3902 = arith.addi %add3A_3695, %squeeze3A_3901 : i32
    %eq3A_3903 = arith.constant 1 : i32
    %eq3A_3904 = vector.broadcast %eq3A_3903 : i32 to vector<16xi32>
    %eq3A_3905 = arith.cmpi eq, %select_n3A_3851, %eq3A_3904 : vector<16xi32>
    %convert_element_type3A_3906 = arith.extui %eq3A_3905 : vector<16xi1> to vector<16xi32>
    %broadcast_in_dim3A_3907 = arith.constant true
    %broadcast_in_dim3A_3908 = vector.broadcast %broadcast_in_dim3A_3907 : i1 to vector<16xi1>
    %masked_cumsum3A_3909 = tpu.scan <sum>, %convert_element_type3A_3906 masked %broadcast_in_dim3A_3908 : vector<16xi32>, vector<16xi1> -> vector<16xi32>
    %add3A_3910 = vector.broadcast %add3A_3711 : i32 to vector<16xi32>
    %add3A_3911 = arith.addi %add3A_3910, %masked_cumsum3A_3909 : vector<16xi32>
    %sub3A_3912 = arith.constant 1 : i32
    %sub3A_3913 = vector.broadcast %sub3A_3912 : i32 to vector<16xi32>
    %sub3A_3914 = arith.subi %add3A_3911, %sub3A_3913 : vector<16xi32>
    %select_n3A_3915 = arith.select %eq3A_3905, %sub3A_3914, %select_n3A_3899 : vector<16xi1>, vector<16xi32>
    %slice3A_3916 = vector.extract_strided_slice %masked_cumsum3A_3909 {offsets = [15], sizes = [1], strides = [1]} : vector<16xi32> to vector<1xi32>
    %squeeze3A_3917 = vector.extract %slice3A_3916[0] : i32 from vector<1xi32>
    %add3A_3918 = arith.addi %add3A_3711, %squeeze3A_3917 : i32
    %eq3A_3919 = arith.constant 2 : i32
    %eq3A_3920 = vector.broadcast %eq3A_3919 : i32 to vector<16xi32>
    %eq3A_3921 = arith.cmpi eq, %select_n3A_3851, %eq3A_3920 : vector<16xi32>
    %convert_element_type3A_3922 = arith.extui %eq3A_3921 : vector<16xi1> to vector<16xi32>
    %broadcast_in_dim3A_3923 = arith.constant true
    %broadcast_in_dim3A_3924 = vector.broadcast %broadcast_in_dim3A_3923 : i1 to vector<16xi1>
    %masked_cumsum3A_3925 = tpu.scan <sum>, %convert_element_type3A_3922 masked %broadcast_in_dim3A_3924 : vector<16xi32>, vector<16xi1> -> vector<16xi32>
    %add3A_3926 = vector.broadcast %add3A_3727 : i32 to vector<16xi32>
    %add3A_3927 = arith.addi %add3A_3926, %masked_cumsum3A_3925 : vector<16xi32>
    %sub3A_3928 = arith.constant 1 : i32
    %sub3A_3929 = vector.broadcast %sub3A_3928 : i32 to vector<16xi32>
    %sub3A_3930 = arith.subi %add3A_3927, %sub3A_3929 : vector<16xi32>
    %select_n3A_3931 = arith.select %eq3A_3921, %sub3A_3930, %select_n3A_3915 : vector<16xi1>, vector<16xi32>
    %slice3A_3932 = vector.extract_strided_slice %masked_cumsum3A_3925 {offsets = [15], sizes = [1], strides = [1]} : vector<16xi32> to vector<1xi32>
    %squeeze3A_3933 = vector.extract %slice3A_3932[0] : i32 from vector<1xi32>
    %add3A_3934 = arith.addi %add3A_3727, %squeeze3A_3933 : i32
    %eq3A_3935 = arith.constant 3 : i32
    %eq3A_3936 = vector.broadcast %eq3A_3935 : i32 to vector<16xi32>
    %eq3A_3937 = arith.cmpi eq, %select_n3A_3851, %eq3A_3936 : vector<16xi32>
    %convert_element_type3A_3938 = arith.extui %eq3A_3937 : vector<16xi1> to vector<16xi32>
    %broadcast_in_dim3A_3939 = arith.constant true
    %broadcast_in_dim3A_3940 = vector.broadcast %broadcast_in_dim3A_3939 : i1 to vector<16xi1>
    %masked_cumsum3A_3941 = tpu.scan <sum>, %convert_element_type3A_3938 masked %broadcast_in_dim3A_3940 : vector<16xi32>, vector<16xi1> -> vector<16xi32>
    %add3A_3942 = vector.broadcast %add3A_3743 : i32 to vector<16xi32>
    %add3A_3943 = arith.addi %add3A_3942, %masked_cumsum3A_3941 : vector<16xi32>
    %sub3A_3944 = arith.constant 1 : i32
    %sub3A_3945 = vector.broadcast %sub3A_3944 : i32 to vector<16xi32>
    %sub3A_3946 = arith.subi %add3A_3943, %sub3A_3945 : vector<16xi32>
    %select_n3A_3947 = arith.select %eq3A_3937, %sub3A_3946, %select_n3A_3931 : vector<16xi1>, vector<16xi32>
    %slice3A_3948 = vector.extract_strided_slice %masked_cumsum3A_3941 {offsets = [15], sizes = [1], strides = [1]} : vector<16xi32> to vector<1xi32>
    %squeeze3A_3949 = vector.extract %slice3A_3948[0] : i32 from vector<1xi32>
    %add3A_3950 = arith.addi %add3A_3743, %squeeze3A_3949 : i32
    %eq3A_3951 = arith.constant 4 : i32
    %eq3A_3952 = vector.broadcast %eq3A_3951 : i32 to vector<16xi32>
    %eq3A_3953 = arith.cmpi eq, %select_n3A_3851, %eq3A_3952 : vector<16xi32>
    %convert_element_type3A_3954 = arith.extui %eq3A_3953 : vector<16xi1> to vector<16xi32>
    %broadcast_in_dim3A_3955 = arith.constant true
    %broadcast_in_dim3A_3956 = vector.broadcast %broadcast_in_dim3A_3955 : i1 to vector<16xi1>
    %masked_cumsum3A_3957 = tpu.scan <sum>, %convert_element_type3A_3954 masked %broadcast_in_dim3A_3956 : vector<16xi32>, vector<16xi1> -> vector<16xi32>
    %add3A_3958 = vector.broadcast %add3A_3759 : i32 to vector<16xi32>
    %add3A_3959 = arith.addi %add3A_3958, %masked_cumsum3A_3957 : vector<16xi32>
    %sub3A_3960 = arith.constant 1 : i32
    %sub3A_3961 = vector.broadcast %sub3A_3960 : i32 to vector<16xi32>
    %sub3A_3962 = arith.subi %add3A_3959, %sub3A_3961 : vector<16xi32>
    %select_n3A_3963 = arith.select %eq3A_3953, %sub3A_3962, %select_n3A_3947 : vector<16xi1>, vector<16xi32>
    %slice3A_3964 = vector.extract_strided_slice %masked_cumsum3A_3957 {offsets = [15], sizes = [1], strides = [1]} : vector<16xi32> to vector<1xi32>
    %squeeze3A_3965 = vector.extract %slice3A_3964[0] : i32 from vector<1xi32>
    %add3A_3966 = arith.addi %add3A_3759, %squeeze3A_3965 : i32
    %eq3A_3967 = arith.constant 5 : i32
    %eq3A_3968 = vector.broadcast %eq3A_3967 : i32 to vector<16xi32>
    %eq3A_3969 = arith.cmpi eq, %select_n3A_3851, %eq3A_3968 : vector<16xi32>
    %convert_element_type3A_3970 = arith.extui %eq3A_3969 : vector<16xi1> to vector<16xi32>
    %broadcast_in_dim3A_3971 = arith.constant true
    %broadcast_in_dim3A_3972 = vector.broadcast %broadcast_in_dim3A_3971 : i1 to vector<16xi1>
    %masked_cumsum3A_3973 = tpu.scan <sum>, %convert_element_type3A_3970 masked %broadcast_in_dim3A_3972 : vector<16xi32>, vector<16xi1> -> vector<16xi32>
    %add3A_3974 = vector.broadcast %add3A_3775 : i32 to vector<16xi32>
    %add3A_3975 = arith.addi %add3A_3974, %masked_cumsum3A_3973 : vector<16xi32>
    %sub3A_3976 = arith.constant 1 : i32
    %sub3A_3977 = vector.broadcast %sub3A_3976 : i32 to vector<16xi32>
    %sub3A_3978 = arith.subi %add3A_3975, %sub3A_3977 : vector<16xi32>
    %select_n3A_3979 = arith.select %eq3A_3969, %sub3A_3978, %select_n3A_3963 : vector<16xi1>, vector<16xi32>
    %slice3A_3980 = vector.extract_strided_slice %masked_cumsum3A_3973 {offsets = [15], sizes = [1], strides = [1]} : vector<16xi32> to vector<1xi32>
    %squeeze3A_3981 = vector.extract %slice3A_3980[0] : i32 from vector<1xi32>
    %add3A_3982 = arith.addi %add3A_3775, %squeeze3A_3981 : i32
    %eq3A_3983 = arith.constant 6 : i32
    %eq3A_3984 = vector.broadcast %eq3A_3983 : i32 to vector<16xi32>
    %eq3A_3985 = arith.cmpi eq, %select_n3A_3851, %eq3A_3984 : vector<16xi32>
    %convert_element_type3A_3986 = arith.extui %eq3A_3985 : vector<16xi1> to vector<16xi32>
    %broadcast_in_dim3A_3987 = arith.constant true
    %broadcast_in_dim3A_3988 = vector.broadcast %broadcast_in_dim3A_3987 : i1 to vector<16xi1>
    %masked_cumsum3A_3989 = tpu.scan <sum>, %convert_element_type3A_3986 masked %broadcast_in_dim3A_3988 : vector<16xi32>, vector<16xi1> -> vector<16xi32>
    %add3A_3990 = vector.broadcast %add3A_3791 : i32 to vector<16xi32>
    %add3A_3991 = arith.addi %add3A_3990, %masked_cumsum3A_3989 : vector<16xi32>
    %sub3A_3992 = arith.constant 1 : i32
    %sub3A_3993 = vector.broadcast %sub3A_3992 : i32 to vector<16xi32>
    %sub3A_3994 = arith.subi %add3A_3991, %sub3A_3993 : vector<16xi32>
    %select_n3A_3995 = arith.select %eq3A_3985, %sub3A_3994, %select_n3A_3979 : vector<16xi1>, vector<16xi32>
    %slice3A_3996 = vector.extract_strided_slice %masked_cumsum3A_3989 {offsets = [15], sizes = [1], strides = [1]} : vector<16xi32> to vector<1xi32>
    %squeeze3A_3997 = vector.extract %slice3A_3996[0] : i32 from vector<1xi32>
    %add3A_3998 = arith.addi %add3A_3791, %squeeze3A_3997 : i32
    %eq3A_3999 = arith.constant 7 : i32
    %eq3A_4000 = vector.broadcast %eq3A_3999 : i32 to vector<16xi32>
    %eq3A_4001 = arith.cmpi eq, %select_n3A_3851, %eq3A_4000 : vector<16xi32>
    %convert_element_type3A_4002 = arith.extui %eq3A_4001 : vector<16xi1> to vector<16xi32>
    %broadcast_in_dim3A_4003 = arith.constant true
    %broadcast_in_dim3A_4004 = vector.broadcast %broadcast_in_dim3A_4003 : i1 to vector<16xi1>
    %masked_cumsum3A_4005 = tpu.scan <sum>, %convert_element_type3A_4002 masked %broadcast_in_dim3A_4004 : vector<16xi32>, vector<16xi1> -> vector<16xi32>
    %add3A_4006 = vector.broadcast %add3A_3807 : i32 to vector<16xi32>
    %add3A_4007 = arith.addi %add3A_4006, %masked_cumsum3A_4005 : vector<16xi32>
    %sub3A_4008 = arith.constant 1 : i32
    %sub3A_4009 = vector.broadcast %sub3A_4008 : i32 to vector<16xi32>
    %sub3A_4010 = arith.subi %add3A_4007, %sub3A_4009 : vector<16xi32>
    %select_n3A_4011 = arith.select %eq3A_4001, %sub3A_4010, %select_n3A_3995 : vector<16xi1>, vector<16xi32>
    %slice3A_4012 = vector.extract_strided_slice %masked_cumsum3A_4005 {offsets = [15], sizes = [1], strides = [1]} : vector<16xi32> to vector<1xi32>
    %squeeze3A_4013 = vector.extract %slice3A_4012[0] : i32 from vector<1xi32>
    %add3A_4014 = arith.addi %add3A_3807, %squeeze3A_4013 : i32
    %jit3A_4015 = arith.constant 2 : i32
    %div3A_4016 = vector.broadcast %jit3A_4015 : i32 to vector<16xi32>
    %div3A_4017 = arith.divsi %add3A_3884, %div3A_4016 : vector<16xi32>
    %sign3A_4018 = arith.constant 0 : i32
    %sign3A_4019 = vector.broadcast %sign3A_4018 : i32 to vector<16xi32>
    %sign3A_4020 = arith.cmpi sgt, %add3A_3884, %sign3A_4019 : vector<16xi32>
    %sign3A_4021 = arith.extui %sign3A_4020 : vector<16xi1> to vector<16xi32>
    %sign3A_4022 = arith.constant 0 : i32
    %sign3A_4023 = vector.broadcast %sign3A_4022 : i32 to vector<16xi32>
    %sign3A_4024 = arith.cmpi slt, %add3A_3884, %sign3A_4023 : vector<16xi32>
    %sign3A_4025 = arith.extui %sign3A_4024 : vector<16xi1> to vector<16xi32>
    %sign3A_4026 = arith.subi %sign3A_4021, %sign3A_4025 : vector<16xi32>
    %sign3A_4027 = arith.constant 0 : i32
    %sign3A_4028 = arith.cmpi sgt, %jit3A_4015, %sign3A_4027 : i32
    %sign3A_4029 = arith.extui %sign3A_4028 : i1 to i32
    %sign3A_4030 = arith.constant 0 : i32
    %sign3A_4031 = arith.cmpi slt, %jit3A_4015, %sign3A_4030 : i32
    %sign3A_4032 = arith.extui %sign3A_4031 : i1 to i32
    %sign3A_4033 = arith.subi %sign3A_4029, %sign3A_4032 : i32
    %ne3A_4034 = vector.broadcast %sign3A_4033 : i32 to vector<16xi32>
    %ne3A_4035 = arith.cmpi ne, %sign3A_4026, %ne3A_4034 : vector<16xi32>
    %rem3A_4036 = vector.broadcast %jit3A_4015 : i32 to vector<16xi32>
    %rem3A_4037 = arith.remsi %add3A_3884, %rem3A_4036 : vector<16xi32>
    %ne3A_4038 = arith.constant 0 : i32
    %ne3A_4039 = vector.broadcast %ne3A_4038 : i32 to vector<16xi32>
    %ne3A_4040 = arith.cmpi ne, %rem3A_4037, %ne3A_4039 : vector<16xi32>
    %and3A_4041 = arith.andi %ne3A_4035, %ne3A_4040 : vector<16xi1>
    %sub3A_4042 = arith.constant 1 : i32
    %sub3A_4043 = vector.broadcast %sub3A_4042 : i32 to vector<16xi32>
    %sub3A_4044 = arith.subi %div3A_4017, %sub3A_4043 : vector<16xi32>
    %select_n3A_4045 = arith.select %and3A_4041, %sub3A_4044, %div3A_4017 : vector<16xi1>, vector<16xi32>
    %sub3A_4046 = vector.broadcast %add3A_5 : i32 to vector<16xi32>
    %sub3A_4047 = arith.subi %select_n3A_4045, %sub3A_4046 : vector<16xi32>
    %and3A_4048 = arith.constant 1 : i32
    %and3A_4049 = vector.broadcast %and3A_4048 : i32 to vector<16xi32>
    %and3A_4050 = arith.andi %add3A_3884, %and3A_4049 : vector<16xi32>
    %eq3A_4051 = arith.constant 0 : i32
    %eq3A_4052 = vector.broadcast %eq3A_4051 : i32 to vector<16xi32>
    %eq3A_4053 = arith.cmpi eq, %and3A_4050, %eq3A_4052 : vector<16xi32>
    tpu.vector_store_idx %arg12[%sub3A_4047], %select_n3A_4011 masked %eq3A_4053 : memref<64xi32, #tpu.memory_space<vmem>>[vector<16xi32>], vector<16xi32>, vector<16xi1>
    %not3A_4054 = arith.constant dense<true> : vector<16xi1>
    %not3A_4055 = arith.xori %eq3A_4053, %not3A_4054 : vector<16xi1>
    tpu.vector_store_idx %arg13[%sub3A_4047], %select_n3A_4011 masked %not3A_4055 : memref<64xi32, #tpu.memory_space<vmem>>[vector<16xi32>], vector<16xi32>, vector<16xi1>
    %multiple_of3A_4056 = tpu.assume_multiple %add3A_5, 64 : i32
    "tpu.region"() ({
      %run_scoped3A = tpu.sem_alloc : memref<!tpu.dma_semaphore, #tpu.memory_space<semaphore_mem>>
      %dma_start3A_4077 = tpu.memref_slice %arg4[%multiple_of3A_4056] : memref<2048xi32, #tpu.memory_space<hbm>> -> memref<64xi32, #tpu.memory_space<hbm>>
      %dma_start3A_4078 = tpu.memref_slice %arg4[%multiple_of3A_4056] : memref<2048xi32, #tpu.memory_space<hbm>> -> memref<64xi32, #tpu.memory_space<hbm>>
      tpu.enqueue_dma source(%arg12 : memref<64xi32, #tpu.memory_space<vmem>>) target(%dma_start3A_4078 : memref<64xi32, #tpu.memory_space<hbm>>) target_semaphore(%run_scoped3A : memref<!tpu.dma_semaphore, #tpu.memory_space<semaphore_mem>>)
      %dma_wait3A_4079 = tpu.memref_slice %arg4[%multiple_of3A_4056] : memref<2048xi32, #tpu.memory_space<hbm>> -> memref<64xi32, #tpu.memory_space<hbm>>
      %dma_wait3A_4080 = tpu.memref_slice %arg4[%multiple_of3A_4056] : memref<2048xi32, #tpu.memory_space<hbm>> -> memref<64xi32, #tpu.memory_space<hbm>>
      tpu.wait_dma2 semaphore(%run_scoped3A : memref<!tpu.dma_semaphore, #tpu.memory_space<semaphore_mem>>) src(%arg12 : memref<64xi32, #tpu.memory_space<vmem>>) dst(%dma_wait3A_4080 : memref<64xi32, #tpu.memory_space<hbm>>)
      tpu.yield
    }) : () -> ()
    %multiple_of3A_4057 = tpu.assume_multiple %add3A_5, 64 : i32
    "tpu.region"() ({
      %run_scoped3A = tpu.sem_alloc : memref<!tpu.dma_semaphore, #tpu.memory_space<semaphore_mem>>
      %dma_start3A_4077 = tpu.memref_slice %arg5[%multiple_of3A_4057] : memref<2048xi32, #tpu.memory_space<hbm>> -> memref<64xi32, #tpu.memory_space<hbm>>
      %dma_start3A_4078 = tpu.memref_slice %arg5[%multiple_of3A_4057] : memref<2048xi32, #tpu.memory_space<hbm>> -> memref<64xi32, #tpu.memory_space<hbm>>
      tpu.enqueue_dma source(%arg13 : memref<64xi32, #tpu.memory_space<vmem>>) target(%dma_start3A_4078 : memref<64xi32, #tpu.memory_space<hbm>>) target_semaphore(%run_scoped3A : memref<!tpu.dma_semaphore, #tpu.memory_space<semaphore_mem>>)
      %dma_wait3A_4079 = tpu.memref_slice %arg5[%multiple_of3A_4057] : memref<2048xi32, #tpu.memory_space<hbm>> -> memref<64xi32, #tpu.memory_space<hbm>>
      %dma_wait3A_4080 = tpu.memref_slice %arg5[%multiple_of3A_4057] : memref<2048xi32, #tpu.memory_space<hbm>> -> memref<64xi32, #tpu.memory_space<hbm>>
      tpu.wait_dma2 semaphore(%run_scoped3A : memref<!tpu.dma_semaphore, #tpu.memory_space<semaphore_mem>>) src(%arg13 : memref<64xi32, #tpu.memory_space<vmem>>) dst(%dma_wait3A_4080 : memref<64xi32, #tpu.memory_space<hbm>>)
      tpu.yield
    }) : () -> ()
    %dma_wait3A = arith.constant 0 : i32
    %dma_wait3A_4058 = tpu.memref_slice %arg3[%multiple_of3A, %dma_wait3A] : memref<2048x768xf32, #tpu.memory_space<hbm>> -> memref<64x768xf32, #tpu.memory_space<hbm>>
    %dma_wait3A_4059 = arith.constant 0 : i32
    %dma_wait3A_4060 = tpu.memref_slice %arg3[%multiple_of3A, %dma_wait3A_4059] : memref<2048x768xf32, #tpu.memory_space<hbm>> -> memref<64x768xf32, #tpu.memory_space<hbm>>
    tpu.wait_dma2 semaphore(%arg17 : memref<!tpu.dma_semaphore, #tpu.memory_space<semaphore_mem>>) src(%dma_wait3A_4060 : memref<64x768xf32, #tpu.memory_space<hbm>>) dst(%arg15 : memref<64x768xf32, #tpu.memory_space<vmem>>)
    %dma_start3A_4061 = arith.constant 0 : i32
    %dma_start3A_4062 = arith.constant 0 : i32
    %dma_start3A_4063 = tpu.memref_slice %arg6[%dma_start3A_4061, %dma_start3A_4062] : memref<8192x768xf32, #tpu.memory_space<hbm>> -> memref<8192x768xf32, #tpu.memory_space<hbm>>
    tpu.enqueue_indirect_dma source(%arg15 : memref<64x768xf32, #tpu.memory_space<vmem>>) target(%dma_start3A_4063 : memref<8192x768xf32, #tpu.memory_space<hbm>>) offsets(%arg12 : memref<64xi32, #tpu.memory_space<vmem>>) semaphore(%arg16 : memref<!tpu.dma_semaphore, #tpu.memory_space<semaphore_mem>>)
    %dma_wait3A_4064 = arith.constant 0 : i32
    %dma_wait3A_4065 = arith.constant 0 : i32
    %dma_wait3A_4066 = tpu.memref_slice %arg6[%dma_wait3A_4064, %dma_wait3A_4065] : memref<8192x768xf32, #tpu.memory_space<hbm>> -> memref<8192x768xf32, #tpu.memory_space<hbm>>
    tpu.wait_indirect_dma semaphore(%arg16 : memref<!tpu.dma_semaphore, #tpu.memory_space<semaphore_mem>>) src(%arg15 : memref<64x768xf32, #tpu.memory_space<vmem>>) dst(%dma_wait3A_4066 : memref<8192x768xf32, #tpu.memory_space<hbm>>)
    %dma_start3A_4067 = arith.constant 0 : i32
    %dma_start3A_4068 = arith.constant 0 : i32
    %dma_start3A_4069 = tpu.memref_slice %arg6[%dma_start3A_4067, %dma_start3A_4068] : memref<8192x768xf32, #tpu.memory_space<hbm>> -> memref<8192x768xf32, #tpu.memory_space<hbm>>
    tpu.enqueue_indirect_dma source(%arg15 : memref<64x768xf32, #tpu.memory_space<vmem>>) target(%dma_start3A_4069 : memref<8192x768xf32, #tpu.memory_space<hbm>>) offsets(%arg13 : memref<64xi32, #tpu.memory_space<vmem>>) semaphore(%arg16 : memref<!tpu.dma_semaphore, #tpu.memory_space<semaphore_mem>>)
    %dma_wait3A_4070 = arith.constant 0 : i32
    %dma_wait3A_4071 = arith.constant 0 : i32
    %dma_wait3A_4072 = tpu.memref_slice %arg6[%dma_wait3A_4070, %dma_wait3A_4071] : memref<8192x768xf32, #tpu.memory_space<hbm>> -> memref<8192x768xf32, #tpu.memory_space<hbm>>
    tpu.wait_indirect_dma semaphore(%arg16 : memref<!tpu.dma_semaphore, #tpu.memory_space<semaphore_mem>>) src(%arg15 : memref<64x768xf32, #tpu.memory_space<vmem>>) dst(%dma_wait3A_4072 : memref<8192x768xf32, #tpu.memory_space<hbm>>)
    %eq3A_4073 = arith.constant 0 : i32
    %eq3A_4074 = arith.cmpi eq, %add3A, %eq3A_4073 : i32
    %convert_element_type3A_4075 = arith.extui %eq3A_4074 : i1 to i32
    %cond3A = arith.constant 0 : i32
    %cond3A_4076 = arith.cmpi ne, %convert_element_type3A_4075, %cond3A : i32
    scf.if %cond3A_4076 {
      %add3A_4077 = arith.constant 0 : i32
      %add3A_4078 = arith.addi %add3A_4077, %select_n3A_2087 : i32
      %add3A_4079 = arith.addi %add3A_4078, %select_n3A_2113 : i32
      %add3A_4080 = arith.addi %add3A_4079, %select_n3A_2139 : i32
      %add3A_4081 = arith.addi %add3A_4080, %select_n3A_2165 : i32
      %add3A_4082 = arith.addi %add3A_4081, %select_n3A_2191 : i32
      %add3A_4083 = arith.addi %add3A_4082, %select_n3A_2217 : i32
      %add3A_4084 = arith.addi %add3A_4083, %select_n3A_2243 : i32
      %add3A_4085 = arith.addi %add3A_4084, %select_n3A_2269 : i32
      %gt3A = arith.constant 0 : i32
      %gt3A_4086 = arith.cmpi sgt, %squeeze3A, %gt3A : i32
      %jit3A_4087 = arith.constant 0 : i32
      %jit3A_4088 = arith.constant 0 : i32
      %select_n3A_4089 = arith.select %gt3A_4086, %jit3A_4087, %jit3A_4088 : i32
      %gt3A_4090 = arith.constant 0 : i32
      %gt3A_4091 = arith.cmpi sgt, %squeeze3A_2055, %gt3A_4090 : i32
      %jit3A_4092 = arith.constant 1 : i32
      %select_n3A_4093 = arith.select %gt3A_4091, %jit3A_4092, %select_n3A_4089 : i32
      %gt3A_4094 = arith.constant 0 : i32
      %gt3A_4095 = arith.cmpi sgt, %squeeze3A_2057, %gt3A_4094 : i32
      %jit3A_4096 = arith.constant 2 : i32
      %select_n3A_4097 = arith.select %gt3A_4095, %jit3A_4096, %select_n3A_4093 : i32
      %gt3A_4098 = arith.constant 0 : i32
      %gt3A_4099 = arith.cmpi sgt, %squeeze3A_2059, %gt3A_4098 : i32
      %jit3A_4100 = arith.constant 3 : i32
      %select_n3A_4101 = arith.select %gt3A_4099, %jit3A_4100, %select_n3A_4097 : i32
      %gt3A_4102 = arith.constant 0 : i32
      %gt3A_4103 = arith.cmpi sgt, %squeeze3A_2061, %gt3A_4102 : i32
      %jit3A_4104 = arith.constant 4 : i32
      %select_n3A_4105 = arith.select %gt3A_4103, %jit3A_4104, %select_n3A_4101 : i32
      %gt3A_4106 = arith.constant 0 : i32
      %gt3A_4107 = arith.cmpi sgt, %squeeze3A_2063, %gt3A_4106 : i32
      %jit3A_4108 = arith.constant 5 : i32
      %select_n3A_4109 = arith.select %gt3A_4107, %jit3A_4108, %select_n3A_4105 : i32
      %gt3A_4110 = arith.constant 0 : i32
      %gt3A_4111 = arith.cmpi sgt, %squeeze3A_2065, %gt3A_4110 : i32
      %jit3A_4112 = arith.constant 6 : i32
      %select_n3A_4113 = arith.select %gt3A_4111, %jit3A_4112, %select_n3A_4109 : i32
      %gt3A_4114 = arith.constant 0 : i32
      %gt3A_4115 = arith.cmpi sgt, %squeeze3A_2067, %gt3A_4114 : i32
      %jit3A_4116 = arith.constant 7 : i32
      %select_n3A_4117 = arith.select %gt3A_4115, %jit3A_4116, %select_n3A_4113 : i32
      %add3A_4118 = arith.constant 0 : i32
      %add3A_4119 = vector.broadcast %add3A_4118 : i32 to vector<16xi32>
      %add3A_4120 = arith.addi %iota3A, %add3A_4119 : vector<16xi32>
      %broadcast_in_dim3A_4121 = arith.constant 0 : i32
      %broadcast_in_dim3A_4122 = vector.broadcast %broadcast_in_dim3A_4121 : i32 to vector<16xi32>
      %ge3A = vector.broadcast %add3A_4078 : i32 to vector<16xi32>
      %ge3A_4123 = arith.cmpi sge, %add3A_4120, %ge3A : vector<16xi32>
      %convert_element_type3A_4124 = arith.extui %ge3A_4123 : vector<16xi1> to vector<16xi32>
      %add3A_4125 = arith.addi %broadcast_in_dim3A_4122, %convert_element_type3A_4124 : vector<16xi32>
      %ge3A_4126 = vector.broadcast %add3A_4079 : i32 to vector<16xi32>
      %ge3A_4127 = arith.cmpi sge, %add3A_4120, %ge3A_4126 : vector<16xi32>
      %convert_element_type3A_4128 = arith.extui %ge3A_4127 : vector<16xi1> to vector<16xi32>
      %add3A_4129 = arith.addi %add3A_4125, %convert_element_type3A_4128 : vector<16xi32>
      %ge3A_4130 = vector.broadcast %add3A_4080 : i32 to vector<16xi32>
      %ge3A_4131 = arith.cmpi sge, %add3A_4120, %ge3A_4130 : vector<16xi32>
      %convert_element_type3A_4132 = arith.extui %ge3A_4131 : vector<16xi1> to vector<16xi32>
      %add3A_4133 = arith.addi %add3A_4129, %convert_element_type3A_4132 : vector<16xi32>
      %ge3A_4134 = vector.broadcast %add3A_4081 : i32 to vector<16xi32>
      %ge3A_4135 = arith.cmpi sge, %add3A_4120, %ge3A_4134 : vector<16xi32>
      %convert_element_type3A_4136 = arith.extui %ge3A_4135 : vector<16xi1> to vector<16xi32>
      %add3A_4137 = arith.addi %add3A_4133, %convert_element_type3A_4136 : vector<16xi32>
      %ge3A_4138 = vector.broadcast %add3A_4082 : i32 to vector<16xi32>
      %ge3A_4139 = arith.cmpi sge, %add3A_4120, %ge3A_4138 : vector<16xi32>
      %convert_element_type3A_4140 = arith.extui %ge3A_4139 : vector<16xi1> to vector<16xi32>
      %add3A_4141 = arith.addi %add3A_4137, %convert_element_type3A_4140 : vector<16xi32>
      %ge3A_4142 = vector.broadcast %add3A_4083 : i32 to vector<16xi32>
      %ge3A_4143 = arith.cmpi sge, %add3A_4120, %ge3A_4142 : vector<16xi32>
      %convert_element_type3A_4144 = arith.extui %ge3A_4143 : vector<16xi1> to vector<16xi32>
      %add3A_4145 = arith.addi %add3A_4141, %convert_element_type3A_4144 : vector<16xi32>
      %ge3A_4146 = vector.broadcast %add3A_4084 : i32 to vector<16xi32>
      %ge3A_4147 = arith.cmpi sge, %add3A_4120, %ge3A_4146 : vector<16xi32>
      %convert_element_type3A_4148 = arith.extui %ge3A_4147 : vector<16xi1> to vector<16xi32>
      %add3A_4149 = arith.addi %add3A_4145, %convert_element_type3A_4148 : vector<16xi32>
      %ge3A_4150 = vector.broadcast %add3A_4085 : i32 to vector<16xi32>
      %ge3A_4151 = arith.cmpi sge, %add3A_4120, %ge3A_4150 : vector<16xi32>
      %convert_element_type3A_4152 = arith.extui %ge3A_4151 : vector<16xi1> to vector<16xi32>
      %add3A_4153 = arith.addi %add3A_4149, %convert_element_type3A_4152 : vector<16xi32>
      %min3A = vector.broadcast %select_n3A_4117 : i32 to vector<16xi32>
      %min3A_4154 = arith.minsi %add3A_4153, %min3A : vector<16xi32>
      %eq3A_4155 = arith.constant 16 : i32
      %eq3A_4156 = vector.broadcast %eq3A_4155 : i32 to vector<16xi32>
      %eq3A_4157 = arith.cmpi eq, %add3A_4120, %eq3A_4156 : vector<16xi32>
      %broadcast_in_dim3A_4158 = vector.broadcast %select_n3A_2318 : i32 to vector<16xi32>
      %select_n3A_4159 = arith.select %eq3A_4157, %broadcast_in_dim3A_4158, %min3A_4154 : vector<16xi1>, vector<16xi32>
      %swap3A_4160 = arith.constant 0 : index
      %swap3A_4161 = tpu.vector_load %arg14[%swap3A_4160] {strides = array<i32>} : memref<64xi32, #tpu.memory_space<vmem>>, vector<16xi32>,
      tpu.vector_store %arg14[%swap3A_4160], %select_n3A_4159 {strides = array<i32>} : memref<64xi32, #tpu.memory_space<vmem>>, vector<16xi32>,
      %add3A_4162 = arith.constant 16 : i32
      %add3A_4163 = vector.broadcast %add3A_4162 : i32 to vector<16xi32>
      %add3A_4164 = arith.addi %iota3A, %add3A_4163 : vector<16xi32>
      %broadcast_in_dim3A_4165 = arith.constant 0 : i32
      %broadcast_in_dim3A_4166 = vector.broadcast %broadcast_in_dim3A_4165 : i32 to vector<16xi32>
      %ge3A_4167 = vector.broadcast %add3A_4078 : i32 to vector<16xi32>
      %ge3A_4168 = arith.cmpi sge, %add3A_4164, %ge3A_4167 : vector<16xi32>
      %convert_element_type3A_4169 = arith.extui %ge3A_4168 : vector<16xi1> to vector<16xi32>
      %add3A_4170 = arith.addi %broadcast_in_dim3A_4166, %convert_element_type3A_4169 : vector<16xi32>
      %ge3A_4171 = vector.broadcast %add3A_4079 : i32 to vector<16xi32>
      %ge3A_4172 = arith.cmpi sge, %add3A_4164, %ge3A_4171 : vector<16xi32>
      %convert_element_type3A_4173 = arith.extui %ge3A_4172 : vector<16xi1> to vector<16xi32>
      %add3A_4174 = arith.addi %add3A_4170, %convert_element_type3A_4173 : vector<16xi32>
      %ge3A_4175 = vector.broadcast %add3A_4080 : i32 to vector<16xi32>
      %ge3A_4176 = arith.cmpi sge, %add3A_4164, %ge3A_4175 : vector<16xi32>
      %convert_element_type3A_4177 = arith.extui %ge3A_4176 : vector<16xi1> to vector<16xi32>
      %add3A_4178 = arith.addi %add3A_4174, %convert_element_type3A_4177 : vector<16xi32>
      %ge3A_4179 = vector.broadcast %add3A_4081 : i32 to vector<16xi32>
      %ge3A_4180 = arith.cmpi sge, %add3A_4164, %ge3A_4179 : vector<16xi32>
      %convert_element_type3A_4181 = arith.extui %ge3A_4180 : vector<16xi1> to vector<16xi32>
      %add3A_4182 = arith.addi %add3A_4178, %convert_element_type3A_4181 : vector<16xi32>
      %ge3A_4183 = vector.broadcast %add3A_4082 : i32 to vector<16xi32>
      %ge3A_4184 = arith.cmpi sge, %add3A_4164, %ge3A_4183 : vector<16xi32>
      %convert_element_type3A_4185 = arith.extui %ge3A_4184 : vector<16xi1> to vector<16xi32>
      %add3A_4186 = arith.addi %add3A_4182, %convert_element_type3A_4185 : vector<16xi32>
      %ge3A_4187 = vector.broadcast %add3A_4083 : i32 to vector<16xi32>
      %ge3A_4188 = arith.cmpi sge, %add3A_4164, %ge3A_4187 : vector<16xi32>
      %convert_element_type3A_4189 = arith.extui %ge3A_4188 : vector<16xi1> to vector<16xi32>
      %add3A_4190 = arith.addi %add3A_4186, %convert_element_type3A_4189 : vector<16xi32>
      %ge3A_4191 = vector.broadcast %add3A_4084 : i32 to vector<16xi32>
      %ge3A_4192 = arith.cmpi sge, %add3A_4164, %ge3A_4191 : vector<16xi32>
      %convert_element_type3A_4193 = arith.extui %ge3A_4192 : vector<16xi1> to vector<16xi32>
      %add3A_4194 = arith.addi %add3A_4190, %convert_element_type3A_4193 : vector<16xi32>
      %ge3A_4195 = vector.broadcast %add3A_4085 : i32 to vector<16xi32>
      %ge3A_4196 = arith.cmpi sge, %add3A_4164, %ge3A_4195 : vector<16xi32>
      %convert_element_type3A_4197 = arith.extui %ge3A_4196 : vector<16xi1> to vector<16xi32>
      %add3A_4198 = arith.addi %add3A_4194, %convert_element_type3A_4197 : vector<16xi32>
      %min3A_4199 = vector.broadcast %select_n3A_4117 : i32 to vector<16xi32>
      %min3A_4200 = arith.minsi %add3A_4198, %min3A_4199 : vector<16xi32>
      %eq3A_4201 = arith.constant 16 : i32
      %eq3A_4202 = vector.broadcast %eq3A_4201 : i32 to vector<16xi32>
      %eq3A_4203 = arith.cmpi eq, %add3A_4164, %eq3A_4202 : vector<16xi32>
      %broadcast_in_dim3A_4204 = vector.broadcast %select_n3A_2318 : i32 to vector<16xi32>
      %select_n3A_4205 = arith.select %eq3A_4203, %broadcast_in_dim3A_4204, %min3A_4200 : vector<16xi1>, vector<16xi32>
      %swap3A_4206 = arith.constant 16 : index
      %swap3A_4207 = tpu.vector_load %arg14[%swap3A_4206] {strides = array<i32>} : memref<64xi32, #tpu.memory_space<vmem>>, vector<16xi32>,
      tpu.vector_store %arg14[%swap3A_4206], %select_n3A_4205 {strides = array<i32>} : memref<64xi32, #tpu.memory_space<vmem>>, vector<16xi32>,
      %add3A_4208 = arith.constant 32 : i32
      %add3A_4209 = vector.broadcast %add3A_4208 : i32 to vector<16xi32>
      %add3A_4210 = arith.addi %iota3A, %add3A_4209 : vector<16xi32>
      %broadcast_in_dim3A_4211 = arith.constant 0 : i32
      %broadcast_in_dim3A_4212 = vector.broadcast %broadcast_in_dim3A_4211 : i32 to vector<16xi32>
      %ge3A_4213 = vector.broadcast %add3A_4078 : i32 to vector<16xi32>
      %ge3A_4214 = arith.cmpi sge, %add3A_4210, %ge3A_4213 : vector<16xi32>
      %convert_element_type3A_4215 = arith.extui %ge3A_4214 : vector<16xi1> to vector<16xi32>
      %add3A_4216 = arith.addi %broadcast_in_dim3A_4212, %convert_element_type3A_4215 : vector<16xi32>
      %ge3A_4217 = vector.broadcast %add3A_4079 : i32 to vector<16xi32>
      %ge3A_4218 = arith.cmpi sge, %add3A_4210, %ge3A_4217 : vector<16xi32>
      %convert_element_type3A_4219 = arith.extui %ge3A_4218 : vector<16xi1> to vector<16xi32>
      %add3A_4220 = arith.addi %add3A_4216, %convert_element_type3A_4219 : vector<16xi32>
      %ge3A_4221 = vector.broadcast %add3A_4080 : i32 to vector<16xi32>
      %ge3A_4222 = arith.cmpi sge, %add3A_4210, %ge3A_4221 : vector<16xi32>
      %convert_element_type3A_4223 = arith.extui %ge3A_4222 : vector<16xi1> to vector<16xi32>
      %add3A_4224 = arith.addi %add3A_4220, %convert_element_type3A_4223 : vector<16xi32>
      %ge3A_4225 = vector.broadcast %add3A_4081 : i32 to vector<16xi32>
      %ge3A_4226 = arith.cmpi sge, %add3A_4210, %ge3A_4225 : vector<16xi32>
      %convert_element_type3A_4227 = arith.extui %ge3A_4226 : vector<16xi1> to vector<16xi32>
      %add3A_4228 = arith.addi %add3A_4224, %convert_element_type3A_4227 : vector<16xi32>
      %ge3A_4229 = vector.broadcast %add3A_4082 : i32 to vector<16xi32>
      %ge3A_4230 = arith.cmpi sge, %add3A_4210, %ge3A_4229 : vector<16xi32>
      %convert_element_type3A_4231 = arith.extui %ge3A_4230 : vector<16xi1> to vector<16xi32>
      %add3A_4232 = arith.addi %add3A_4228, %convert_element_type3A_4231 : vector<16xi32>
      %ge3A_4233 = vector.broadcast %add3A_4083 : i32 to vector<16xi32>
      %ge3A_4234 = arith.cmpi sge, %add3A_4210, %ge3A_4233 : vector<16xi32>
      %convert_element_type3A_4235 = arith.extui %ge3A_4234 : vector<16xi1> to vector<16xi32>
      %add3A_4236 = arith.addi %add3A_4232, %convert_element_type3A_4235 : vector<16xi32>
      %ge3A_4237 = vector.broadcast %add3A_4084 : i32 to vector<16xi32>
      %ge3A_4238 = arith.cmpi sge, %add3A_4210, %ge3A_4237 : vector<16xi32>
      %convert_element_type3A_4239 = arith.extui %ge3A_4238 : vector<16xi1> to vector<16xi32>
      %add3A_4240 = arith.addi %add3A_4236, %convert_element_type3A_4239 : vector<16xi32>
      %ge3A_4241 = vector.broadcast %add3A_4085 : i32 to vector<16xi32>
      %ge3A_4242 = arith.cmpi sge, %add3A_4210, %ge3A_4241 : vector<16xi32>
      %convert_element_type3A_4243 = arith.extui %ge3A_4242 : vector<16xi1> to vector<16xi32>
      %add3A_4244 = arith.addi %add3A_4240, %convert_element_type3A_4243 : vector<16xi32>
      %min3A_4245 = vector.broadcast %select_n3A_4117 : i32 to vector<16xi32>
      %min3A_4246 = arith.minsi %add3A_4244, %min3A_4245 : vector<16xi32>
      %eq3A_4247 = arith.constant 16 : i32
      %eq3A_4248 = vector.broadcast %eq3A_4247 : i32 to vector<16xi32>
      %eq3A_4249 = arith.cmpi eq, %add3A_4210, %eq3A_4248 : vector<16xi32>
      %broadcast_in_dim3A_4250 = vector.broadcast %select_n3A_2318 : i32 to vector<16xi32>
      %select_n3A_4251 = arith.select %eq3A_4249, %broadcast_in_dim3A_4250, %min3A_4246 : vector<16xi1>, vector<16xi32>
      %swap3A_4252 = arith.constant 32 : index
      %swap3A_4253 = tpu.vector_load %arg14[%swap3A_4252] {strides = array<i32>} : memref<64xi32, #tpu.memory_space<vmem>>, vector<16xi32>,
      tpu.vector_store %arg14[%swap3A_4252], %select_n3A_4251 {strides = array<i32>} : memref<64xi32, #tpu.memory_space<vmem>>, vector<16xi32>,
      %add3A_4254 = arith.constant 48 : i32
      %add3A_4255 = vector.broadcast %add3A_4254 : i32 to vector<16xi32>
      %add3A_4256 = arith.addi %iota3A, %add3A_4255 : vector<16xi32>
      %broadcast_in_dim3A_4257 = arith.constant 0 : i32
      %broadcast_in_dim3A_4258 = vector.broadcast %broadcast_in_dim3A_4257 : i32 to vector<16xi32>
      %ge3A_4259 = vector.broadcast %add3A_4078 : i32 to vector<16xi32>
      %ge3A_4260 = arith.cmpi sge, %add3A_4256, %ge3A_4259 : vector<16xi32>
      %convert_element_type3A_4261 = arith.extui %ge3A_4260 : vector<16xi1> to vector<16xi32>
      %add3A_4262 = arith.addi %broadcast_in_dim3A_4258, %convert_element_type3A_4261 : vector<16xi32>
      %ge3A_4263 = vector.broadcast %add3A_4079 : i32 to vector<16xi32>
      %ge3A_4264 = arith.cmpi sge, %add3A_4256, %ge3A_4263 : vector<16xi32>
      %convert_element_type3A_4265 = arith.extui %ge3A_4264 : vector<16xi1> to vector<16xi32>
      %add3A_4266 = arith.addi %add3A_4262, %convert_element_type3A_4265 : vector<16xi32>
      %ge3A_4267 = vector.broadcast %add3A_4080 : i32 to vector<16xi32>
      %ge3A_4268 = arith.cmpi sge, %add3A_4256, %ge3A_4267 : vector<16xi32>
      %convert_element_type3A_4269 = arith.extui %ge3A_4268 : vector<16xi1> to vector<16xi32>
      %add3A_4270 = arith.addi %add3A_4266, %convert_element_type3A_4269 : vector<16xi32>
      %ge3A_4271 = vector.broadcast %add3A_4081 : i32 to vector<16xi32>
      %ge3A_4272 = arith.cmpi sge, %add3A_4256, %ge3A_4271 : vector<16xi32>
      %convert_element_type3A_4273 = arith.extui %ge3A_4272 : vector<16xi1> to vector<16xi32>
      %add3A_4274 = arith.addi %add3A_4270, %convert_element_type3A_4273 : vector<16xi32>
      %ge3A_4275 = vector.broadcast %add3A_4082 : i32 to vector<16xi32>
      %ge3A_4276 = arith.cmpi sge, %add3A_4256, %ge3A_4275 : vector<16xi32>
      %convert_element_type3A_4277 = arith.extui %ge3A_4276 : vector<16xi1> to vector<16xi32>
      %add3A_4278 = arith.addi %add3A_4274, %convert_element_type3A_4277 : vector<16xi32>
      %ge3A_4279 = vector.broadcast %add3A_4083 : i32 to vector<16xi32>
      %ge3A_4280 = arith.cmpi sge, %add3A_4256, %ge3A_4279 : vector<16xi32>
      %convert_element_type3A_4281 = arith.extui %ge3A_4280 : vector<16xi1> to vector<16xi32>
      %add3A_4282 = arith.addi %add3A_4278, %convert_element_type3A_4281 : vector<16xi32>
      %ge3A_4283 = vector.broadcast %add3A_4084 : i32 to vector<16xi32>
      %ge3A_4284 = arith.cmpi sge, %add3A_4256, %ge3A_4283 : vector<16xi32>
      %convert_element_type3A_4285 = arith.extui %ge3A_4284 : vector<16xi1> to vector<16xi32>
      %add3A_4286 = arith.addi %add3A_4282, %convert_element_type3A_4285 : vector<16xi32>
      %ge3A_4287 = vector.broadcast %add3A_4085 : i32 to vector<16xi32>
      %ge3A_4288 = arith.cmpi sge, %add3A_4256, %ge3A_4287 : vector<16xi32>
      %convert_element_type3A_4289 = arith.extui %ge3A_4288 : vector<16xi1> to vector<16xi32>
      %add3A_4290 = arith.addi %add3A_4286, %convert_element_type3A_4289 : vector<16xi32>
      %min3A_4291 = vector.broadcast %select_n3A_4117 : i32 to vector<16xi32>
      %min3A_4292 = arith.minsi %add3A_4290, %min3A_4291 : vector<16xi32>
      %eq3A_4293 = arith.constant 16 : i32
      %eq3A_4294 = vector.broadcast %eq3A_4293 : i32 to vector<16xi32>
      %eq3A_4295 = arith.cmpi eq, %add3A_4256, %eq3A_4294 : vector<16xi32>
      %broadcast_in_dim3A_4296 = vector.broadcast %select_n3A_2318 : i32 to vector<16xi32>
      %select_n3A_4297 = arith.select %eq3A_4295, %broadcast_in_dim3A_4296, %min3A_4292 : vector<16xi1>, vector<16xi32>
      %swap3A_4298 = arith.constant 48 : index
      %swap3A_4299 = tpu.vector_load %arg14[%swap3A_4298] {strides = array<i32>} : memref<64xi32, #tpu.memory_space<vmem>>, vector<16xi32>,
      tpu.vector_store %arg14[%swap3A_4298], %select_n3A_4297 {strides = array<i32>} : memref<64xi32, #tpu.memory_space<vmem>>, vector<16xi32>,
      "tpu.region"() ({
        %run_scoped3A = tpu.sem_alloc : memref<!tpu.dma_semaphore, #tpu.memory_space<semaphore_mem>>
        tpu.enqueue_dma source(%arg14 : memref<64xi32, #tpu.memory_space<vmem>>) target(%arg7 : memref<64xi32, #tpu.memory_space<hbm>>) target_semaphore(%run_scoped3A : memref<!tpu.dma_semaphore, #tpu.memory_space<semaphore_mem>>)
        tpu.wait_dma2 semaphore(%run_scoped3A : memref<!tpu.dma_semaphore, #tpu.memory_space<semaphore_mem>>) src(%arg14 : memref<64xi32, #tpu.memory_space<vmem>>) dst(%arg7 : memref<64xi32, #tpu.memory_space<hbm>>)
        tpu.yield
      }) : () -> ()
    } else {
    }
    return
  }
}

module attributes {stable_mosaic.version = 14 : i64} {
  func.func @_router_body(%arg0: i32, %arg1: memref<2048x768xf32, #tpu.memory_space<vmem>>, %arg2: memref<8x768xf32, #tpu.memory_space<vmem>>, %arg3: memref<2048x2xi32, #tpu.memory_space<vmem>>, %arg4: memref<2048x2xf32, #tpu.memory_space<vmem>>) attributes {dimension_semantics = [#tpu.dimension_semantics<arbitrary>], iteration_bounds = array<i64: 1>, scalar_prefetch = 0 : i64, scratch_operands = 0 : i64, tpu.core_type = #tpu.core_type<tc>, window_params = [{transform_indices = @transform_0, window_bounds = array<i64: 2048, 768>}, {pipeline_mode = #tpu.pipeline_mode<synchronous>, transform_indices = @transform_1, window_bounds = array<i64: 8, 768>}, {transform_indices = @transform_2, window_bounds = array<i64: 2048, 2>}, {transform_indices = @transform_3, window_bounds = array<i64: 2048, 2>}]} {
    %get3A = arith.constant 0 : index
    %get3A_0 = arith.constant 0 : index
    %get3A_1 = vector.load %arg1[%get3A, %get3A_0] : memref<2048x768xf32, #tpu.memory_space<vmem>>, vector<2048x768xf32>
    %get3A_2 = arith.constant 0 : index
    %get3A_3 = arith.constant 0 : index
    %get3A_4 = vector.load %arg2[%get3A_2, %get3A_3] : memref<8x768xf32, #tpu.memory_space<vmem>>, vector<8x768xf32>
    %dot_general3A = arith.constant dense<0.000000e+00> : vector<2048x8xf32>
    %dot_general3A_5 = tpu.matmul %get3A_1, %get3A_4, %dot_general3A {dimension_numbers = #tpu.dot_dimension_numbers<[1], [1], [0], [0], [0, 0, 1, 0], [], []>, transpose_lhs_hint = false} : vector<2048x768xf32>, vector<8x768xf32>, vector<2048x8xf32> -> vector<2048x8xf32>
    %iota3A = tpu.iota {dimensions = array<i32: 1>} : vector<2048x8xi32>
    %reduce_max3A = arith.constant dense<0xFF800000> : vector<2048xf32>
    %reduce_max3A_6 = vector.multi_reduction <maximumf>, %dot_general3A_5, %reduce_max3A [1] : vector<2048x8xf32> to vector<2048xf32>
    %broadcast_in_dim3A = vector.shape_cast %reduce_max3A_6 : vector<2048xf32> to vector<2048x1xf32>
    %eq3A = vector.broadcast %broadcast_in_dim3A : vector<2048x1xf32> to vector<2048x8xf32>
    %eq3A_7 = arith.cmpf oeq, %dot_general3A_5, %eq3A : vector<2048x8xf32>
    %jit3A = arith.constant 8 : i32
    %broadcast_in_dim3A_8 = vector.broadcast %jit3A : i32 to vector<2048x8xi32>
    %select_n3A = arith.select %eq3A_7, %iota3A, %broadcast_in_dim3A_8 : vector<2048x8xi1>, vector<2048x8xi32>
    %reduce_min3A = arith.constant dense<2147483647> : vector<2048xi32>
    %reduce_min3A_9 = vector.multi_reduction <minsi>, %select_n3A, %reduce_min3A [1] : vector<2048x8xi32> to vector<2048xi32>
    %broadcast_in_dim3A_10 = vector.shape_cast %reduce_min3A_9 : vector<2048xi32> to vector<2048x1xi32>
    %eq3A_11 = vector.broadcast %broadcast_in_dim3A_10 : vector<2048x1xi32> to vector<2048x8xi32>
    %eq3A_12 = arith.cmpi eq, %iota3A, %eq3A_11 : vector<2048x8xi32>
    %jit3A_13 = arith.constant 0xFF800000 : f32
    %broadcast_in_dim3A_14 = vector.broadcast %jit3A_13 : f32 to vector<2048x8xf32>
    %select_n3A_15 = arith.select %eq3A_12, %broadcast_in_dim3A_14, %dot_general3A_5 : vector<2048x8xi1>, vector<2048x8xf32>
    %reduce_max3A_16 = arith.constant dense<0xFF800000> : vector<2048xf32>
    %reduce_max3A_17 = vector.multi_reduction <maximumf>, %select_n3A_15, %reduce_max3A_16 [1] : vector<2048x8xf32> to vector<2048xf32>
    %broadcast_in_dim3A_18 = vector.shape_cast %reduce_max3A_17 : vector<2048xf32> to vector<2048x1xf32>
    %eq3A_19 = vector.broadcast %broadcast_in_dim3A_18 : vector<2048x1xf32> to vector<2048x8xf32>
    %eq3A_20 = arith.cmpf oeq, %select_n3A_15, %eq3A_19 : vector<2048x8xf32>
    %jit3A_21 = arith.constant 8 : i32
    %broadcast_in_dim3A_22 = vector.broadcast %jit3A_21 : i32 to vector<2048x8xi32>
    %select_n3A_23 = arith.select %eq3A_20, %iota3A, %broadcast_in_dim3A_22 : vector<2048x8xi1>, vector<2048x8xi32>
    %reduce_min3A_24 = arith.constant dense<2147483647> : vector<2048xi32>
    %reduce_min3A_25 = vector.multi_reduction <minsi>, %select_n3A_23, %reduce_min3A_24 [1] : vector<2048x8xi32> to vector<2048xi32>
    %broadcast_in_dim3A_26 = vector.shape_cast %reduce_min3A_25 : vector<2048xi32> to vector<2048x1xi32>
    %sub3A = arith.subf %broadcast_in_dim3A, %broadcast_in_dim3A_18 : vector<2048x1xf32>
    %logistic3A = arith.negf %sub3A : vector<2048x1xf32>
    %logistic3A_27 = math.exp %logistic3A : vector<2048x1xf32>
    %logistic3A_28 = arith.constant 1.000000e+00 : f32
    %logistic3A_29 = vector.broadcast %logistic3A_28 : f32 to vector<2048x1xf32>
    %logistic3A_30 = arith.addf %logistic3A_29, %logistic3A_27 : vector<2048x1xf32>
    %logistic3A_31 = arith.divf %logistic3A_29, %logistic3A_30 : vector<2048x1xf32>
    %concatenate3A = tpu.concatenate %broadcast_in_dim3A_10, %broadcast_in_dim3A_26 in 1 : vector<2048x1xi32>, vector<2048x1xi32> -> vector<2048x2xi32>
    %swap3A = arith.constant 0 : index
    %swap3A_32 = arith.constant 0 : index
    %swap3A_33 = vector.load %arg3[%swap3A, %swap3A_32] : memref<2048x2xi32, #tpu.memory_space<vmem>>, vector<2048x2xi32>
    tpu.vector_store %arg3[%swap3A, %swap3A_32], %concatenate3A {strides = array<i32>} : memref<2048x2xi32, #tpu.memory_space<vmem>>, vector<2048x2xi32>,
    %sub3A_34 = arith.constant 1.000000e+00 : f32
    %sub3A_35 = vector.broadcast %sub3A_34 : f32 to vector<2048x1xf32>
    %sub3A_36 = arith.subf %sub3A_35, %logistic3A_31 : vector<2048x1xf32>
    %concatenate3A_37 = tpu.concatenate %logistic3A_31, %sub3A_36 in 1 : vector<2048x1xf32>, vector<2048x1xf32> -> vector<2048x2xf32>
    %swap3A_38 = arith.constant 0 : index
    %swap3A_39 = arith.constant 0 : index
    %swap3A_40 = vector.load %arg4[%swap3A_38, %swap3A_39] : memref<2048x2xf32, #tpu.memory_space<vmem>>, vector<2048x2xf32>
    tpu.vector_store %arg4[%swap3A_38, %swap3A_39], %concatenate3A_37 {strides = array<i32>} : memref<2048x2xf32, #tpu.memory_space<vmem>>, vector<2048x2xf32>,
    return
  }
  func.func @transform_0(%arg0: i32) -> (i32, i32) {
    %c0_i32 = arith.constant 0 : i32
    %c0_i32_0 = arith.constant 0 : i32
    return %arg0, %c0_i32 : i32, i32
  }
  func.func @transform_1(%arg0: i32) -> (i32, i32) {
    %c0_i32 = arith.constant 0 : i32
    %c0_i32_0 = arith.constant 0 : i32
    %c0_i32_1 = arith.constant 0 : i32
    return %c0_i32, %c0_i32_0 : i32, i32
  }
  func.func @transform_2(%arg0: i32) -> (i32, i32) {
    %c0_i32 = arith.constant 0 : i32
    %c0_i32_0 = arith.constant 0 : i32
    return %arg0, %c0_i32 : i32, i32
  }
  func.func @transform_3(%arg0: i32) -> (i32, i32) {
    %c0_i32 = arith.constant 0 : i32
    %c0_i32_0 = arith.constant 0 : i32
    return %arg0, %c0_i32 : i32, i32
  }
}

module attributes {stable_mosaic.version = 14 : i64} {
  func.func @_final_body(%arg0: i32, %arg1: memref<2048x2xf32, #tpu.memory_space<vmem>>, %arg2: memref<2048x768xf32, #tpu.memory_space<vmem>>, %arg3: memref<2048x768xf32, #tpu.memory_space<vmem>>, %arg4: memref<2048x768xf32, #tpu.memory_space<vmem>>) attributes {dimension_semantics = [#tpu.dimension_semantics<arbitrary>], iteration_bounds = array<i64: 1>, scalar_prefetch = 0 : i64, scratch_operands = 0 : i64, tpu.core_type = #tpu.core_type<tc>, window_params = [{transform_indices = @transform_0, window_bounds = array<i64: 2048, 2>}, {transform_indices = @transform_1, window_bounds = array<i64: 2048, 768>}, {transform_indices = @transform_2, window_bounds = array<i64: 2048, 768>}, {transform_indices = @transform_3, window_bounds = array<i64: 2048, 768>}]} {
    %get3A = arith.constant 0 : index
    %get3A_0 = arith.constant 0 : index
    %get3A_1 = vector.load %arg1[%get3A, %get3A_0] : memref<2048x2xf32, #tpu.memory_space<vmem>>, vector<2048x2xf32>
    %slice3A = vector.extract_strided_slice %get3A_1 {offsets = [0, 0], sizes = [2048, 1], strides = [1, 1]} : vector<2048x2xf32> to vector<2048x1xf32>
    %get3A_2 = arith.constant 0 : index
    %get3A_3 = arith.constant 0 : index
    %get3A_4 = vector.load %arg2[%get3A_2, %get3A_3] : memref<2048x768xf32, #tpu.memory_space<vmem>>, vector<2048x768xf32>
    %mul3A = vector.broadcast %slice3A : vector<2048x1xf32> to vector<2048x768xf32>
    %mul3A_5 = arith.mulf %mul3A, %get3A_4 : vector<2048x768xf32>
    %slice3A_6 = vector.extract_strided_slice %get3A_1 {offsets = [0, 1], sizes = [2048, 1], strides = [1, 1]} : vector<2048x2xf32> to vector<2048x1xf32>
    %get3A_7 = arith.constant 0 : index
    %get3A_8 = arith.constant 0 : index
    %get3A_9 = vector.load %arg3[%get3A_7, %get3A_8] : memref<2048x768xf32, #tpu.memory_space<vmem>>, vector<2048x768xf32>
    %mul3A_10 = vector.broadcast %slice3A_6 : vector<2048x1xf32> to vector<2048x768xf32>
    %mul3A_11 = arith.mulf %mul3A_10, %get3A_9 : vector<2048x768xf32>
    %add3A = arith.addf %mul3A_5, %mul3A_11 : vector<2048x768xf32>
    %swap3A = arith.constant 0 : index
    %swap3A_12 = arith.constant 0 : index
    %swap3A_13 = vector.load %arg4[%swap3A, %swap3A_12] : memref<2048x768xf32, #tpu.memory_space<vmem>>, vector<2048x768xf32>
    tpu.vector_store %arg4[%swap3A, %swap3A_12], %add3A {strides = array<i32>} : memref<2048x768xf32, #tpu.memory_space<vmem>>, vector<2048x768xf32>,
    return
  }
  func.func @transform_0(%arg0: i32) -> (i32, i32) {
    %c0_i32 = arith.constant 0 : i32
    %c0_i32_0 = arith.constant 0 : i32
    return %arg0, %c0_i32 : i32, i32
  }
  func.func @transform_1(%arg0: i32) -> (i32, i32) {
    %c0_i32 = arith.constant 0 : i32
    %c0_i32_0 = arith.constant 0 : i32
    return %arg0, %c0_i32 : i32, i32
  }
  func.func @transform_2(%arg0: i32) -> (i32, i32) {
    %c0_i32 = arith.constant 0 : i32
    %c0_i32_0 = arith.constant 0 : i32
    return %arg0, %c0_i32 : i32, i32
  }
  func.func @transform_3(%arg0: i32) -> (i32, i32) {
    %c0_i32 = arith.constant 0 : i32
    %c0_i32_0 = arith.constant 0 : i32
    return %arg0, %c0_i32 : i32, i32
  }
}

module attributes {stable_mosaic.version = 14 : i64} {
  func.func @_ffn_body(%arg0: i32, %arg1: memref<64xi32, #tpu.memory_space<smem>>, %arg2: memref<512x768xf32, #tpu.memory_space<vmem>>, %arg3: memref<1x2048x768xf32, #tpu.memory_space<vmem>>, %arg4: memref<1x768x1024xf32, #tpu.memory_space<vmem>>, %arg5: memref<512x768xf32, #tpu.memory_space<vmem>>) attributes {dimension_semantics = [#tpu.dimension_semantics<arbitrary>], iteration_bounds = array<i64: 16>, scalar_prefetch = 1 : i64, scratch_operands = 0 : i64, tpu.core_type = #tpu.core_type<tc>, window_params = [{transform_indices = @transform_0, window_bounds = array<i64: 512, 768>}, {transform_indices = @transform_1, window_bounds = array<i64: 1, 2048, 768>}, {transform_indices = @transform_2, window_bounds = array<i64: 1, 768, 1024>}, {transform_indices = @transform_3, window_bounds = array<i64: 512, 768>}]} {
    %get3A = arith.constant 16 : index
    %get3A_0 = memref.load %arg1[%get3A] : memref<64xi32, #tpu.memory_space<smem>>
    %lt3A = arith.cmpi slt, %arg0, %get3A_0 : i32
    %convert_element_type3A = arith.extui %lt3A : i1 to i32
    %cond3A = arith.constant 0 : i32
    %cond3A_1 = arith.cmpi ne, %convert_element_type3A, %cond3A : i32
    scf.if %cond3A_1 {
      %get3A_2 = arith.constant 0 : index
      %get3A_3 = arith.constant 0 : index
      %get3A_4 = vector.load %arg2[%get3A_2, %get3A_3] : memref<512x768xf32, #tpu.memory_space<vmem>>, vector<512x768xf32>
      %get3A_5 = arith.constant 0 : index
      %get3A_6 = arith.constant 0 : index
      %get3A_7 = arith.constant 0 : index
      %get3A_8 = vector.load %arg3[%get3A_5, %get3A_6, %get3A_7] : memref<1x2048x768xf32, #tpu.memory_space<vmem>>, vector<1x2048x768xf32>
      %get3A_9 = vector.shape_cast %get3A_8 : vector<1x2048x768xf32> to vector<2048x768xf32>
      %dot_general3A = arith.constant dense<0.000000e+00> : vector<512x2048xf32>
      %dot_general3A_10 = tpu.matmul %get3A_4, %get3A_9, %dot_general3A {dimension_numbers = #tpu.dot_dimension_numbers<[1], [1], [0], [0], [0, 0, 1, 0], [], []>, transpose_lhs_hint = false} : vector<512x768xf32>, vector<2048x768xf32>, vector<512x2048xf32> -> vector<512x2048xf32>
      %slice3A = vector.extract_strided_slice %dot_general3A_10 {offsets = [0, 0], sizes = [512, 1024], strides = [1, 1]} : vector<512x2048xf32> to vector<512x1024xf32>
      %slice3A_11 = vector.extract_strided_slice %dot_general3A_10 {offsets = [0, 1024], sizes = [512, 1024], strides = [1, 1]} : vector<512x2048xf32> to vector<512x1024xf32>
      %logistic3A = arith.negf %slice3A : vector<512x1024xf32>
      %logistic3A_12 = math.exp %logistic3A : vector<512x1024xf32>
      %logistic3A_13 = arith.constant 1.000000e+00 : f32
      %logistic3A_14 = vector.broadcast %logistic3A_13 : f32 to vector<512x1024xf32>
      %logistic3A_15 = arith.addf %logistic3A_14, %logistic3A_12 : vector<512x1024xf32>
      %logistic3A_16 = arith.divf %logistic3A_14, %logistic3A_15 : vector<512x1024xf32>
      %mul3A = arith.mulf %slice3A, %logistic3A_16 : vector<512x1024xf32>
      %mul3A_17 = arith.mulf %mul3A, %slice3A_11 : vector<512x1024xf32>
      %get3A_18 = arith.constant 0 : index
      %get3A_19 = arith.constant 0 : index
      %get3A_20 = arith.constant 0 : index
      %get3A_21 = vector.load %arg4[%get3A_18, %get3A_19, %get3A_20] : memref<1x768x1024xf32, #tpu.memory_space<vmem>>, vector<1x768x1024xf32>
      %get3A_22 = vector.shape_cast %get3A_21 : vector<1x768x1024xf32> to vector<768x1024xf32>
      %dot_general3A_23 = arith.constant dense<0.000000e+00> : vector<512x768xf32>
      %dot_general3A_24 = tpu.matmul %mul3A_17, %get3A_22, %dot_general3A_23 {dimension_numbers = #tpu.dot_dimension_numbers<[1], [1], [0], [0], [0, 0, 1, 0], [], []>, transpose_lhs_hint = false} : vector<512x1024xf32>, vector<768x1024xf32>, vector<512x768xf32> -> vector<512x768xf32>
      %swap3A = arith.constant 0 : index
      %swap3A_25 = arith.constant 0 : index
      %swap3A_26 = vector.load %arg5[%swap3A, %swap3A_25] : memref<512x768xf32, #tpu.memory_space<vmem>>, vector<512x768xf32>
      tpu.vector_store %arg5[%swap3A, %swap3A_25], %dot_general3A_24 {strides = array<i32>} : memref<512x768xf32, #tpu.memory_space<vmem>>, vector<512x768xf32>,
    } else {
    }
    return
  }
  func.func @transform_0(%arg0: i32, %arg1: memref<64xi32, #tpu.memory_space<smem>>) -> (i32, i32) {
    %c0_i32 = arith.constant 0 : i32
    %c0_i32_0 = arith.constant 0 : i32
    return %arg0, %c0_i32 : i32, i32
  }
  func.func @transform_1(%arg0: i32, %arg1: memref<64xi32, #tpu.memory_space<smem>>) -> (i32, i32, i32) {
    %get3A = arith.index_cast %arg0 : i32 to index
    %get3A_0 = memref.load %arg1[%get3A] : memref<64xi32, #tpu.memory_space<smem>>
    %c0_i32 = arith.constant 0 : i32
    %c0_i32_1 = arith.constant 0 : i32
    %c0_i32_2 = arith.constant 0 : i32
    return %get3A_0, %c0_i32, %c0_i32_1 : i32, i32, i32
  }
  func.func @transform_2(%arg0: i32, %arg1: memref<64xi32, #tpu.memory_space<smem>>) -> (i32, i32, i32) {
    %get3A = arith.index_cast %arg0 : i32 to index
    %get3A_0 = memref.load %arg1[%get3A] : memref<64xi32, #tpu.memory_space<smem>>
    %c0_i32 = arith.constant 0 : i32
    %c0_i32_1 = arith.constant 0 : i32
    %c0_i32_2 = arith.constant 0 : i32
    return %get3A_0, %c0_i32, %c0_i32_1 : i32, i32, i32
  }
  func.func @transform_3(%arg0: i32, %arg1: memref<64xi32, #tpu.memory_space<smem>>) -> (i32, i32) {
    %c0_i32 = arith.constant 0 : i32
    %c0_i32_0 = arith.constant 0 : i32
    return %arg0, %c0_i32 : i32, i32
  }
}

</mosaic_0001>

<sc_bundles>
// kernel: kernel.10.cloned.1.call-start
scs
__scs_entry_jumppad:
0x0: {  	(pc) =	sbr.rel $0x88, $3  }
0x1: {  	(tag) =	ssettag $0x0;
	lr =	simm.s32 $0x1  }
0x2: {  	[smem:$0x3F9D] =	sst lr;
	_ =	strace $0xD0000000  }
0x3: {  	_ = 	snop  }
0x4: {  	_ = 	snop  }
0x5: {  	_ = 	snop  }
0x6: {  	_ = 	snop  }
0x7: {  	_ = 	snop  }
__scs_overlays_trampoline_lowered:
0x8: {  	[smem:$0x3FAC] =	sst s0  }
0x9: {  	[smem:$0x3FAD] =	sst s1  }
0xa: {  	[smem:$0x3FAE] =	sst s2  }
0xb: {  	[smem:$0x3FAF] =	sst s3  }
0xc: {  	[smem:$0x3FB0] =	sst s4  }
0xd: {  	[smem:$0x3FB1] =	sst s5  }
0xe: {  	[smem:$0x3FB2] =	sst s6  }
0xf: {  	[smem:$0x3FB3] =	sst s7  }
0x10: {  	[smem:$0x3FB4] =	sst s8  }
0x11: {  	[smem:$0x3FB5] =	sst s9;
	s0 =	simm.s32 @!p0 $0x0  }
0x12: {  	s1 =	sld [smem:$0x3F9B];
	s0 =	simm.s32 @p0 $0x1  }
0x13: {  	[smem:$0x3FB6] =	sst s0;
	s0 =	simm.s32 @!p1 $0x0  }
0x14: {  	s2 =	sld [smem:$0x3F9A];
	s0 =	simm.s32 @p1 $0x1  }
0x15: {  	[smem:$0x3FB7] =	sst s0;
	s0 =	simm.s32 @!p2 $0x0  }
0x16: {  	s3 =	sld [smem:$0x3FDB];
	s0 =	simm.s32 @p2 $0x1  }
0x17: {  	s4 =	simm.s32 $0x1BF5;
	[smem:$0x3FB9] =	sst s0  }
0x18: {  	s0 =	sld [smem:$0x3F9C];
	_ =	swait.ge [sflag:s4], $0x0  }
0x19: {  	s7 =	sld [smem:$0x3F9D]  }
0x1a: {  	s8 =	sadd.s32 $0xFFFFE003, lr  }
0x1b: {  	s9 =	sadd.s32 $0xFFFFFEF7, lr;
	s5 =	simm.s32 $0xFFFFFFFF;
	p2 =	slt.u32 s8, $0xFFFFF086  }
0x1c: {  	p1 =	slt.u32 s9, $0xF7A;
	s5 =	simm.s32 @!p2 $0x0  }
0x1d: {  	s5 =	simm.s32 @p1 $0x1;
	p0 =	seq.s32 s7, s2  }
0x1e: {  	s7 =	smul.u32 @!p0 $0xF7A, s2;
	p2 =	seq.s32 @!p0 s5, $0x0  }
0x1f: {  	s9 =	smul.u32 $0xF7A, s1;
	s8 =	simm.s32 @!p0 $0x1BF5;
	p2 =	por !p2, p0  }
0x20: {  	[sflag:s8] =	ssyncset.s32 @!p0 $0xFFFFF086;
	s6 =	sadd.s32 @!p0 s3, s7;
	s7 =	simm.s32 @!p0 $0x108  }
0x21: {  	s3 =	sadd.s32 s3, s9;
	s6 =	sadd.s32 @!p0 $0x88, s6;
	s7 =	simm.s32 @p2 $0x1082  }
0x22: {  	[simem:s7], [sflag:s8] =	dma.local @!p0 [hbm:s6], $0xF7A  }
0x23: {  	s9 =	sor.u32 $0xD0000000, s2;
	s6 =	simm.s32 $0x108;
	_ =	swait.ge @!p0 [sflag:s8], $0x0  }
0x24: {  	s3 =	sadd.s32 $0x88, s3;
	s6 =	simm.s32 @!p1 $0x1082;
	[sflag:s4] =	ssyncset.s32 $0xFFFFF086  }
0x25: {  	[simem:s6], [sflag:s4] =	dma.local [hbm:s3], $0xF7A  }
0x26: {  	[smem:$0x3F9D] =	sst s1;
	(tag) =	ssettag s2;
	_ =	strace s9  }
0x27: {  	s1 =	sld [smem:$0x3FAD]  }
0x28: {  	s2 =	sld [smem:$0x3FAE]  }
0x29: {  	s4 =	sld [smem:$0x3FB0]  }
0x2a: {  	p0 =	seq.s32 s5, $0x0;
	s5 =	sld [smem:$0x3FB1]  }
0x2b: {  	s6 =	sld [smem:$0x3FB2]  }
0x2c: {  	s7 =	sld [smem:$0x3FB3]  }
0x2d: {  	s3 =	simm.s32 $0x108;
	s8 =	sld [smem:$0x3FB4]  }
0x2e: {  	s3 =	simm.s32 @!p0 $0x1082;
	s9 =	sld [smem:$0x3FB5]  }
0x2f: {  	lr =	sadd.s32 s0, s3;
	s0 =	sld [smem:$0x3FAC]  }
0x30: {  	s3 =	sld [smem:$0x3FAF]  }
0x31: {  	[smem:$0x3FB8] =	sst s10  }
0x32: {  	s10 =	sld [smem:$0x3FB6];
	_ =	sdelay $0x3  }
0x33: {  	p0 =	seq.s32 s10, $0x1;
	s10 =	sld [smem:$0x3FB8];
	_ =	sdelay $0x3  }
0x34: {  	[smem:$0x3FB8] =	sst s10  }
0x35: {  	s10 =	sld [smem:$0x3FB7];
	_ =	sdelay $0x3  }
0x36: {  	p1 =	seq.s32 s10, $0x1;
	s10 =	sld [smem:$0x3FB8];
	_ =	sdelay $0x3  }
0x37: {  	[smem:$0x3FB8] =	sst s10  }
0x38: {  	s10 =	sld [smem:$0x3FB9]  }
0x39: {  	_ = 	snop;
	(pc) =	sbr.ind lr, $3  }
0x3a: {  	_ = 	snop  }
0x3b: {  	_ = 	snop  }
0x3c: {  	p2 =	seq.s32 s10, $0x1;
	s10 =	sld [smem:$0x3FB8]  }
0x3d: {  	_ =	shalt  }
0x3e: {  	_ =	shalt  }
0x3f: {  	_ =	shalt  }
0x40: {  	_ =	shalt  }
0x41: {  	_ =	shalt  }
0x42: {  	_ =	shalt  }
0x43: {  	_ =	shalt  }
0x44: {  	_ =	shalt  }
0x45: {  	_ =	shalt  }
0x46: {  	_ =	shalt  }
0x47: {  	_ =	shalt  }
0x48: {  	_ =	shalt  }
0x49: {  	_ =	shalt  }
0x4a: {  	_ =	shalt  }
0x4b: {  	_ =	shalt  }
0x4c: {  	_ =	shalt  }
0x4d: {  	_ =	shalt  }
0x4e: {  	_ =	shalt  }
0x4f: {  	_ =	shalt  }
0x50: {  	_ =	shalt  }
0x51: {  	_ =	shalt  }
0x52: {  	_ =	shalt  }
0x53: {  	_ =	shalt  }
0x54: {  	_ =	shalt  }
0x55: {  	_ =	shalt  }
0x56: {  	_ =	shalt  }
0x57: {  	_ =	shalt  }
0x58: {  	_ =	shalt  }
0x59: {  	_ =	shalt  }
0x5a: {  	_ =	shalt  }
0x5b: {  	_ =	shalt  }
0x5c: {  	_ =	shalt  }
0x5d: {  	_ =	shalt  }
0x5e: {  	_ =	shalt  }
0x5f: {  	_ =	shalt  }
0x60: {  	_ =	shalt  }
0x61: {  	_ =	shalt  }
0x62: {  	_ =	shalt  }
0x63: {  	_ =	shalt  }
0x64: {  	_ =	shalt  }
0x65: {  	_ =	shalt  }
0x66: {  	_ =	shalt  }
0x67: {  	_ =	shalt  }
0x68: {  	_ =	shalt  }
0x69: {  	_ =	shalt  }
0x6a: {  	_ =	shalt  }
0x6b: {  	_ =	shalt  }
0x6c: {  	_ =	shalt  }
0x6d: {  	_ =	shalt  }
0x6e: {  	_ =	shalt  }
0x6f: {  	_ =	shalt  }
0x70: {  	_ =	shalt  }
0x71: {  	_ =	shalt  }
0x72: {  	_ =	shalt  }
0x73: {  	_ =	shalt  }
0x74: {  	_ =	shalt  }
0x75: {  	_ =	shalt  }
0x76: {  	_ =	shalt  }
0x77: {  	_ =	shalt  }
0x78: {  	_ =	shalt  }
0x79: {  	_ =	shalt  }
0x7a: {  	_ =	shalt  }
0x7b: {  	_ =	shalt  }
0x7c: {  	_ =	shalt  }
0x7d: {  	_ =	shalt  }
0x7e: {  	_ =	shalt  }
0x7f: {  	_ =	shalt  }
0x80: {  	_ =	shalt  }
0x81: {  	_ =	shalt  }
0x82: {  	_ =	shalt  }
0x83: {  	_ =	shalt  }
0x84: {  	_ =	shalt  }
0x85: {  	_ =	shalt  }
0x86: {  	_ =	shalt  }
0x87: {  	_ =	shalt  }
.Lfunc_end0:
.L_simem_size_0:
called_computation.1_lowered:
.L_overlay_start_0:
0x88: {  	s2 =	sld [smem:$0x3FD9]  }
0x89: {  	s3 =	sld [smem:$0x3FFE];
	_ =	sdelay $0x1  }
0x8a: {  	s1 =	srdreg.scid  }
0x8b: {  	s0 =	sand.u32 $0x1, s1  }
0x8c: {  	s17 =	sshll.u32 s0, $0xA;
	s2 =	sadd.s32 s3, s2  }
0x8d: {  	s2 =	sadd.s32 s2, s17  }
0x8e: {  	[smem:$0x3FC4] =	sst s2  }
0x8f: {  	_ = 	snop  }
0x90: {  	s2 =	sld [smem:$0x3FD0];
	(tm) =	ssettm $0x1  }
0x91: {  	s18 =	sld [smem:$0x3FFB];
	_ =	sdelay $0x3  }
0x92: {  	_ =	strace s18  }
0x93: {  	s3 =	sld [smem:$0x3FFC];
	_ =	sdelay $0x3  }
0x94: {  	_ =	strace s3  }
0x95: {  	s3 =	sld [smem:$0x3FFD];
	_ =	sdelay $0x3  }
0x96: {  	_ =	strace s3  }
0x97: {  	_ =	strace $0x8FFFFFFF  }
0x98: {  	s19 =	sld [smem:$0x3FDB];
	_ =	sdelay $0x1  }
0x99: {  	s4 =	simm.s32 $_scs_section_size  }
0x9a: {  	s5 =	simm.s32 $_size__tile_overlayer_lowered;
	s6 =	simm.s32 $_tile_overlayer_lowered  }
0x9b: {  	s22 =	simm.s32 $0x1BFF;
	s21 =	sshll.u32 s6, $0x1;
	s3 =	sadd.s32 s4, s19  }
0x9c: {  	s7 =	simm.s32 $0x0;
	s20 =	sshll.u32 s5, $0x1;
	s5 =	sadd.s32 s21, s3  }
0x9d: {  	[timem:s7], [sflag:s22] =	dma.local [hbm:s5], s20  }
0x9e: {  	_ =	swait.ge [sflag:s22], s20  }
0x9f: {  	s4 =	ssub.s32 $0x0, s20;
	[sflag:s22] =	ssyncset.done $0x0  }
0xa0: {  	[sflag:s22] =	ssyncadd.s32 s4;
	_ =	sdelay $0x1  }
0xa1: {  	s23 =	simm.s32 $0x1B8B  }
0xa2: {  	_ =	swait.ge [sflag:s23], $0x1  }
0xa3: {  	[sflag:s23] =	ssyncset.done $0x0  }
0xa4: {  	s25 =	simm.s32 $0x1B8E;
	s24 =	sld [smem:$0x3FFE];
	[sflag:s23] =	ssyncadd.s32 $0xFFFFFFFF  }
0xa5: {  	s26 =	simm.s32 $execute0_lowered;
	[smem:$0x3FD2] =	sst s25  }
0xa6: {  	s5 =	sshll.u32 s26, $0x1;
	_ =	strace $0x80000049;
	[dreg:$0x1] =	wrdreg $0xFFFFFFFF  }
0xa7: {  	s28 =	simm.s32 $_size_execute0_lowered;
	s3 =	sadd.s32 s3, s5;
	[dreg:$0x0] =	wrdreg $0x0  }
0xa8: {  	s5 =	sshll.u32 s28, $0x1;
	[dreg:$0x2] =	wrdreg s3  }
0xa9: {  	[dreg:$0x3] =	wrdreg s5  }
0xaa: {  	[dreg:$0x4] =	wrdreg $0xC0  }
0xab: {  	_ =	task [dreg:s7], $0x5FFFF  }
0xac: {  	[dreg:$0x1] =	wrdreg $0xFFFFFFFF  }
0xad: {  	[dreg:$0x0] =	wrdreg $0x60  }
0xae: {  	[dreg:$0x2] =	wrdreg s24  }
0xaf: {  	[dreg:$0x3] =	wrdreg s2  }
0xb0: {  	[dreg:$0x4] =	wrdreg $0x9  }
0xb1: {  	_ =	task.clear_ibuf [dreg:s7], $0x5FFFF;
	_ =	strace $0x90000049  }
0xb2: {  	s29 =	simm.s32 $0x9;
	_ =	strace $0x8000004B  }
0xb3: {  	_ =	swait.ge [sflag:s29], $0x1  }
0xb4: {  	[sflag:s29] =	ssyncadd.s32 $0xFFFFFFFF  }
0xb5: {  	_ =	strace $0x9000004B  }
0xb6: {  	_ =	sfence  }
0xb7: {  	s30 =	sld [smem:$0x0];
	_ =	sdelay $0x2  }
0xb8: {  	s31 =	sshll.u32 s1, $0xD;
	s1 =	sshrl.u32 s1, $0x2  }
0xb9: {  	s3 =	sand.u32 $0x4000, s31;
	s1 =	sadd.s32 s1, s30  }
0xba: {  	s0 =	sor.u32 s3, s0;
	s1 =	sshll.u32 s1, $0x11  }
0xbb: {  	s0 =	sor.u32 s1, s0  }
0xbc: {  	s0 =	sadd.s32 $0x8F2B, s0  }
0xbd: {  	[sflag:s0] =	ssyncadd.remote.s32 $0x1  }
0xbe: {  	_ =	sfence.sel $0xFFFF  }
0xbf: {  	[dreg:$0x0] =	wrdreg $0xFFFFFFFF;
	(pc) =	sbr.abs _section_cstart, $3  }
0xc0: {  	[dreg:$0x1] =	wrdreg $0xFFFFFFFF  }
0xc1: {  	_ =	task.clear_ibuf [dreg:s7], $0x2FFFF;
	_ =	strace $0x9FFFFFFF  }
0xc2: {  	(tm) =	ssettm $0x7FFFFFFF  }
0xc3: {  	_ =	shalt  }
tec
execute0_lowered:
.L_overlay_start_1:
0x0: {  	(tag) =	ssettag $0x1  }
0x1: {  	s0 =	srdreg.scid;
	s1 =	rddreg [dreg:$0x0]  }
0x2: {  	s2 =	stileid.u32;
	s4 =	rddreg [dreg:$0x1];
	s10 =	simm.s32 $0x880  }
0x3: {  	s11 =	simm.s32 $0x1080;
	s12 =	simm.s32 $0x1880;
	s13 =	simm.s32 $0x2080  }
0x4: {  	s14 =	simm.s32 $0x2880;
	s15 =	simm.s32 $0x3080;
	s16 =	simm.s32 $0x3880  }
0x5: {  	s17 =	simm.s32 $0x4080;
	s18 =	simm.s32 $0x4880;
	s19 =	simm.s32 $0x5080  }
0x6: {  	s20 =	simm.s32 $0x5880;
	s21 =	simm.s32 $0x6080;
	s22 =	simm.s32 $0x6880  }
0x7: {  	s23 =	simm.s32 $0x7080;
	s28 =	simm.s32 $0x9080;
	s29 =	simm.s32 $0x9880  }
0x8: {  	s30 =	simm.s32 $0xA080;
	s31 =	simm.s32 $0xA880;
	s0 =	sand.u32 $0x1, s0  }
0x9: {  	s3 =	sshll.u32 s2, $0x4;
	s2 =	simm.s32 $0x0;
	s5 =	sshll.u32 s0, $0x3  }
0xa: {  	[smem:$0x7FF] =	sst s2;
	s0 =	ssub.s32 $0x2, s0;
	s3 =	sor.u32 s5, s3  }
0xb: {  	_ =	strace $0x8000004A;
	s24 =	sshrl.u32 s0, $0x1;
	s5 =	smul.u32 $0x300, s3  }
0xc: {  	s6 =	sadd.s32 s3, s1;
	s3 =	sadd.s32 $0xC2200, s1;
	s0 =	ssub.s32 s0, s24  }
0xd: {  	s24 =	simm.s32 $0x7880;
	s8 =	sadd.s32 $0xC1E00, s6;
	s25 =	sadd.s32 $0xC2000, s6  }
0xe: {  	s6 =	smax.u32 s0, $0x1;
	s0 =	simm.s32 $0x1;
	[dreg:$0x3] =	wrdreg s8  }
0xf: {  	s7 =	sadd.s32 s5, s1;
	s4 =	sadd.s32 s4, s5;
	[dreg:$0x5] =	wrdreg s25  }
0x10: {  	v2 =	vlaneseq.u32;
	s5 =	sadd.s32 $0xC2400, s1;
	s25 =	simm.s32 $0x8080;
	[dreg:$0x4] =	wrdreg s4  }
0x11: {  	vm0 =	vmmov $0xffff;
	v1 =	vshrl.u32 v2, $0x3;
	s26 =	sadd.s32 $0x1C00, s7;
	s4 =	sadd.s32 $0xC2300, s1;
	s7 =	simm.s32 $0x2  }
0x12: {  	v0 =	vand.u32 $0x7, v2;
	v2 =	vor.u32 $0x8, v2;
	v1 =	vmul.u32 $0x8, v1;
	s1 =	simm.s32 $0x80;
	[dreg:$0x6] =	wrdreg s26;
	s26 =	simm.s32 $0x8880  }
.LBB2_1:
0x13: {  	s9 =	rddreg [dreg:$0x3]  }
0x14: {  	[tilespmem:s2], [sflag:$0x2] =	stream.linear.gather [hbm4b:s9+s2], $0x40, $0x38;
	[tilespmem:$0xC080] =	vst v63  }
0x15: {  	_ =	swait.ge [sflag:s7], $0x40  }
0x16: {  	[sflag:s7] =	ssyncset.done $0x0  }
0x17: {  	[sflag:s7] =	ssyncadd.s32 $0xFFFFFFC0  }
0x18: {  	v3 =	vld [tilespmem:$0x0];
	_ =	sdelay $0x4  }
0x19: {  	v4 =	vshrl.u32 v3, $0x3  }
0x1a: {  	v4 =	vmul.u32 $0x30, v4  }
0x1b: {  	v3 =	vand.u32 $0x7, v3  }
0x1c: {  	v3 =	vor.u32 v3, v4  }
0x1d: {  	v4 =	vperm.xlane v3, v0;
	_ =	sdelay $0x1  }
0x1e: {  	v4 =	vadd.s32 v1, v4;
	_ =	sdelay $0x3  }
0x1f: {  	v3 =	vperm.xlane v3, v2  }
0x20: {  	[tilespmem:s1], [sflag:$0x1] =	stream.indirect_vreg.gather [hbm4b:s3+s2], $0x80, v4, vm0, $0xb8;
	[tilespmem:$0xC080] =	vst v63  }
0x21: {  	v3 =	vadd.s32 v1, v3  }
0x22: {  	[tilespmem:s10], [sflag:$0x1] =	stream.indirect_vreg.gather [hbm4b:s4+s2], $0x80, v4, vm0, $0xb8;
	[tilespmem:$0xC080] =	vst v63  }
0x23: {  	_ = 	snop  }
0x24: {  	[tilespmem:s11], [sflag:$0x1] =	stream.indirect_vreg.gather [hbm4b:s5+s2], $0x80, v4, vm0, $0xb8;
	[tilespmem:$0xC080] =	vst v63  }
0x25: {  	_ = 	snop  }
0x26: {  	[tilespmem:s12], [sflag:$0x1] =	stream.indirect_vreg.gather [hbm4b:s3+s2], $0x80, v3, vm0, $0xb8;
	[tilespmem:$0xC080] =	vst v63  }
0x27: {  	_ = 	snop  }
0x28: {  	[tilespmem:s13], [sflag:$0x1] =	stream.indirect_vreg.gather [hbm4b:s4+s2], $0x80, v3, vm0, $0xb8;
	[tilespmem:$0xC080] =	vst v63  }
0x29: {  	_ = 	snop  }
0x2a: {  	[tilespmem:s14], [sflag:$0x1] =	stream.indirect_vreg.gather [hbm4b:s5+s2], $0x80, v3, vm0, $0xb8;
	[tilespmem:$0xC080] =	vst v63  }
0x2b: {  	v3 =	vld [tilespmem:$0x10];
	_ =	sdelay $0x4  }
0x2c: {  	v57 =	vshrl.u32 v3, $0x3  }
0x2d: {  	v4 =	vmul.u32 $0x30, v57  }
0x2e: {  	v3 =	vand.u32 $0x7, v3  }
0x2f: {  	v3 =	vor.u32 v3, v4  }
0x30: {  	v4 =	vperm.xlane v3, v0;
	_ =	sdelay $0x1  }
0x31: {  	v4 =	vadd.s32 v1, v4;
	_ =	sdelay $0x3  }
0x32: {  	v3 =	vperm.xlane v3, v2  }
0x33: {  	[tilespmem:s15], [sflag:$0x1] =	stream.indirect_vreg.gather [hbm4b:s3+s2], $0x80, v4, vm0, $0xb8;
	[tilespmem:$0xC080] =	vst v63  }
0x34: {  	v3 =	vadd.s32 v1, v3  }
0x35: {  	[tilespmem:s16], [sflag:$0x1] =	stream.indirect_vreg.gather [hbm4b:s4+s2], $0x80, v4, vm0, $0xb8;
	[tilespmem:$0xC080] =	vst v63  }
0x36: {  	_ = 	snop  }
0x37: {  	[tilespmem:s17], [sflag:$0x1] =	stream.indirect_vreg.gather [hbm4b:s5+s2], $0x80, v4, vm0, $0xb8;
	[tilespmem:$0xC080] =	vst v63  }
0x38: {  	_ = 	snop  }
0x39: {  	[tilespmem:s18], [sflag:$0x1] =	stream.indirect_vreg.gather [hbm4b:s3+s2], $0x80, v3, vm0, $0xb8;
	[tilespmem:$0xC080] =	vst v63  }
0x3a: {  	_ = 	snop  }
0x3b: {  	[tilespmem:s19], [sflag:$0x1] =	stream.indirect_vreg.gather [hbm4b:s4+s2], $0x80, v3, vm0, $0xb8;
	[tilespmem:$0xC080] =	vst v63  }
0x3c: {  	_ = 	snop  }
0x3d: {  	[tilespmem:s20], [sflag:$0x1] =	stream.indirect_vreg.gather [hbm4b:s5+s2], $0x80, v3, vm0, $0xb8;
	[tilespmem:$0xC080] =	vst v63  }
0x3e: {  	v3 =	vld [tilespmem:$0x20];
	_ =	sdelay $0x4  }
0x3f: {  	v58 =	vshrl.u32 v3, $0x3  }
0x40: {  	v4 =	vmul.u32 $0x30, v58  }
0x41: {  	v3 =	vand.u32 $0x7, v3  }
0x42: {  	v3 =	vor.u32 v3, v4  }
0x43: {  	v4 =	vperm.xlane v3, v0;
	_ =	sdelay $0x1  }
0x44: {  	v4 =	vadd.s32 v1, v4;
	_ =	sdelay $0x3  }
0x45: {  	v3 =	vperm.xlane v3, v2  }
0x46: {  	[tilespmem:s21], [sflag:$0x1] =	stream.indirect_vreg.gather [hbm4b:s3+s2], $0x80, v4, vm0, $0xb8;
	[tilespmem:$0xC080] =	vst v63  }
0x47: {  	v3 =	vadd.s32 v1, v3  }
0x48: {  	[tilespmem:s22], [sflag:$0x1] =	stream.indirect_vreg.gather [hbm4b:s4+s2], $0x80, v4, vm0, $0xb8;
	[tilespmem:$0xC080] =	vst v63  }
0x49: {  	_ = 	snop  }
0x4a: {  	[tilespmem:s23], [sflag:$0x1] =	stream.indirect_vreg.gather [hbm4b:s5+s2], $0x80, v4, vm0, $0xb8;
	[tilespmem:$0xC080] =	vst v63  }
0x4b: {  	_ = 	snop  }
0x4c: {  	[tilespmem:s24], [sflag:$0x1] =	stream.indirect_vreg.gather [hbm4b:s3+s2], $0x80, v3, vm0, $0xb8;
	[tilespmem:$0xC080] =	vst v63  }
0x4d: {  	_ = 	snop  }
0x4e: {  	[tilespmem:s25], [sflag:$0x1] =	stream.indirect_vreg.gather [hbm4b:s4+s2], $0x80, v3, vm0, $0xb8;
	[tilespmem:$0xC080] =	vst v63  }
0x4f: {  	_ = 	snop  }
0x50: {  	[tilespmem:s26], [sflag:$0x1] =	stream.indirect_vreg.gather [hbm4b:s5+s2], $0x80, v3, vm0, $0xb8;
	[tilespmem:$0xC080] =	vst v63  }
0x51: {  	v3 =	vld [tilespmem:$0x30];
	_ =	sdelay $0x4  }
0x52: {  	v59 =	vshrl.u32 v3, $0x3  }
0x53: {  	v4 =	vmul.u32 $0x30, v59  }
0x54: {  	v3 =	vand.u32 $0x7, v3  }
0x55: {  	v3 =	vor.u32 v3, v4  }
0x56: {  	v4 =	vperm.xlane v3, v0;
	_ =	sdelay $0x1  }
0x57: {  	v4 =	vadd.s32 v1, v4;
	_ =	sdelay $0x3  }
0x58: {  	v3 =	vperm.xlane v3, v2  }
0x59: {  	[tilespmem:s28], [sflag:$0x1] =	stream.indirect_vreg.gather [hbm4b:s3+s2], $0x80, v4, vm0, $0xb8;
	[tilespmem:$0xC080] =	vst v63  }
0x5a: {  	v3 =	vadd.s32 v1, v3  }
0x5b: {  	[tilespmem:s29], [sflag:$0x1] =	stream.indirect_vreg.gather [hbm4b:s4+s2], $0x80, v4, vm0, $0xb8;
	[tilespmem:$0xC080] =	vst v63  }
0x5c: {  	_ = 	snop  }
0x5d: {  	[tilespmem:s30], [sflag:$0x1] =	stream.indirect_vreg.gather [hbm4b:s5+s2], $0x80, v4, vm0, $0xb8;
	[tilespmem:$0xC080] =	vst v63  }
0x5e: {  	_ = 	snop  }
0x5f: {  	[tilespmem:s31], [sflag:$0x1] =	stream.indirect_vreg.gather [hbm4b:s3+s2], $0x80, v3, vm0, $0xb8;
	[tilespmem:$0xC080] =	vst v63  }
0x60: {  	s8 =	simm.s32 $0xB080  }
0x61: {  	[tilespmem:s8], [sflag:$0x1] =	stream.indirect_vreg.gather [hbm4b:s4+s2], $0x80, v3, vm0, $0xb8;
	[tilespmem:$0xC080] =	vst v63  }
0x62: {  	s8 =	simm.s32 $0xB880  }
0x63: {  	[tilespmem:s8], [sflag:$0x1] =	stream.indirect_vreg.gather [hbm4b:s5+s2], $0x80, v3, vm0, $0xb8;
	[tilespmem:$0xC080] =	vst v63  }
0x64: {  	_ =	swait.ge [sflag:s0], $0xC000  }
0x65: {  	[sflag:s0] =	ssyncset.done $0x0  }
0x66: {  	s9 =	rddreg [dreg:$0x4];
	[sflag:s0] =	ssyncadd.s32 $0xFFFF4000  }
0x67: {  	[hbm4b:s9+s2] =	stream.linear.scatter [tilespmem:s1], [sflag:$0x2], $0xC000, $0x38;
	[tilespmem:$0xC080] =	vst v63  }
0x68: {  	_ =	swait.ge [sflag:s7], $0xC000  }
0x69: {  	[sflag:s7] =	ssyncset.done $0x0  }
0x6a: {  	s9 =	rddreg [dreg:$0x5];
	[sflag:s7] =	ssyncadd.s32 $0xFFFF4000  }
0x6b: {  	[tilespmem:s2], [sflag:$0x2] =	stream.linear.gather [hbm4b:s9+s2], $0x40, $0x38;
	[tilespmem:$0xC080] =	vst v63  }
0x6c: {  	_ =	swait.ge [sflag:s7], $0x40  }
0x6d: {  	[sflag:s7] =	ssyncset.done $0x0  }
0x6e: {  	[sflag:s7] =	ssyncadd.s32 $0xFFFFFFC0  }
0x6f: {  	v3 =	vld [tilespmem:$0x0];
	_ =	sdelay $0x4  }
0x70: {  	v60 =	vshrl.u32 v3, $0x3  }
0x71: {  	v4 =	vmul.u32 $0x30, v60  }
0x72: {  	v3 =	vand.u32 $0x7, v3  }
0x73: {  	v3 =	vor.u32 v3, v4  }
0x74: {  	v4 =	vperm.xlane v3, v0;
	_ =	sdelay $0x1  }
0x75: {  	v4 =	vadd.s32 v1, v4;
	_ =	sdelay $0x3  }
0x76: {  	v3 =	vperm.xlane v3, v2  }
0x77: {  	[tilespmem:s1], [sflag:$0x1] =	stream.indirect_vreg.gather [hbm4b:s3+s2], $0x80, v4, vm0, $0xb8;
	[tilespmem:$0xC080] =	vst v63  }
0x78: {  	v3 =	vadd.s32 v1, v3  }
0x79: {  	[tilespmem:s10], [sflag:$0x1] =	stream.indirect_vreg.gather [hbm4b:s4+s2], $0x80, v4, vm0, $0xb8;
	[tilespmem:$0xC080] =	vst v63  }
0x7a: {  	_ = 	snop  }
0x7b: {  	[tilespmem:s11], [sflag:$0x1] =	stream.indirect_vreg.gather [hbm4b:s5+s2], $0x80, v4, vm0, $0xb8;
	[tilespmem:$0xC080] =	vst v63  }
0x7c: {  	_ = 	snop  }
0x7d: {  	[tilespmem:s12], [sflag:$0x1] =	stream.indirect_vreg.gather [hbm4b:s3+s2], $0x80, v3, vm0, $0xb8;
	[tilespmem:$0xC080] =	vst v63  }
0x7e: {  	_ = 	snop  }
0x7f: {  	[tilespmem:s13], [sflag:$0x1] =	stream.indirect_vreg.gather [hbm4b:s4+s2], $0x80, v3, vm0, $0xb8;
	[tilespmem:$0xC080] =	vst v63  }
0x80: {  	_ = 	snop  }
0x81: {  	[tilespmem:s14], [sflag:$0x1] =	stream.indirect_vreg.gather [hbm4b:s5+s2], $0x80, v3, vm0, $0xb8;
	[tilespmem:$0xC080] =	vst v63  }
0x82: {  	v3 =	vld [tilespmem:$0x10];
	_ =	sdelay $0x4  }
0x83: {  	v61 =	vshrl.u32 v3, $0x3  }
0x84: {  	v4 =	vmul.u32 $0x30, v61  }
0x85: {  	v3 =	vand.u32 $0x7, v3  }
0x86: {  	v3 =	vor.u32 v3, v4  }
0x87: {  	v4 =	vperm.xlane v3, v0;
	_ =	sdelay $0x1  }
0x88: {  	v4 =	vadd.s32 v1, v4;
	_ =	sdelay $0x3  }
0x89: {  	v3 =	vperm.xlane v3, v2  }
0x8a: {  	[tilespmem:s15], [sflag:$0x1] =	stream.indirect_vreg.gather [hbm4b:s3+s2], $0x80, v4, vm0, $0xb8;
	[tilespmem:$0xC080] =	vst v63  }
0x8b: {  	v3 =	vadd.s32 v1, v3  }
0x8c: {  	[tilespmem:s16], [sflag:$0x1] =	stream.indirect_vreg.gather [hbm4b:s4+s2], $0x80, v4, vm0, $0xb8;
	[tilespmem:$0xC080] =	vst v63  }
0x8d: {  	_ = 	snop  }
0x8e: {  	[tilespmem:s17], [sflag:$0x1] =	stream.indirect_vreg.gather [hbm4b:s5+s2], $0x80, v4, vm0, $0xb8;
	[tilespmem:$0xC080] =	vst v63  }
0x8f: {  	_ = 	snop  }
0x90: {  	[tilespmem:s18], [sflag:$0x1] =	stream.indirect_vreg.gather [hbm4b:s3+s2], $0x80, v3, vm0, $0xb8;
	[tilespmem:$0xC080] =	vst v63  }
0x91: {  	_ = 	snop  }
0x92: {  	[tilespmem:s19], [sflag:$0x1] =	stream.indirect_vreg.gather [hbm4b:s4+s2], $0x80, v3, vm0, $0xb8;
	[tilespmem:$0xC080] =	vst v63  }
0x93: {  	_ = 	snop  }
0x94: {  	[tilespmem:s20], [sflag:$0x1] =	stream.indirect_vreg.gather [hbm4b:s5+s2], $0x80, v3, vm0, $0xb8;
	[tilespmem:$0xC080] =	vst v63  }
0x95: {  	v3 =	vld [tilespmem:$0x20];
	_ =	sdelay $0x4  }
0x96: {  	v62 =	vshrl.u32 v3, $0x3  }
0x97: {  	v4 =	vmul.u32 $0x30, v62  }
0x98: {  	v3 =	vand.u32 $0x7, v3  }
0x99: {  	v3 =	vor.u32 v3, v4  }
0x9a: {  	v4 =	vperm.xlane v3, v0;
	_ =	sdelay $0x1  }
0x9b: {  	v4 =	vadd.s32 v1, v4;
	_ =	sdelay $0x3  }
0x9c: {  	v3 =	vperm.xlane v3, v2  }
0x9d: {  	[tilespmem:s21], [sflag:$0x1] =	stream.indirect_vreg.gather [hbm4b:s3+s2], $0x80, v4, vm0, $0xb8;
	[tilespmem:$0xC080] =	vst v63  }
0x9e: {  	v3 =	vadd.s32 v1, v3  }
0x9f: {  	[tilespmem:s22], [sflag:$0x1] =	stream.indirect_vreg.gather [hbm4b:s4+s2], $0x80, v4, vm0, $0xb8;
	[tilespmem:$0xC080] =	vst v63  }
0xa0: {  	_ = 	snop  }
0xa1: {  	[tilespmem:s23], [sflag:$0x1] =	stream.indirect_vreg.gather [hbm4b:s5+s2], $0x80, v4, vm0, $0xb8;
	[tilespmem:$0xC080] =	vst v63  }
0xa2: {  	_ = 	snop  }
0xa3: {  	[tilespmem:s24], [sflag:$0x1] =	stream.indirect_vreg.gather [hbm4b:s3+s2], $0x80, v3, vm0, $0xb8;
	[tilespmem:$0xC080] =	vst v63  }
0xa4: {  	_ = 	snop  }
0xa5: {  	[tilespmem:s25], [sflag:$0x1] =	stream.indirect_vreg.gather [hbm4b:s4+s2], $0x80, v3, vm0, $0xb8;
	[tilespmem:$0xC080] =	vst v63  }
0xa6: {  	_ = 	snop  }
0xa7: {  	[tilespmem:s26], [sflag:$0x1] =	stream.indirect_vreg.gather [hbm4b:s5+s2], $0x80, v3, vm0, $0xb8;
	[tilespmem:$0xC080] =	vst v63  }
0xa8: {  	v3 =	vld [tilespmem:$0x30];
	_ =	sdelay $0x4  }
0xa9: {  	v63 =	vshrl.u32 v3, $0x3  }
0xaa: {  	v4 =	vmul.u32 $0x30, v63  }
0xab: {  	v3 =	vand.u32 $0x7, v3  }
0xac: {  	v3 =	vor.u32 v3, v4  }
0xad: {  	v4 =	vperm.xlane v3, v0;
	_ =	sdelay $0x1  }
0xae: {  	v4 =	vadd.s32 v1, v4;
	_ =	sdelay $0x3  }
0xaf: {  	v3 =	vperm.xlane v3, v2  }
0xb0: {  	[tilespmem:s28], [sflag:$0x1] =	stream.indirect_vreg.gather [hbm4b:s3+s2], $0x80, v4, vm0, $0xb8;
	[tilespmem:$0xC080] =	vst v63  }
0xb1: {  	v3 =	vadd.s32 v1, v3  }
0xb2: {  	[tilespmem:s29], [sflag:$0x1] =	stream.indirect_vreg.gather [hbm4b:s4+s2], $0x80, v4, vm0, $0xb8;
	[tilespmem:$0xC080] =	vst v63  }
0xb3: {  	_ = 	snop  }
0xb4: {  	[tilespmem:s30], [sflag:$0x1] =	stream.indirect_vreg.gather [hbm4b:s5+s2], $0x80, v4, vm0, $0xb8;
	[tilespmem:$0xC080] =	vst v63  }
0xb5: {  	_ = 	snop  }
0xb6: {  	[tilespmem:s31], [sflag:$0x1] =	stream.indirect_vreg.gather [hbm4b:s3+s2], $0x80, v3, vm0, $0xb8;
	[tilespmem:$0xC080] =	vst v63  }
0xb7: {  	s9 =	simm.s32 $0xB080  }
0xb8: {  	[tilespmem:s9], [sflag:$0x1] =	stream.indirect_vreg.gather [hbm4b:s4+s2], $0x80, v3, vm0, $0xb8;
	[tilespmem:$0xC080] =	vst v63  }
0xb9: {  	_ = 	snop  }
0xba: {  	[tilespmem:s8], [sflag:$0x1] =	stream.indirect_vreg.gather [hbm4b:s5+s2], $0x80, v3, vm0, $0xb8;
	[tilespmem:$0xC080] =	vst v63  }
0xbb: {  	_ =	swait.ge [sflag:s0], $0xC000  }
0xbc: {  	p0 =	sne.s32 s6, $0x1;
	[sflag:s0] =	ssyncset.done $0x0  }
.Ltmp0:
0xbd: {  	s8 =	rddreg [dreg:$0x6];
	[sflag:s0] =	ssyncadd.s32 $0xFFFF4000;
	(pc) =	sbr.rel @p0 .LBB2_1-.Ltmp0, $4  }
0xbe: {  	[hbm4b:s8+s2] =	stream.linear.scatter [tilespmem:s1], [sflag:$0x2], $0xC000, $0x38;
	[tilespmem:$0xC080] =	vst v63  }
0xbf: {  	_ =	swait.ge [sflag:s7], $0xC000  }
0xc0: {  	[sflag:s7] =	ssyncset.done $0x0  }
0xc1: {  	s6 =	sadd.s32 $0xFFFFFFFF, s6;
	[sflag:s7] =	ssyncadd.s32 $0xFFFF4000  }
0xc2: {  	_ =	sfence.sel $0x180000  }
0xc3: {  	[bflag:$0x0] =	sbarrier.arrive $0xFFFF  }
0xc4: {  	_ =	strace $0x9000004A  }
0xc5: {  	s0 =	stileid.u32;
	[bflag:$0x2] =	sbarrier.arrive $0xFFFF  }
0xc6: {  	p0 =	sne.s32 s0, $0x0;
	s0 =	rddreg [dreg:$0x2]  }
0xc7: {  	s0 =	sadd.s32 @!p0 $0x100000, s0  }
0xc8: {  	[sflag:s0] =	ssyncadd.tile.s32 @!p0 $0x1;
	_ =	shalt  }
.Lfunc_end2:
_tile_overlayer_lowered:
.L_overlay_start_2:
0xc9: {  	(tag) =	ssettag $0x2  }
0xca: {  	s0 =	rddreg [dreg:$0x0];
	s2 =	stileid.u32  }
0xcb: {  	s1 =	rddreg [dreg:$0x1];
	p0 =	sne.s32 s2, $0x0  }
0xcc: {  	s3 =	rddreg [dreg:$0x2];
	[bflag:$0x3] =	sbarrier.arrive $0xFFFF;
	s2 =	simm.s32 @!p0 $0x1C02  }
0xcd: {  	[timem:s3], [sflag:s2] =	dma.local @!p0 [hbm:s0], s1  }
0xce: {  	s0 =	simm.s32 @!p0 $0x2  }
0xcf: {  	_ =	swait.ge @!p0 [sflag:s0], s1  }
0xd0: {  	s1 =	ssub.s32 @!p0 $0x0, s1;
	[sflag:s0] =	ssyncset.done @!p0 $0x0  }
0xd1: {  	[sflag:s0] =	ssyncadd.s32 @!p0 s1  }
0xd2: {  	[bflag:$0x3] =	sbarrier.arrive $0xFFFF  }
0xd3: {  	_ =	shalt  }

// kernel: kernel.7.cloned.1.call-start
scs
__scs_entry_jumppad:
0x0: {  	(pc) =	sbr.rel $0x88, $3  }
0x1: {  	(tag) =	ssettag $0x0;
	lr =	simm.s32 $0x1  }
0x2: {  	[smem:$0x3F9D] =	sst lr;
	_ =	strace $0xD0000000  }
0x3: {  	_ = 	snop  }
0x4: {  	_ = 	snop  }
0x5: {  	_ = 	snop  }
0x6: {  	_ = 	snop  }
0x7: {  	_ = 	snop  }
__scs_overlays_trampoline_lowered:
0x8: {  	[smem:$0x3FAC] =	sst s0  }
0x9: {  	[smem:$0x3FAD] =	sst s1  }
0xa: {  	[smem:$0x3FAE] =	sst s2  }
0xb: {  	[smem:$0x3FAF] =	sst s3  }
0xc: {  	[smem:$0x3FB0] =	sst s4  }
0xd: {  	[smem:$0x3FB1] =	sst s5  }
0xe: {  	[smem:$0x3FB2] =	sst s6  }
0xf: {  	[smem:$0x3FB3] =	sst s7  }
0x10: {  	[smem:$0x3FB4] =	sst s8  }
0x11: {  	[smem:$0x3FB5] =	sst s9;
	s0 =	simm.s32 @!p0 $0x0  }
0x12: {  	s1 =	sld [smem:$0x3F9B];
	s0 =	simm.s32 @p0 $0x1  }
0x13: {  	[smem:$0x3FB6] =	sst s0;
	s0 =	simm.s32 @!p1 $0x0  }
0x14: {  	s2 =	sld [smem:$0x3F9A];
	s0 =	simm.s32 @p1 $0x1  }
0x15: {  	[smem:$0x3FB7] =	sst s0;
	s0 =	simm.s32 @!p2 $0x0  }
0x16: {  	s3 =	sld [smem:$0x3FDB];
	s0 =	simm.s32 @p2 $0x1  }
0x17: {  	s4 =	simm.s32 $0x1BF5;
	[smem:$0x3FB9] =	sst s0  }
0x18: {  	s0 =	sld [smem:$0x3F9C];
	_ =	swait.ge [sflag:s4], $0x0  }
0x19: {  	s7 =	sld [smem:$0x3F9D]  }
0x1a: {  	s8 =	sadd.s32 $0xFFFFE003, lr  }
0x1b: {  	s9 =	sadd.s32 $0xFFFFFEF7, lr;
	s5 =	simm.s32 $0xFFFFFFFF;
	p2 =	slt.u32 s8, $0xFFFFF086  }
0x1c: {  	p1 =	slt.u32 s9, $0xF7A;
	s5 =	simm.s32 @!p2 $0x0  }
0x1d: {  	s5 =	simm.s32 @p1 $0x1;
	p0 =	seq.s32 s7, s2  }
0x1e: {  	s7 =	smul.u32 @!p0 $0xF7A, s2;
	p2 =	seq.s32 @!p0 s5, $0x0  }
0x1f: {  	s9 =	smul.u32 $0xF7A, s1;
	s8 =	simm.s32 @!p0 $0x1BF5;
	p2 =	por !p2, p0  }
0x20: {  	[sflag:s8] =	ssyncset.s32 @!p0 $0xFFFFF086;
	s6 =	sadd.s32 @!p0 s3, s7;
	s7 =	simm.s32 @!p0 $0x108  }
0x21: {  	s3 =	sadd.s32 s3, s9;
	s6 =	sadd.s32 @!p0 $0x88, s6;
	s7 =	simm.s32 @p2 $0x1082  }
0x22: {  	[simem:s7], [sflag:s8] =	dma.local @!p0 [hbm:s6], $0xF7A  }
0x23: {  	s9 =	sor.u32 $0xD0000000, s2;
	s6 =	simm.s32 $0x108;
	_ =	swait.ge @!p0 [sflag:s8], $0x0  }
0x24: {  	s3 =	sadd.s32 $0x88, s3;
	s6 =	simm.s32 @!p1 $0x1082;
	[sflag:s4] =	ssyncset.s32 $0xFFFFF086  }
0x25: {  	[simem:s6], [sflag:s4] =	dma.local [hbm:s3], $0xF7A  }
0x26: {  	[smem:$0x3F9D] =	sst s1;
	(tag) =	ssettag s2;
	_ =	strace s9  }
0x27: {  	s1 =	sld [smem:$0x3FAD]  }
0x28: {  	s2 =	sld [smem:$0x3FAE]  }
0x29: {  	s4 =	sld [smem:$0x3FB0]  }
0x2a: {  	p0 =	seq.s32 s5, $0x0;
	s5 =	sld [smem:$0x3FB1]  }
0x2b: {  	s6 =	sld [smem:$0x3FB2]  }
0x2c: {  	s7 =	sld [smem:$0x3FB3]  }
0x2d: {  	s3 =	simm.s32 $0x108;
	s8 =	sld [smem:$0x3FB4]  }
0x2e: {  	s3 =	simm.s32 @!p0 $0x1082;
	s9 =	sld [smem:$0x3FB5]  }
0x2f: {  	lr =	sadd.s32 s0, s3;
	s0 =	sld [smem:$0x3FAC]  }
0x30: {  	s3 =	sld [smem:$0x3FAF]  }
0x31: {  	[smem:$0x3FB8] =	sst s10  }
0x32: {  	s10 =	sld [smem:$0x3FB6];
	_ =	sdelay $0x3  }
0x33: {  	p0 =	seq.s32 s10, $0x1;
	s10 =	sld [smem:$0x3FB8];
	_ =	sdelay $0x3  }
0x34: {  	[smem:$0x3FB8] =	sst s10  }
0x35: {  	s10 =	sld [smem:$0x3FB7];
	_ =	sdelay $0x3  }
0x36: {  	p1 =	seq.s32 s10, $0x1;
	s10 =	sld [smem:$0x3FB8];
	_ =	sdelay $0x3  }
0x37: {  	[smem:$0x3FB8] =	sst s10  }
0x38: {  	s10 =	sld [smem:$0x3FB9]  }
0x39: {  	_ = 	snop;
	(pc) =	sbr.ind lr, $3  }
0x3a: {  	_ = 	snop  }
0x3b: {  	_ = 	snop  }
0x3c: {  	p2 =	seq.s32 s10, $0x1;
	s10 =	sld [smem:$0x3FB8]  }
0x3d: {  	_ =	shalt  }
0x3e: {  	_ =	shalt  }
0x3f: {  	_ =	shalt  }
0x40: {  	_ =	shalt  }
0x41: {  	_ =	shalt  }
0x42: {  	_ =	shalt  }
0x43: {  	_ =	shalt  }
0x44: {  	_ =	shalt  }
0x45: {  	_ =	shalt  }
0x46: {  	_ =	shalt  }
0x47: {  	_ =	shalt  }
0x48: {  	_ =	shalt  }
0x49: {  	_ =	shalt  }
0x4a: {  	_ =	shalt  }
0x4b: {  	_ =	shalt  }
0x4c: {  	_ =	shalt  }
0x4d: {  	_ =	shalt  }
0x4e: {  	_ =	shalt  }
0x4f: {  	_ =	shalt  }
0x50: {  	_ =	shalt  }
0x51: {  	_ =	shalt  }
0x52: {  	_ =	shalt  }
0x53: {  	_ =	shalt  }
0x54: {  	_ =	shalt  }
0x55: {  	_ =	shalt  }
0x56: {  	_ =	shalt  }
0x57: {  	_ =	shalt  }
0x58: {  	_ =	shalt  }
0x59: {  	_ =	shalt  }
0x5a: {  	_ =	shalt  }
0x5b: {  	_ =	shalt  }
0x5c: {  	_ =	shalt  }
0x5d: {  	_ =	shalt  }
0x5e: {  	_ =	shalt  }
0x5f: {  	_ =	shalt  }
0x60: {  	_ =	shalt  }
0x61: {  	_ =	shalt  }
0x62: {  	_ =	shalt  }
0x63: {  	_ =	shalt  }
0x64: {  	_ =	shalt  }
0x65: {  	_ =	shalt  }
0x66: {  	_ =	shalt  }
0x67: {  	_ =	shalt  }
0x68: {  	_ =	shalt  }
0x69: {  	_ =	shalt  }
0x6a: {  	_ =	shalt  }
0x6b: {  	_ =	shalt  }
0x6c: {  	_ =	shalt  }
0x6d: {  	_ =	shalt  }
0x6e: {  	_ =	shalt  }
0x6f: {  	_ =	shalt  }
0x70: {  	_ =	shalt  }
0x71: {  	_ =	shalt  }
0x72: {  	_ =	shalt  }
0x73: {  	_ =	shalt  }
0x74: {  	_ =	shalt  }
0x75: {  	_ =	shalt  }
0x76: {  	_ =	shalt  }
0x77: {  	_ =	shalt  }
0x78: {  	_ =	shalt  }
0x79: {  	_ =	shalt  }
0x7a: {  	_ =	shalt  }
0x7b: {  	_ =	shalt  }
0x7c: {  	_ =	shalt  }
0x7d: {  	_ =	shalt  }
0x7e: {  	_ =	shalt  }
0x7f: {  	_ =	shalt  }
0x80: {  	_ =	shalt  }
0x81: {  	_ =	shalt  }
0x82: {  	_ =	shalt  }
0x83: {  	_ =	shalt  }
0x84: {  	_ =	shalt  }
0x85: {  	_ =	shalt  }
0x86: {  	_ =	shalt  }
0x87: {  	_ =	shalt  }
.Lfunc_end0:
.L_simem_size_0:
called_computation_lowered:
.L_overlay_start_0:
0x88: {  	s2 =	sld [smem:$0x3FD9]  }
0x89: {  	s3 =	sld [smem:$0x3FFE];
	_ =	sdelay $0x1  }
0x8a: {  	s1 =	srdreg.scid  }
0x8b: {  	s0 =	sand.u32 $0x1, s1  }
0x8c: {  	s17 =	sshll.u32 s0, $0xA;
	s2 =	sadd.s32 s3, s2  }
0x8d: {  	s2 =	sadd.s32 s2, s17  }
0x8e: {  	[smem:$0x3FC4] =	sst s2  }
0x8f: {  	_ = 	snop  }
0x90: {  	s2 =	sld [smem:$0x3FC9]  }
0x91: {  	s18 =	sld [smem:$0x3FD0];
	(tm) =	ssettm $0x1  }
0x92: {  	s4 =	sld [smem:$0x3FFB];
	_ =	sdelay $0x3  }
0x93: {  	_ =	strace s4  }
0x94: {  	s4 =	sld [smem:$0x3FFC];
	_ =	sdelay $0x3  }
0x95: {  	_ =	strace s4  }
0x96: {  	s4 =	sld [smem:$0x3FFD];
	_ =	sdelay $0x3  }
0x97: {  	_ =	strace s4  }
0x98: {  	_ =	strace $0x8FFFFFFF  }
0x99: {  	s19 =	sld [smem:$0x3FDB];
	_ =	sdelay $0x1  }
0x9a: {  	s5 =	simm.s32 $_scs_section_size  }
0x9b: {  	s6 =	simm.s32 $_size__tile_overlayer_lowered;
	s7 =	simm.s32 $_tile_overlayer_lowered  }
0x9c: {  	s22 =	simm.s32 $0x1BFF;
	s21 =	sshll.u32 s7, $0x1;
	s4 =	sadd.s32 s5, s19  }
0x9d: {  	s8 =	simm.s32 $0x0;
	s20 =	sshll.u32 s6, $0x1;
	s6 =	sadd.s32 s21, s4  }
0x9e: {  	[timem:s8], [sflag:s22] =	dma.local [hbm:s6], s20  }
0x9f: {  	_ =	swait.ge [sflag:s22], s20  }
0xa0: {  	s5 =	ssub.s32 $0x0, s20;
	[sflag:s22] =	ssyncset.done $0x0  }
0xa1: {  	[sflag:s22] =	ssyncadd.s32 s5;
	_ =	sdelay $0x1  }
0xa2: {  	s23 =	simm.s32 $0x1B8B  }
0xa3: {  	_ =	swait.ge [sflag:s23], $0x1  }
0xa4: {  	[sflag:s23] =	ssyncset.done $0x0  }
0xa5: {  	s25 =	simm.s32 $0x1B8E;
	s24 =	sld [smem:$0x3FFE];
	[sflag:s23] =	ssyncadd.s32 $0xFFFFFFFF  }
0xa6: {  	s26 =	simm.s32 $execute0_lowered;
	[smem:$0x3FD2] =	sst s25  }
0xa7: {  	s6 =	sshll.u32 s26, $0x1;
	_ =	strace $0x80000046;
	[dreg:$0x1] =	wrdreg $0xFFFFFFFF  }
0xa8: {  	s28 =	simm.s32 $_size_execute0_lowered;
	s4 =	sadd.s32 s4, s6;
	[dreg:$0x0] =	wrdreg $0x0  }
0xa9: {  	s6 =	sshll.u32 s28, $0x1;
	[dreg:$0x2] =	wrdreg s4  }
0xaa: {  	[dreg:$0x3] =	wrdreg s6  }
0xab: {  	[dreg:$0x4] =	wrdreg $0xC0  }
0xac: {  	_ =	task [dreg:s8], $0x5FFFF  }
0xad: {  	[dreg:$0x1] =	wrdreg $0xFFFFFFFF  }
0xae: {  	[dreg:$0x0] =	wrdreg $0x60  }
0xaf: {  	[dreg:$0x2] =	wrdreg s18  }
0xb0: {  	[dreg:$0x3] =	wrdreg s2  }
0xb1: {  	[dreg:$0x4] =	wrdreg s24  }
0xb2: {  	[dreg:$0x5] =	wrdreg $0x1000  }
0xb3: {  	[dreg:$0x6] =	wrdreg $0x9  }
0xb4: {  	_ =	task.clear_ibuf [dreg:s8], $0x7FFFF;
	_ =	strace $0x90000046  }
0xb5: {  	s29 =	simm.s32 $0x9;
	_ =	strace $0x80000048  }
0xb6: {  	_ =	swait.ge [sflag:s29], $0x1  }
0xb7: {  	[sflag:s29] =	ssyncadd.s32 $0xFFFFFFFF  }
0xb8: {  	_ =	strace $0x90000048  }
0xb9: {  	_ =	sfence  }
0xba: {  	s30 =	sld [smem:$0x0];
	_ =	sdelay $0x2  }
0xbb: {  	s31 =	sshll.u32 s1, $0xD;
	s1 =	sshrl.u32 s1, $0x2  }
0xbc: {  	s3 =	sand.u32 $0x4000, s31;
	s1 =	sadd.s32 s1, s30  }
0xbd: {  	s0 =	sor.u32 s3, s0;
	s1 =	sshll.u32 s1, $0x11  }
0xbe: {  	s0 =	sor.u32 s1, s0  }
0xbf: {  	s0 =	sadd.s32 $0x8F2B, s0  }
0xc0: {  	[sflag:s0] =	ssyncadd.remote.s32 $0x1  }
0xc1: {  	_ =	sfence.sel $0xFFFF  }
0xc2: {  	[dreg:$0x0] =	wrdreg $0xFFFFFFFF;
	(pc) =	sbr.abs _section_cstart, $3  }
0xc3: {  	[dreg:$0x1] =	wrdreg $0xFFFFFFFF  }
0xc4: {  	_ =	task.clear_ibuf [dreg:s8], $0x2FFFF;
	_ =	strace $0x9FFFFFFF  }
0xc5: {  	(tm) =	ssettm $0x7FFFFFFF  }
tec
execute0_lowered:
.L_overlay_start_1:
0x0: {  	(tag) =	ssettag $0x1  }
0x1: {  	s2 =	rddreg [dreg:$0x0]  }
0x2: {  	s5 =	rddreg [dreg:$0x1]  }
0x3: {  	s1 =	rddreg [dreg:$0x2]  }
0x4: {  	s12 =	rddreg [dreg:$0x3]  }
0x5: {  	s0 =	srdreg.scid;
	s3 =	simm.s32 $0x0;
	s17 =	stileid.u32  }
0x6: {  	s0 =	sand.u32 $0x1, s0;
	[smem:$0x7FF] =	sst s3;
	s4 =	sshll.u32 s17, $0x7  }
0x7: {  	s20 =	sshll.u32 s17, $0x8;
	s11 =	sadd.s32 $0x1C00, s1;
	s14 =	sshll.u32 s17, $0x1  }
0x8: {  	s22 =	sshll.u32 s17, $0x5;
	s23 =	sshll.u32 s17, $0x4;
	p2 =	sgt.u32 s17, $0x2  }
0x9: {  	s6 =	sshll.u32 s0, $0x6;
	_ =	strace $0x80000047;
	[dreg:$0x5] =	wrdreg s11  }
0xa: {  	s2 =	sadd.s32 s2, s22;
	s11 =	sadd.s32 $0x1F00, s1;
	s31 =	ssub.s32 $0x0, s0  }
0xb: {  	s6 =	sor.u32 s6, s4;
	s4 =	sadd.s32 $0x1E00, s1;
	[dreg:$0x7] =	wrdreg s2  }
0xc: {  	s2 =	sadd.s32 s23, s12;
	p0 =	sne.s32 s14, s31;
	s8 =	sshrl.u32 s6, $0x3  }
0xd: {  	s12 =	sadd.s32 $0x2000, s1;
	s9 =	sadd.s32 s8, s1;
	s1 =	simm.s32 @!p0 $0x0  }
0xe: {  	s7 =	sshll.u32 s0, $0x7;
	s1 =	simm.s32 @p0 $0x1;
	p0 =	seq.s32 s17, $0xF  }
0xf: {  	vm0 =	vcmask $0xF0C;
	vm1 =	vcmask $0x704;
	vm9 =	vcmask $0x1714;
	s10 =	ssub.s32 $0x2, s0;
	p1 =	seq.s32 s0, $0x0;
	s0 =	simm.s32 @!p0 $0x0  }
0x10: {  	vm10 =	vcmask $0x1F1C;
	vm11 =	vcmask $0x2724;
	vm12 =	vcmask $0x2F2C;
	p3 =	sgt.u32 s17, $0x1;
	s0 =	simm.s32 @p0 $0x1;
	p0 =	sgt.u32 s17, $0xD  }
0x11: {  	v0 =	vlaneseq.u32;
	vm13 =	vcmask $0x3734;
	vm0 =	vmor vm1, vm0;
	s7 =	sor.u32 s7, s20;
	[smem:$0x7F2] =	sst s0;
	s0 =	simm.s32 @!p0 $0x0  }
0x12: {  	vm14 =	vcmask $0x3F3C;
	vm15 =	vcmask $0xB08;
	vm0 =	vmor vm0, vm9;
	s24 =	sor.u32 $0x10, s7;
	s0 =	simm.s32 @p0 $0x1;
	p0 =	sgt.u32 s17, $0xC  }
0x13: {  	vm8 =	vcmask $0x300;
	vm9 =	vcmask $0x1310;
	vm0 =	vmor vm0, vm10;
	s25 =	sor.u32 $0x20, s7;
	[smem:$0x7F3] =	sst s0;
	s0 =	simm.s32 @!p0 $0x0  }
0x14: {  	vm10 =	vcmask $0x1B18;
	v1 =	vmov s7;
	vm0 =	vmor vm0, vm11;
	s26 =	sor.u32 $0x30, s7;
	s0 =	simm.s32 @p0 $0x1;
	p0 =	sgt.u32 s17, $0xB  }
0x15: {  	v2 =	vor.u32 s7, v0;
	v9 =	vmov s6;
	s28 =	sor.u32 $0x40, s7;
	vm11 =	vmmov $0x1;
	[smem:$0x7F4] =	sst s0;
	s0 =	simm.s32 @!p0 $0x0  }
0x16: {  	s15 =	sor.u32 $0x50, s7;
	vm0 =	vmor vm0, vm12;
	v2 =	vshrl.u32 v2, $0x1;
	vm2 =	veq.s32 v1, v0;
	s0 =	simm.s32 @p0 $0x1;
	p0 =	sgt.u32 s17, $0xA  }
0x17: {  	s16 =	sor.u32 $0x60, s7;
	v1 =	vimm.s32 $0x0;
	v4 =	vor.u32 s25, v0;
	v5 =	vor.u32 s26, v0;
	[smem:$0x7F5] =	sst s0;
	s0 =	simm.s32 @!p0 $0x0  }
0x18: {  	s7 =	sor.u32 $0x70, s7;
	v6 =	vor.u32 s28, v0;
	v7 =	vor.u32 s15, v0;
	v8 =	vor.u32 s16, v0;
	s0 =	simm.s32 @p0 $0x1;
	p0 =	sgt.u32 s17, $0x9  }
0x19: {  	p4 =	seq.s32 s17, $0x0;
	v10 =	vor.u32 s7, v0;
	vm12 =	vcmask $0x2320;
	vm0 =	vmor vm0, vm13;
	[smem:$0x7F6] =	sst s0;
	s0 =	simm.s32 @!p0 $0x0  }
0x1a: {  	s21 =	sshrl.u32 s10, $0x1;
	v2 =	vsub.s32 v2, v9;
	v4 =	vshrl.u32 v4, $0x1;
	v5 =	vshrl.u32 v5, $0x1;
	s0 =	simm.s32 @p0 $0x1;
	p0 =	sgt.u32 s17, $0x8  }
0x1b: {  	s10 =	ssub.s32 s10, s21;
	v6 =	vshrl.u32 v6, $0x1;
	v7 =	vshrl.u32 v7, $0x1;
	v8 =	vshrl.u32 v8, $0x1;
	[smem:$0x7F7] =	sst s0;
	s0 =	simm.s32 @!p0 $0x0  }
0x1c: {  	[dreg:$0x8] =	wrdreg s2;
	v10 =	vshrl.u32 v10, $0x1;
	vm13 =	vcmask $0x2B28;
	vm0 =	vmor vm0, vm14;
	s0 =	simm.s32 @p0 $0x1;
	p0 =	sgt.u32 s17, $0x7  }
0x1d: {  	s8 =	smul.u32 $0x300, s8;
	v4 =	vsub.s32 v4, v9;
	v5 =	vsub.s32 v5, v9;
	v1 =	vsel vm0, $0xFFFFFFFF, v1;
	[smem:$0x7F8] =	sst s0;
	s0 =	simm.s32 @!p0 $0x0  }
0x1e: {  	s13 =	smax.u32 s10, $0x1;
	v6 =	vsub.s32 v6, v9;
	vm0 =	vmand vm2, vm0;
	[tilespmem:$0x1FFD0] =	vst v1;
	v1 =	vimm.s32 $0x0;
	s0 =	simm.s32 @p0 $0x1;
	p0 =	sgt.u32 s17, $0x6  }
0x1f: {  	s29 =	sadd.s32 $0xC1E00, s9;
	v7 =	vsub.s32 v7, v9;
	v3 =	vsel vm0, $0xFFFFFFFF, v1;
	vm0 =	vmor vm8, vm15;
	[smem:$0x7F9] =	sst s0;
	s0 =	simm.s32 @!p0 $0x0  }
0x20: {  	[dreg:$0x9] =	wrdreg s29;
	v2 =	vadd.s32 v3, v2;
	v3 =	vor.u32 s24, v0;
	vm0 =	vmor vm0, vm9;
	s0 =	simm.s32 @p0 $0x1;
	p0 =	sgt.u32 s17, $0x5  }
0x21: {  	s30 =	sadd.s32 $0xC2000, s9;
	v8 =	vsub.s32 v8, v9;
	v3 =	vshrl.u32 v3, $0x1;
	vm0 =	vmor vm0, vm10;
	[smem:$0x7FA] =	sst s0;
	s0 =	simm.s32 @!p0 $0x0  }
0x22: {  	[dreg:$0xa] =	wrdreg s30;
	vm14 =	vcmask $0x3330;
	v3 =	vsub.s32 v3, v9;
	vm0 =	vmor vm0, vm12;
	s0 =	simm.s32 @p0 $0x1;
	p0 =	sgt.u32 s17, $0x4  }
.Ltmp0:
0x23: {  	v9 =	vsub.s32 v10, v9;
	v10 =	vimm.s32 $0x0;
	vm0 =	vmor vm0, vm13;
	[smem:$0x7FB] =	sst s0;
	s0 =	simm.s32 @!p0 $0x0;
	(pc) =	sbr.rel .LBB2_1-.Ltmp0, $4  }
0x24: {  	[smem:$0x7F1] =	sst s1;
	vm15 =	vcmask $0x3B38;
	v10 =	vsel vm11, $0xFFFFFFFF, v10;
	vm0 =	vmor vm0, vm14;
	s0 =	simm.s32 @p0 $0x1;
	p0 =	sgt.u32 s17, $0x3  }
0x25: {  	s5 =	sadd.s32 s5, s8;
	[tilespmem:$0x1FFE0] =	vst v10;
	v10 =	vimm.s32 $0x0;
	vm0 =	vmor vm0, vm15;
	[smem:$0x7FC] =	sst s0;
	s0 =	simm.s32 @!p0 $0x0  }
0x26: {  	vm5 =	vmmov $0xffff;
	v11 =	vshrl.u32 v0, $0x3;
	s15 =	simm.s32 $0x3;
	[dreg:$0x6] =	wrdreg s5;
	v10 =	vsel vm0, $0xFFFFFFFF, v10;
	s0 =	simm.s32 @p0 $0x1  }
0x27: {  	v12 =	vor.u32 $0x8, v0;
	v11 =	vmul.u32 $0x8, v11;
	s16 =	simm.s32 $0xBC10;
	[tilespmem:$0x1FFF0] =	vst v10;
	v10 =	vand.u32 $0x7, v0;
	s17 =	simm.s32 $0x410;
	[smem:$0x7FD] =	sst s0  }
.LBB2_3:
0x28: {  	s13 =	sadd.s32 $0xFFFFFFFF, s13  }
0x29: {  	p5 =	sne.s32 s13, $0x0  }
.Ltmp1:
0x2a: {  	_ = 	snop;
	(pc) =	sbr.rel @!p5 .LBB2_4-.Ltmp1, $1  }
0x2b: {  	_ =	sdelay $0x3  }
.LBB2_1:
0x2c: {  	s0 =	rddreg [dreg:$0x6];
	s1 =	simm.s32 $0x410  }
0x2d: {  	[tilespmem:s1], [sflag:$0x2] =	stream.linear.gather [hbm4b:s0+s3], $0xC000, $0x38;
	[tilespmem:$0xC410] =	vst v63  }
0x2e: {  	s23 =	rddreg [dreg:$0x7]  }
0x2f: {  	[tilespmem:s3], [sflag:$0x3] =	stream.linear.gather [hbm4b:s23+s3], $0x100, $0x38;
	[tilespmem:$0xC410] =	vst v63  }
0x30: {  	_ =	swait.ge [sflag:s15], $0x100  }
0x31: {  	[sflag:s15] =	ssyncset.done $0x0  }
0x32: {  	[sflag:s15] =	ssyncadd.s32 $0xFFFFFF00  }
0x33: {  	v24 =	vld [tilespmem:$0x0];
	_ =	sdelay $0x1  }
0x34: {  	v16 =	vld [tilespmem:$0x1FFE0]  }
0x35: {  	vm2 =	vcmask $0x308  }
0x36: {  	vm3 =	vcmask $0x70C;
	vm4 =	vcmask $0xB10;
	vm6 =	vcmask $0xF14  }
0x37: {  	vm7 =	vcmask $0x1318;
	vm0 =	veq.s32 v24, $0x0;
	vm1 =	veq.s32 v24, $0x1  }
0x38: {  	vm9 =	veq.s32 v24, $0x2;
	v13 =	vmpcnt.ones.xlane vm0;
	v14 =	vmpcnt.ones.xlane vm1  }
0x39: {  	vm8 =	vcmask $0x171C;
	v15 =	vmpcnt.ones.xlane vm9;
	vm1 =	vnez.u8 v16  }
0x3a: {  	v21 =	vld [tilespmem:$0x10];
	vm10 =	veq.s32 v24, $0x3;
	v13 =	vnsel vm1, $0x0, v13;
	v14 =	vsel vm2, $0x0, v14  }
0x3b: {  	v13 =	vadd.s32 v13, v14;
	v14 =	vsel vm3, $0x0, v15;
	v15 =	vmpcnt.ones.xlane vm10  }
0x3c: {  	vm11 =	veq.s32 v24, $0x4;
	vm12 =	veq.s32 v24, $0x5;
	vm13 =	veq.s32 v24, $0x6  }
0x3d: {  	v13 =	vadd.s32 v14, v13;
	v14 =	vsel vm4, $0x0, v15;
	v15 =	vmpcnt.ones.xlane vm11  }
0x3e: {  	vm14 =	veq.s32 v24, $0x7;
	v13 =	vadd.s32 v14, v13;
	v14 =	vmpcnt.ones.xlane vm12  }
0x3f: {  	vm15 =	veq.s32 v21, $0x0;
	v28 =	vmpcnt.ones.xlane vm13;
	v15 =	vsel vm6, $0x0, v15  }
0x40: {  	v13 =	vadd.s32 v15, v13;
	v14 =	vsel vm7, $0x0, v14;
	v15 =	vmpcnt.ones.xlane vm14  }
0x41: {  	vm9 =	vcmask $0x1B20;
	v13 =	vadd.s32 v14, v13;
	v14 =	vsel vm8, $0x0, v28  }
0x42: {  	v13 =	vadd.s32 v14, v13;
	v14 =	vsel vm9, $0x0, v15;
	v15 =	vmpcnt.ones.xlane vm15  }
0x43: {  	vm11 =	veq.s32 v21, $0x1;
	vm12 =	veq.s32 v21, $0x2  }
0x44: {  	v13 =	vadd.s32 v14, v13;
	v14 =	vnsel vm1, $0x0, v15;
	v15 =	vmpcnt.ones.xlane vm11  }
0x45: {  	vm13 =	veq.s32 v21, $0x3;
	v13 =	vadd.s32 v14, v13;
	v14 =	vmpcnt.ones.xlane vm12  }
0x46: {  	v29 =	vmpcnt.ones.xlane vm13;
	vm14 =	veq.s32 v21, $0x4;
	v15 =	vsel vm2, $0x0, v15  }
0x47: {  	v20 =	vld [tilespmem:$0x20];
	v13 =	vadd.s32 v15, v13;
	v14 =	vsel vm3, $0x0, v14;
	v15 =	vmpcnt.ones.xlane vm14  }
0x48: {  	vm15 =	veq.s32 v21, $0x5;
	v13 =	vadd.s32 v14, v13;
	v14 =	vsel vm4, $0x0, v29  }
0x49: {  	v13 =	vadd.s32 v14, v13;
	v14 =	vsel vm6, $0x0, v15;
	v15 =	vmpcnt.ones.xlane vm15  }
0x4a: {  	vm10 =	veq.s32 v21, $0x6;
	vm11 =	veq.s32 v21, $0x7  }
0x4b: {  	v13 =	vadd.s32 v14, v13;
	v14 =	vsel vm7, $0x0, v15;
	v15 =	vmpcnt.ones.xlane vm10  }
0x4c: {  	vm12 =	veq.s32 v20, $0x0;
	v13 =	vadd.s32 v14, v13;
	v14 =	vmpcnt.ones.xlane vm11  }
0x4d: {  	vm13 =	veq.s32 v20, $0x1;
	v30 =	vmpcnt.ones.xlane vm12;
	v15 =	vsel vm8, $0x0, v15  }
0x4e: {  	v13 =	vadd.s32 v15, v13;
	v14 =	vsel vm9, $0x0, v14;
	v15 =	vmpcnt.ones.xlane vm13  }
0x4f: {  	vm14 =	veq.s32 v20, $0x2;
	v13 =	vadd.s32 v14, v13;
	v14 =	vnsel vm1, $0x0, v30  }
0x50: {  	v13 =	vadd.s32 v14, v13;
	v14 =	vsel vm2, $0x0, v15;
	v15 =	vmpcnt.ones.xlane vm14  }
0x51: {  	vm15 =	veq.s32 v20, $0x3;
	vm10 =	veq.s32 v20, $0x4  }
0x52: {  	v13 =	vadd.s32 v14, v13;
	v14 =	vsel vm3, $0x0, v15;
	v15 =	vmpcnt.ones.xlane vm15  }
0x53: {  	v19 =	vld [tilespmem:$0x30];
	vm11 =	veq.s32 v20, $0x5;
	v13 =	vadd.s32 v14, v13;
	v14 =	vmpcnt.ones.xlane vm10  }
0x54: {  	vm12 =	veq.s32 v20, $0x6;
	v31 =	vmpcnt.ones.xlane vm11;
	v15 =	vsel vm4, $0x0, v15  }
0x55: {  	v13 =	vadd.s32 v15, v13;
	v14 =	vsel vm6, $0x0, v14;
	v15 =	vmpcnt.ones.xlane vm12  }
0x56: {  	vm13 =	veq.s32 v20, $0x7;
	v13 =	vadd.s32 v14, v13;
	v14 =	vsel vm7, $0x0, v31  }
0x57: {  	v13 =	vadd.s32 v14, v13;
	v14 =	vsel vm8, $0x0, v15;
	v15 =	vmpcnt.ones.xlane vm13  }
0x58: {  	vm14 =	veq.s32 v19, $0x0;
	vm15 =	veq.s32 v19, $0x1  }
0x59: {  	v13 =	vadd.s32 v14, v13;
	v14 =	vsel vm9, $0x0, v15;
	v15 =	vmpcnt.ones.xlane vm14  }
0x5a: {  	vm10 =	veq.s32 v19, $0x2;
	v13 =	vadd.s32 v14, v13;
	v14 =	vmpcnt.ones.xlane vm15  }
0x5b: {  	vm11 =	veq.s32 v19, $0x3;
	v32 =	vmpcnt.ones.xlane vm10;
	v15 =	vnsel vm1, $0x0, v15  }
0x5c: {  	v13 =	vadd.s32 v15, v13;
	v14 =	vsel vm2, $0x0, v14;
	v15 =	vmpcnt.ones.xlane vm11  }
0x5d: {  	v17 =	vld [tilespmem:$0x40];
	vm12 =	veq.s32 v19, $0x4;
	v13 =	vadd.s32 v14, v13;
	v14 =	vsel vm3, $0x0, v32  }
0x5e: {  	v13 =	vadd.s32 v14, v13;
	v14 =	vsel vm4, $0x0, v15;
	v15 =	vmpcnt.ones.xlane vm12  }
0x5f: {  	vm13 =	veq.s32 v19, $0x5;
	vm14 =	veq.s32 v19, $0x6  }
0x60: {  	v13 =	vadd.s32 v14, v13;
	v14 =	vsel vm6, $0x0, v15;
	v15 =	vmpcnt.ones.xlane vm13  }
0x61: {  	vm15 =	veq.s32 v19, $0x7;
	v13 =	vadd.s32 v14, v13;
	v14 =	vmpcnt.ones.xlane vm14  }
0x62: {  	vm10 =	veq.s32 v17, $0x0;
	v33 =	vmpcnt.ones.xlane vm15;
	v15 =	vsel vm7, $0x0, v15  }
0x63: {  	v13 =	vadd.s32 v15, v13;
	v14 =	vsel vm8, $0x0, v14;
	v15 =	vmpcnt.ones.xlane vm10  }
0x64: {  	v16 =	vld [tilespmem:$0x50];
	vm11 =	veq.s32 v17, $0x1;
	v13 =	vadd.s32 v14, v13;
	v14 =	vsel vm9, $0x0, v33  }
0x65: {  	v13 =	vadd.s32 v14, v13;
	v14 =	vnsel vm1, $0x0, v15;
	v15 =	vmpcnt.ones.xlane vm11  }
0x66: {  	vm15 =	veq.s32 v17, $0x5;
	vm12 =	veq.s32 v17, $0x2;
	vm13 =	veq.s32 v17, $0x3  }
0x67: {  	v13 =	vadd.s32 v14, v13;
	v14 =	vsel vm2, $0x0, v15;
	v15 =	vmpcnt.ones.xlane vm12  }
0x68: {  	vm14 =	veq.s32 v17, $0x4;
	v13 =	vadd.s32 v14, v13;
	v14 =	vmpcnt.ones.xlane vm13  }
0x69: {  	v18 =	vmpcnt.ones.xlane vm14;
	vm14 =	veq.s32 v16, $0x2;
	v15 =	vsel vm3, $0x0, v15  }
0x6a: {  	v13 =	vadd.s32 v15, v13;
	v14 =	vsel vm4, $0x0, v14;
	v15 =	vmpcnt.ones.xlane vm15  }
0x6b: {  	vm10 =	veq.s32 v17, $0x6;
	v13 =	vadd.s32 v14, v13;
	v14 =	vsel vm6, $0x0, v18  }
0x6c: {  	v13 =	vadd.s32 v14, v13;
	v14 =	vsel vm7, $0x0, v15;
	v15 =	vmpcnt.ones.xlane vm10  }
0x6d: {  	vm11 =	veq.s32 v17, $0x7;
	vm12 =	veq.s32 v16, $0x0;
	vm13 =	veq.s32 v16, $0x1  }
0x6e: {  	v13 =	vadd.s32 v14, v13;
	v14 =	vsel vm8, $0x0, v15;
	v15 =	vmpcnt.ones.xlane vm11  }
0x6f: {  	vm15 =	veq.s32 v16, $0x3;
	v13 =	vadd.s32 v14, v13;
	v14 =	vmpcnt.ones.xlane vm12  }
0x70: {  	v34 =	vmpcnt.ones.xlane vm13;
	v35 =	vmpcnt.ones.xlane vm15;
	v15 =	vsel vm9, $0x0, v15  }
0x71: {  	v13 =	vadd.s32 v15, v13;
	v14 =	vnsel vm1, $0x0, v14;
	v15 =	vmpcnt.ones.xlane vm14  }
0x72: {  	vm10 =	veq.s32 v16, $0x4;
	v13 =	vadd.s32 v14, v13;
	v14 =	vsel vm2, $0x0, v34  }
0x73: {  	v36 =	vmpcnt.ones.xlane vm10;
	v13 =	vadd.s32 v14, v13;
	v14 =	vsel vm3, $0x0, v15;
	v15 =	vld [tilespmem:$0x60]  }
0x74: {  	vm11 =	veq.s32 v16, $0x5;
	v13 =	vadd.s32 v14, v13;
	v14 =	vsel vm4, $0x0, v35  }
0x75: {  	vm12 =	veq.s32 v16, $0x6;
	v13 =	vadd.s32 v14, v13;
	v14 =	vmpcnt.ones.xlane vm11  }
0x76: {  	vm13 =	veq.s32 v16, $0x7;
	v18 =	vsel vm6, $0x0, v36;
	v22 =	vmpcnt.ones.xlane vm12  }
0x77: {  	v37 =	vmpcnt.ones.xlane vm13;
	v13 =	vadd.s32 v18, v13;
	v14 =	vsel vm7, $0x0, v14  }
0x78: {  	v13 =	vadd.s32 v14, v13;
	v14 =	vsel vm8, $0x0, v22;
	vm14 =	veq.s32 v15, $0x0  }
0x79: {  	vm15 =	veq.s32 v15, $0x1;
	vm10 =	veq.s32 v15, $0x2;
	vm11 =	veq.s32 v15, $0x3  }
0x7a: {  	vm12 =	veq.s32 v15, $0x4;
	vm13 =	veq.s32 v15, $0x5;
	v38 =	vmpcnt.ones.xlane vm14  }
0x7b: {  	v13 =	vadd.s32 v14, v13;
	v14 =	vsel vm9, $0x0, v37;
	v39 =	vmpcnt.ones.xlane vm15  }
0x7c: {  	v40 =	vmpcnt.ones.xlane vm11;
	v13 =	vadd.s32 v14, v13;
	v14 =	vnsel vm1, $0x0, v38  }
0x7d: {  	v23 =	vmpcnt.ones.xlane vm12;
	v13 =	vadd.s32 v14, v13;
	v14 =	vmpcnt.ones.xlane vm10  }
0x7e: {  	v43 =	vmpcnt.ones.xlane vm13;
	vm14 =	veq.s32 v15, $0x6;
	v18 =	vsel vm2, $0x0, v39  }
0x7f: {  	vm15 =	veq.s32 v15, $0x7;
	v18 =	vadd.s32 v18, v13;
	v13 =	vld [tilespmem:$0x70];
	v14 =	vsel vm3, $0x0, v14  }
0x80: {  	v45 =	vmpcnt.ones.xlane vm14;
	v41 =	vsel vm4, $0x0, v40;
	v14 =	vadd.s32 v14, v18  }
0x81: {  	v46 =	vmpcnt.ones.xlane vm15;
	v42 =	vsel vm6, $0x0, v23;
	v14 =	vadd.s32 v41, v14  }
0x82: {  	v44 =	vsel vm7, $0x0, v43;
	v14 =	vadd.s32 v42, v14  }
0x83: {  	v22 =	vsel vm8, $0x0, v45;
	v18 =	vsel vm9, $0x0, v46;
	v14 =	vadd.s32 v44, v14  }
0x84: {  	v29 =	vld [tilespmem:$0x80];
	vm10 =	veq.s32 v13, $0x0;
	vm11 =	veq.s32 v13, $0x1;
	vm12 =	veq.s32 v13, $0x2  }
0x85: {  	vm13 =	veq.s32 v13, $0x3;
	vm14 =	veq.s32 v13, $0x4;
	v47 =	vmpcnt.ones.xlane vm10  }
0x86: {  	vm15 =	veq.s32 v13, $0x5;
	v48 =	vmpcnt.ones.xlane vm11;
	v51 =	vmpcnt.ones.xlane vm12  }
0x87: {  	v14 =	vadd.s32 v22, v14;
	v53 =	vmpcnt.ones.xlane vm13;
	v54 =	vmpcnt.ones.xlane vm14  }
0x88: {  	v28 =	vld [tilespmem:$0x90];
	v55 =	vmpcnt.ones.xlane vm15;
	vm10 =	veq.s32 v13, $0x6;
	vm11 =	veq.s32 v13, $0x7  }
0x89: {  	vm12 =	veq.s32 v29, $0x0;
	vm13 =	veq.s32 v29, $0x1;
	vm14 =	veq.s32 v29, $0x2  }
0x8a: {  	vm15 =	veq.s32 v29, $0x3;
	v56 =	vmpcnt.ones.xlane vm10;
	v59 =	vmpcnt.ones.xlane vm11  }
0x8b: {  	v14 =	vadd.s32 v18, v14;
	v61 =	vmpcnt.ones.xlane vm12;
	v63 =	vmpcnt.ones.xlane vm14  }
0x8c: {  	v25 =	vmpcnt.ones.xlane vm15;
	vm10 =	veq.s32 v29, $0x4;
	vm11 =	veq.s32 v29, $0x5  }
0x8d: {  	vm12 =	veq.s32 v29, $0x6;
	vm14 =	veq.s32 v28, $0x0;
	vm15 =	veq.s32 v28, $0x1  }
0x8e: {  	v49 =	vnsel vm1, $0x0, v47;
	v50 =	vsel vm2, $0x0, v48;
	v52 =	vsel vm3, $0x0, v51  }
0x8f: {  	v22 =	vsel vm4, $0x0, v53;
	v18 =	vsel vm6, $0x0, v54;
	v57 =	vsel vm7, $0x0, v55  }
0x90: {  	v31 =	vmpcnt.ones.xlane vm10;
	v33 =	vmpcnt.ones.xlane vm11;
	v14 =	vadd.s32 v49, v14  }
0x91: {  	v34 =	vmpcnt.ones.xlane vm12;
	v36 =	vmpcnt.ones.xlane vm14;
	v14 =	vadd.s32 v50, v14  }
0x92: {  	v39 =	vmpcnt.ones.xlane vm15;
	vm10 =	veq.s32 v28, $0x2;
	v14 =	vadd.s32 v52, v14  }
0x93: {  	vm11 =	veq.s32 v28, $0x3;
	vm12 =	veq.s32 v28, $0x4;
	v14 =	vadd.s32 v22, v14  }
0x94: {  	vm14 =	veq.s32 v28, $0x6;
	vm15 =	veq.s32 v28, $0x7;
	v14 =	vadd.s32 v18, v14  }
0x95: {  	v58 =	vsel vm8, $0x0, v56;
	v60 =	vsel vm9, $0x0, v59;
	v14 =	vadd.s32 v57, v14  }
0x96: {  	v62 =	vnsel vm1, $0x0, v61;
	v26 =	vsel vm3, $0x0, v63;
	v14 =	vadd.s32 v58, v14  }
0x97: {  	v41 =	vmpcnt.ones.xlane vm10;
	v30 =	vadd.s32 v60, v14;
	v14 =	vmpcnt.ones.xlane vm13  }
0x98: {  	v27 =	vsel vm4, $0x0, v25;
	v42 =	vmpcnt.ones.xlane vm11;
	v43 =	vmpcnt.ones.xlane vm12  }
0x99: {  	v47 =	vmpcnt.ones.xlane vm14;
	v18 =	vadd.s32 v30, v62;
	v14 =	vsel vm2, $0x0, v14  }
0x9a: {  	v49 =	vmpcnt.ones.xlane vm15;
	v32 =	vsel vm6, $0x0, v31;
	v14 =	vadd.s32 v14, v18  }
0x9b: {  	v38 =	vnsel vm1, $0x0, v36;
	v40 =	vsel vm2, $0x0, v39;
	v14 =	vadd.s32 v26, v14  }
0x9c: {  	v22 =	vsel vm7, $0x0, v33;
	vm13 =	veq.s32 v29, $0x7;
	v14 =	vadd.s32 v27, v14  }
0x9d: {  	v35 =	vmpcnt.ones.xlane vm13;
	vm13 =	veq.s32 v28, $0x5;
	v27 =	vld [tilespmem:$0xA0];
	v14 =	vadd.s32 v32, v14  }
0x9e: {  	v44 =	vmpcnt.ones.xlane vm13;
	v18 =	vsel vm8, $0x0, v34;
	v14 =	vadd.s32 v22, v14  }
0x9f: {  	v45 =	vsel vm6, $0x0, v43;
	v37 =	vsel vm9, $0x0, v35;
	v14 =	vadd.s32 v18, v14  }
0xa0: {  	v48 =	vsel vm8, $0x0, v47;
	v46 =	vsel vm7, $0x0, v44;
	v14 =	vadd.s32 v37, v14  }
0xa1: {  	v22 =	vsel vm3, $0x0, v41;
	v18 =	vsel vm4, $0x0, v42;
	v14 =	vadd.s32 v38, v14  }
0xa2: {  	v26 =	vld [tilespmem:$0xB0];
	vm10 =	veq.s32 v27, $0x0;
	vm11 =	veq.s32 v27, $0x1;
	vm12 =	veq.s32 v27, $0x2  }
0xa3: {  	vm13 =	veq.s32 v27, $0x3;
	vm14 =	veq.s32 v27, $0x4;
	v50 =	vmpcnt.ones.xlane vm10  }
0xa4: {  	vm15 =	veq.s32 v27, $0x5;
	v51 =	vmpcnt.ones.xlane vm11;
	v52 =	vmpcnt.ones.xlane vm12  }
0xa5: {  	v14 =	vadd.s32 v40, v14;
	v55 =	vmpcnt.ones.xlane vm13;
	v57 =	vmpcnt.ones.xlane vm14  }
0xa6: {  	v58 =	vmpcnt.ones.xlane vm15;
	vm10 =	veq.s32 v27, $0x6;
	v14 =	vadd.s32 v22, v14  }
0xa7: {  	vm11 =	veq.s32 v27, $0x7;
	vm12 =	veq.s32 v26, $0x0;
	v14 =	vadd.s32 v18, v14  }
0xa8: {  	vm13 =	veq.s32 v26, $0x1;
	vm14 =	veq.s32 v26, $0x2;
	v14 =	vadd.s32 v45, v14  }
0xa9: {  	vm15 =	veq.s32 v26, $0x3;
	v22 =	vsel vm9, $0x0, v49;
	v14 =	vadd.s32 v46, v14  }
0xaa: {  	v59 =	vmpcnt.ones.xlane vm10;
	v60 =	vmpcnt.ones.xlane vm11;
	v14 =	vadd.s32 v48, v14  }
0xab: {  	v63 =	vmpcnt.ones.xlane vm12;
	v18 =	vnsel vm1, $0x0, v50;
	v14 =	vadd.s32 v22, v14  }
0xac: {  	v31 =	vmpcnt.ones.xlane vm13;
	v53 =	vsel vm2, $0x0, v51;
	v14 =	vadd.s32 v18, v14  }
0xad: {  	v32 =	vmpcnt.ones.xlane vm14;
	v54 =	vsel vm3, $0x0, v52;
	v14 =	vadd.s32 v53, v14  }
0xae: {  	v33 =	vmpcnt.ones.xlane vm15;
	v56 =	vsel vm4, $0x0, v55;
	v14 =	vadd.s32 v54, v14  }
0xaf: {  	vm10 =	veq.s32 v26, $0x4;
	v22 =	vsel vm6, $0x0, v57;
	v14 =	vadd.s32 v56, v14  }
0xb0: {  	vm11 =	veq.s32 v26, $0x5;
	v18 =	vsel vm7, $0x0, v58;
	v14 =	vadd.s32 v22, v14  }
0xb1: {  	vm12 =	veq.s32 v26, $0x6;
	v61 =	vsel vm8, $0x0, v59;
	v14 =	vadd.s32 v18, v14  }
0xb2: {  	vm13 =	veq.s32 v26, $0x7;
	v62 =	vsel vm9, $0x0, v60;
	v14 =	vadd.s32 v61, v14  }
0xb3: {  	v34 =	vmpcnt.ones.xlane vm10;
	v25 =	vnsel vm1, $0x0, v63;
	v14 =	vadd.s32 v62, v14  }
0xb4: {  	v37 =	vmpcnt.ones.xlane vm11;
	v22 =	vsel vm2, $0x0, v31;
	v14 =	vadd.s32 v25, v14;
	v25 =	vld [tilespmem:$0xC0]  }
0xb5: {  	v39 =	vmpcnt.ones.xlane vm12;
	v18 =	vsel vm3, $0x0, v32;
	v14 =	vadd.s32 v22, v14  }
0xb6: {  	v40 =	vmpcnt.ones.xlane vm13;
	v35 =	vsel vm4, $0x0, v33;
	v14 =	vadd.s32 v18, v14  }
0xb7: {  	v36 =	vsel vm6, $0x0, v34;
	v38 =	vsel vm7, $0x0, v37;
	v14 =	vadd.s32 v35, v14  }
0xb8: {  	v22 =	vsel vm8, $0x0, v39;
	v18 =	vsel vm9, $0x0, v40;
	v14 =	vadd.s32 v36, v14  }
0xb9: {  	v23 =	vld [tilespmem:$0xD0];
	v14 =	vadd.s32 v38, v14;
	vm14 =	veq.s32 v25, $0x0;
	vm15 =	veq.s32 v25, $0x1  }
0xba: {  	vm10 =	veq.s32 v25, $0x2;
	vm11 =	veq.s32 v25, $0x3;
	vm12 =	veq.s32 v25, $0x4  }
0xbb: {  	vm13 =	veq.s32 v25, $0x5;
	v41 =	vmpcnt.ones.xlane vm14;
	v42 =	vmpcnt.ones.xlane vm15  }
0xbc: {  	v14 =	vadd.s32 v22, v14;
	v45 =	vmpcnt.ones.xlane vm10;
	v47 =	vmpcnt.ones.xlane vm11  }
0xbd: {  	v48 =	vmpcnt.ones.xlane vm12;
	v31 =	vmpcnt.ones.xlane vm13;
	vm14 =	veq.s32 v25, $0x6  }
0xbe: {  	vm15 =	veq.s32 v25, $0x7;
	vm10 =	veq.s32 v23, $0x0;
	vm11 =	veq.s32 v23, $0x1  }
0xbf: {  	vm12 =	veq.s32 v23, $0x2;
	vm13 =	veq.s32 v23, $0x3;
	v14 =	vadd.s32 v18, v14  }
0xc0: {  	v49 =	vmpcnt.ones.xlane vm14;
	v52 =	vmpcnt.ones.xlane vm15;
	v43 =	vnsel vm1, $0x0, v41  }
0xc1: {  	v54 =	vmpcnt.ones.xlane vm10;
	v44 =	vsel vm2, $0x0, v42;
	v14 =	vadd.s32 v43, v14  }
0xc2: {  	v55 =	vmpcnt.ones.xlane vm11;
	v46 =	vsel vm3, $0x0, v45;
	v14 =	vadd.s32 v44, v14  }
0xc3: {  	v56 =	vmpcnt.ones.xlane vm12;
	v22 =	vsel vm4, $0x0, v47;
	v14 =	vadd.s32 v46, v14  }
0xc4: {  	v32 =	vmpcnt.ones.xlane vm13;
	v18 =	vsel vm6, $0x0, v48;
	v14 =	vadd.s32 v22, v14  }
0xc5: {  	vm14 =	veq.s32 v23, $0x4;
	v50 =	vsel vm7, $0x0, v31;
	v14 =	vadd.s32 v18, v14  }
0xc6: {  	vm15 =	veq.s32 v23, $0x5;
	v51 =	vsel vm8, $0x0, v49;
	v14 =	vadd.s32 v50, v14  }
0xc7: {  	vm10 =	veq.s32 v23, $0x6;
	v53 =	vsel vm9, $0x0, v52;
	v14 =	vadd.s32 v51, v14  }
0xc8: {  	vm11 =	veq.s32 v23, $0x7;
	v22 =	vnsel vm1, $0x0, v54;
	v14 =	vadd.s32 v53, v14  }
0xc9: {  	v59 =	vmpcnt.ones.xlane vm14;
	v18 =	vsel vm2, $0x0, v55;
	v14 =	vadd.s32 v22, v14;
	v22 =	vld [tilespmem:$0xE0]  }
0xca: {  	v61 =	vmpcnt.ones.xlane vm15;
	v57 =	vsel vm3, $0x0, v56;
	v14 =	vadd.s32 v18, v14  }
0xcb: {  	v63 =	vmpcnt.ones.xlane vm11;
	v58 =	vsel vm4, $0x0, v32;
	v14 =	vadd.s32 v57, v14  }
0xcc: {  	v62 =	vmpcnt.ones.xlane vm10;
	v60 =	vsel vm6, $0x0, v59;
	v14 =	vadd.s32 v58, v14  }
0xcd: {  	v31 =	vsel vm7, $0x0, v61;
	v36 =	vsel vm9, $0x0, v63;
	v14 =	vadd.s32 v60, v14  }
0xce: {  	v18 =	vsel vm8, $0x0, v62;
	vm12 =	veq.s32 v22, $0x0;
	v14 =	vadd.s32 v31, v14  }
0xcf: {  	vm13 =	veq.s32 v22, $0x1;
	vm14 =	veq.s32 v22, $0x2;
	vm15 =	veq.s32 v22, $0x3  }
0xd0: {  	vm10 =	veq.s32 v22, $0x4;
	v35 =	vmpcnt.ones.xlane vm12;
	v38 =	vmpcnt.ones.xlane vm13  }
0xd1: {  	vm11 =	veq.s32 v22, $0x5;
	v40 =	vmpcnt.ones.xlane vm14;
	v41 =	vmpcnt.ones.xlane vm15  }
0xd2: {  	v14 =	vadd.s32 v18, v14;
	v33 =	vmpcnt.ones.xlane vm10;
	v43 =	vmpcnt.ones.xlane vm11  }
0xd3: {  	v18 =	vld [tilespmem:$0xF0];
	vm12 =	veq.s32 v22, $0x6;
	vm13 =	veq.s32 v22, $0x7;
	v14 =	vadd.s32 v36, v14  }
0xd4: {  	v46 =	vmpcnt.ones.xlane vm12;
	v48 =	vmpcnt.ones.xlane vm13;
	v37 =	vnsel vm1, $0x0, v35  }
0xd5: {  	v39 =	vsel vm2, $0x0, v38;
	v31 =	vsel vm3, $0x0, v40;
	v42 =	vsel vm4, $0x0, v41  }
0xd6: {  	v44 =	vsel vm6, $0x0, v33;
	v45 =	vsel vm7, $0x0, v43;
	v14 =	vadd.s32 v37, v14  }
0xd7: {  	v47 =	vsel vm8, $0x0, v46;
	v32 =	vsel vm9, $0x0, v48;
	v14 =	vadd.s32 v39, v14  }
0xd8: {  	v14 =	vadd.s32 v31, v14;
	vm14 =	veq.s32 v18, $0x0;
	vm15 =	veq.s32 v18, $0x1  }
0xd9: {  	vm10 =	veq.s32 v18, $0x2;
	vm11 =	veq.s32 v18, $0x3;
	v14 =	vadd.s32 v42, v14  }
0xda: {  	vm12 =	veq.s32 v18, $0x4;
	vm13 =	veq.s32 v18, $0x5;
	v14 =	vadd.s32 v44, v14  }
0xdb: {  	v49 =	vmpcnt.ones.xlane vm14;
	v50 =	vmpcnt.ones.xlane vm15;
	v14 =	vadd.s32 v45, v14  }
0xdc: {  	v51 =	vmpcnt.ones.xlane vm10;
	v54 =	vmpcnt.ones.xlane vm11;
	v14 =	vadd.s32 v47, v14  }
0xdd: {  	v56 =	vmpcnt.ones.xlane vm12;
	v31 =	vnsel vm1, $0x0, v49;
	v14 =	vadd.s32 v32, v14  }
0xde: {  	v57 =	vmpcnt.ones.xlane vm13;
	v52 =	vsel vm2, $0x0, v50;
	v14 =	vadd.s32 v31, v14  }
0xdf: {  	vm14 =	veq.s32 v18, $0x6;
	v53 =	vsel vm3, $0x0, v51;
	v14 =	vadd.s32 v52, v14  }
0xe0: {  	vm15 =	veq.s32 v18, $0x7;
	v55 =	vsel vm4, $0x0, v54;
	v14 =	vadd.s32 v53, v14  }
0xe1: {  	v58 =	vmpcnt.ones.xlane vm14;
	v32 =	vsel vm6, $0x0, v56;
	v14 =	vadd.s32 v55, v14  }
0xe2: {  	v59 =	vmpcnt.ones.xlane vm15;
	v31 =	vsel vm7, $0x0, v57;
	v14 =	vadd.s32 v32, v14  }
0xe3: {  	v60 =	vsel vm8, $0x0, v58;
	v14 =	vadd.s32 v31, v14  }
0xe4: {  	v61 =	vsel vm9, $0x0, v59;
	v14 =	vadd.s32 v60, v14  }
0xe5: {  	v14 =	vadd.s32 v61, v14  }
0xe6: {  	s25 =	simm.s32 $0x210;
	s24 =	rddreg [dreg:$0x8];
	[tilespmem:$0x210] =	vst v14  }
0xe7: {  	[spmem:s24] =	stream.linear.scatter [tilespmem:s25], [sflag:$0x3], $0x10, $0x38;
	[tilespmem:$0xC410] =	vst v63  }
0xe8: {  	_ =	swait.ge [sflag:s15], $0x10  }
0xe9: {  	[sflag:s15] =	ssyncset.done $0x0  }
0xea: {  	[sflag:s15] =	ssyncadd.s32 $0xFFFFFFF0  }
0xeb: {  	[bflag:$0x0] =	sbarrier.arrive $0xFFFF  }
0xec: {  	s28 =	simm.s32 $0x110;
	s26 =	rddreg [dreg:$0x3]  }
0xed: {  	[tilespmem:s28], [sflag:$0x3] =	stream.linear.gather [spmem:s26], $0x100, $0x38;
	[tilespmem:$0xC410] =	vst v63  }
0xee: {  	_ =	swait.ge [sflag:s15], $0x100  }
0xef: {  	[sflag:s15] =	ssyncset.done $0x0  }
0xf0: {  	[sflag:s15] =	ssyncadd.s32 $0xFFFFFF00  }
0xf1: {  	v62 =	vld [tilespmem:$0x110]  }
0xf2: {  	v63 =	vld [tilespmem:$0x120]  }
0xf3: {  	v48 =	vld [tilespmem:$0x130]  }
0xf4: {  	v34 =	vld [tilespmem:$0x140]  }
0xf5: {  	v35 =	vld [tilespmem:$0x150]  }
0xf6: {  	v36 =	vld [tilespmem:$0x160]  }
0xf7: {  	v37 =	vld [tilespmem:$0x170];
	v14 =	vadd.s32 v62, v63  }
0xf8: {  	v38 =	vld [tilespmem:$0x180];
	v14 =	vadd.s32 v48, v14  }
0xf9: {  	v39 =	vld [tilespmem:$0x190];
	v14 =	vadd.s32 v34, v14  }
0xfa: {  	v40 =	vld [tilespmem:$0x1A0];
	v14 =	vadd.s32 v35, v14  }
0xfb: {  	v41 =	vld [tilespmem:$0x1B0];
	v14 =	vadd.s32 v36, v14  }
0xfc: {  	v42 =	vld [tilespmem:$0x1C0];
	v14 =	vadd.s32 v37, v14  }
0xfd: {  	v43 =	vld [tilespmem:$0x1D0];
	v14 =	vadd.s32 v38, v14  }
0xfe: {  	v44 =	vld [tilespmem:$0x1E0];
	v14 =	vadd.s32 v39, v14  }
0xff: {  	v45 =	vld [tilespmem:$0x1F0];
	v14 =	vadd.s32 v40, v14  }
0x100: {  	v46 =	vld [tilespmem:$0x200];
	v14 =	vadd.s32 v41, v14  }
0x101: {  	v14 =	vadd.s32 v42, v14  }
0x102: {  	v14 =	vadd.s32 v43, v14  }
0x103: {  	v14 =	vadd.s32 v44, v14  }
0x104: {  	v14 =	vadd.s32 v45, v14  }
0x105: {  	v14 =	vadd.s32 v46, v14  }
0x106: {  	(v2sf) =	vpush v14, $0x0  }
0x107: {  	(v2sf) =	vpush v14, $0x1  }
0x108: {  	(v2sf) =	vpush v14, $0x2;
	_ =	sdelay $0x1  }
0x109: {  	(v2sf) =	vpush v14, $0x3;
	_ =	sdelay $0x3  }
0x10a: {  	(v2sf) =	vpush v14, $0x4;
	_ =	sdelay $0x2  }
0x10b: {  	(v2sf) =	vpush v14, $0x5;
	_ =	sdelay $0x3  }
0x10c: {  	s29 =	spop (v2sf)  }
0x10d: {  	s5 =	spop (v2sf)  }
0x10e: {  	s0 =	sadd.s32 $0x1FF, s29;
	s10 =	spop (v2sf)  }
0x10f: {  	s30 =	sshra.s32 s0, $0x1F;
	s2 =	sand.u32 $0x1FF, s0;
	p5 =	slt.s32 s0, $0x1  }
0x110: {  	[dreg:$0xf] =	wrdreg s5;
	s14 =	sadd.s32 $0x1FF, s5;
	s7 =	spop (v2sf)  }
0x111: {  	s1 =	sshrl.u32 s30, $0x17;
	p6 =	sne.s32 s2, $0x0;
	[dreg:$0xe] =	wrdreg s10  }
0x112: {  	s2 =	simm.s32 $0x1;
	s5 =	sshra.s32 s14, $0x1F;
	s30 =	sld [smem:$0x7FD]  }
0x113: {  	s6 =	sand.u32 $0x1FF, s14;
	s19 =	sadd.s32 $0x1FF, s10;
	s10 =	sld [smem:$0x7FA]  }
0x114: {  	s9 =	spop (v2sf);
	s1 =	sadd.s32 s1, s0;
	p5 =	por !p5, !p6  }
0x115: {  	s5 =	sshrl.u32 s5, $0x17;
	p6 =	slt.s32 s14, $0x1;
	p0 =	sne.s32 s6, $0x0  }
0x116: {  	s20 =	sshra.s32 s19, $0x1F;
	s21 =	sand.u32 $0x1FF, s19;
	[dreg:$0xd] =	wrdreg s7  }
0x117: {  	s23 =	sadd.s32 $0x1FF, s7;
	s8 =	spop (v2sf);
	s31 =	sshra.s32 s1, $0x9  }
0x118: {  	p5 =	por !p5, !p5;
	s5 =	sadd.s32 s5, s14;
	s1 =	simm.s32 $0x1  }
0x119: {  	s24 =	sand.u32 $0x1FF, s23;
	s7 =	sshra.s32 s23, $0x1F;
	[dreg:$0xc] =	wrdreg s9  }
0x11a: {  	s26 =	sadd.s32 $0x1FF, s9;
	s9 =	sld [smem:$0x7FB];
	s2 =	simm.s32 @!p5 $0x0  }
0x11b: {  	s18 =	sshra.s32 s5, $0x9;
	p5 =	por !p6, !p0;
	s5 =	sshrl.u32 s20, $0x17  }
0x11c: {  	p6 =	slt.s32 s19, $0x1;
	p0 =	sne.s32 s21, $0x0;
	[dreg:$0xb] =	wrdreg s8  }
0x11d: {  	s25 =	sshrl.u32 s7, $0x17;
	s28 =	sshra.s32 s26, $0x1F;
	s20 =	sld [smem:$0x7F8]  }
0x11e: {  	s29 =	sand.u32 $0x1FF, s26;
	s7 =	simm.s32 $0x1;
	s21 =	sld [smem:$0x7F7]  }
0x11f: {  	v21 =	vpsel p1, v21, v28;
	v24 =	vpsel p1, v24, v29;
	s14 =	ssub.s32 s31, s2;
	p5 =	por !p5, !p5;
	s22 =	sadd.s32 s5, s19  }
0x120: {  	v30 =	vpsel p1, $0x0, v30;
	v26 =	vpsel p1, v19, v26;
	v25 =	vpsel p1, v17, v25;
	s2 =	simm.s32 $0x1;
	s5 =	simm.s32 $0x1;
	s31 =	sld [smem:$0x7FC]  }
0x121: {  	v23 =	vpsel p1, v16, v23;
	v22 =	vpsel p1, v15, v22;
	v15 =	vimm.s32 $0x0;
	s19 =	sld [smem:$0x7F9];
	s1 =	simm.s32 @!p5 $0x0;
	p5 =	por !p6, !p0  }
0x122: {  	v13 =	vpsel p1, v13, v18;
	vm10 =	vcmask $0x3F08;
	vm11 =	vcmask $0xB08;
	p6 =	slt.s32 s23, $0x1;
	p0 =	sne.s32 s24, $0x0;
	s24 =	sld [smem:$0x7F4]  }
0x123: {  	vm12 =	vcmask $0x3F0C;
	vm13 =	vcmask $0xF0C;
	vm14 =	vcmask $0x3F10;
	[dreg:$0x10] =	wrdreg s14;
	s0 =	ssub.s32 s18, s1;
	p5 =	por !p5, !p5  }
0x124: {  	vm15 =	vcmask $0x1310;
	vm3 =	veq.s32 v24, $0x2;
	vm4 =	veq.s32 v24, $0x4;
	s1 =	sshra.s32 s22, $0x9;
	s18 =	sadd.s32 $0x1FF, s8;
	s2 =	simm.s32 @!p5 $0x0  }
0x125: {  	vm1 =	veq.s32 v25, $0x1;
	vm2 =	veq.s32 v25, $0x2;
	(v2sf) =	vpush v14, $0x6;
	p5 =	por !p6, !p0;
	p0 =	seq.s32 s30, $0x1;
	p6 =	seq.s32 s31, $0x1  }
0x126: {  	vm9 =	vcmask $0x704;
	v31 =	vpsel p4, $0x0, v62;
	v32 =	vpsel !p3, $0x0, v63;
	s1 =	ssub.s32 s1, s2;
	s2 =	sadd.s32 s25, s23;
	p5 =	por !p5, !p5  }
0x127: {  	v30 =	vadd.s32 v30, v31;
	v34 =	vpsel !p0, $0x0, v34;
	v35 =	vpsel !p6, $0x0, v35;
	p6 =	sne.s32 s29, $0x0;
	p0 =	seq.s32 s9, $0x1;
	s23 =	sld [smem:$0x7F5]  }
0x128: {  	vm8 =	vcmask $0x3F14;
	v33 =	vpsel !p2, $0x0, v48;
	v30 =	vadd.s32 v32, v30;
	s25 =	sshll.u32 s14, $0x9;
	s2 =	sshra.s32 s2, $0x9;
	s5 =	simm.s32 @!p5 $0x0  }
0x129: {  	vm6 =	veq.s32 v24, $0x3;
	v30 =	vadd.s32 v33, v30;
	p5 =	slt.s32 s26, $0x1;
	v49 =	vpsel !p0, $0x0, v36;
	p0 =	seq.s32 s10, $0x1;
	s5 =	ssub.s32 s2, s5  }
0x12a: {  	vm7 =	veq.s32 v26, $0x6;
	v30 =	vadd.s32 v34, v30;
	s2 =	sshrl.u32 s28, $0x17;
	v50 =	vpsel !p0, $0x0, v37;
	p5 =	por !p5, !p6;
	p0 =	seq.s32 s19, $0x1  }
0x12b: {  	v58 =	vmov s25;
	v30 =	vadd.s32 v35, v30;
	s28 =	sadd.s32 s14, s0;
	v51 =	vpsel !p0, $0x0, v38;
	p0 =	seq.s32 s20, $0x1;
	p6 =	seq.s32 s23, $0x1  }
0x12c: {  	s22 =	sld [smem:$0x7F6];
	v30 =	vadd.s32 v49, v30;
	s30 =	sshll.u32 s28, $0x9;
	v52 =	vpsel !p0, $0x0, v39;
	p0 =	seq.s32 s21, $0x1;
	v55 =	vpsel !p6, $0x0, v42  }
0x12d: {  	s8 =	sshra.s32 s18, $0x1F;
	s6 =	sand.u32 $0x1FF, s18;
	s2 =	sadd.s32 s2, s26;
	v30 =	vadd.s32 v50, v30;
	v61 =	vmov s30;
	v53 =	vpsel !p0, $0x0, v40  }
0x12e: {  	p5 =	por !p5, !p5;
	s26 =	sld [smem:$0x7F3];
	s1 =	sadd.s32 s28, s1;
	v40 =	vnsel vm9, $0x0, v58;
	v30 =	vadd.s32 v51, v30;
	v62 =	vnsel vm11, $0x0, v61  }
0x12f: {  	s2 =	sshra.s32 s2, $0x9;
	s7 =	simm.s32 @!p5 $0x0;
	p0 =	seq.s32 s22, $0x1;
	vm9 =	vcmask $0x1714;
	vm11 =	vcmask $0x1B18;
	v51 =	vsel vm3, $0x1, v1  }
0x130: {  	s10 =	sadd.s32 s1, s5;
	s7 =	ssub.s32 s2, s7;
	s2 =	sshll.u32 s1, $0x9;
	v58 =	vsel vm4, $0x1, v1;
	v54 =	vpsel !p0, $0x0, v41;
	v60 =	vsel vm10, $0x0, v40  }
0x131: {  	s8 =	sshrl.u32 s8, $0x17;
	s29 =	sld [smem:$0x7F2];
	s14 =	sshll.u32 s10, $0x9;
	v63 =	vmov s2;
	v30 =	vadd.s32 v52, v30;
	v32 =	vsel vm12, $0x0, v62  }
0x132: {  	s9 =	simm.s32 $0x1;
	p0 =	seq.s32 s24, $0x1;
	p6 =	seq.s32 s26, $0x1;
	v42 =	vmov s14;
	vm10 =	vcmask $0x3F18;
	vm12 =	vcmask $0x1F1C  }
0x133: {  	s8 =	sadd.s32 s8, s18;
	p5 =	slt.s32 s18, $0x1;
	[dreg:$0x13] =	wrdreg s1;
	v56 =	vpsel !p0, $0x0, v43;
	v57 =	vpsel !p6, $0x0, v44;
	v40 =	vnsel vm13, $0x0, v63  }
0x134: {  	s18 =	spop (v2sf);
	s1 =	sadd.s32 s10, s7;
	p0 =	seq.s32 s29, $0x1;
	v30 =	vadd.s32 v53, v30;
	v37 =	vnsel vm15, $0x0, v42;
	vm13 =	veq.s32 v24, $0x0  }
0x135: {  	s19 =	sadd.s32 $0x1FF, s18;
	s7 =	sshll.u32 s1, $0x9;
	vm15 =	veq.s32 v24, $0x5;
	v59 =	vpsel !p0, $0x0, v45;
	p0 =	sne.s32 s6, $0x0;
	v41 =	vsel vm14, $0x0, v40  }
0x136: {  	s31 =	sshra.s32 s8, $0x9;
	s21 =	sand.u32 $0x1FF, s19;
	v30 =	vadd.s32 v54, v30;
	v43 =	vmov s7;
	v44 =	vsel vm8, $0x0, v37;
	p5 =	por !p5, !p0  }
0x137: {  	s23 =	sshra.s32 s19, $0x1F;
	p6 =	slt.s32 s19, $0x1;
	v49 =	vsel vm13, $0x1, v1;
	vm14 =	veq.s32 v24, $0x1;
	v30 =	vadd.s32 v55, v30;
	p5 =	por !p5, !p5  }
0x138: {  	s24 =	sshrl.u32 s23, $0x17;
	vm8 =	veq.s32 v25, $0x4;
	v45 =	vnsel vm9, $0x0, v43;
	p0 =	sne.s32 s21, $0x0;
	v30 =	vadd.s32 v56, v30;
	s9 =	simm.s32 @!p5 $0x0  }
0x139: {  	s7 =	simm.s32 $0x1;
	v50 =	vsel vm14, $0x1, v1;
	v55 =	vsel vm6, $0x1, v1;
	v30 =	vadd.s32 v57, v30;
	p5 =	por !p6, !p0;
	s6 =	ssub.s32 s31, s9  }
0x13a: {  	vm9 =	veq.s32 v24, $0x6;
	v37 =	vsel vm10, $0x0, v45;
	v30 =	vadd.s32 v59, v30;
	p5 =	por !p5, !p5;
	s20 =	sadd.s32 s1, s6;
	s6 =	sadd.s32 s24, s19  }
0x13b: {  	v62 =	vsel vm9, $0x1, v1;
	v31 =	vadd.s32 v60, v30;
	s7 =	simm.s32 @!p5 $0x0;
	(v2sf) =	vpush v30, $0x0;
	s22 =	sshll.u32 s20, $0x9;
	s6 =	sshra.s32 s6, $0x9  }
0x13c: {  	(xrf0) =	vadd.scan.msk.s32 $0xffff, v49;
	v32 =	vadd.s32 v32, v31;
	(v2sf) =	vpush v31, $0x1;
	v46 =	vmov s22;
	s6 =	ssub.s32 s6, s7  }
0x13d: {  	(xrf0) =	vadd.scan.msk.s32 $0xffff, v50;
	v33 =	vadd.s32 v41, v32;
	(v2sf) =	vpush v32, $0x2;
	v47 =	vnsel vm11, $0x0, v46;
	s0 =	sadd.s32 s20, s6  }
0x13e: {  	v34 =	vadd.s32 v44, v33;
	(v2sf) =	vpush v33, $0x3;
	v48 =	vsel vm12, $0x0, v47;
	s25 =	sshll.u32 s0, $0x9  }
0x13f: {  	(xrf0) =	vadd.scan.msk.s32 $0xffff, v51;
	v37 =	vadd.s32 v37, v34;
	(v2sf) =	vpush v34, $0x4;
	v52 =	vmov s25  }
0x140: {  	(xrf0) =	vadd.scan.msk.s32 $0xffff, v55;
	v29 =	vadd.s32 v48, v37;
	(v2sf) =	vpush v37, $0x5;
	v53 =	vnsel vm12, $0x0, v52  }
0x141: {  	vm10 =	veq.s32 v24, $0x7;
	(xrf0) =	vadd.scan.msk.s32 $0xffff, v58;
	(v2sf) =	vpush v29, $0x6;
	v35 =	vadd.s32 v53, v29  }
0x142: {  	v59 =	vsel vm15, $0x1, v1;
	v30 =	vadd.s32 $0xFFFFFFFF, v30;
	v54, _, _ =	vpop (xrf0);
	(v2sf) =	vpush v35, $0x7  }
0x143: {  	v39 =	vsel vm10, $0x1, v1;
	v30 =	vbroadcast v30, $0x0;
	(xrf0) =	vadd.scan.msk.s32 $0xffff, v59;
	v56, _, _ =	vpop (xrf0);
	(v2sf) =	vpush v54, $0xF  }
0x144: {  	v31 =	vadd.s32 $0xFFFFFFFF, v31;
	v32 =	vadd.s32 $0xFFFFFFFF, v32;
	(v2sf) =	vpush v56, $0xF  }
0x145: {  	v31 =	vbroadcast v31, $0x1;
	v30 =	vadd.s32 v54, v30;
	v32 =	vbroadcast v32, $0x2;
	v57, _, _ =	vpop (xrf0)  }
0x146: {  	v60 =	vadd.s32 $0xFFFFFFFF, v33;
	v30 =	vnsel vm13, $0x0, v30;
	v61, _, _ =	vpop (xrf0);
	(v2sf) =	vpush v57, $0xF  }
0x147: {  	v31 =	vadd.s32 v56, v31;
	v63 =	vadd.s32 $0xFFFFFFFF, v34;
	v36, _, _ =	vpop (xrf0);
	(v2sf) =	vpush v61, $0xF  }
0x148: {  	v30 =	vsel vm14, v31, v30;
	v32 =	vadd.s32 v57, v32;
	(v2sf) =	vpush v36, $0xF  }
0x149: {  	(xrf0) =	vadd.scan.msk.s32 $0xffff, v62;
	v31 =	vbroadcast v60, $0x3;
	v30 =	vsel vm3, v32, v30;
	vm3 =	veq.s32 v21, $0x0;
	v41, _, _ =	vpop (xrf0)  }
0x14a: {  	(xrf0) =	vadd.scan.msk.s32 $0xffff, v39;
	v32 =	vbroadcast v63, $0x4;
	v44 =	vsel vm3, $0x1, v1;
	(v2sf) =	vpush v41, $0xF;
	s26 =	spop (v2sf)  }
0x14b: {  	vm11 =	veq.s32 v21, $0x3;
	v42 =	vadd.s32 $0xFFFFFFFF, v37;
	v31 =	vadd.s32 v61, v31;
	(xrf0) =	vadd.scan.msk.s32 $0xffff, v44;
	s21 =	spop (v2sf)  }
0x14c: {  	v38 =	vsel vm6, v31, v30;
	v40 =	vadd.s32 v36, v32;
	vm6 =	veq.s32 v21, $0x1;
	s23 =	spop (v2sf)  }
0x14d: {  	[dreg:$0x11] =	wrdreg s18;
	v24 =	vsel vm4, v40, v38;
	v46 =	vsel vm6, $0x1, v1;
	vm4 =	veq.s32 v21, $0x2;
	s18 =	spop (v2sf)  }
0x14e: {  	[dreg:$0x12] =	wrdreg s28;
	v43 =	vbroadcast v42, $0x5;
	v29 =	vadd.s32 $0xFFFFFFFF, v29;
	(xrf0) =	vadd.scan.msk.s32 $0xffff, v46;
	v48 =	vsel vm4, $0x1, v1;
	s28 =	spop (v2sf)  }
0x14f: {  	vm12 =	veq.s32 v21, $0x4;
	v45, _, _ =	vpop (xrf0);
	v29 =	vbroadcast v29, $0x6;
	(xrf0) =	vadd.scan.msk.s32 $0xffff, v48;
	v57 =	vsel vm11, $0x1, v1;
	s22 =	spop (v2sf)  }
0x150: {  	vm13 =	veq.s32 v21, $0x7;
	v60 =	vsel vm12, $0x1, v1;
	v28 =	vadd.s32 v41, v43;
	v49, _, _ =	vpop (xrf0);
	(xrf0) =	vadd.scan.msk.s32 $0xffff, v57;
	s29 =	spop (v2sf)  }
0x151: {  	v50 =	vadd.s32 $0xFFFFFFFF, v35;
	v24 =	vsel vm15, v28, v24;
	v47 =	vadd.s32 v45, v29;
	v55, _, _ =	vpop (xrf0);
	(xrf0) =	vadd.scan.msk.s32 $0xffff, v60;
	s30 =	spop (v2sf)  }
0x152: {  	v52 =	vbroadcast v50, $0x7;
	v24 =	vsel vm9, v47, v24;
	(v2sf) =	vpush v45, $0xF;
	s31 =	spop (v2sf)  }
0x153: {  	[dreg:$0x17] =	wrdreg s0;
	v48 =	vsel vm13, $0x1, v1;
	vm9 =	veq.s32 v26, $0x0;
	(v2sf) =	vpush v49, $0xF;
	s14 =	sadd.s32 s31, s26;
	s0 =	spop (v2sf)  }
0x154: {  	v28 =	vadd.s32 v49, v52;
	v58, _, _ =	vpop (xrf0);
	(v2sf) =	vpush v55, $0xF;
	v51 =	vmov s14;
	s21 =	sadd.s32 s0, s21  }
0x155: {  	[dreg:$0x14] =	wrdreg s1;
	v59, _, _ =	vpop (xrf0);
	s1 =	spop (v2sf);
	(v2sf) =	vpush v58, $0xF;
	v53 =	vadd.s32 $0xFFFFFFFF, v51;
	v54 =	vmov s21  }
0x156: {  	v36, _, _ =	vpop (xrf0);
	s8 =	sadd.s32 s1, s23;
	s2 =	spop (v2sf);
	(v2sf) =	vpush v59, $0xF;
	v30 =	vbroadcast v53, $0x0;
	v31 =	vadd.s32 $0xFFFFFFFF, v54  }
0x157: {  	v42, _, _ =	vpop (xrf0);
	v56 =	vmov s8;
	s18 =	sadd.s32 s2, s18;
	s5 =	spop (v2sf);
	(v2sf) =	vpush v36, $0xF;
	v31 =	vbroadcast v31, $0x0  }
0x158: {  	[dreg:$0x15] =	wrdreg s10;
	v33 =	vadd.s32 $0xFFFFFFFF, v56;
	v62 =	vmov s18;
	s10 =	sadd.s32 s5, s28;
	(v2sf) =	vpush v42, $0xF  }
0x159: {  	s6 =	spop (v2sf);
	v30 =	vadd.s32 v55, v30;
	v33 =	vbroadcast v33, $0x0;
	v37 =	vmov s10  }
0x15a: {  	s22 =	sadd.s32 s6, s22;
	v30 =	vnsel vm3, $0x0, v30;
	v31 =	vadd.s32 v58, v31;
	vm3 =	veq.s32 v21, $0x5  }
0x15b: {  	v38 =	vadd.s32 $0xFFFFFFFF, v37;
	v40 =	vmov s22;
	v30 =	vsel vm6, v31, v30  }
0x15c: {  	v61 =	vadd.s32 v59, v33;
	v31 =	vadd.s32 $0xFFFFFFFF, v62;
	v63 =	vsel vm3, $0x1, v1  }
0x15d: {  	v32 =	vbroadcast v38, $0x0;
	v43 =	vadd.s32 $0xFFFFFFFF, v40;
	v30 =	vsel vm4, v61, v30  }
0x15e: {  	v31 =	vbroadcast v31, $0x0;
	(xrf0) =	vadd.scan.msk.s32 $0xffff, v63;
	vm4 =	veq.s32 v21, $0x6;
	v44 =	vbroadcast v43, $0x0  }
0x15f: {  	v21 =	vpsel p1, v20, v27;
	v39 =	vsel vm4, $0x1, v1;
	v32 =	vadd.s32 v42, v32  }
0x160: {  	vm6 =	veq.s32 v21, $0x0;
	vm14 =	veq.s32 v21, $0x1;
	vm15 =	veq.s32 v21, $0x3  }
0x161: {  	vm0 =	veq.s32 v21, $0x7;
	v31 =	vadd.s32 v36, v31;
	(xrf0) =	vadd.scan.msk.s32 $0xffff, v39;
	v49 =	vsel vm6, $0x1, v1  }
0x162: {  	v51 =	vsel vm14, $0x1, v1;
	v59 =	vsel vm15, $0x1, v1;
	v41 =	vsel vm11, v31, v30;
	(xrf0) =	vadd.scan.msk.s32 $0xffff, v48;
	s19 =	spop (v2sf)  }
0x163: {  	v48 =	vsel vm0, $0x1, v1;
	vm11 =	veq.s32 v26, $0x5;
	v29 =	vsel vm12, v32, v41;
	(xrf0) =	vadd.scan.msk.s32 $0xffff, v49;
	s9 =	sadd.s32 s19, s29  }
0x164: {  	[dreg:$0x16] =	wrdreg s20;
	vm12 =	veq.s32 v26, $0x7;
	(xrf0) =	vadd.scan.msk.s32 $0xffff, v51;
	v51 =	vsel vm9, $0x1, v1;
	v46, _, _ =	vpop (xrf0);
	s20 =	spop (v2sf);
	v45 =	vmov s9  }
0x165: {  	(v2sf) =	vpush v46, $0xF;
	v20 =	vadd.s32 v46, v44;
	s7 =	sadd.s32 s20, s30;
	v47 =	vadd.s32 $0xFFFFFFFF, v45  }
0x166: {  	s24 =	spop (v2sf);
	v29 =	vsel vm3, v20, v29;
	v20 =	vsel vm10, v28, v24;
	v53 =	vmov s7  }
0x167: {  	v50, _, _ =	vpop (xrf0);
	s14 =	sadd.s32 s24, s14;
	s24 =	spop (v2sf);
	vm3 =	veq.s32 v21, $0x5;
	vm10 =	veq.s32 v26, $0x4;
	v27 =	vbroadcast v47, $0x0  }
0x168: {  	(v2sf) =	vpush v50, $0xF;
	v54 =	vmov s14;
	s21 =	sadd.s32 s24, s21;
	v55, _, _ =	vpop (xrf0);
	v38 =	vsel vm3, $0x1, v1  }
0x169: {  	v28 =	vadd.s32 $0xFFFFFFFF, v54;
	(v2sf) =	vpush v55, $0xF;
	v58 =	vmov s21  }
0x16a: {  	s25 =	spop (v2sf);
	v57, _, _ =	vpop (xrf0);
	v27 =	vadd.s32 v50, v27;
	v28 =	vbroadcast v28, $0x0;
	v32 =	vadd.s32 $0xFFFFFFFF, v58  }
0x16b: {  	s23 =	sadd.s32 s25, s8;
	(v2sf) =	vpush v57, $0xF;
	v52 =	vsel vm4, v27, v29;
	vm4 =	veq.s32 v21, $0x2  }
0x16c: {  	v60, _, _ =	vpop (xrf0);
	v62 =	vmov s23;
	v27 =	vadd.s32 $0xFFFFFFFF, v53;
	v56 =	vsel vm4, $0x1, v1  }
0x16d: {  	s26 =	spop (v2sf);
	v61 =	vbroadcast v32, $0x0;
	(v2sf) =	vpush v60, $0xF;
	v28 =	vadd.s32 v57, v28;
	(xrf0) =	vadd.scan.msk.s32 $0xffff, v56  }
0x16e: {  	s8 =	sadd.s32 s26, s18;
	v32 =	vadd.s32 $0xFFFFFFFF, v62;
	v28 =	vnsel vm6, $0x0, v28;
	vm6 =	veq.s32 v21, $0x4;
	(xrf0) =	vadd.scan.msk.s32 $0xffff, v59  }
0x16f: {  	s28 =	spop (v2sf);
	v63 =	vmov s8;
	v27 =	vbroadcast v27, $0x0;
	v36 =	vsel vm6, $0x1, v1  }
0x170: {  	s10 =	sadd.s32 s28, s10;
	v32 =	vbroadcast v32, $0x0;
	v33 =	vadd.s32 $0xFFFFFFFF, v63;
	v30 =	vadd.s32 v60, v61;
	(xrf0) =	vadd.scan.msk.s32 $0xffff, v36  }
0x171: {  	v42 =	vmov s10;
	v33 =	vbroadcast v33, $0x0;
	v28 =	vsel vm14, v30, v28  }
0x172: {  	v27 =	vadd.s32 v55, v27;
	v30 =	vadd.s32 $0xFFFFFFFF, v42;
	v42 =	vsel vm7, $0x1, v1;
	(xrf0) =	vadd.scan.msk.s32 $0xffff, v38  }
0x173: {  	vm14 =	veq.s32 v23, $0x3;
	v30 =	vbroadcast v30, $0x0;
	v19 =	vsel vm13, v27, v52;
	v37, _, _ =	vpop (xrf0)  }
0x174: {  	v36 =	vsel vm10, $0x1, v1;
	vm13 =	veq.s32 v23, $0x2;
	v39 =	vadd.s32 v37, v32;
	v40, _, _ =	vpop (xrf0)  }
0x175: {  	(v2sf) =	vpush v37, $0xF;
	v28 =	vsel vm4, v39, v28;
	v41 =	vadd.s32 v40, v33  }
0x176: {  	s29 =	spop (v2sf);
	(v2sf) =	vpush v40, $0xF;
	vm4 =	veq.s32 v21, $0x6;
	v45, _, _ =	vpop (xrf0);
	v40 =	vsel vm11, $0x1, v1  }
0x177: {  	s30 =	sadd.s32 s29, s22;
	v44 =	vsel vm4, $0x1, v1;
	v28 =	vsel vm15, v41, v28;
	(v2sf) =	vpush v45, $0xF  }
0x178: {  	v46 =	vadd.s32 v45, v30;
	v47, _, _ =	vpop (xrf0);
	vm15 =	veq.s32 v23, $0x4;
	v43 =	vmov s30;
	s31 =	spop (v2sf)  }
0x179: {  	(xrf0) =	vadd.scan.msk.s32 $0xffff, v44;
	v21 =	vsel vm6, v46, v28;
	(v2sf) =	vpush v47, $0xF;
	v31 =	vadd.s32 $0xFFFFFFFF, v43;
	s18 =	sadd.s32 s31, s9;
	s0 =	spop (v2sf)  }
0x17a: {  	vm6 =	veq.s32 v26, $0x1;
	v31 =	vbroadcast v31, $0x0;
	v50 =	vmov s18;
	s7 =	sadd.s32 s0, s7  }
0x17b: {  	(xrf0) =	vadd.scan.msk.s32 $0xffff, v48;
	v55 =	vsel vm6, $0x1, v1;
	s1 =	spop (v2sf);
	v52 =	vadd.s32 $0xFFFFFFFF, v50;
	v54 =	vmov s7  }
0x17c: {  	s25 =	sadd.s32 s1, s14;
	s2 =	spop (v2sf);
	v49 =	vadd.s32 v47, v31;
	v24 =	vbroadcast v52, $0x0;
	v28 =	vadd.s32 $0xFFFFFFFF, v54  }
0x17d: {  	(xrf0) =	vadd.scan.msk.s32 $0xffff, v51;
	v58 =	vmov s25;
	s21 =	sadd.s32 s2, s21;
	v54 =	vsel vm2, $0x1, v1;
	v21 =	vsel vm3, v49, v21  }
0x17e: {  	(xrf0) =	vadd.scan.msk.s32 $0xffff, v55;
	v56 =	vbroadcast v28, $0x0;
	vm3 =	veq.s32 v26, $0x2;
	v62 =	vmov s21  }
0x17f: {  	v60 =	vadd.s32 $0xFFFFFFFF, v58;
	v53, _, _ =	vpop (xrf0);
	v59 =	vsel vm3, $0x1, v1;
	v29 =	vadd.s32 $0xFFFFFFFF, v62  }
0x180: {  	v62 =	vimm.s32 $0x0;
	(v2sf) =	vpush v53, $0xF;
	v24 =	vadd.s32 v53, v24  }
0x181: {  	v57, _, _ =	vpop (xrf0);
	(xrf0) =	vadd.scan.msk.s32 $0xffff, v59;
	v29 =	vbroadcast v29, $0x0;
	v53 =	vsel vm1, $0x1, v1;
	v59 =	vimm.s32 $0x0  }
0x182: {  	v21 =	vsel vm4, v24, v21;
	v27 =	vadd.s32 v57, v56;
	v24 =	vbroadcast v60, $0x0  }
0x183: {  	(v2sf) =	vpush v57, $0xF;
	v61, _, _ =	vpop (xrf0);
	vm4 =	veq.s32 v26, $0x3;
	v26 =	vsel vm12, $0x1, v1  }
0x184: {  	v57 =	vsel vm8, $0x1, v1;
	v63 =	vsel vm4, $0x1, v1;
	v34, _, _ =	vpop (xrf0);
	v24 =	vadd.s32 v61, v24  }
0x185: {  	(v2sf) =	vpush v61, $0xF;
	(xrf0) =	vadd.scan.msk.s32 $0xffff, v63;
	v29 =	vadd.s32 v34, v29;
	v24 =	vnsel vm9, $0x0, v24  }
0x186: {  	(v2sf) =	vpush v34, $0xF;
	(xrf0) =	vadd.scan.msk.s32 $0xffff, v36;
	vm9 =	veq.s32 v25, $0x6;
	s5 =	spop (v2sf);
	v24 =	vsel vm6, v29, v24  }
0x187: {  	(xrf0) =	vadd.scan.msk.s32 $0xffff, v40;
	vm6 =	veq.s32 v25, $0x3;
	v28 =	vsel vm9, $0xFFFFFFFF, v59;
	v60 =	vsel vm9, $0x1, v1;
	s23 =	sadd.s32 s5, s23;
	s6 =	spop (v2sf)  }
0x188: {  	vm9 =	veq.s32 v23, $0x5;
	v37, _, _ =	vpop (xrf0);
	v55 =	vsel vm6, $0x1, v1;
	v33 =	vmov s23;
	s14 =	sadd.s32 s6, s8;
	s19 =	spop (v2sf)  }
0x189: {  	(xrf0) =	vadd.scan.msk.s32 $0xffff, v42;
	(v2sf) =	vpush v37, $0xF;
	v35 =	vadd.s32 $0xFFFFFFFF, v33;
	v38 =	vmov s14;
	s10 =	sadd.s32 s19, s10;
	s20 =	spop (v2sf)  }
0x18a: {  	v30 =	vbroadcast v35, $0x0;
	v29 =	vadd.s32 $0xFFFFFFFF, v38;
	v39 =	vmov s10;
	s24 =	sadd.s32 s20, s30  }
0x18b: {  	v41, _, _ =	vpop (xrf0);
	v29 =	vbroadcast v29, $0x0;
	v31 =	vadd.s32 $0xFFFFFFFF, v39;
	v44 =	vmov s24  }
0x18c: {  	v43, _, _ =	vpop (xrf0);
	(v2sf) =	vpush v41, $0xF;
	v30 =	vadd.s32 v37, v30;
	v31 =	vbroadcast v31, $0x0  }
0x18d: {  	v47, _, _ =	vpop (xrf0);
	(v2sf) =	vpush v43, $0xF;
	v24 =	vsel vm3, v30, v24;
	v29 =	vadd.s32 v41, v29  }
0x18e: {  	vm3 =	veq.s32 v25, $0x0;
	(v2sf) =	vpush v47, $0xF;
	v24 =	vsel vm4, v29, v24  }
0x18f: {  	(xrf0) =	vadd.scan.msk.s32 $0xffff, v26;
	v51, _, _ =	vpop (xrf0);
	v45 =	vadd.s32 v43, v31;
	v29 =	vadd.s32 $0xFFFFFFFF, v44;
	v48 =	vsel vm3, $0x1, v1  }
0x190: {  	(v2sf) =	vpush v51, $0xF;
	vm4 =	veq.s32 v23, $0x1;
	v44 =	vimm.s32 $0x0  }
0x191: {  	v29 =	vbroadcast v29, $0x0;
	v24 =	vsel vm10, v45, v24;
	vm10 =	veq.s32 v25, $0x5  }
0x192: {  	(xrf0) =	vadd.scan.msk.s32 $0xffff, v48;
	v43 =	vsel vm4, $0x1, v1;
	v45 =	vsel vm13, $0x1, v1;
	v48 =	vimm.s32 $0x0;
	s0 =	spop (v2sf)  }
0x193: {  	(xrf0) =	vadd.scan.msk.s32 $0xffff, v53;
	v58 =	vsel vm10, $0x1, v1;
	s8 =	sadd.s32 s0, s18;
	v49 =	vadd.s32 v47, v29;
	v47 =	vsel vm14, $0x1, v1  }
0x194: {  	s1 =	spop (v2sf);
	(xrf0) =	vadd.scan.msk.s32 $0xffff, v54;
	v54 =	vimm.s32 $0x0;
	v46 =	vmov s8;
	v29 =	vsel vm11, v49, v24  }
0x195: {  	s2 =	spop (v2sf);
	v24, _, _ =	vpop (xrf0);
	(xrf0) =	vadd.scan.msk.s32 $0xffff, v55;
	vm11 =	veq.s32 v25, $0x7;
	v49 =	vsel vm15, $0x1, v1;
	v55 =	vimm.s32 $0x0  }
0x196: {  	v17 =	vadd.s32 $0xFFFFFFFF, v46;
	s5 =	sadd.s32 s2, s25;
	(v2sf) =	vpush v24, $0xF;
	v35 =	vsel vm11, $0x1, v1  }
0x197: {  	s31 =	spop (v2sf);
	(xrf0) =	vadd.scan.msk.s32 $0xffff, v57;
	v46 =	vimm.s32 $0x0;
	v50 =	vbroadcast v17, $0x0;
	v52 =	vmov s5  }
0x198: {  	v17 =	vsel vm0, v27, v21;
	s21 =	sadd.s32 s31, s21;
	(xrf0) =	vadd.scan.msk.s32 $0xffff, v58;
	vm0 =	veq.s32 v22, $0x7;
	v21 =	vadd.s32 $0xFFFFFFFF, v52  }
0x199: {  	v56, _, _ =	vpop (xrf0);
	v61 =	vmov s21;
	(xrf0) =	vadd.scan.msk.s32 $0xffff, v60;
	v52 =	vimm.s32 $0x0;
	v60 =	vimm.s32 $0x0  }
0x19a: {  	v30 =	vadd.s32 v51, v50;
	v21 =	vbroadcast v21, $0x0;
	(v2sf) =	vpush v56, $0xF  }
0x19b: {  	v34, _, _ =	vpop (xrf0);
	v63 =	vadd.s32 $0xFFFFFFFF, v61;
	v50 =	vimm.s32 $0x0;
	v51 =	vsel vm9, $0x1, v1  }
0x19c: {  	(v2sf) =	vpush v34, $0xF;
	v25 =	vsel vm9, $0xFFFFFFFF, v50;
	vm9 =	veq.s32 v22, $0x1  }
0x19d: {  	v39, _, _ =	vpop (xrf0);
	v57 =	vbroadcast v63, $0x0;
	v63 =	vsel vm7, v30, v29;
	v21 =	vadd.s32 v56, v21  }
0x19e: {  	s0 =	spop (v2sf);
	(v2sf) =	vpush v39, $0xF;
	v40, _, _ =	vpop (xrf0);
	v31 =	vnsel vm3, $0x0, v21;
	v21 =	vsel vm11, $0xFFFFFFFF, v62  }
0x19f: {  	[tilespmem:$0x1FF30] =	vst v28;
	s18 =	sadd.s32 s0, s23;
	vm3 =	veq.s32 v23, $0x0;
	(v2sf) =	vpush v40, $0xF;
	vm11 =	veq.s32 v23, $0x6  }
0x1a0: {  	(xrf0) =	vadd.scan.msk.s32 $0xffff, v35;
	v37, _, _ =	vpop (xrf0);
	v59 =	vmov s18;
	v62 =	vsel vm0, $0x1, v1;
	v35 =	vadd.s32 v34, v57  }
0x1a1: {  	[tilespmem:$0x1FF50] =	vst v21;
	v38 =	vsel vm3, $0x1, v1;
	v21 =	vsel vm13, $0xFFFFFFFF, v44;
	(v2sf) =	vpush v37, $0xF  }
0x1a2: {  	[tilespmem:$0x1FF70] =	vst v25;
	v16 =	vsel vm11, $0xFFFFFFFF, v52;
	v53 =	vsel vm11, $0x1, v1;
	vm13 =	veq.s32 v23, $0x7  }
0x1a3: {  	v36, _, _ =	vpop (xrf0);
	vm11 =	veq.s32 v22, $0x3;
	v61 =	vadd.s32 $0xFFFFFFFF, v59;
	(xrf0) =	vadd.scan.msk.s32 $0xffff, v38;
	[tilespmem:$0x1FF20] =	vst v21  }
0x1a4: {  	s28 =	spop (v2sf);
	v21 =	vsel vm14, $0xFFFFFFFF, v46;
	(v2sf) =	vpush v36, $0xF;
	[tilespmem:$0x1FF80] =	vst v16;
	v15 =	vsel vm13, $0xFFFFFFFF, v15  }
0x1a5: {  	s29 =	spop (v2sf);
	vm14 =	veq.s32 v22, $0x4;
	v46 =	vsel vm1, v35, v31;
	(xrf0) =	vadd.scan.msk.s32 $0xffff, v43;
	[tilespmem:$0x1FF40] =	vst v21  }
0x1a6: {  	v21 =	vsel vm15, $0xFFFFFFFF, v48;
	[tilespmem:$0x1FFA0] =	vst v15;
	v15 =	vsel vm13, $0x1, v1;
	vm15 =	veq.s32 v22, $0x0;
	s10 =	sadd.s32 s29, s10  }
0x1a7: {  	s22 =	sadd.s32 s28, s14;
	vm13 =	veq.s32 v22, $0x2;
	v23 =	vsel vm14, $0xFFFFFFFF, v54;
	s26 =	spop (v2sf);
	(xrf0) =	vadd.scan.msk.s32 $0xffff, v45;
	v50 =	vmov s10  }
0x1a8: {  	s14 =	sadd.s32 s1, s7;
	[tilespmem:$0x1FF60] =	vst v21;
	s9 =	sadd.s32 s26, s24;
	(xrf0) =	vadd.scan.msk.s32 $0xffff, v47;
	v47 =	vmov s22;
	v44 =	vadd.s32 $0xFFFFFFFF, v50  }
0x1a9: {  	v52 =	vmov s9;
	v21, _, _ =	vpop (xrf0);
	(xrf0) =	vadd.scan.msk.s32 $0xffff, v49;
	v48 =	vadd.s32 $0xFFFFFFFF, v47;
	v49 =	vmov s14  }
0x1aa: {  	(v2sf) =	vpush v21, $0xF;
	v16, _, _ =	vpop (xrf0);
	(xrf0) =	vadd.scan.msk.s32 $0xffff, v51;
	v43 =	vadd.s32 $0xFFFFFFFF, v49;
	v51 =	vbroadcast v44, $0x0  }
0x1ab: {  	v54 =	vadd.s32 $0xFFFFFFFF, v52;
	(v2sf) =	vpush v16, $0xF;
	v41, _, _ =	vpop (xrf0);
	(xrf0) =	vadd.scan.msk.s32 $0xffff, v53;
	v43 =	vbroadcast v43, $0x0  }
0x1ac: {  	s25 =	spop (v2sf);
	(v2sf) =	vpush v41, $0xF;
	v38, _, _ =	vpop (xrf0);
	(xrf0) =	vadd.scan.msk.s32 $0xffff, v15;
	v15 =	vsel vm15, $0x1, v1;
	v37 =	vadd.s32 v37, v51  }
0x1ad: {  	s23 =	spop (v2sf);
	(v2sf) =	vpush v38, $0xF;
	v28, _, _ =	vpop (xrf0);
	(xrf0) =	vadd.scan.msk.s32 $0xffff, v15;
	v15 =	vsel vm9, $0x1, v1;
	v24 =	vadd.s32 v24, v43  }
0x1ae: {  	s14 =	sadd.s32 s23, s14;
	(v2sf) =	vpush v28, $0xF;
	v26, _, _ =	vpop (xrf0);
	(xrf0) =	vadd.scan.msk.s32 $0xffff, v15;
	v15 =	vsel vm13, $0x1, v1;
	v24 =	vsel vm12, v24, v63  }
0x1af: {  	v50 =	vmov s14;
	(v2sf) =	vpush v26, $0xF;
	v25, _, _ =	vpop (xrf0);
	(xrf0) =	vadd.scan.msk.s32 $0xffff, v15;
	v15 =	vsel vm11, $0x1, v1  }
0x1b0: {  	s30 =	spop (v2sf);
	v63 =	vadd.s32 $0xFFFFFFFF, v50;
	v27, _, _ =	vpop (xrf0);
	(xrf0) =	vadd.scan.msk.s32 $0xffff, v15;
	v15 =	vsel vm14, $0x1, v1;
	vm14 =	veq.s32 v22, $0x5  }
0x1b1: {  	[tilespmem:$0x1FF90] =	vst v23;
	(v2sf) =	vpush v25, $0xF;
	s24 =	sadd.s32 s30, s5;
	v23 =	vsel vm14, $0xFFFFFFFF, v55;
	v56 =	vsel vm14, $0x1, v1  }
0x1b2: {  	s19 =	spop (v2sf);
	vm14 =	veq.s32 v22, $0x6;
	v22 =	vsel vm0, $0xFFFFFFFF, v60;
	v53 =	vmov s24  }
0x1b3: {  	s8 =	sadd.s32 s25, s8;
	(v2sf) =	vpush v27, $0xF;
	s20 =	spop (v2sf);
	[tilespmem:$0x1FFC0] =	vst v22;
	v22 =	vbroadcast v61, $0x0;
	v55 =	vadd.s32 $0xFFFFFFFF, v53  }
0x1b4: {  	v60 =	vmov s8;
	[tilespmem:$0x1FFB0] =	vst v23;
	v58 =	vsel vm14, $0x1, v1;
	s28 =	spop (v2sf);
	s18 =	sadd.s32 s20, s18;
	v43 =	vbroadcast v55, $0x0;
	v23, _, _ =	vpop (xrf0)  }
0x1b5: {  	s19 =	sadd.s32 s19, s21;
	s0 =	spop (v2sf);
	v61 =	vmov s18;
	(xrf0) =	vadd.scan.msk.s32 $0xffff, v15;
	v22 =	vadd.s32 v39, v22;
	(v2sf) =	vpush v23, $0xF  }
0x1b6: {  	s6 =	spop (v2sf);
	s0 =	sadd.s32 s0, s10;
	v15, _, _ =	vpop (xrf0);
	(xrf0) =	vadd.scan.msk.s32 $0xffff, v56;
	v39 =	vsel vm2, v22, v46;
	v22 =	vbroadcast v48, $0x0;
	v56 =	vmov s19  }
0x1b7: {  	s6 =	sadd.s32 s6, s9;
	v44 =	vmov s0;
	(v2sf) =	vpush v15, $0xF;
	v57 =	vadd.s32 $0xFFFFFFFF, v56  }
0x1b8: {  	v32, _, _ =	vpop (xrf0);
	(xrf0) =	vadd.scan.msk.s32 $0xffff, v58;
	v58 =	vadd.s32 v41, v43;
	v47 =	vmov s6;
	v50 =	vadd.s32 $0xFFFFFFFF, v44  }
0x1b9: {  	v33, _, _ =	vpop (xrf0);
	(v2sf) =	vpush v32, $0xF;
	v40 =	vadd.s32 v40, v22;
	v59 =	vnsel vm3, $0x0, v58  }
0x1ba: {  	v44 =	vld [tilespmem:$0x1FF40];
	vm3 =	veq.s32 v13, $0x4;
	(v2sf) =	vpush v33, $0xF;
	v34, _, _ =	vpop (xrf0);
	v39 =	vsel vm6, v40, v39  }
0x1bb: {  	v40 =	vbroadcast v54, $0x0;
	vm6 =	veq.s32 v13, $0x3;
	(v2sf) =	vpush v34, $0xF;
	v35, _, _ =	vpop (xrf0)  }
0x1bc: {  	s29 =	spop (v2sf);
	v37 =	vsel vm8, v37, v39;
	v39 =	vbroadcast v57, $0x0;
	(v2sf) =	vpush v35, $0xF;
	v29, _, _ =	vpop (xrf0)  }
0x1bd: {  	(xrf0) =	vadd.scan.msk.s32 $0xffff, v62;
	v36 =	vadd.s32 v36, v40;
	s8 =	sadd.s32 s29, s8;
	v40 =	vadd.s32 $0xFFFFFFFF, v60;
	(v2sf) =	vpush v29, $0xF  }
0x1be: {  	v36 =	vsel vm10, v36, v37;
	v38 =	vadd.s32 v38, v39;
	v51 =	vmov s8  }
0x1bf: {  	s22 =	sadd.s32 s28, s22;
	s7 =	spop (v2sf);
	v30, _, _ =	vpop (xrf0);
	v39 =	vadd.s32 $0xFFFFFFFF, v61;
	v40 =	vbroadcast v40, $0x0;
	vm10 =	vnez.u8 v44  }
0x1c0: {  	s31 =	spop (v2sf);
	s7 =	sadd.s32 s7, s14;
	v61 =	vld [tilespmem:$0x1FF20];
	(v2sf) =	vpush v30, $0xF;
	v37 =	vsel vm4, v38, v59;
	v38 =	vmov s22  }
0x1c1: {  	v31, _, _ =	vpop (xrf0);
	s1 =	spop (v2sf);
	s28 =	sadd.s32 s31, s24;
	v55 =	vmov s7;
	v39 =	vbroadcast v39, $0x0;
	vm4 =	veq.s32 v13, $0x7  }
0x1c2: {  	(v2sf) =	vpush v31, $0xF;
	s2 =	spop (v2sf);
	s19 =	sadd.s32 s1, s19;
	v41 =	vmov s28;
	v38 =	vadd.s32 $0xFFFFFFFF, v38  }
0x1c3: {  	v21 =	vadd.s32 v21, v40;
	v40 =	vadd.s32 $0xFFFFFFFF, v51;
	v22, _, _ =	vpop (xrf0);
	s5 =	spop (v2sf);
	v42 =	vmov s19  }
0x1c4: {  	s18 =	sadd.s32 s2, s18;
	v28 =	vadd.s32 v28, v39;
	v62 =	vbroadcast v38, $0x0;
	(v2sf) =	vpush v22, $0xF;
	s21 =	sadd.s32 s5, s22  }
0x1c5: {  	v38 =	vld [tilespmem:$0x1FF70];
	s25 =	spop (v2sf);
	v45 =	vmov s18;
	v48 =	vmov s21;
	vm12 =	vnez.u8 v61  }
0x1c6: {  	s20 =	spop (v2sf);
	s0 =	sadd.s32 s25, s0;
	v26 =	vadd.s32 v26, v62;
	v61 =	vbroadcast v63, $0x0;
	v62 =	vbroadcast v50, $0x0  }
0x1c7: {  	v63 =	vld [tilespmem:$0x1FF30];
	v50 =	vadd.s32 $0xFFFFFFFF, v47;
	s6 =	sadd.s32 s20, s6;
	v53 =	vmov s0;
	v28 =	vsel vm12, v28, v37  }
0x1c8: {  	v37 =	vadd.s32 $0xFFFFFFFF, v42;
	v42 =	vadd.s32 $0xFFFFFFFF, v48;
	v54 =	vmov s6  }
0x1c9: {  	v26 =	vsel vm10, v26, v28;
	v16 =	vadd.s32 v16, v61;
	v25 =	vadd.s32 v25, v62  }
0x1ca: {  	v28 =	vbroadcast v50, $0x0;
	v61 =	vld [tilespmem:$0x1FF50];
	v50 =	vadd.s32 $0xFFFFFFFF, v53;
	vm10 =	vnez.u8 v38  }
0x1cb: {  	v62 =	vld [tilespmem:$0x1FF60];
	v53 =	vbroadcast v50, $0x0;
	v54 =	vadd.s32 $0xFFFFFFFF, v54;
	v50 =	vsel vm4, $0x1, v1;
	s23 =	spop (v2sf)  }
0x1cc: {  	s8 =	sadd.s32 s23, s8;
	vm8 =	vnez.u8 v63;
	v63 =	vadd.s32 $0xFFFFFFFF, v41;
	v41 =	vadd.s32 $0xFFFFFFFF, v45  }
0x1cd: {  	s31 =	spop (v2sf);
	v45 =	vadd.s32 $0xFFFFFFFF, v55;
	v56 =	vmov s8;
	v21 =	vsel vm8, v21, v36  }
0x1ce: {  	v47 =	vld [tilespmem:$0x1FF80];
	s7 =	sadd.s32 s31, s7;
	v36 =	vadd.s32 v27, v28;
	v27 =	vbroadcast v37, $0x0;
	v28 =	vbroadcast v41, $0x0  }
0x1cf: {  	s1 =	spop (v2sf);
	v48 =	vbroadcast v45, $0x0;
	v45 =	vsel vm3, $0x1, v1;
	v59 =	vmov s7  }
0x1d0: {  	s9 =	sadd.s32 s1, s28;
	vm12 =	vnez.u8 v61;
	vm8 =	vnez.u8 v62;
	v61 =	vadd.s32 $0xFFFFFFFF, v56  }
0x1d1: {  	v43 =	vmov s9;
	v16 =	vsel vm12, v16, v21;
	v21 =	vsel vm8, v25, v26  }
0x1d2: {  	v25 =	vbroadcast v63, $0x0;
	v26 =	vbroadcast v40, $0x0;
	v27 =	vadd.s32 v33, v27  }
0x1d3: {  	s2 =	spop (v2sf);
	v44 =	vadd.s32 v34, v28;
	vm12 =	vnez.u8 v47;
	v28 =	vbroadcast v61, $0x0  }
0x1d4: {  	s19 =	sadd.s32 s2, s19;
	s5 =	spop (v2sf);
	v15 =	vadd.s32 v15, v48;
	v23 =	vadd.s32 v23, v26;
	v26 =	vbroadcast v42, $0x0  }
0x1d5: {  	v63 =	vld [tilespmem:$0x1FFF0];
	v40 =	vadd.s32 $0xFFFFFFFF, v59;
	s9 =	sadd.s32 s5, s18;
	v46 =	vmov s19;
	v21 =	vsel vm10, v36, v21  }
0x1d6: {  	s19 =	spop (v2sf);
	v36 =	vadd.s32 $0xFFFFFFFF, v43;
	v49 =	vmov s9;
	v26 =	vadd.s32 v35, v26;
	v35 =	vld [tilespmem:$0x1FFD0]  }
0x1d7: {  	s18 =	sadd.s32 s19, s21;
	v25 =	vadd.s32 v32, v25;
	v34 =	vadd.s32 v31, v28;
	v37 =	vadd.s32 $0xFFFFFFFF, v46  }
0x1d8: {  	v42 =	vbroadcast v40, $0x0;
	v52 =	vmov s18;
	v25 =	vnsel vm15, $0x0, v25  }
0x1d9: {  	v21 =	vsel vm12, v23, v21;
	vm15 =	veq.s32 v13, $0x1;
	v25 =	vsel vm9, v27, v25  }
0x1da: {  	s20 =	spop (v2sf);
	v25 =	vsel vm13, v44, v25;
	vm13 =	veq.s32 v13, $0x0;
	vm8 =	vnez.u8 v63  }
0x1db: {  	v33 =	vld [tilespmem:$0x1FFB0];
	s0 =	sadd.s32 s20, s0;
	vm12 =	veq.s32 v13, $0x2;
	v55 =	vsel vm13, $0x1, v1;
	vm7 =	vnez.u8 v35  }
0x1dc: {  	v32 =	vld [tilespmem:$0x1FFA0];
	s21 =	spop (v2sf);
	v46 =	vadd.s32 $0xFFFFFFFF, v49;
	v57 =	vmov s0;
	v62 =	vsel vm15, $0x1, v1;
	(xrf0) =	vadd.scan.msk.s32 $0xffff, v55  }
0x1dd: {  	s6 =	sadd.s32 s21, s6;
	s22 =	spop (v2sf);
	v38 =	vsel vm12, $0x1, v1;
	v51 =	vsel vm11, v26, v25;
	v25 =	vadd.s32 v29, v53;
	v29 =	vld [tilespmem:$0x1FF90]  }
0x1de: {  	v23 =	vbroadcast v46, $0x0;
	v49 =	vadd.s32 $0xFFFFFFFF, v52;
	s8 =	sadd.s32 s22, s8;
	v58 =	vmov s6  }
0x1df: {  	s25 =	simm.s32 $0x290;
	v44 =	vsel vm6, $0x1, v1;
	v60 =	vmov s8;
	v26 =	vbroadcast v54, $0x0  }
0x1e0: {  	s26 =	simm.s32 $0x310;
	vm11 =	vnez.u8 v33;
	v53 =	vadd.s32 $0xFFFFFFFF, v57;
	(xrf0) =	vadd.scan.msk.s32 $0xffff, v62;
	[tilespmem:v2+s25+$0x0] =	vst.idx.msk vm8, v20  }
0x1e1: {  	vm10 =	vnez.u8 v32;
	v54 =	vbroadcast v53, $0x0;
	[tilespmem:v2+s26+$0x0] =	vst.idx.msk vm7, v20;
	v20 =	vbroadcast v36, $0x0  }
0x1e2: {  	v55 =	vadd.s32 $0xFFFFFFFF, v58;
	v30 =	vadd.s32 v30, v26;
	(xrf0) =	vadd.scan.msk.s32 $0xffff, v38;
	vm9 =	vnez.u8 v29;
	v41, _, _ =	vpop (xrf0)  }
0x1e3: {  	v15 =	vsel vm10, v15, v21;
	(xrf0) =	vadd.scan.msk.s32 $0xffff, v44;
	v18 =	vsel vm9, v25, v51;
	v20 =	vadd.s32 v41, v20  }
0x1e4: {  	v51 =	vld [tilespmem:$0x1FFC0];
	v18 =	vsel vm11, v30, v18;
	(xrf0) =	vadd.scan.msk.s32 $0xffff, v45;
	v20 =	vnsel vm13, $0x0, v20;
	vm13 =	veq.s32 v13, $0x5  }
0x1e5: {  	s24 =	spop (v2sf);
	v18 =	vsel vm14, v34, v18;
	vm14 =	veq.s32 v13, $0x6;
	[tilespmem:v3+s25+$0x0] =	vst.idx.msk vm8, v19;
	v47 =	vsel vm13, $0x1, v1  }
0x1e6: {  	s0 =	sadd.s32 s24, s7;
	v21 =	vbroadcast v37, $0x0;
	v43, _, _ =	vpop (xrf0);
	v48 =	vsel vm14, $0x1, v1;
	[tilespmem:v3+s26+$0x0] =	vst.idx.msk vm7, v19;
	(xrf0) =	vadd.scan.msk.s32 $0xffff, v47  }
0x1e7: {  	v57 =	vadd.s32 $0xFFFFFFFF, v60;
	v39 =	vmov s0;
	[tilespmem:v4+s25+$0x0] =	vst.idx.msk vm8, v17;
	(xrf0) =	vadd.scan.msk.s32 $0xffff, v48  }
0x1e8: {  	v21 =	vadd.s32 v43, v21;
	v19 =	vadd.s32 v22, v42;
	v13, _, _ =	vpop (xrf0);
	[tilespmem:v4+s26+$0x0] =	vst.idx.msk vm7, v17;
	(xrf0) =	vadd.scan.msk.s32 $0xffff, v50  }
0x1e9: {  	v20 =	vsel vm15, v21, v20;
	v17 =	vbroadcast v49, $0x0;
	vm15 =	vnez.u8 v51;
	[tilespmem:v5+s25+$0x0] =	vst.idx.msk vm8, v24  }
0x1ea: {  	v60 =	vbroadcast v57, $0x0;
	v13 =	vadd.s32 v13, v23;
	v52, _, _ =	vpop (xrf0);
	v18 =	vsel vm15, v19, v18;
	[tilespmem:v5+s26+$0x0] =	vst.idx.msk vm7, v24  }
0x1eb: {  	v13 =	vsel vm12, v13, v20;
	v56, _, _ =	vpop (xrf0);
	v20 =	vbroadcast v55, $0x0;
	v17 =	vadd.s32 v52, v17;
	[tilespmem:v6+s25+$0x0] =	vst.idx.msk vm8, v16  }
0x1ec: {  	v61 =	vadd.s32 $0xFFFFFFFF, v39;
	v59 =	vadd.s32 v56, v54;
	v13 =	vsel vm6, v17, v13;
	[tilespmem:v6+s26+$0x0] =	vst.idx.msk vm7, v16;
	v58, _, _ =	vpop (xrf0)  }
0x1ed: {  	v19 =	vbroadcast v61, $0x0;
	v13 =	vsel vm3, v59, v13;
	[tilespmem:v7+s25+$0x0] =	vst.idx.msk vm8, v15;
	v62, _, _ =	vpop (xrf0);
	v20 =	vadd.s32 v58, v20  }
0x1ee: {  	[tilespmem:v7+s26+$0x0] =	vst.idx.msk vm7, v15;
	v13 =	vsel vm13, v20, v13;
	v15 =	vadd.s32 v62, v60;
	v63, _, _ =	vpop (xrf0)  }
0x1ef: {  	[tilespmem:v8+s25+$0x0] =	vst.idx.msk vm8, v18;
	v13 =	vsel vm14, v15, v13;
	v15 =	vadd.s32 v63, v19  }
0x1f0: {  	[tilespmem:v8+s26+$0x0] =	vst.idx.msk vm7, v18;
	v13 =	vsel vm4, v15, v13  }
0x1f1: {  	[tilespmem:v9+s25+$0x0] =	vst.idx.msk vm8, v13  }
0x1f2: {  	s28 =	rddreg [dreg:$0x9];
	[tilespmem:v9+s26+$0x0] =	vst.idx.msk vm7, v13  }
0x1f3: {  	[hbm4b:s28+s3] =	stream.linear.scatter [tilespmem:s25], [sflag:$0x3], $0x40, $0x38;
	[tilespmem:$0xC410] =	vst v63  }
0x1f4: {  	_ =	swait.ge [sflag:s15], $0x40  }
0x1f5: {  	[sflag:s15] =	ssyncset.done $0x0  }
0x1f6: {  	s29 =	rddreg [dreg:$0xa];
	[sflag:s15] =	ssyncadd.s32 $0xFFFFFFC0  }
0x1f7: {  	[hbm4b:s29+s3] =	stream.linear.scatter [tilespmem:s26], [sflag:$0x3], $0x40, $0x38;
	[tilespmem:$0xC410] =	vst v63  }
0x1f8: {  	_ =	swait.ge [sflag:s15], $0x40  }
0x1f9: {  	[sflag:s15] =	ssyncset.done $0x0  }
0x1fa: {  	s30 =	simm.s32 $0x2;
	[sflag:s15] =	ssyncadd.s32 $0xFFFFFFC0  }
0x1fb: {  	_ =	swait.ge [sflag:s30], $0xC000  }
0x1fc: {  	[sflag:s30] =	ssyncset.done $0x0  }
0x1fd: {  	[sflag:s30] =	ssyncadd.s32 $0xFFFF4000  }
0x1fe: {  	v13 =	vld [tilespmem:$0x290];
	_ =	sdelay $0x4  }
0x1ff: {  	v15 =	vshrl.u32 v13, $0x3  }
0x200: {  	v15 =	vmul.u32 $0x30, v15  }
0x201: {  	v13 =	vand.u32 $0x7, v13  }
0x202: {  	v13 =	vor.u32 v13, v15  }
0x203: {  	v15 =	vperm.xlane v13, v10;
	_ =	sdelay $0x1  }
0x204: {  	v15 =	vadd.s32 v11, v15;
	_ =	sdelay $0x3  }
0x205: {  	v13 =	vperm.xlane v13, v12  }
0x206: {  	[hbm4b:s4+s3] =	stream.indirect_vreg.scatter [tilespmem:s17], [sflag:$0x1], $0x80, v15, vm5, $0xb8;
	[tilespmem:$0xC410] =	vst v63  }
0x207: {  	s6 =	simm.s32 $0xC10;
	v13 =	vadd.s32 v11, v13  }
0x208: {  	[hbm4b:s11+s3] =	stream.indirect_vreg.scatter [tilespmem:s6], [sflag:$0x1], $0x80, v15, vm5, $0xb8;
	[tilespmem:$0xC410] =	vst v63  }
0x209: {  	s7 =	simm.s32 $0x1410  }
0x20a: {  	[hbm4b:s12+s3] =	stream.indirect_vreg.scatter [tilespmem:s7], [sflag:$0x1], $0x80, v15, vm5, $0xb8;
	[tilespmem:$0xC410] =	vst v63  }
0x20b: {  	s8 =	simm.s32 $0x1C10  }
0x20c: {  	[hbm4b:s4+s3] =	stream.indirect_vreg.scatter [tilespmem:s8], [sflag:$0x1], $0x80, v13, vm5, $0xb8;
	[tilespmem:$0xC410] =	vst v63  }
0x20d: {  	s9 =	simm.s32 $0x2410  }
0x20e: {  	[hbm4b:s11+s3] =	stream.indirect_vreg.scatter [tilespmem:s9], [sflag:$0x1], $0x80, v13, vm5, $0xb8;
	[tilespmem:$0xC410] =	vst v63  }
0x20f: {  	s10 =	simm.s32 $0x2C10  }
0x210: {  	[hbm4b:s12+s3] =	stream.indirect_vreg.scatter [tilespmem:s10], [sflag:$0x1], $0x80, v13, vm5, $0xb8;
	[tilespmem:$0xC410] =	vst v63  }
0x211: {  	v13 =	vld [tilespmem:$0x2A0];
	_ =	sdelay $0x4  }
0x212: {  	v15 =	vshrl.u32 v13, $0x3  }
0x213: {  	v15 =	vmul.u32 $0x30, v15  }
0x214: {  	v13 =	vand.u32 $0x7, v13  }
0x215: {  	v13 =	vor.u32 v13, v15  }
0x216: {  	v15 =	vperm.xlane v13, v10;
	_ =	sdelay $0x1  }
0x217: {  	v15 =	vadd.s32 v11, v15;
	_ =	sdelay $0x3  }
0x218: {  	s14 =	simm.s32 $0x3410;
	v13 =	vperm.xlane v13, v12  }
0x219: {  	[hbm4b:s4+s3] =	stream.indirect_vreg.scatter [tilespmem:s14], [sflag:$0x1], $0x80, v15, vm5, $0xb8;
	[tilespmem:$0xC410] =	vst v63  }
0x21a: {  	s18 =	simm.s32 $0x3C10;
	v13 =	vadd.s32 v11, v13  }
0x21b: {  	[hbm4b:s11+s3] =	stream.indirect_vreg.scatter [tilespmem:s18], [sflag:$0x1], $0x80, v15, vm5, $0xb8;
	[tilespmem:$0xC410] =	vst v63  }
0x21c: {  	s19 =	simm.s32 $0x4410  }
0x21d: {  	[hbm4b:s12+s3] =	stream.indirect_vreg.scatter [tilespmem:s19], [sflag:$0x1], $0x80, v15, vm5, $0xb8;
	[tilespmem:$0xC410] =	vst v63  }
0x21e: {  	s20 =	simm.s32 $0x4C10  }
0x21f: {  	[hbm4b:s4+s3] =	stream.indirect_vreg.scatter [tilespmem:s20], [sflag:$0x1], $0x80, v13, vm5, $0xb8;
	[tilespmem:$0xC410] =	vst v63  }
0x220: {  	s21 =	simm.s32 $0x5410  }
0x221: {  	[hbm4b:s11+s3] =	stream.indirect_vreg.scatter [tilespmem:s21], [sflag:$0x1], $0x80, v13, vm5, $0xb8;
	[tilespmem:$0xC410] =	vst v63  }
0x222: {  	s22 =	simm.s32 $0x5C10  }
0x223: {  	[hbm4b:s12+s3] =	stream.indirect_vreg.scatter [tilespmem:s22], [sflag:$0x1], $0x80, v13, vm5, $0xb8;
	[tilespmem:$0xC410] =	vst v63  }
0x224: {  	v13 =	vld [tilespmem:$0x2B0];
	_ =	sdelay $0x4  }
0x225: {  	v15 =	vshrl.u32 v13, $0x3  }
0x226: {  	v15 =	vmul.u32 $0x30, v15  }
0x227: {  	v13 =	vand.u32 $0x7, v13  }
0x228: {  	v13 =	vor.u32 v13, v15  }
0x229: {  	v15 =	vperm.xlane v13, v10;
	_ =	sdelay $0x1  }
0x22a: {  	v15 =	vadd.s32 v11, v15;
	_ =	sdelay $0x3  }
0x22b: {  	s23 =	simm.s32 $0x6410;
	v13 =	vperm.xlane v13, v12  }
0x22c: {  	[hbm4b:s4+s3] =	stream.indirect_vreg.scatter [tilespmem:s23], [sflag:$0x1], $0x80, v15, vm5, $0xb8;
	[tilespmem:$0xC410] =	vst v63  }
0x22d: {  	s24 =	simm.s32 $0x6C10;
	v13 =	vadd.s32 v11, v13  }
0x22e: {  	[hbm4b:s11+s3] =	stream.indirect_vreg.scatter [tilespmem:s24], [sflag:$0x1], $0x80, v15, vm5, $0xb8;
	[tilespmem:$0xC410] =	vst v63  }
0x22f: {  	s25 =	simm.s32 $0x7410  }
0x230: {  	[hbm4b:s12+s3] =	stream.indirect_vreg.scatter [tilespmem:s25], [sflag:$0x1], $0x80, v15, vm5, $0xb8;
	[tilespmem:$0xC410] =	vst v63  }
0x231: {  	s26 =	simm.s32 $0x7C10  }
0x232: {  	[hbm4b:s4+s3] =	stream.indirect_vreg.scatter [tilespmem:s26], [sflag:$0x1], $0x80, v13, vm5, $0xb8;
	[tilespmem:$0xC410] =	vst v63  }
0x233: {  	s28 =	simm.s32 $0x8410  }
0x234: {  	[hbm4b:s11+s3] =	stream.indirect_vreg.scatter [tilespmem:s28], [sflag:$0x1], $0x80, v13, vm5, $0xb8;
	[tilespmem:$0xC410] =	vst v63  }
0x235: {  	s29 =	simm.s32 $0x8C10  }
0x236: {  	[hbm4b:s12+s3] =	stream.indirect_vreg.scatter [tilespmem:s29], [sflag:$0x1], $0x80, v13, vm5, $0xb8;
	[tilespmem:$0xC410] =	vst v63  }
0x237: {  	v13 =	vld [tilespmem:$0x2C0];
	_ =	sdelay $0x4  }
0x238: {  	v15 =	vshrl.u32 v13, $0x3  }
0x239: {  	v15 =	vmul.u32 $0x30, v15  }
0x23a: {  	v13 =	vand.u32 $0x7, v13  }
0x23b: {  	v13 =	vor.u32 v13, v15  }
0x23c: {  	v15 =	vperm.xlane v13, v10;
	_ =	sdelay $0x1  }
0x23d: {  	v15 =	vadd.s32 v11, v15;
	_ =	sdelay $0x3  }
0x23e: {  	s30 =	simm.s32 $0x9410;
	v13 =	vperm.xlane v13, v12  }
0x23f: {  	[hbm4b:s4+s3] =	stream.indirect_vreg.scatter [tilespmem:s30], [sflag:$0x1], $0x80, v15, vm5, $0xb8;
	[tilespmem:$0xC410] =	vst v63  }
0x240: {  	s31 =	simm.s32 $0x9C10;
	v13 =	vadd.s32 v11, v13  }
0x241: {  	[hbm4b:s11+s3] =	stream.indirect_vreg.scatter [tilespmem:s31], [sflag:$0x1], $0x80, v15, vm5, $0xb8;
	[tilespmem:$0xC410] =	vst v63  }
0x242: {  	s2 =	simm.s32 $0xA410  }
0x243: {  	[hbm4b:s12+s3] =	stream.indirect_vreg.scatter [tilespmem:s2], [sflag:$0x1], $0x80, v15, vm5, $0xb8;
	[tilespmem:$0xC410] =	vst v63  }
0x244: {  	s1 =	simm.s32 $0xAC10  }
0x245: {  	[hbm4b:s4+s3] =	stream.indirect_vreg.scatter [tilespmem:s1], [sflag:$0x1], $0x80, v13, vm5, $0xb8;
	[tilespmem:$0xC410] =	vst v63  }
0x246: {  	s5 =	simm.s32 $0xB410  }
0x247: {  	[hbm4b:s11+s3] =	stream.indirect_vreg.scatter [tilespmem:s5], [sflag:$0x1], $0x80, v13, vm5, $0xb8;
	[tilespmem:$0xC410] =	vst v63  }
0x248: {  	s0 =	simm.s32 $0x1  }
0x249: {  	[hbm4b:s12+s3] =	stream.indirect_vreg.scatter [tilespmem:s16], [sflag:$0x1], $0x80, v13, vm5, $0xb8;
	[tilespmem:$0xC410] =	vst v63  }
0x24a: {  	_ =	swait.ge [sflag:s0], $0xC000  }
0x24b: {  	[sflag:s0] =	ssyncset.done $0x0  }
0x24c: {  	[sflag:s0] =	ssyncadd.s32 $0xFFFF4000  }
0x24d: {  	v13 =	vld [tilespmem:$0x310];
	_ =	sdelay $0x4  }
0x24e: {  	v15 =	vshrl.u32 v13, $0x3  }
0x24f: {  	v15 =	vmul.u32 $0x30, v15  }
0x250: {  	v13 =	vand.u32 $0x7, v13  }
0x251: {  	v13 =	vor.u32 v13, v15  }
0x252: {  	v15 =	vperm.xlane v13, v10;
	_ =	sdelay $0x1  }
0x253: {  	v15 =	vadd.s32 v11, v15;
	_ =	sdelay $0x3  }
0x254: {  	v13 =	vperm.xlane v13, v12  }
0x255: {  	[hbm4b:s4+s3] =	stream.indirect_vreg.scatter [tilespmem:s17], [sflag:$0x1], $0x80, v15, vm5, $0xb8;
	[tilespmem:$0xC410] =	vst v63  }
0x256: {  	v13 =	vadd.s32 v11, v13  }
0x257: {  	[hbm4b:s11+s3] =	stream.indirect_vreg.scatter [tilespmem:s6], [sflag:$0x1], $0x80, v15, vm5, $0xb8;
	[tilespmem:$0xC410] =	vst v63  }
0x258: {  	_ = 	snop  }
0x259: {  	[hbm4b:s12+s3] =	stream.indirect_vreg.scatter [tilespmem:s7], [sflag:$0x1], $0x80, v15, vm5, $0xb8;
	[tilespmem:$0xC410] =	vst v63  }
0x25a: {  	_ = 	snop  }
0x25b: {  	[hbm4b:s4+s3] =	stream.indirect_vreg.scatter [tilespmem:s8], [sflag:$0x1], $0x80, v13, vm5, $0xb8;
	[tilespmem:$0xC410] =	vst v63  }
0x25c: {  	_ = 	snop  }
0x25d: {  	[hbm4b:s11+s3] =	stream.indirect_vreg.scatter [tilespmem:s9], [sflag:$0x1], $0x80, v13, vm5, $0xb8;
	[tilespmem:$0xC410] =	vst v63  }
0x25e: {  	_ = 	snop  }
0x25f: {  	[hbm4b:s12+s3] =	stream.indirect_vreg.scatter [tilespmem:s10], [sflag:$0x1], $0x80, v13, vm5, $0xb8;
	[tilespmem:$0xC410] =	vst v63  }
0x260: {  	v13 =	vld [tilespmem:$0x320];
	_ =	sdelay $0x4  }
0x261: {  	v15 =	vshrl.u32 v13, $0x3  }
0x262: {  	v15 =	vmul.u32 $0x30, v15  }
0x263: {  	v13 =	vand.u32 $0x7, v13  }
0x264: {  	v13 =	vor.u32 v13, v15  }
0x265: {  	v15 =	vperm.xlane v13, v10;
	_ =	sdelay $0x1  }
0x266: {  	v15 =	vadd.s32 v11, v15;
	_ =	sdelay $0x3  }
0x267: {  	v13 =	vperm.xlane v13, v12  }
0x268: {  	[hbm4b:s4+s3] =	stream.indirect_vreg.scatter [tilespmem:s14], [sflag:$0x1], $0x80, v15, vm5, $0xb8;
	[tilespmem:$0xC410] =	vst v63  }
0x269: {  	v13 =	vadd.s32 v11, v13  }
0x26a: {  	[hbm4b:s11+s3] =	stream.indirect_vreg.scatter [tilespmem:s18], [sflag:$0x1], $0x80, v15, vm5, $0xb8;
	[tilespmem:$0xC410] =	vst v63  }
0x26b: {  	_ = 	snop  }
0x26c: {  	[hbm4b:s12+s3] =	stream.indirect_vreg.scatter [tilespmem:s19], [sflag:$0x1], $0x80, v15, vm5, $0xb8;
	[tilespmem:$0xC410] =	vst v63  }
0x26d: {  	_ = 	snop  }
0x26e: {  	[hbm4b:s4+s3] =	stream.indirect_vreg.scatter [tilespmem:s20], [sflag:$0x1], $0x80, v13, vm5, $0xb8;
	[tilespmem:$0xC410] =	vst v63  }
0x26f: {  	_ = 	snop  }
0x270: {  	[hbm4b:s11+s3] =	stream.indirect_vreg.scatter [tilespmem:s21], [sflag:$0x1], $0x80, v13, vm5, $0xb8;
	[tilespmem:$0xC410] =	vst v63  }
0x271: {  	_ = 	snop  }
0x272: {  	[hbm4b:s12+s3] =	stream.indirect_vreg.scatter [tilespmem:s22], [sflag:$0x1], $0x80, v13, vm5, $0xb8;
	[tilespmem:$0xC410] =	vst v63  }
0x273: {  	v13 =	vld [tilespmem:$0x330];
	_ =	sdelay $0x4  }
0x274: {  	v15 =	vshrl.u32 v13, $0x3  }
0x275: {  	v15 =	vmul.u32 $0x30, v15  }
0x276: {  	v13 =	vand.u32 $0x7, v13  }
0x277: {  	v13 =	vor.u32 v13, v15  }
0x278: {  	v15 =	vperm.xlane v13, v10;
	_ =	sdelay $0x1  }
0x279: {  	v15 =	vadd.s32 v11, v15;
	_ =	sdelay $0x3  }
0x27a: {  	v13 =	vperm.xlane v13, v12  }
0x27b: {  	[hbm4b:s4+s3] =	stream.indirect_vreg.scatter [tilespmem:s23], [sflag:$0x1], $0x80, v15, vm5, $0xb8;
	[tilespmem:$0xC410] =	vst v63  }
0x27c: {  	v13 =	vadd.s32 v11, v13  }
0x27d: {  	[hbm4b:s11+s3] =	stream.indirect_vreg.scatter [tilespmem:s24], [sflag:$0x1], $0x80, v15, vm5, $0xb8;
	[tilespmem:$0xC410] =	vst v63  }
0x27e: {  	_ = 	snop  }
0x27f: {  	[hbm4b:s12+s3] =	stream.indirect_vreg.scatter [tilespmem:s25], [sflag:$0x1], $0x80, v15, vm5, $0xb8;
	[tilespmem:$0xC410] =	vst v63  }
0x280: {  	_ = 	snop  }
0x281: {  	[hbm4b:s4+s3] =	stream.indirect_vreg.scatter [tilespmem:s26], [sflag:$0x1], $0x80, v13, vm5, $0xb8;
	[tilespmem:$0xC410] =	vst v63  }
0x282: {  	_ = 	snop  }
0x283: {  	[hbm4b:s11+s3] =	stream.indirect_vreg.scatter [tilespmem:s28], [sflag:$0x1], $0x80, v13, vm5, $0xb8;
	[tilespmem:$0xC410] =	vst v63  }
0x284: {  	_ = 	snop  }
0x285: {  	[hbm4b:s12+s3] =	stream.indirect_vreg.scatter [tilespmem:s29], [sflag:$0x1], $0x80, v13, vm5, $0xb8;
	[tilespmem:$0xC410] =	vst v63  }
0x286: {  	v13 =	vld [tilespmem:$0x340];
	_ =	sdelay $0x4  }
0x287: {  	v15 =	vshrl.u32 v13, $0x3  }
0x288: {  	v15 =	vmul.u32 $0x30, v15  }
0x289: {  	v13 =	vand.u32 $0x7, v13  }
0x28a: {  	v13 =	vor.u32 v13, v15  }
0x28b: {  	v15 =	vperm.xlane v13, v10;
	_ =	sdelay $0x1  }
0x28c: {  	v15 =	vadd.s32 v11, v15;
	_ =	sdelay $0x3  }
0x28d: {  	v13 =	vperm.xlane v13, v12  }
0x28e: {  	[hbm4b:s4+s3] =	stream.indirect_vreg.scatter [tilespmem:s30], [sflag:$0x1], $0x80, v15, vm5, $0xb8;
	[tilespmem:$0xC410] =	vst v63  }
0x28f: {  	v13 =	vadd.s32 v11, v13  }
0x290: {  	[hbm4b:s11+s3] =	stream.indirect_vreg.scatter [tilespmem:s31], [sflag:$0x1], $0x80, v15, vm5, $0xb8;
	[tilespmem:$0xC410] =	vst v63  }
0x291: {  	_ = 	snop  }
0x292: {  	[hbm4b:s12+s3] =	stream.indirect_vreg.scatter [tilespmem:s2], [sflag:$0x1], $0x80, v15, vm5, $0xb8;
	[tilespmem:$0xC410] =	vst v63  }
0x293: {  	_ = 	snop  }
0x294: {  	[hbm4b:s4+s3] =	stream.indirect_vreg.scatter [tilespmem:s1], [sflag:$0x1], $0x80, v13, vm5, $0xb8;
	[tilespmem:$0xC410] =	vst v63  }
0x295: {  	_ = 	snop  }
0x296: {  	[hbm4b:s11+s3] =	stream.indirect_vreg.scatter [tilespmem:s5], [sflag:$0x1], $0x80, v13, vm5, $0xb8;
	[tilespmem:$0xC410] =	vst v63  }
0x297: {  	_ = 	snop  }
0x298: {  	[hbm4b:s12+s3] =	stream.indirect_vreg.scatter [tilespmem:s16], [sflag:$0x1], $0x80, v13, vm5, $0xb8;
	[tilespmem:$0xC410] =	vst v63  }
0x299: {  	_ =	swait.ge [sflag:s0], $0xC000  }
0x29a: {  	s31 =	sld [smem:$0x7F1];
	_ =	sdelay $0x2  }
0x29b: {  	p5 =	seq.s32 s31, $0x1  }
.Ltmp2:
0x29c: {  	_ = 	snop;
	(pc) =	sbr.rel @p5 .LBB2_3-.Ltmp2, $3  }
0x29d: {  	_ =	sdelay $0x1  }
0x29e: {  	[sflag:s0] =	ssyncset.done $0x0  }
0x29f: {  	[sflag:s0] =	ssyncadd.s32 $0xFFFF4000  }
0x2a0: {  	s0 =	rddreg [dreg:$0x10]  }
0x2a1: {  	s8 =	rddreg [dreg:$0x12]  }
0x2a2: {  	(v2sf) =	vpush v14, $0x7;
	s9 =	rddreg [dreg:$0x13]  }
0x2a3: {  	s1 =	rddreg [dreg:$0x15]  }
0x2a4: {  	v14 =	vadd.s32 $0x1, v0;
	s18 =	rddreg [dreg:$0x14];
	v23 =	vadd.s32 $0x11, v0;
	v51 =	vadd.s32 $0x21, v0  }
0x2a5: {  	s20 =	rddreg [dreg:$0x16];
	v56 =	vadd.s32 $0x31, v0;
	v13 =	vmov s0;
	v15 =	vmov s8  }
0x2a6: {  	s21 =	rddreg [dreg:$0x17];
	v17 =	vmov s9;
	v19 =	vmov s1;
	v20 =	vmov s18  }
0x2a7: {  	v40 =	vmov s20;
	v22 =	vmov s21;
	vm0 =	vlt.s32 v13, v14  }
0x2a8: {  	vm13 =	vlt.s32 v15, v14;
	vm14 =	vlt.s32 v17, v14;
	vm15 =	vlt.s32 v19, v14  }
0x2a9: {  	vm8 =	vlt.s32 v20, v14;
	vm9 =	vlt.s32 v40, v14;
	vm10 =	vlt.s32 v22, v14  }
0x2aa: {  	vm11 =	vlt.s32 v13, v23;
	vm12 =	vlt.s32 v15, v23;
	v16 =	vsel vm0, $0x1, v1  }
0x2ab: {  	v18 =	vsel vm13, $0x1, v1;
	v38 =	vsel vm14, $0x1, v1;
	v39 =	vsel vm15, $0x1, v1  }
0x2ac: {  	v21 =	vsel vm8, $0x1, v1;
	v41 =	vsel vm9, $0x1, v1;
	v42 =	vsel vm10, $0x1, v1  }
0x2ad: {  	v24 =	vsel vm11, $0x1, v1;
	vm13 =	vlt.s32 v17, v23;
	vm14 =	vlt.s32 v19, v23  }
0x2ae: {  	vm15 =	vlt.s32 v20, v23;
	vm8 =	vlt.s32 v40, v23;
	vm9 =	vlt.s32 v22, v23  }
0x2af: {  	v16 =	vadd.s32 v16, v18;
	v44 =	vsel vm13, $0x1, v1;
	v45 =	vsel vm14, $0x1, v1  }
0x2b0: {  	v46 =	vsel vm15, $0x1, v1;
	v47 =	vsel vm8, $0x1, v1;
	v48 =	vsel vm9, $0x1, v1  }
0x2b1: {  	vm13 =	vlt.s32 v13, v51;
	vm14 =	vlt.s32 v15, v51;
	vm15 =	vlt.s32 v17, v51;
	s7 =	spop (v2sf)  }
0x2b2: {  	vm8 =	vlt.s32 v19, v51;
	vm9 =	vlt.s32 v20, v51;
	v16 =	vadd.s32 v38, v16;
	s10 =	sadd.s32 $0x1FF, s7  }
0x2b3: {  	v52 =	vsel vm13, $0x1, v1;
	v25 =	vsel vm14, $0x1, v1;
	v26 =	vsel vm15, $0x1, v1;
	s14 =	sand.u32 $0x1FF, s10  }
0x2b4: {  	v53 =	vsel vm8, $0x1, v1;
	v54 =	vsel vm9, $0x1, v1;
	vm13 =	vlt.s32 v13, v56;
	s2 =	sshra.s32 s10, $0x1F;
	p5 =	slt.s32 s10, $0x1;
	p6 =	sne.s32 s14, $0x0  }
0x2b5: {  	vm14 =	vlt.s32 v15, v56;
	vm15 =	vlt.s32 v17, v56;
	vm8 =	vlt.s32 v19, v56;
	s19 =	sshrl.u32 s2, $0x17;
	p5 =	por !p5, !p6  }
0x2b6: {  	s1 =	simm.s32 $0x1;
	vm9 =	vlt.s32 v20, v56;
	v16 =	vadd.s32 v39, v16;
	v58 =	vsel vm13, $0x1, v1;
	s0 =	sadd.s32 s19, s10;
	p5 =	por !p5, !p5  }
0x2b7: {  	v15 =	vsel vm14, $0x1, v1;
	v17 =	vsel vm15, $0x1, v1;
	v59 =	vsel vm8, $0x1, v1;
	s0 =	sshra.s32 s0, $0x9;
	s1 =	simm.s32 @!p5 $0x0  }
0x2b8: {  	v60 =	vsel vm9, $0x1, v1;
	v16 =	vadd.s32 v21, v16;
	v15 =	vadd.s32 v58, v15;
	s0 =	ssub.s32 s0, s1  }
0x2b9: {  	s22 =	rddreg [dreg:$0xf];
	vm13 =	veq.s32 v0, $0x0;
	v16 =	vadd.s32 v41, v16;
	v15 =	vadd.s32 v17, v15;
	s2 =	sadd.s32 s21, s0  }
0x2ba: {  	s23 =	rddreg [dreg:$0xe];
	v16 =	vadd.s32 v42, v16;
	v15 =	vadd.s32 v59, v15;
	p5 =	sgt.s32 s22, $0x0;
	s1 =	simm.s32 $0x1;
	v43 =	vmov s2  }
0x2bb: {  	s24 =	rddreg [dreg:$0xd];
	v15 =	vadd.s32 v60, v15;
	s1 =	simm.s32 @!p5 $0x0;
	p5 =	sgt.s32 s23, $0x0;
	vm1 =	vlt.s32 v43, v14;
	v14 =	vsel vm12, $0x1, v1  }
0x2bc: {  	s25 =	rddreg [dreg:$0xc];
	s1 =	simm.s32 @p5 $0x2;
	p5 =	sgt.s32 s24, $0x0;
	vm10 =	vlt.s32 v43, v23;
	v14 =	vadd.s32 v24, v14;
	v49 =	vsel vm1, $0x1, v1  }
0x2bd: {  	s26 =	rddreg [dreg:$0xb];
	s1 =	simm.s32 @p5 $0x3;
	p5 =	sgt.s32 s25, $0x0;
	v50 =	vsel vm10, $0x1, v1;
	v24 =	vadd.s32 v52, v25;
	vm10 =	vlt.s32 v40, v51  }
0x2be: {  	s28 =	rddreg [dreg:$0x11];
	s1 =	simm.s32 @p5 $0x4;
	p5 =	sgt.s32 s26, $0x0;
	v14 =	vadd.s32 v44, v14;
	v16 =	vadd.s32 v49, v16;
	v24 =	vadd.s32 v26, v24  }
0x2bf: {  	s1 =	simm.s32 @p5 $0x5;
	p5 =	sgt.s32 s28, $0x0;
	v55 =	vsel vm10, $0x1, v1;
	vm10 =	vlt.s32 v40, v56;
	v14 =	vadd.s32 v45, v14  }
0x2c0: {  	s1 =	simm.s32 @p5 $0x6;
	p5 =	sgt.s32 s7, $0x0;
	v24 =	vadd.s32 v53, v24;
	v61 =	vsel vm10, $0x1, v1;
	v14 =	vadd.s32 v46, v14  }
0x2c1: {  	s1 =	simm.s32 @p5 $0x7;
	v24 =	vadd.s32 v54, v24;
	v15 =	vadd.s32 v61, v15;
	v14 =	vadd.s32 v47, v14  }
0x2c2: {  	vm11 =	vlt.s32 v16, s1;
	v13 =	vadd.s32 v55, v24;
	v14 =	vadd.s32 v48, v14  }
0x2c3: {  	v16 =	vnsel vm11, s1, v16;
	vm11 =	vlt.s32 v22, v51;
	v14 =	vadd.s32 v50, v14  }
0x2c4: {  	v27 =	vsel vm11, $0x1, v1;
	vm11 =	vlt.s32 v22, v56;
	vm12 =	vlt.s32 v14, s1  }
0x2c5: {  	v13 =	vadd.s32 v27, v13;
	v14 =	vnsel vm12, s1, v14;
	vm12 =	vlt.s32 v43, v51  }
0x2c6: {  	s29 =	sshll.u32 s2, $0x9;
	v62 =	vsel vm11, $0x1, v1;
	v57 =	vsel vm12, $0x1, v1;
	vm12 =	vlt.s32 v43, v56  }
0x2c7: {  	s0 =	sshra.s32 s29, $0x9;
	v15 =	vadd.s32 v62, v15;
	v63 =	vsel vm12, $0x1, v1;
	v13 =	vadd.s32 v57, v13  }
0x2c8: {  	[tilespmem:$0x390] =	vst v16;
	v14 =	vsel vm13, s0, v14;
	vm14 =	vlt.s32 v13, s1;
	v15 =	vadd.s32 v63, v15  }
0x2c9: {  	[tilespmem:$0x3A0] =	vst v14;
	v13 =	vnsel vm14, s1, v13;
	vm15 =	vlt.s32 v15, s1  }
0x2ca: {  	[tilespmem:$0x3B0] =	vst v13;
	v13 =	vnsel vm15, s1, v15  }
.Ltmp3:
0x2cb: {  	s30 =	rddreg [dreg:$0x5];
	s31 =	simm.s32 $0x390;
	[tilespmem:$0x3C0] =	vst v13;
	(pc) =	sbr.rel .LBB2_3-.Ltmp3, $4  }
0x2cc: {  	[hbm4b:s30+s3] =	stream.linear.scatter [tilespmem:s31], [sflag:$0x3], $0x80, $0x38;
	[tilespmem:$0xC410] =	vst v63  }
0x2cd: {  	_ =	swait.ge [sflag:s15], $0x80  }
0x2ce: {  	[sflag:s15] =	ssyncset.done $0x0  }
0x2cf: {  	[sflag:s15] =	ssyncadd.s32 $0xFFFFFF80  }
.LBB2_4:
0x2d0: {  	_ =	sfence.sel $0x180000  }
0x2d1: {  	[bflag:$0x0] =	sbarrier.arrive $0xFFFF  }
0x2d2: {  	_ =	strace $0x90000047  }
0x2d3: {  	s0 =	stileid.u32;
	[bflag:$0x2] =	sbarrier.arrive $0xFFFF  }
0x2d4: {  	p0 =	sne.s32 s0, $0x0;
	s0 =	rddreg [dreg:$0x4]  }
0x2d5: {  	s0 =	sadd.s32 @!p0 $0x100000, s0  }
0x2d6: {  	[sflag:s0] =	ssyncadd.tile.s32 @!p0 $0x1;
	_ =	shalt  }
.Lfunc_end2:
_tile_overlayer_lowered:
.L_overlay_start_2:
0x2d7: {  	(tag) =	ssettag $0x2  }
0x2d8: {  	s0 =	rddreg [dreg:$0x0];
	s2 =	stileid.u32  }
0x2d9: {  	s1 =	rddreg [dreg:$0x1];
	p0 =	sne.s32 s2, $0x0  }
0x2da: {  	s3 =	rddreg [dreg:$0x2];
	[bflag:$0x3] =	sbarrier.arrive $0xFFFF;
	s2 =	simm.s32 @!p0 $0x1C03  }
0x2db: {  	[timem:s3], [sflag:s2] =	dma.local @!p0 [hbm:s0], s1  }
0x2dc: {  	s0 =	simm.s32 @!p0 $0x3  }
0x2dd: {  	_ =	swait.ge @!p0 [sflag:s0], s1  }
0x2de: {  	s1 =	ssub.s32 @!p0 $0x0, s1;
	[sflag:s0] =	ssyncset.done @!p0 $0x0  }
0x2df: {  	[sflag:s0] =	ssyncadd.s32 @!p0 s1  }
0x2e0: {  	[bflag:$0x3] =	sbarrier.arrive $0xFFFF  }
0x2e1: {  	_ =	shalt  }

</sc_bundles>
